<compile_context>
chip_gen: v7x
topology: tpu7x:2x2x1
jax: 0.10.2.dev20260603
libtpu: 0.0.44.dev20260713+nightly
codegen_flags: <defaults>
</compile_context>

<pallas_src>
import functools

import jax
import jax.numpy as jnp
from jax import lax
from jax.experimental import pallas as pl
from jax.experimental.pallas import tpu as pltpu
from jax.experimental.pallas import tpu_sc as plsc

_SUBS = 16
_CHUNK = 128


def _elu(z):
    return jnp.where(z > 0, z, jnp.exp(jnp.minimum(z, 0.0)) - 1.0)


def _sc_scatter_add(n_acc, d_row, cpt0, cpt1):
    rows_per_sub = n_acc // _SUBS
    mesh = plsc.VectorSubcoreMesh(core_axis_name="c", subcore_axis_name="s")

    gb = 8

    @functools.partial(
        pl.kernel,
        mesh=mesh,
        out_type=[jax.ShapeDtypeStruct((n_acc, d_row), jnp.float32),
                  jax.ShapeDtypeStruct((n_acc, d_row), jnp.float32)],
        scratch_types=[
            pltpu.VMEM_SHARED((n_acc, d_row), jnp.float32),
            pltpu.VMEM((gb, _CHUNK), jnp.int32),
            pltpu.VMEM((gb, _CHUNK), jnp.int32),
            pltpu.VMEM((_CHUNK, d_row), jnp.float32),
            pltpu.VMEM((_CHUNK, d_row), jnp.float32),
            pltpu.SemaphoreType.DMA,
            pltpu.SemaphoreType.DMA,
            pltpu.SemaphoreType.DMA,
        ],
    )
    def k(h0, h1, src2d, dst2d, out0, out1, acc, idx_s, idx_d,
          rows0, rows1, sem_g0, sem_g1, sem_s):
        rows_bufs = (rows0, rows1)
        sem_g = (sem_g0, sem_g1)
        c = lax.axis_index("c")
        s = lax.axis_index("s")
        base = jnp.where(c == 0, s * cpt0, _SUBS * cpt0 + s * cpt1)
        n_groups = jnp.where(c == 0, cpt0 // gb, cpt1 // gb)

        def zb(r, carry):
            for u in range(d_row // 16):
                rows0[r, pl.ds(u * 16, 16)] = jnp.zeros((16,), jnp.float32)
            return carry
        lax.fori_loop(0, _CHUNK, zb, 0)
        for t in range(rows_per_sub // _CHUNK):
            pltpu.sync_copy(rows0,
                            acc.at[pl.ds(s * rows_per_sub + t * _CHUNK,
                                         _CHUNK)])

        plsc.subcore_barrier()

        def body(grp, carry):
            gbase = base + grp * gb
            pltpu.sync_copy(src2d.at[pl.ds(gbase, gb)], idx_s)
            pltpu.sync_copy(dst2d.at[pl.ds(gbase, gb)], idx_d)
            for j in range(2):
                pltpu.async_copy(h0.at[idx_s.at[j]], rows_bufs[j],
                                 sem_g[j])
            for j in range(gb):
                b = j % 2
                pltpu.make_async_copy(h0.at[idx_s.at[j]], rows_bufs[b],
                                      sem_g[b]).wait()
                pltpu.sync_copy(rows_bufs[b], acc.at[idx_d.at[j]],
                                add=True)
                if j + 2 < gb:
                    pltpu.async_copy(h0.at[idx_s.at[j + 2]],
                                     rows_bufs[b], sem_g[b])
            return carry

        lax.fori_loop(0, n_groups, body, 0)

        plsc.subcore_barrier()

        @pl.when(c == 0)
        def _():
            pltpu.sync_copy(acc.at[pl.ds(s * rows_per_sub, rows_per_sub)],
                            out0.at[pl.ds(s * rows_per_sub, rows_per_sub)])

        @pl.when(c == 1)
        def _():
            pltpu.sync_copy(acc.at[pl.ds(s * rows_per_sub, rows_per_sub)],
                            out1.at[pl.ds(s * rows_per_sub, rows_per_sub)])

    return k


def _tc_mlp(n, din, hmid, hout, extra_elu, block,
            first_matmul=True, post_w_cols=None):

    def body(*refs):
        if first_matmul:
            x, a, b, w1, b1, w2, b2 = refs[:7]
            nin = 7
        else:
            x, a, b, b1, w2, b2 = refs[:6]
            nin = 6
        xx = x[...] + a[...] + b[...]
        if first_matmul:
            t = jnp.dot(xx, w1[...], preferred_element_type=jnp.float32)
        else:
            t = xx
        h = _elu(t + b1[...])
        h = _elu(jnp.dot(h, w2[...], preferred_element_type=jnp.float32)
                 + b2[...])
        if extra_elu:
            h = _elu(h)
        if post_w_cols is not None:
            wp = refs[nin]
            h = jnp.dot(h, wp[...], preferred_element_type=jnp.float32)
        refs[-1][...] = h

    def row_spec(dcols):
        return pl.BlockSpec((block, dcols), lambda i: (i, 0))

    def full(shape):
        return pl.BlockSpec(shape, lambda i: (0,) * len(shape))

    in_specs = [row_spec(din)] * 3
    if first_matmul:
        in_specs += [full((din, hmid)), full((1, hmid))]
    else:
        in_specs += [full((1, hmid))]
    in_specs += [full((hmid, hout)), full((1, hout))]
    ocols = hout
    if post_w_cols is not None:
        in_specs.append(full((hout, post_w_cols)))
        ocols = post_w_cols

    return pl.pallas_call(
        body,
        grid=(n // block,),
        in_specs=in_specs,
        out_specs=row_spec(ocols),
        out_shape=jax.ShapeDtypeStruct((n, ocols), jnp.float32),
    )


def _tc_pool_mlp(n, d, g, dmid, block):
    nb = n // block
    dh = d // 2

    def body(hr, seg_ref, wm1, bm1, wm2, bm2, wm3, bm3, o, sums, counts):
        i = pl.program_id(0)

        @pl.when(i == 0)
        def _():
            sums[...] = jnp.zeros_like(sums)
            counts[...] = jnp.zeros_like(counts)

        seg = seg_ref[0, 0, :]
        oh = (seg[:, None]
              == lax.broadcasted_iota(jnp.int32, (block, g), 1)).astype(jnp.float32)
        h = hr[...]
        dn = (((0,), (0,)), ((), ()))
        sums[...] += lax.dot_general(oh, h, dn,
                                     preferred_element_type=jnp.float32)
        counts[...] += lax.dot_general(oh, jnp.ones((block, d), jnp.float32),
                                       dn, preferred_element_type=jnp.float32)

        @pl.when(i == nb - 1)
        def _():
            pooled = sums[...] / jnp.maximum(counts[...], 1.0)
            t = _elu(jnp.dot(pooled, wm1[...],
                                   preferred_element_type=jnp.float32) + bm1[...])
            t = _elu(jnp.dot(t, wm2[...],
                                   preferred_element_type=jnp.float32) + bm2[...])
            t = _elu(jnp.dot(t, wm3[...],
                                   preferred_element_type=jnp.float32) + bm3[...])
            o[...] = t

    def row_spec(dcols):
        return pl.BlockSpec((block, dcols), lambda i: (i, 0))

    def full(shape):
        return pl.BlockSpec(shape, lambda i: (0,) * len(shape))

    return pl.pallas_call(
        body,
        grid=(nb,),
        in_specs=[row_spec(d),
                  pl.BlockSpec((1, 1, block), lambda i: (i, 0, 0)),
                  full((d, dmid)), full((1, dmid)), full((dmid, d)),
                  full((1, d)), full((d, d)), full((1, d))],
        out_specs=pl.BlockSpec((g, d), lambda i: (0, 0)),
        out_shape=jax.ShapeDtypeStruct((g, d), jnp.float32),
        scratch_shapes=[pltpu.VMEM((g, d), jnp.float32),
                        pltpu.VMEM((g, d), jnp.float32)],
    )


def kernel(x, edge_index, batch,
           w1_1, b1_1, w1_2, b1_2,
           w2_1, b2_1, w2_2, b2_2,
           w3_1, b3_1, w3_2, b3_2,
           wm1, bm1, wm2, bm2, wm3, bm3):
    n, d = x.shape
    e = edge_index.shape[1]
    g = 64
    block = 1000

    ec = 2 * _SUBS * _CHUNK * 8
    epad = ((e + ec - 1) // ec) * ec
    cpt_sum = epad // (_SUBS * _CHUNK)
    cpt0 = cpt_sum - 8 * ((cpt_sum + 15) // 16)
    cpt1 = cpt_sum - cpt0
    nc = _SUBS * _CHUNK
    n_acc = ((n + nc - 1) // nc) * nc
    if n_acc == n:
        n_acc += nc
    pad_ar = jnp.arange(epad - e, dtype=jnp.int32)
    src_p = jnp.concatenate(
        [edge_index[0], pad_ar % n]).reshape(-1, _CHUNK)
    dst_p = jnp.concatenate(
        [edge_index[1], n + pad_ar % (n_acc - n)]).reshape(-1, _CHUNK)

    sc_full = _sc_scatter_add(n_acc, d, cpt0, cpt1)

    a1, p1 = sc_full(x, x, src_p, dst_p)
    h1 = _tc_mlp(n, 128, 128, 128, True, block)(
        x, a1, p1, w1_1, b1_1.reshape(1, -1), w1_2, b1_2.reshape(1, -1))

    a2, p2 = sc_full(h1, h1, src_p, dst_p)
    y2 = _tc_mlp(n, 128, 256, 256, True, block, post_w_cols=128)(
        h1, a2, p2, w2_1, b2_1.reshape(1, -1), w2_2, b2_2.reshape(1, -1),
        w3_1)

    a3, p3 = sc_full(y2, y2, src_p, dst_p)
    h3 = _tc_mlp(n, 128, 128, 128, False, block, first_matmul=False)(
        y2, a3, p3, b3_1.reshape(1, -1), w3_2, b3_2.reshape(1, -1))

    o = _tc_pool_mlp(n, 128, g, 256, block)(
        h3, batch.reshape(n // block, 1, block),
        wm1, bm1.reshape(1, -1), wm2, bm2.reshape(1, -1),
        wm3, bm3.reshape(1, -1))
    return o

# --- scband reference (transcript-rebuilt; emitter-appended) ---
"""Pipeline reference for scband-ginmodel-81827716923657 (READ-ONLY COPY).

The authoritative reference and input builder live on the scoring server;
editing this copy changes nothing except your own understanding.
"""

import jax, jax.numpy as jnp
import numpy as np

N = 10000
E = 320000
D = 128
H = 128
O = 128
G = 64


def _lin_params(key, fan_in, fan_out):
    kw, kb = jax.random.split(key)
    w = jax.random.normal(kw, (fan_in, fan_out), dtype=jnp.float32) * 0.05
    b = jnp.zeros((fan_out,), dtype=jnp.float32)
    return w, b


def setup_inputs(seed: int = 0) -> dict:
    key = jax.random.key(seed)
    ks = jax.random.split(key, 16)
    x = jax.random.normal(ks[0], (N, D), dtype=jnp.float32)
    edge_index = jax.random.randint(ks[1], (2, E), 0, N, dtype=jnp.int32)
    batch = jnp.sort(jax.random.randint(ks[2], (N,), 0, G, dtype=jnp.int32))
    w1_1, b1_1 = _lin_params(ks[3], D, H)
    w1_2, b1_2 = _lin_params(ks[4], H, H)
    w2_1, b2_1 = _lin_params(ks[5], H, 2 * H)
    w2_2, b2_2 = _lin_params(ks[6], 2 * H, 2 * H)
    w3_1, b3_1 = _lin_params(ks[7], 2 * H, H)
    w3_2, b3_2 = _lin_params(ks[8], H, O)
    wm1, bm1 = _lin_params(ks[9], O, 2 * O)
    wm2, bm2 = _lin_params(ks[10], 2 * O, O)
    wm3, bm3 = _lin_params(ks[11], O, O)
    return {
        'x': x, 'edge_index': edge_index, 'batch': batch,
        'w1_1': w1_1, 'b1_1': b1_1, 'w1_2': w1_2, 'b1_2': b1_2,
        'w2_1': w2_1, 'b2_1': b2_1, 'w2_2': w2_2, 'b2_2': b2_2,
        'w3_1': w3_1, 'b3_1': b3_1, 'w3_2': w3_2, 'b3_2': b3_2,
        'wm1': wm1, 'bm1': bm1, 'wm2': wm2, 'bm2': bm2, 'wm3': wm3, 'bm3': bm3,
    }


def _gin_conv(x, edge_index, w1, b1, w2, b2):
    # GINConv with eps=0: h = MLP((1+eps)*x + sum_{j in N(i)} x_j)
    src, dst = edge_index[0], edge_index[1]
    agg = jnp.zeros_like(x).at[dst].add(x[src])
    h = x + agg
    h = jax.nn.elu(h @ w1 + b1)
    h = jax.nn.elu(h @ w2 + b2)
    return h


def reference(x, edge_index, batch,
              w1_1, b1_1, w1_2, b1_2,
              w2_1, b2_1, w2_2, b2_2,
              w3_1, b3_1, w3_2, b3_2,
              wm1, bm1, wm2, bm2, wm3, bm3):
    h = _gin_conv(x, edge_index, w1_1, b1_1, w1_2, b1_2)
    h = jax.nn.elu(h)
    h = _gin_conv(h, edge_index, w2_1, b2_1, w2_2, b2_2)
    h = jax.nn.elu(h)
    h = _gin_conv(h, edge_index, w3_1, b3_1, w3_2, b3_2)
    # global mean pool over batch segments
    sums = jax.ops.segment_sum(h, batch, num_segments=G)
    counts = jax.ops.segment_sum(jnp.ones((h.shape[0],), dtype=h.dtype), batch, num_segments=G)
    pooled = sums / jnp.maximum(counts, 1.0)[:, None]
    # final MLP (dropout is identity at inference)
    o = jax.nn.elu(pooled @ wm1 + bm1)
    o = jax.nn.elu(o @ wm2 + bm2)
    o = jax.nn.elu(o @ wm3 + bm3)
    return o

if __name__ == "__main__":
    import jax
    _d = setup_inputs()
    print(jax.jit(kernel)(*tuple(_d.values())))

</pallas_src>

<mosaic_0001>
#map = affine_map<(d0, d1) -> (0, 0)>
module attributes {stable_mosaic.version = 14 : i64} {
  func.func @k(%arg0: i32, %arg1: i32, %arg2: memref<10000x128xf32, #tpu.memory_space<hbm>>, %arg3: memref<10000x128xf32, #tpu.memory_space<hbm>>, %arg4: memref<2560x128xi32, #tpu.memory_space<hbm>>, %arg5: memref<2560x128xi32, #tpu.memory_space<hbm>>, %arg6: memref<10240x128xf32, #tpu.memory_space<hbm>>, %arg7: memref<10240x128xf32, #tpu.memory_space<hbm>>, %arg8: memref<10240x128xf32, #tpu.memory_space<vmem_shared>>, %arg9: memref<8x128xi32, #tpu.memory_space<vmem>>, %arg10: memref<8x128xi32, #tpu.memory_space<vmem>>, %arg11: memref<128x128xf32, #tpu.memory_space<vmem>>, %arg12: memref<128x128xf32, #tpu.memory_space<vmem>>, %arg13: memref<!tpu.dma_semaphore, #tpu.memory_space<semaphore_mem>>, %arg14: memref<!tpu.dma_semaphore, #tpu.memory_space<semaphore_mem>>, %arg15: memref<!tpu.dma_semaphore, #tpu.memory_space<semaphore_mem>>) attributes {dimension_semantics = [#tpu.dimension_semantics<core_parallel>, #tpu.dimension_semantics<subcore_parallel>], iteration_bounds = array<i64: 2, 16>, scalar_prefetch = 0 : i64, scratch_operands = 8 : i64, tpu.core_type = #tpu.core_type<sc_vector_subcore>, window_params = [{transform_indices = #map}, {transform_indices = #map}, {transform_indices = #map}, {transform_indices = #map}, {transform_indices = #map}, {transform_indices = #map}]} {
    %eq3A = arith.constant 0 : i32
    %eq3A_0 = arith.cmpi eq, %arg0, %eq3A : i32
    %mul3A = arith.constant 80 : i32
    %mul3A_1 = arith.muli %arg1, %mul3A : i32
    %mul3A_2 = arith.constant 80 : i32
    %mul3A_3 = arith.muli %arg1, %mul3A_2 : i32
    %add3A = arith.constant 1280 : i32
    %add3A_4 = arith.addi %add3A, %mul3A_3 : i32
    %select_n3A = arith.select %eq3A_0, %mul3A_1, %add3A_4 : i32
    %eq3A_5 = arith.constant 0 : i32
    %eq3A_6 = arith.cmpi eq, %arg0, %eq3A_5 : i32
    %jit3A = arith.constant 10 : i32
    %jit3A_7 = arith.constant 10 : i32
    %select_n3A_8 = arith.select %eq3A_6, %jit3A, %jit3A_7 : i32
    %scan3A = arith.constant 0 : i32
    %scan3A_9 = arith.constant 0 : i32
    %scan3A_10 = arith.constant 128 : i32
    %scan3A_11 = arith.addi %scan3A_9, %scan3A_10 : i32
    %scan3A_12 = arith.constant 1 : i32
    scf.for %scan3A_52 = %scan3A_9 to %scan3A_11 step %scan3A_12  : i32 {
      %broadcast_in_dim3A = arith.constant 0.000000e+00 : f32
      %broadcast_in_dim3A_53 = vector.broadcast %broadcast_in_dim3A : f32 to vector<16xf32>
      %swap3A = arith.index_cast %scan3A_52 : i32 to index
      %swap3A_54 = arith.constant 0 : index
      %swap3A_55 = tpu.vector_load %arg11[%swap3A, %swap3A_54] {strides = array<i32>} : memref<128x128xf32, #tpu.memory_space<vmem>>, vector<1x16xf32>,
      %swap3A_56 = vector.shape_cast %swap3A_55 : vector<1x16xf32> to vector<16xf32>
      %swap3A_57 = vector.shape_cast %broadcast_in_dim3A_53 : vector<16xf32> to vector<1x16xf32>
      tpu.vector_store %arg11[%swap3A, %swap3A_54], %swap3A_57 {strides = array<i32>} : memref<128x128xf32, #tpu.memory_space<vmem>>, vector<1x16xf32>,
      %broadcast_in_dim3A_58 = arith.constant 0.000000e+00 : f32
      %broadcast_in_dim3A_59 = vector.broadcast %broadcast_in_dim3A_58 : f32 to vector<16xf32>
      %swap3A_60 = arith.index_cast %scan3A_52 : i32 to index
      %swap3A_61 = arith.constant 16 : index
      %swap3A_62 = tpu.vector_load %arg11[%swap3A_60, %swap3A_61] {strides = array<i32>} : memref<128x128xf32, #tpu.memory_space<vmem>>, vector<1x16xf32>,
      %swap3A_63 = vector.shape_cast %swap3A_62 : vector<1x16xf32> to vector<16xf32>
      %swap3A_64 = vector.shape_cast %broadcast_in_dim3A_59 : vector<16xf32> to vector<1x16xf32>
      tpu.vector_store %arg11[%swap3A_60, %swap3A_61], %swap3A_64 {strides = array<i32>} : memref<128x128xf32, #tpu.memory_space<vmem>>, vector<1x16xf32>,
      %broadcast_in_dim3A_65 = arith.constant 0.000000e+00 : f32
      %broadcast_in_dim3A_66 = vector.broadcast %broadcast_in_dim3A_65 : f32 to vector<16xf32>
      %swap3A_67 = arith.index_cast %scan3A_52 : i32 to index
      %swap3A_68 = arith.constant 32 : index
      %swap3A_69 = tpu.vector_load %arg11[%swap3A_67, %swap3A_68] {strides = array<i32>} : memref<128x128xf32, #tpu.memory_space<vmem>>, vector<1x16xf32>,
      %swap3A_70 = vector.shape_cast %swap3A_69 : vector<1x16xf32> to vector<16xf32>
      %swap3A_71 = vector.shape_cast %broadcast_in_dim3A_66 : vector<16xf32> to vector<1x16xf32>
      tpu.vector_store %arg11[%swap3A_67, %swap3A_68], %swap3A_71 {strides = array<i32>} : memref<128x128xf32, #tpu.memory_space<vmem>>, vector<1x16xf32>,
      %broadcast_in_dim3A_72 = arith.constant 0.000000e+00 : f32
      %broadcast_in_dim3A_73 = vector.broadcast %broadcast_in_dim3A_72 : f32 to vector<16xf32>
      %swap3A_74 = arith.index_cast %scan3A_52 : i32 to index
      %swap3A_75 = arith.constant 48 : index
      %swap3A_76 = tpu.vector_load %arg11[%swap3A_74, %swap3A_75] {strides = array<i32>} : memref<128x128xf32, #tpu.memory_space<vmem>>, vector<1x16xf32>,
      %swap3A_77 = vector.shape_cast %swap3A_76 : vector<1x16xf32> to vector<16xf32>
      %swap3A_78 = vector.shape_cast %broadcast_in_dim3A_73 : vector<16xf32> to vector<1x16xf32>
      tpu.vector_store %arg11[%swap3A_74, %swap3A_75], %swap3A_78 {strides = array<i32>} : memref<128x128xf32, #tpu.memory_space<vmem>>, vector<1x16xf32>,
      %broadcast_in_dim3A_79 = arith.constant 0.000000e+00 : f32
      %broadcast_in_dim3A_80 = vector.broadcast %broadcast_in_dim3A_79 : f32 to vector<16xf32>
      %swap3A_81 = arith.index_cast %scan3A_52 : i32 to index
      %swap3A_82 = arith.constant 64 : index
      %swap3A_83 = tpu.vector_load %arg11[%swap3A_81, %swap3A_82] {strides = array<i32>} : memref<128x128xf32, #tpu.memory_space<vmem>>, vector<1x16xf32>,
      %swap3A_84 = vector.shape_cast %swap3A_83 : vector<1x16xf32> to vector<16xf32>
      %swap3A_85 = vector.shape_cast %broadcast_in_dim3A_80 : vector<16xf32> to vector<1x16xf32>
      tpu.vector_store %arg11[%swap3A_81, %swap3A_82], %swap3A_85 {strides = array<i32>} : memref<128x128xf32, #tpu.memory_space<vmem>>, vector<1x16xf32>,
      %broadcast_in_dim3A_86 = arith.constant 0.000000e+00 : f32
      %broadcast_in_dim3A_87 = vector.broadcast %broadcast_in_dim3A_86 : f32 to vector<16xf32>
      %swap3A_88 = arith.index_cast %scan3A_52 : i32 to index
      %swap3A_89 = arith.constant 80 : index
      %swap3A_90 = tpu.vector_load %arg11[%swap3A_88, %swap3A_89] {strides = array<i32>} : memref<128x128xf32, #tpu.memory_space<vmem>>, vector<1x16xf32>,
      %swap3A_91 = vector.shape_cast %swap3A_90 : vector<1x16xf32> to vector<16xf32>
      %swap3A_92 = vector.shape_cast %broadcast_in_dim3A_87 : vector<16xf32> to vector<1x16xf32>
      tpu.vector_store %arg11[%swap3A_88, %swap3A_89], %swap3A_92 {strides = array<i32>} : memref<128x128xf32, #tpu.memory_space<vmem>>, vector<1x16xf32>,
      %broadcast_in_dim3A_93 = arith.constant 0.000000e+00 : f32
      %broadcast_in_dim3A_94 = vector.broadcast %broadcast_in_dim3A_93 : f32 to vector<16xf32>
      %swap3A_95 = arith.index_cast %scan3A_52 : i32 to index
      %swap3A_96 = arith.constant 96 : index
      %swap3A_97 = tpu.vector_load %arg11[%swap3A_95, %swap3A_96] {strides = array<i32>} : memref<128x128xf32, #tpu.memory_space<vmem>>, vector<1x16xf32>,
      %swap3A_98 = vector.shape_cast %swap3A_97 : vector<1x16xf32> to vector<16xf32>
      %swap3A_99 = vector.shape_cast %broadcast_in_dim3A_94 : vector<16xf32> to vector<1x16xf32>
      tpu.vector_store %arg11[%swap3A_95, %swap3A_96], %swap3A_99 {strides = array<i32>} : memref<128x128xf32, #tpu.memory_space<vmem>>, vector<1x16xf32>,
      %broadcast_in_dim3A_100 = arith.constant 0.000000e+00 : f32
      %broadcast_in_dim3A_101 = vector.broadcast %broadcast_in_dim3A_100 : f32 to vector<16xf32>
      %swap3A_102 = arith.index_cast %scan3A_52 : i32 to index
      %swap3A_103 = arith.constant 112 : index
      %swap3A_104 = tpu.vector_load %arg11[%swap3A_102, %swap3A_103] {strides = array<i32>} : memref<128x128xf32, #tpu.memory_space<vmem>>, vector<1x16xf32>,
      %swap3A_105 = vector.shape_cast %swap3A_104 : vector<1x16xf32> to vector<16xf32>
      %swap3A_106 = vector.shape_cast %broadcast_in_dim3A_101 : vector<16xf32> to vector<1x16xf32>
      tpu.vector_store %arg11[%swap3A_102, %swap3A_103], %swap3A_106 {strides = array<i32>} : memref<128x128xf32, #tpu.memory_space<vmem>>, vector<1x16xf32>,
    }
    %scan3A_13 = arith.constant 128 : i32
    %mul3A_14 = arith.constant 640 : i32
    %mul3A_15 = arith.muli %arg1, %mul3A_14 : i32
    %add3A_16 = arith.constant 0 : i32
    %add3A_17 = arith.addi %mul3A_15, %add3A_16 : i32
    "tpu.region"() ({
      %run_scoped3A = tpu.sem_alloc : memref<!tpu.dma_semaphore, #tpu.memory_space<semaphore_mem>>
      %dma_start3A = arith.constant 0 : i32
      %dma_start3A_52 = tpu.memref_slice %arg8[%add3A_17, %dma_start3A] : memref<10240x128xf32, #tpu.memory_space<vmem_shared>> -> memref<128x128xf32, #tpu.memory_space<vmem_shared>>
      %dma_start3A_53 = arith.constant 0 : i32
      %dma_start3A_54 = tpu.memref_slice %arg8[%add3A_17, %dma_start3A_53] : memref<10240x128xf32, #tpu.memory_space<vmem_shared>> -> memref<128x128xf32, #tpu.memory_space<vmem_shared>>
      tpu.enqueue_dma source(%arg11 : memref<128x128xf32, #tpu.memory_space<vmem>>) target(%dma_start3A_54 : memref<128x128xf32, #tpu.memory_space<vmem_shared>>) target_semaphore(%run_scoped3A : memref<!tpu.dma_semaphore, #tpu.memory_space<semaphore_mem>>)
      %dma_wait3A = arith.constant 0 : i32
      %dma_wait3A_55 = tpu.memref_slice %arg8[%add3A_17, %dma_wait3A] : memref<10240x128xf32, #tpu.memory_space<vmem_shared>> -> memref<128x128xf32, #tpu.memory_space<vmem_shared>>
      %dma_wait3A_56 = arith.constant 0 : i32
      %dma_wait3A_57 = tpu.memref_slice %arg8[%add3A_17, %dma_wait3A_56] : memref<10240x128xf32, #tpu.memory_space<vmem_shared>> -> memref<128x128xf32, #tpu.memory_space<vmem_shared>>
      tpu.wait_dma2 semaphore(%run_scoped3A : memref<!tpu.dma_semaphore, #tpu.memory_space<semaphore_mem>>) src(%arg11 : memref<128x128xf32, #tpu.memory_space<vmem>>) dst(%dma_wait3A_57 : memref<128x128xf32, #tpu.memory_space<vmem_shared>>)
      tpu.yield
    }) : () -> ()
    %mul3A_18 = arith.constant 640 : i32
    %mul3A_19 = arith.muli %arg1, %mul3A_18 : i32
    %add3A_20 = arith.constant 128 : i32
    %add3A_21 = arith.addi %mul3A_19, %add3A_20 : i32
    "tpu.region"() ({
      %run_scoped3A = tpu.sem_alloc : memref<!tpu.dma_semaphore, #tpu.memory_space<semaphore_mem>>
      %dma_start3A = arith.constant 0 : i32
      %dma_start3A_52 = tpu.memref_slice %arg8[%add3A_21, %dma_start3A] : memref<10240x128xf32, #tpu.memory_space<vmem_shared>> -> memref<128x128xf32, #tpu.memory_space<vmem_shared>>
      %dma_start3A_53 = arith.constant 0 : i32
      %dma_start3A_54 = tpu.memref_slice %arg8[%add3A_21, %dma_start3A_53] : memref<10240x128xf32, #tpu.memory_space<vmem_shared>> -> memref<128x128xf32, #tpu.memory_space<vmem_shared>>
      tpu.enqueue_dma source(%arg11 : memref<128x128xf32, #tpu.memory_space<vmem>>) target(%dma_start3A_54 : memref<128x128xf32, #tpu.memory_space<vmem_shared>>) target_semaphore(%run_scoped3A : memref<!tpu.dma_semaphore, #tpu.memory_space<semaphore_mem>>)
      %dma_wait3A = arith.constant 0 : i32
      %dma_wait3A_55 = tpu.memref_slice %arg8[%add3A_21, %dma_wait3A] : memref<10240x128xf32, #tpu.memory_space<vmem_shared>> -> memref<128x128xf32, #tpu.memory_space<vmem_shared>>
      %dma_wait3A_56 = arith.constant 0 : i32
      %dma_wait3A_57 = tpu.memref_slice %arg8[%add3A_21, %dma_wait3A_56] : memref<10240x128xf32, #tpu.memory_space<vmem_shared>> -> memref<128x128xf32, #tpu.memory_space<vmem_shared>>
      tpu.wait_dma2 semaphore(%run_scoped3A : memref<!tpu.dma_semaphore, #tpu.memory_space<semaphore_mem>>) src(%arg11 : memref<128x128xf32, #tpu.memory_space<vmem>>) dst(%dma_wait3A_57 : memref<128x128xf32, #tpu.memory_space<vmem_shared>>)
      tpu.yield
    }) : () -> ()
    %mul3A_22 = arith.constant 640 : i32
    %mul3A_23 = arith.muli %arg1, %mul3A_22 : i32
    %add3A_24 = arith.constant 256 : i32
    %add3A_25 = arith.addi %mul3A_23, %add3A_24 : i32
    "tpu.region"() ({
      %run_scoped3A = tpu.sem_alloc : memref<!tpu.dma_semaphore, #tpu.memory_space<semaphore_mem>>
      %dma_start3A = arith.constant 0 : i32
      %dma_start3A_52 = tpu.memref_slice %arg8[%add3A_25, %dma_start3A] : memref<10240x128xf32, #tpu.memory_space<vmem_shared>> -> memref<128x128xf32, #tpu.memory_space<vmem_shared>>
      %dma_start3A_53 = arith.constant 0 : i32
      %dma_start3A_54 = tpu.memref_slice %arg8[%add3A_25, %dma_start3A_53] : memref<10240x128xf32, #tpu.memory_space<vmem_shared>> -> memref<128x128xf32, #tpu.memory_space<vmem_shared>>
      tpu.enqueue_dma source(%arg11 : memref<128x128xf32, #tpu.memory_space<vmem>>) target(%dma_start3A_54 : memref<128x128xf32, #tpu.memory_space<vmem_shared>>) target_semaphore(%run_scoped3A : memref<!tpu.dma_semaphore, #tpu.memory_space<semaphore_mem>>)
      %dma_wait3A = arith.constant 0 : i32
      %dma_wait3A_55 = tpu.memref_slice %arg8[%add3A_25, %dma_wait3A] : memref<10240x128xf32, #tpu.memory_space<vmem_shared>> -> memref<128x128xf32, #tpu.memory_space<vmem_shared>>
      %dma_wait3A_56 = arith.constant 0 : i32
      %dma_wait3A_57 = tpu.memref_slice %arg8[%add3A_25, %dma_wait3A_56] : memref<10240x128xf32, #tpu.memory_space<vmem_shared>> -> memref<128x128xf32, #tpu.memory_space<vmem_shared>>
      tpu.wait_dma2 semaphore(%run_scoped3A : memref<!tpu.dma_semaphore, #tpu.memory_space<semaphore_mem>>) src(%arg11 : memref<128x128xf32, #tpu.memory_space<vmem>>) dst(%dma_wait3A_57 : memref<128x128xf32, #tpu.memory_space<vmem_shared>>)
      tpu.yield
    }) : () -> ()
    %mul3A_26 = arith.constant 640 : i32
    %mul3A_27 = arith.muli %arg1, %mul3A_26 : i32
    %add3A_28 = arith.constant 384 : i32
    %add3A_29 = arith.addi %mul3A_27, %add3A_28 : i32
    "tpu.region"() ({
      %run_scoped3A = tpu.sem_alloc : memref<!tpu.dma_semaphore, #tpu.memory_space<semaphore_mem>>
      %dma_start3A = arith.constant 0 : i32
      %dma_start3A_52 = tpu.memref_slice %arg8[%add3A_29, %dma_start3A] : memref<10240x128xf32, #tpu.memory_space<vmem_shared>> -> memref<128x128xf32, #tpu.memory_space<vmem_shared>>
      %dma_start3A_53 = arith.constant 0 : i32
      %dma_start3A_54 = tpu.memref_slice %arg8[%add3A_29, %dma_start3A_53] : memref<10240x128xf32, #tpu.memory_space<vmem_shared>> -> memref<128x128xf32, #tpu.memory_space<vmem_shared>>
      tpu.enqueue_dma source(%arg11 : memref<128x128xf32, #tpu.memory_space<vmem>>) target(%dma_start3A_54 : memref<128x128xf32, #tpu.memory_space<vmem_shared>>) target_semaphore(%run_scoped3A : memref<!tpu.dma_semaphore, #tpu.memory_space<semaphore_mem>>)
      %dma_wait3A = arith.constant 0 : i32
      %dma_wait3A_55 = tpu.memref_slice %arg8[%add3A_29, %dma_wait3A] : memref<10240x128xf32, #tpu.memory_space<vmem_shared>> -> memref<128x128xf32, #tpu.memory_space<vmem_shared>>
      %dma_wait3A_56 = arith.constant 0 : i32
      %dma_wait3A_57 = tpu.memref_slice %arg8[%add3A_29, %dma_wait3A_56] : memref<10240x128xf32, #tpu.memory_space<vmem_shared>> -> memref<128x128xf32, #tpu.memory_space<vmem_shared>>
      tpu.wait_dma2 semaphore(%run_scoped3A : memref<!tpu.dma_semaphore, #tpu.memory_space<semaphore_mem>>) src(%arg11 : memref<128x128xf32, #tpu.memory_space<vmem>>) dst(%dma_wait3A_57 : memref<128x128xf32, #tpu.memory_space<vmem_shared>>)
      tpu.yield
    }) : () -> ()
    %mul3A_30 = arith.constant 640 : i32
    %mul3A_31 = arith.muli %arg1, %mul3A_30 : i32
    %add3A_32 = arith.constant 512 : i32
    %add3A_33 = arith.addi %mul3A_31, %add3A_32 : i32
    "tpu.region"() ({
      %run_scoped3A = tpu.sem_alloc : memref<!tpu.dma_semaphore, #tpu.memory_space<semaphore_mem>>
      %dma_start3A = arith.constant 0 : i32
      %dma_start3A_52 = tpu.memref_slice %arg8[%add3A_33, %dma_start3A] : memref<10240x128xf32, #tpu.memory_space<vmem_shared>> -> memref<128x128xf32, #tpu.memory_space<vmem_shared>>
      %dma_start3A_53 = arith.constant 0 : i32
      %dma_start3A_54 = tpu.memref_slice %arg8[%add3A_33, %dma_start3A_53] : memref<10240x128xf32, #tpu.memory_space<vmem_shared>> -> memref<128x128xf32, #tpu.memory_space<vmem_shared>>
      tpu.enqueue_dma source(%arg11 : memref<128x128xf32, #tpu.memory_space<vmem>>) target(%dma_start3A_54 : memref<128x128xf32, #tpu.memory_space<vmem_shared>>) target_semaphore(%run_scoped3A : memref<!tpu.dma_semaphore, #tpu.memory_space<semaphore_mem>>)
      %dma_wait3A = arith.constant 0 : i32
      %dma_wait3A_55 = tpu.memref_slice %arg8[%add3A_33, %dma_wait3A] : memref<10240x128xf32, #tpu.memory_space<vmem_shared>> -> memref<128x128xf32, #tpu.memory_space<vmem_shared>>
      %dma_wait3A_56 = arith.constant 0 : i32
      %dma_wait3A_57 = tpu.memref_slice %arg8[%add3A_33, %dma_wait3A_56] : memref<10240x128xf32, #tpu.memory_space<vmem_shared>> -> memref<128x128xf32, #tpu.memory_space<vmem_shared>>
      tpu.wait_dma2 semaphore(%run_scoped3A : memref<!tpu.dma_semaphore, #tpu.memory_space<semaphore_mem>>) src(%arg11 : memref<128x128xf32, #tpu.memory_space<vmem>>) dst(%dma_wait3A_57 : memref<128x128xf32, #tpu.memory_space<vmem_shared>>)
      tpu.yield
    }) : () -> ()
    %barrier3A = arith.constant 0 : index
    tpu.barrier barrier_id(%barrier3A)
    %while3A = arith.constant 0 : i32
    %while3A_34 = arith.constant 0 : i32
    %while3A_35 = arith.subi %select_n3A_8, %while3A_34 : i32
    %while3A_36 = arith.addi %while3A_34, %while3A_35 : i32
    %while3A_37 = arith.constant 1 : i32
    %while3A_38 = arith.divsi %while3A_35, %while3A_37 : i32
    %while3A_39 = arith.muli %while3A_38, %while3A_37 : i32
    %while3A_40 = arith.addi %while3A_34, %while3A_39 : i32
    %while3A_41 = arith.constant 1 : i32
    scf.for %while3A_52 = %while3A_34 to %while3A_40 step %while3A_41  : i32 {
      %mul3A_53 = arith.constant 8 : i32
      %mul3A_54 = arith.muli %while3A_52, %mul3A_53 : i32
      %add3A_55 = arith.addi %select_n3A, %mul3A_54 : i32
      "tpu.region"() ({
        %run_scoped3A_173 = tpu.sem_alloc : memref<!tpu.dma_semaphore, #tpu.memory_space<semaphore_mem>>
        %dma_start3A_174 = arith.constant 0 : i32
        %dma_start3A_175 = tpu.memref_slice %arg4[%add3A_55, %dma_start3A_174] : memref<2560x128xi32, #tpu.memory_space<hbm>> -> memref<8x128xi32, #tpu.memory_space<hbm>>
        %dma_start3A_176 = arith.constant 0 : i32
        %dma_start3A_177 = tpu.memref_slice %arg4[%add3A_55, %dma_start3A_176] : memref<2560x128xi32, #tpu.memory_space<hbm>> -> memref<8x128xi32, #tpu.memory_space<hbm>>
        tpu.enqueue_dma source(%dma_start3A_177 : memref<8x128xi32, #tpu.memory_space<hbm>>) target(%arg9 : memref<8x128xi32, #tpu.memory_space<vmem>>) target_semaphore(%run_scoped3A_173 : memref<!tpu.dma_semaphore, #tpu.memory_space<semaphore_mem>>)
        %dma_wait3A_178 = arith.constant 0 : i32
        %dma_wait3A_179 = tpu.memref_slice %arg4[%add3A_55, %dma_wait3A_178] : memref<2560x128xi32, #tpu.memory_space<hbm>> -> memref<8x128xi32, #tpu.memory_space<hbm>>
        %dma_wait3A_180 = arith.constant 0 : i32
        %dma_wait3A_181 = tpu.memref_slice %arg4[%add3A_55, %dma_wait3A_180] : memref<2560x128xi32, #tpu.memory_space<hbm>> -> memref<8x128xi32, #tpu.memory_space<hbm>>
        tpu.wait_dma2 semaphore(%run_scoped3A_173 : memref<!tpu.dma_semaphore, #tpu.memory_space<semaphore_mem>>) src(%dma_wait3A_181 : memref<8x128xi32, #tpu.memory_space<hbm>>) dst(%arg9 : memref<8x128xi32, #tpu.memory_space<vmem>>)
        tpu.yield
      }) : () -> ()
      "tpu.region"() ({
        %run_scoped3A_173 = tpu.sem_alloc : memref<!tpu.dma_semaphore, #tpu.memory_space<semaphore_mem>>
        %dma_start3A_174 = arith.constant 0 : i32
        %dma_start3A_175 = tpu.memref_slice %arg5[%add3A_55, %dma_start3A_174] : memref<2560x128xi32, #tpu.memory_space<hbm>> -> memref<8x128xi32, #tpu.memory_space<hbm>>
        %dma_start3A_176 = arith.constant 0 : i32
        %dma_start3A_177 = tpu.memref_slice %arg5[%add3A_55, %dma_start3A_176] : memref<2560x128xi32, #tpu.memory_space<hbm>> -> memref<8x128xi32, #tpu.memory_space<hbm>>
        tpu.enqueue_dma source(%dma_start3A_177 : memref<8x128xi32, #tpu.memory_space<hbm>>) target(%arg10 : memref<8x128xi32, #tpu.memory_space<vmem>>) target_semaphore(%run_scoped3A_173 : memref<!tpu.dma_semaphore, #tpu.memory_space<semaphore_mem>>)
        %dma_wait3A_178 = arith.constant 0 : i32
        %dma_wait3A_179 = tpu.memref_slice %arg5[%add3A_55, %dma_wait3A_178] : memref<2560x128xi32, #tpu.memory_space<hbm>> -> memref<8x128xi32, #tpu.memory_space<hbm>>
        %dma_wait3A_180 = arith.constant 0 : i32
        %dma_wait3A_181 = tpu.memref_slice %arg5[%add3A_55, %dma_wait3A_180] : memref<2560x128xi32, #tpu.memory_space<hbm>> -> memref<8x128xi32, #tpu.memory_space<hbm>>
        tpu.wait_dma2 semaphore(%run_scoped3A_173 : memref<!tpu.dma_semaphore, #tpu.memory_space<semaphore_mem>>) src(%dma_wait3A_181 : memref<8x128xi32, #tpu.memory_space<hbm>>) dst(%arg10 : memref<8x128xi32, #tpu.memory_space<vmem>>)
        tpu.yield
      }) : () -> ()
      %dma_start3A = arith.constant 0 : i32
      %dma_start3A_56 = arith.constant 0 : i32
      %dma_start3A_57 = tpu.memref_slice %arg9[%dma_start3A, %dma_start3A_56] : memref<8x128xi32, #tpu.memory_space<vmem>> -> memref<1x128xi32, #tpu.memory_space<vmem>>
      %dma_start3A_58 = tpu.memref_squeeze %dma_start3A_57 : memref<1x128xi32, #tpu.memory_space<vmem>> -> memref<128xi32, #tpu.memory_space<vmem>>
      %dma_start3A_59 = arith.constant 0 : i32
      %dma_start3A_60 = arith.constant 0 : i32
      %dma_start3A_61 = tpu.memref_slice %arg2[%dma_start3A_59, %dma_start3A_60] : memref<10000x128xf32, #tpu.memory_space<hbm>> -> memref<10000x128xf32, #tpu.memory_space<hbm>>
      tpu.enqueue_indirect_dma source(%dma_start3A_61 : memref<10000x128xf32, #tpu.memory_space<hbm>>) target(%arg11 : memref<128x128xf32, #tpu.memory_space<vmem>>) offsets(%dma_start3A_58 : memref<128xi32, #tpu.memory_space<vmem>>) semaphore(%arg13 : memref<!tpu.dma_semaphore, #tpu.memory_space<semaphore_mem>>)
      %dma_start3A_62 = arith.constant 1 : i32
      %dma_start3A_63 = arith.constant 0 : i32
      %dma_start3A_64 = tpu.memref_slice %arg9[%dma_start3A_62, %dma_start3A_63] : memref<8x128xi32, #tpu.memory_space<vmem>> -> memref<1x128xi32, #tpu.memory_space<vmem>>
      %dma_start3A_65 = tpu.memref_squeeze %dma_start3A_64 : memref<1x128xi32, #tpu.memory_space<vmem>> -> memref<128xi32, #tpu.memory_space<vmem>>
      %dma_start3A_66 = arith.constant 0 : i32
      %dma_start3A_67 = arith.constant 0 : i32
      %dma_start3A_68 = tpu.memref_slice %arg2[%dma_start3A_66, %dma_start3A_67] : memref<10000x128xf32, #tpu.memory_space<hbm>> -> memref<10000x128xf32, #tpu.memory_space<hbm>>
      tpu.enqueue_indirect_dma source(%dma_start3A_68 : memref<10000x128xf32, #tpu.memory_space<hbm>>) target(%arg12 : memref<128x128xf32, #tpu.memory_space<vmem>>) offsets(%dma_start3A_65 : memref<128xi32, #tpu.memory_space<vmem>>) semaphore(%arg14 : memref<!tpu.dma_semaphore, #tpu.memory_space<semaphore_mem>>)
      %dma_wait3A = arith.constant 0 : i32
      %dma_wait3A_69 = arith.constant 0 : i32
      %dma_wait3A_70 = tpu.memref_slice %arg9[%dma_wait3A, %dma_wait3A_69] : memref<8x128xi32, #tpu.memory_space<vmem>> -> memref<1x128xi32, #tpu.memory_space<vmem>>
      %dma_wait3A_71 = tpu.memref_squeeze %dma_wait3A_70 : memref<1x128xi32, #tpu.memory_space<vmem>> -> memref<128xi32, #tpu.memory_space<vmem>>
      %dma_wait3A_72 = arith.constant 0 : i32
      %dma_wait3A_73 = arith.constant 0 : i32
      %dma_wait3A_74 = tpu.memref_slice %arg2[%dma_wait3A_72, %dma_wait3A_73] : memref<10000x128xf32, #tpu.memory_space<hbm>> -> memref<10000x128xf32, #tpu.memory_space<hbm>>
      tpu.wait_indirect_dma semaphore(%arg13 : memref<!tpu.dma_semaphore, #tpu.memory_space<semaphore_mem>>) src(%dma_wait3A_74 : memref<10000x128xf32, #tpu.memory_space<hbm>>) dst(%arg11 : memref<128x128xf32, #tpu.memory_space<vmem>>)
      %run_scoped3A = arith.constant 0 : i32
      "tpu.region"() ({
        %run_scoped3A_173 = tpu.sem_alloc : memref<!tpu.dma_semaphore, #tpu.memory_space<semaphore_mem>>
        %dma_start3A_174 = arith.constant 0 : i32
        %dma_start3A_175 = tpu.memref_slice %arg10[%run_scoped3A, %dma_start3A_174] : memref<8x128xi32, #tpu.memory_space<vmem>> -> memref<1x128xi32, #tpu.memory_space<vmem>>
        %dma_start3A_176 = tpu.memref_squeeze %dma_start3A_175 : memref<1x128xi32, #tpu.memory_space<vmem>> -> memref<128xi32, #tpu.memory_space<vmem>>
        %dma_start3A_177 = arith.constant 0 : i32
        %dma_start3A_178 = arith.constant 0 : i32
        %dma_start3A_179 = tpu.memref_slice %arg8[%dma_start3A_177, %dma_start3A_178] : memref<10240x128xf32, #tpu.memory_space<vmem_shared>> -> memref<10240x128xf32, #tpu.memory_space<vmem_shared>>
        tpu.enqueue_indirect_dma source(%arg11 : memref<128x128xf32, #tpu.memory_space<vmem>>) target(%dma_start3A_179 : memref<10240x128xf32, #tpu.memory_space<vmem_shared>>) offsets(%dma_start3A_176 : memref<128xi32, #tpu.memory_space<vmem>>) semaphore(%run_scoped3A_173 : memref<!tpu.dma_semaphore, #tpu.memory_space<semaphore_mem>>) {add = true}
        %dma_wait3A_180 = arith.constant 0 : i32
        %dma_wait3A_181 = tpu.memref_slice %arg10[%run_scoped3A, %dma_wait3A_180] : memref<8x128xi32, #tpu.memory_space<vmem>> -> memref<1x128xi32, #tpu.memory_space<vmem>>
        %dma_wait3A_182 = tpu.memref_squeeze %dma_wait3A_181 : memref<1x128xi32, #tpu.memory_space<vmem>> -> memref<128xi32, #tpu.memory_space<vmem>>
        %dma_wait3A_183 = arith.constant 0 : i32
        %dma_wait3A_184 = arith.constant 0 : i32
        %dma_wait3A_185 = tpu.memref_slice %arg8[%dma_wait3A_183, %dma_wait3A_184] : memref<10240x128xf32, #tpu.memory_space<vmem_shared>> -> memref<10240x128xf32, #tpu.memory_space<vmem_shared>>
        tpu.wait_indirect_dma semaphore(%run_scoped3A_173 : memref<!tpu.dma_semaphore, #tpu.memory_space<semaphore_mem>>) src(%arg11 : memref<128x128xf32, #tpu.memory_space<vmem>>) dst(%dma_wait3A_185 : memref<10240x128xf32, #tpu.memory_space<vmem_shared>>)
        tpu.yield
      }) : () -> ()
      %dma_start3A_75 = arith.constant 2 : i32
      %dma_start3A_76 = arith.constant 0 : i32
      %dma_start3A_77 = tpu.memref_slice %arg9[%dma_start3A_75, %dma_start3A_76] : memref<8x128xi32, #tpu.memory_space<vmem>> -> memref<1x128xi32, #tpu.memory_space<vmem>>
      %dma_start3A_78 = tpu.memref_squeeze %dma_start3A_77 : memref<1x128xi32, #tpu.memory_space<vmem>> -> memref<128xi32, #tpu.memory_space<vmem>>
      %dma_start3A_79 = arith.constant 0 : i32
      %dma_start3A_80 = arith.constant 0 : i32
      %dma_start3A_81 = tpu.memref_slice %arg2[%dma_start3A_79, %dma_start3A_80] : memref<10000x128xf32, #tpu.memory_space<hbm>> -> memref<10000x128xf32, #tpu.memory_space<hbm>>
      tpu.enqueue_indirect_dma source(%dma_start3A_81 : memref<10000x128xf32, #tpu.memory_space<hbm>>) target(%arg11 : memref<128x128xf32, #tpu.memory_space<vmem>>) offsets(%dma_start3A_78 : memref<128xi32, #tpu.memory_space<vmem>>) semaphore(%arg13 : memref<!tpu.dma_semaphore, #tpu.memory_space<semaphore_mem>>)
      %dma_wait3A_82 = arith.constant 1 : i32
      %dma_wait3A_83 = arith.constant 0 : i32
      %dma_wait3A_84 = tpu.memref_slice %arg9[%dma_wait3A_82, %dma_wait3A_83] : memref<8x128xi32, #tpu.memory_space<vmem>> -> memref<1x128xi32, #tpu.memory_space<vmem>>
      %dma_wait3A_85 = tpu.memref_squeeze %dma_wait3A_84 : memref<1x128xi32, #tpu.memory_space<vmem>> -> memref<128xi32, #tpu.memory_space<vmem>>
      %dma_wait3A_86 = arith.constant 0 : i32
      %dma_wait3A_87 = arith.constant 0 : i32
      %dma_wait3A_88 = tpu.memref_slice %arg2[%dma_wait3A_86, %dma_wait3A_87] : memref<10000x128xf32, #tpu.memory_space<hbm>> -> memref<10000x128xf32, #tpu.memory_space<hbm>>
      tpu.wait_indirect_dma semaphore(%arg14 : memref<!tpu.dma_semaphore, #tpu.memory_space<semaphore_mem>>) src(%dma_wait3A_88 : memref<10000x128xf32, #tpu.memory_space<hbm>>) dst(%arg12 : memref<128x128xf32, #tpu.memory_space<vmem>>)
      %run_scoped3A_89 = arith.constant 1 : i32
      "tpu.region"() ({
        %run_scoped3A_173 = tpu.sem_alloc : memref<!tpu.dma_semaphore, #tpu.memory_space<semaphore_mem>>
        %dma_start3A_174 = arith.constant 0 : i32
        %dma_start3A_175 = tpu.memref_slice %arg10[%run_scoped3A_89, %dma_start3A_174] : memref<8x128xi32, #tpu.memory_space<vmem>> -> memref<1x128xi32, #tpu.memory_space<vmem>>
        %dma_start3A_176 = tpu.memref_squeeze %dma_start3A_175 : memref<1x128xi32, #tpu.memory_space<vmem>> -> memref<128xi32, #tpu.memory_space<vmem>>
        %dma_start3A_177 = arith.constant 0 : i32
        %dma_start3A_178 = arith.constant 0 : i32
        %dma_start3A_179 = tpu.memref_slice %arg8[%dma_start3A_177, %dma_start3A_178] : memref<10240x128xf32, #tpu.memory_space<vmem_shared>> -> memref<10240x128xf32, #tpu.memory_space<vmem_shared>>
        tpu.enqueue_indirect_dma source(%arg12 : memref<128x128xf32, #tpu.memory_space<vmem>>) target(%dma_start3A_179 : memref<10240x128xf32, #tpu.memory_space<vmem_shared>>) offsets(%dma_start3A_176 : memref<128xi32, #tpu.memory_space<vmem>>) semaphore(%run_scoped3A_173 : memref<!tpu.dma_semaphore, #tpu.memory_space<semaphore_mem>>) {add = true}
        %dma_wait3A_180 = arith.constant 0 : i32
        %dma_wait3A_181 = tpu.memref_slice %arg10[%run_scoped3A_89, %dma_wait3A_180] : memref<8x128xi32, #tpu.memory_space<vmem>> -> memref<1x128xi32, #tpu.memory_space<vmem>>
        %dma_wait3A_182 = tpu.memref_squeeze %dma_wait3A_181 : memref<1x128xi32, #tpu.memory_space<vmem>> -> memref<128xi32, #tpu.memory_space<vmem>>
        %dma_wait3A_183 = arith.constant 0 : i32
        %dma_wait3A_184 = arith.constant 0 : i32
        %dma_wait3A_185 = tpu.memref_slice %arg8[%dma_wait3A_183, %dma_wait3A_184] : memref<10240x128xf32, #tpu.memory_space<vmem_shared>> -> memref<10240x128xf32, #tpu.memory_space<vmem_shared>>
        tpu.wait_indirect_dma semaphore(%run_scoped3A_173 : memref<!tpu.dma_semaphore, #tpu.memory_space<semaphore_mem>>) src(%arg12 : memref<128x128xf32, #tpu.memory_space<vmem>>) dst(%dma_wait3A_185 : memref<10240x128xf32, #tpu.memory_space<vmem_shared>>)
        tpu.yield
      }) : () -> ()
      %dma_start3A_90 = arith.constant 3 : i32
      %dma_start3A_91 = arith.constant 0 : i32
      %dma_start3A_92 = tpu.memref_slice %arg9[%dma_start3A_90, %dma_start3A_91] : memref<8x128xi32, #tpu.memory_space<vmem>> -> memref<1x128xi32, #tpu.memory_space<vmem>>
      %dma_start3A_93 = tpu.memref_squeeze %dma_start3A_92 : memref<1x128xi32, #tpu.memory_space<vmem>> -> memref<128xi32, #tpu.memory_space<vmem>>
      %dma_start3A_94 = arith.constant 0 : i32
      %dma_start3A_95 = arith.constant 0 : i32
      %dma_start3A_96 = tpu.memref_slice %arg2[%dma_start3A_94, %dma_start3A_95] : memref<10000x128xf32, #tpu.memory_space<hbm>> -> memref<10000x128xf32, #tpu.memory_space<hbm>>
      tpu.enqueue_indirect_dma source(%dma_start3A_96 : memref<10000x128xf32, #tpu.memory_space<hbm>>) target(%arg12 : memref<128x128xf32, #tpu.memory_space<vmem>>) offsets(%dma_start3A_93 : memref<128xi32, #tpu.memory_space<vmem>>) semaphore(%arg14 : memref<!tpu.dma_semaphore, #tpu.memory_space<semaphore_mem>>)
      %dma_wait3A_97 = arith.constant 2 : i32
      %dma_wait3A_98 = arith.constant 0 : i32
      %dma_wait3A_99 = tpu.memref_slice %arg9[%dma_wait3A_97, %dma_wait3A_98] : memref<8x128xi32, #tpu.memory_space<vmem>> -> memref<1x128xi32, #tpu.memory_space<vmem>>
      %dma_wait3A_100 = tpu.memref_squeeze %dma_wait3A_99 : memref<1x128xi32, #tpu.memory_space<vmem>> -> memref<128xi32, #tpu.memory_space<vmem>>
      %dma_wait3A_101 = arith.constant 0 : i32
      %dma_wait3A_102 = arith.constant 0 : i32
      %dma_wait3A_103 = tpu.memref_slice %arg2[%dma_wait3A_101, %dma_wait3A_102] : memref<10000x128xf32, #tpu.memory_space<hbm>> -> memref<10000x128xf32, #tpu.memory_space<hbm>>
      tpu.wait_indirect_dma semaphore(%arg13 : memref<!tpu.dma_semaphore, #tpu.memory_space<semaphore_mem>>) src(%dma_wait3A_103 : memref<10000x128xf32, #tpu.memory_space<hbm>>) dst(%arg11 : memref<128x128xf32, #tpu.memory_space<vmem>>)
      %run_scoped3A_104 = arith.constant 2 : i32
      "tpu.region"() ({
        %run_scoped3A_173 = tpu.sem_alloc : memref<!tpu.dma_semaphore, #tpu.memory_space<semaphore_mem>>
        %dma_start3A_174 = arith.constant 0 : i32
        %dma_start3A_175 = tpu.memref_slice %arg10[%run_scoped3A_104, %dma_start3A_174] : memref<8x128xi32, #tpu.memory_space<vmem>> -> memref<1x128xi32, #tpu.memory_space<vmem>>
        %dma_start3A_176 = tpu.memref_squeeze %dma_start3A_175 : memref<1x128xi32, #tpu.memory_space<vmem>> -> memref<128xi32, #tpu.memory_space<vmem>>
        %dma_start3A_177 = arith.constant 0 : i32
        %dma_start3A_178 = arith.constant 0 : i32
        %dma_start3A_179 = tpu.memref_slice %arg8[%dma_start3A_177, %dma_start3A_178] : memref<10240x128xf32, #tpu.memory_space<vmem_shared>> -> memref<10240x128xf32, #tpu.memory_space<vmem_shared>>
        tpu.enqueue_indirect_dma source(%arg11 : memref<128x128xf32, #tpu.memory_space<vmem>>) target(%dma_start3A_179 : memref<10240x128xf32, #tpu.memory_space<vmem_shared>>) offsets(%dma_start3A_176 : memref<128xi32, #tpu.memory_space<vmem>>) semaphore(%run_scoped3A_173 : memref<!tpu.dma_semaphore, #tpu.memory_space<semaphore_mem>>) {add = true}
        %dma_wait3A_180 = arith.constant 0 : i32
        %dma_wait3A_181 = tpu.memref_slice %arg10[%run_scoped3A_104, %dma_wait3A_180] : memref<8x128xi32, #tpu.memory_space<vmem>> -> memref<1x128xi32, #tpu.memory_space<vmem>>
        %dma_wait3A_182 = tpu.memref_squeeze %dma_wait3A_181 : memref<1x128xi32, #tpu.memory_space<vmem>> -> memref<128xi32, #tpu.memory_space<vmem>>
        %dma_wait3A_183 = arith.constant 0 : i32
        %dma_wait3A_184 = arith.constant 0 : i32
        %dma_wait3A_185 = tpu.memref_slice %arg8[%dma_wait3A_183, %dma_wait3A_184] : memref<10240x128xf32, #tpu.memory_space<vmem_shared>> -> memref<10240x128xf32, #tpu.memory_space<vmem_shared>>
        tpu.wait_indirect_dma semaphore(%run_scoped3A_173 : memref<!tpu.dma_semaphore, #tpu.memory_space<semaphore_mem>>) src(%arg11 : memref<128x128xf32, #tpu.memory_space<vmem>>) dst(%dma_wait3A_185 : memref<10240x128xf32, #tpu.memory_space<vmem_shared>>)
        tpu.yield
      }) : () -> ()
      %dma_start3A_105 = arith.constant 4 : i32
      %dma_start3A_106 = arith.constant 0 : i32
      %dma_start3A_107 = tpu.memref_slice %arg9[%dma_start3A_105, %dma_start3A_106] : memref<8x128xi32, #tpu.memory_space<vmem>> -> memref<1x128xi32, #tpu.memory_space<vmem>>
      %dma_start3A_108 = tpu.memref_squeeze %dma_start3A_107 : memref<1x128xi32, #tpu.memory_space<vmem>> -> memref<128xi32, #tpu.memory_space<vmem>>
      %dma_start3A_109 = arith.constant 0 : i32
      %dma_start3A_110 = arith.constant 0 : i32
      %dma_start3A_111 = tpu.memref_slice %arg2[%dma_start3A_109, %dma_start3A_110] : memref<10000x128xf32, #tpu.memory_space<hbm>> -> memref<10000x128xf32, #tpu.memory_space<hbm>>
      tpu.enqueue_indirect_dma source(%dma_start3A_111 : memref<10000x128xf32, #tpu.memory_space<hbm>>) target(%arg11 : memref<128x128xf32, #tpu.memory_space<vmem>>) offsets(%dma_start3A_108 : memref<128xi32, #tpu.memory_space<vmem>>) semaphore(%arg13 : memref<!tpu.dma_semaphore, #tpu.memory_space<semaphore_mem>>)
      %dma_wait3A_112 = arith.constant 3 : i32
      %dma_wait3A_113 = arith.constant 0 : i32
      %dma_wait3A_114 = tpu.memref_slice %arg9[%dma_wait3A_112, %dma_wait3A_113] : memref<8x128xi32, #tpu.memory_space<vmem>> -> memref<1x128xi32, #tpu.memory_space<vmem>>
      %dma_wait3A_115 = tpu.memref_squeeze %dma_wait3A_114 : memref<1x128xi32, #tpu.memory_space<vmem>> -> memref<128xi32, #tpu.memory_space<vmem>>
      %dma_wait3A_116 = arith.constant 0 : i32
      %dma_wait3A_117 = arith.constant 0 : i32
      %dma_wait3A_118 = tpu.memref_slice %arg2[%dma_wait3A_116, %dma_wait3A_117] : memref<10000x128xf32, #tpu.memory_space<hbm>> -> memref<10000x128xf32, #tpu.memory_space<hbm>>
      tpu.wait_indirect_dma semaphore(%arg14 : memref<!tpu.dma_semaphore, #tpu.memory_space<semaphore_mem>>) src(%dma_wait3A_118 : memref<10000x128xf32, #tpu.memory_space<hbm>>) dst(%arg12 : memref<128x128xf32, #tpu.memory_space<vmem>>)
      %run_scoped3A_119 = arith.constant 3 : i32
      "tpu.region"() ({
        %run_scoped3A_173 = tpu.sem_alloc : memref<!tpu.dma_semaphore, #tpu.memory_space<semaphore_mem>>
        %dma_start3A_174 = arith.constant 0 : i32
        %dma_start3A_175 = tpu.memref_slice %arg10[%run_scoped3A_119, %dma_start3A_174] : memref<8x128xi32, #tpu.memory_space<vmem>> -> memref<1x128xi32, #tpu.memory_space<vmem>>
        %dma_start3A_176 = tpu.memref_squeeze %dma_start3A_175 : memref<1x128xi32, #tpu.memory_space<vmem>> -> memref<128xi32, #tpu.memory_space<vmem>>
        %dma_start3A_177 = arith.constant 0 : i32
        %dma_start3A_178 = arith.constant 0 : i32
        %dma_start3A_179 = tpu.memref_slice %arg8[%dma_start3A_177, %dma_start3A_178] : memref<10240x128xf32, #tpu.memory_space<vmem_shared>> -> memref<10240x128xf32, #tpu.memory_space<vmem_shared>>
        tpu.enqueue_indirect_dma source(%arg12 : memref<128x128xf32, #tpu.memory_space<vmem>>) target(%dma_start3A_179 : memref<10240x128xf32, #tpu.memory_space<vmem_shared>>) offsets(%dma_start3A_176 : memref<128xi32, #tpu.memory_space<vmem>>) semaphore(%run_scoped3A_173 : memref<!tpu.dma_semaphore, #tpu.memory_space<semaphore_mem>>) {add = true}
        %dma_wait3A_180 = arith.constant 0 : i32
        %dma_wait3A_181 = tpu.memref_slice %arg10[%run_scoped3A_119, %dma_wait3A_180] : memref<8x128xi32, #tpu.memory_space<vmem>> -> memref<1x128xi32, #tpu.memory_space<vmem>>
        %dma_wait3A_182 = tpu.memref_squeeze %dma_wait3A_181 : memref<1x128xi32, #tpu.memory_space<vmem>> -> memref<128xi32, #tpu.memory_space<vmem>>
        %dma_wait3A_183 = arith.constant 0 : i32
        %dma_wait3A_184 = arith.constant 0 : i32
        %dma_wait3A_185 = tpu.memref_slice %arg8[%dma_wait3A_183, %dma_wait3A_184] : memref<10240x128xf32, #tpu.memory_space<vmem_shared>> -> memref<10240x128xf32, #tpu.memory_space<vmem_shared>>
        tpu.wait_indirect_dma semaphore(%run_scoped3A_173 : memref<!tpu.dma_semaphore, #tpu.memory_space<semaphore_mem>>) src(%arg12 : memref<128x128xf32, #tpu.memory_space<vmem>>) dst(%dma_wait3A_185 : memref<10240x128xf32, #tpu.memory_space<vmem_shared>>)
        tpu.yield
      }) : () -> ()
      %dma_start3A_120 = arith.constant 5 : i32
      %dma_start3A_121 = arith.constant 0 : i32
      %dma_start3A_122 = tpu.memref_slice %arg9[%dma_start3A_120, %dma_start3A_121] : memref<8x128xi32, #tpu.memory_space<vmem>> -> memref<1x128xi32, #tpu.memory_space<vmem>>
      %dma_start3A_123 = tpu.memref_squeeze %dma_start3A_122 : memref<1x128xi32, #tpu.memory_space<vmem>> -> memref<128xi32, #tpu.memory_space<vmem>>
      %dma_start3A_124 = arith.constant 0 : i32
      %dma_start3A_125 = arith.constant 0 : i32
      %dma_start3A_126 = tpu.memref_slice %arg2[%dma_start3A_124, %dma_start3A_125] : memref<10000x128xf32, #tpu.memory_space<hbm>> -> memref<10000x128xf32, #tpu.memory_space<hbm>>
      tpu.enqueue_indirect_dma source(%dma_start3A_126 : memref<10000x128xf32, #tpu.memory_space<hbm>>) target(%arg12 : memref<128x128xf32, #tpu.memory_space<vmem>>) offsets(%dma_start3A_123 : memref<128xi32, #tpu.memory_space<vmem>>) semaphore(%arg14 : memref<!tpu.dma_semaphore, #tpu.memory_space<semaphore_mem>>)
      %dma_wait3A_127 = arith.constant 4 : i32
      %dma_wait3A_128 = arith.constant 0 : i32
      %dma_wait3A_129 = tpu.memref_slice %arg9[%dma_wait3A_127, %dma_wait3A_128] : memref<8x128xi32, #tpu.memory_space<vmem>> -> memref<1x128xi32, #tpu.memory_space<vmem>>
      %dma_wait3A_130 = tpu.memref_squeeze %dma_wait3A_129 : memref<1x128xi32, #tpu.memory_space<vmem>> -> memref<128xi32, #tpu.memory_space<vmem>>
      %dma_wait3A_131 = arith.constant 0 : i32
      %dma_wait3A_132 = arith.constant 0 : i32
      %dma_wait3A_133 = tpu.memref_slice %arg2[%dma_wait3A_131, %dma_wait3A_132] : memref<10000x128xf32, #tpu.memory_space<hbm>> -> memref<10000x128xf32, #tpu.memory_space<hbm>>
      tpu.wait_indirect_dma semaphore(%arg13 : memref<!tpu.dma_semaphore, #tpu.memory_space<semaphore_mem>>) src(%dma_wait3A_133 : memref<10000x128xf32, #tpu.memory_space<hbm>>) dst(%arg11 : memref<128x128xf32, #tpu.memory_space<vmem>>)
      %run_scoped3A_134 = arith.constant 4 : i32
      "tpu.region"() ({
        %run_scoped3A_173 = tpu.sem_alloc : memref<!tpu.dma_semaphore, #tpu.memory_space<semaphore_mem>>
        %dma_start3A_174 = arith.constant 0 : i32
        %dma_start3A_175 = tpu.memref_slice %arg10[%run_scoped3A_134, %dma_start3A_174] : memref<8x128xi32, #tpu.memory_space<vmem>> -> memref<1x128xi32, #tpu.memory_space<vmem>>
        %dma_start3A_176 = tpu.memref_squeeze %dma_start3A_175 : memref<1x128xi32, #tpu.memory_space<vmem>> -> memref<128xi32, #tpu.memory_space<vmem>>
        %dma_start3A_177 = arith.constant 0 : i32
        %dma_start3A_178 = arith.constant 0 : i32
        %dma_start3A_179 = tpu.memref_slice %arg8[%dma_start3A_177, %dma_start3A_178] : memref<10240x128xf32, #tpu.memory_space<vmem_shared>> -> memref<10240x128xf32, #tpu.memory_space<vmem_shared>>
        tpu.enqueue_indirect_dma source(%arg11 : memref<128x128xf32, #tpu.memory_space<vmem>>) target(%dma_start3A_179 : memref<10240x128xf32, #tpu.memory_space<vmem_shared>>) offsets(%dma_start3A_176 : memref<128xi32, #tpu.memory_space<vmem>>) semaphore(%run_scoped3A_173 : memref<!tpu.dma_semaphore, #tpu.memory_space<semaphore_mem>>) {add = true}
        %dma_wait3A_180 = arith.constant 0 : i32
        %dma_wait3A_181 = tpu.memref_slice %arg10[%run_scoped3A_134, %dma_wait3A_180] : memref<8x128xi32, #tpu.memory_space<vmem>> -> memref<1x128xi32, #tpu.memory_space<vmem>>
        %dma_wait3A_182 = tpu.memref_squeeze %dma_wait3A_181 : memref<1x128xi32, #tpu.memory_space<vmem>> -> memref<128xi32, #tpu.memory_space<vmem>>
        %dma_wait3A_183 = arith.constant 0 : i32
        %dma_wait3A_184 = arith.constant 0 : i32
        %dma_wait3A_185 = tpu.memref_slice %arg8[%dma_wait3A_183, %dma_wait3A_184] : memref<10240x128xf32, #tpu.memory_space<vmem_shared>> -> memref<10240x128xf32, #tpu.memory_space<vmem_shared>>
        tpu.wait_indirect_dma semaphore(%run_scoped3A_173 : memref<!tpu.dma_semaphore, #tpu.memory_space<semaphore_mem>>) src(%arg11 : memref<128x128xf32, #tpu.memory_space<vmem>>) dst(%dma_wait3A_185 : memref<10240x128xf32, #tpu.memory_space<vmem_shared>>)
        tpu.yield
      }) : () -> ()
      %dma_start3A_135 = arith.constant 6 : i32
      %dma_start3A_136 = arith.constant 0 : i32
      %dma_start3A_137 = tpu.memref_slice %arg9[%dma_start3A_135, %dma_start3A_136] : memref<8x128xi32, #tpu.memory_space<vmem>> -> memref<1x128xi32, #tpu.memory_space<vmem>>
      %dma_start3A_138 = tpu.memref_squeeze %dma_start3A_137 : memref<1x128xi32, #tpu.memory_space<vmem>> -> memref<128xi32, #tpu.memory_space<vmem>>
      %dma_start3A_139 = arith.constant 0 : i32
      %dma_start3A_140 = arith.constant 0 : i32
      %dma_start3A_141 = tpu.memref_slice %arg2[%dma_start3A_139, %dma_start3A_140] : memref<10000x128xf32, #tpu.memory_space<hbm>> -> memref<10000x128xf32, #tpu.memory_space<hbm>>
      tpu.enqueue_indirect_dma source(%dma_start3A_141 : memref<10000x128xf32, #tpu.memory_space<hbm>>) target(%arg11 : memref<128x128xf32, #tpu.memory_space<vmem>>) offsets(%dma_start3A_138 : memref<128xi32, #tpu.memory_space<vmem>>) semaphore(%arg13 : memref<!tpu.dma_semaphore, #tpu.memory_space<semaphore_mem>>)
      %dma_wait3A_142 = arith.constant 5 : i32
      %dma_wait3A_143 = arith.constant 0 : i32
      %dma_wait3A_144 = tpu.memref_slice %arg9[%dma_wait3A_142, %dma_wait3A_143] : memref<8x128xi32, #tpu.memory_space<vmem>> -> memref<1x128xi32, #tpu.memory_space<vmem>>
      %dma_wait3A_145 = tpu.memref_squeeze %dma_wait3A_144 : memref<1x128xi32, #tpu.memory_space<vmem>> -> memref<128xi32, #tpu.memory_space<vmem>>
      %dma_wait3A_146 = arith.constant 0 : i32
      %dma_wait3A_147 = arith.constant 0 : i32
      %dma_wait3A_148 = tpu.memref_slice %arg2[%dma_wait3A_146, %dma_wait3A_147] : memref<10000x128xf32, #tpu.memory_space<hbm>> -> memref<10000x128xf32, #tpu.memory_space<hbm>>
      tpu.wait_indirect_dma semaphore(%arg14 : memref<!tpu.dma_semaphore, #tpu.memory_space<semaphore_mem>>) src(%dma_wait3A_148 : memref<10000x128xf32, #tpu.memory_space<hbm>>) dst(%arg12 : memref<128x128xf32, #tpu.memory_space<vmem>>)
      %run_scoped3A_149 = arith.constant 5 : i32
      "tpu.region"() ({
        %run_scoped3A_173 = tpu.sem_alloc : memref<!tpu.dma_semaphore, #tpu.memory_space<semaphore_mem>>
        %dma_start3A_174 = arith.constant 0 : i32
        %dma_start3A_175 = tpu.memref_slice %arg10[%run_scoped3A_149, %dma_start3A_174] : memref<8x128xi32, #tpu.memory_space<vmem>> -> memref<1x128xi32, #tpu.memory_space<vmem>>
        %dma_start3A_176 = tpu.memref_squeeze %dma_start3A_175 : memref<1x128xi32, #tpu.memory_space<vmem>> -> memref<128xi32, #tpu.memory_space<vmem>>
        %dma_start3A_177 = arith.constant 0 : i32
        %dma_start3A_178 = arith.constant 0 : i32
        %dma_start3A_179 = tpu.memref_slice %arg8[%dma_start3A_177, %dma_start3A_178] : memref<10240x128xf32, #tpu.memory_space<vmem_shared>> -> memref<10240x128xf32, #tpu.memory_space<vmem_shared>>
        tpu.enqueue_indirect_dma source(%arg12 : memref<128x128xf32, #tpu.memory_space<vmem>>) target(%dma_start3A_179 : memref<10240x128xf32, #tpu.memory_space<vmem_shared>>) offsets(%dma_start3A_176 : memref<128xi32, #tpu.memory_space<vmem>>) semaphore(%run_scoped3A_173 : memref<!tpu.dma_semaphore, #tpu.memory_space<semaphore_mem>>) {add = true}
        %dma_wait3A_180 = arith.constant 0 : i32
        %dma_wait3A_181 = tpu.memref_slice %arg10[%run_scoped3A_149, %dma_wait3A_180] : memref<8x128xi32, #tpu.memory_space<vmem>> -> memref<1x128xi32, #tpu.memory_space<vmem>>
        %dma_wait3A_182 = tpu.memref_squeeze %dma_wait3A_181 : memref<1x128xi32, #tpu.memory_space<vmem>> -> memref<128xi32, #tpu.memory_space<vmem>>
        %dma_wait3A_183 = arith.constant 0 : i32
        %dma_wait3A_184 = arith.constant 0 : i32
        %dma_wait3A_185 = tpu.memref_slice %arg8[%dma_wait3A_183, %dma_wait3A_184] : memref<10240x128xf32, #tpu.memory_space<vmem_shared>> -> memref<10240x128xf32, #tpu.memory_space<vmem_shared>>
        tpu.wait_indirect_dma semaphore(%run_scoped3A_173 : memref<!tpu.dma_semaphore, #tpu.memory_space<semaphore_mem>>) src(%arg12 : memref<128x128xf32, #tpu.memory_space<vmem>>) dst(%dma_wait3A_185 : memref<10240x128xf32, #tpu.memory_space<vmem_shared>>)
        tpu.yield
      }) : () -> ()
      %dma_start3A_150 = arith.constant 7 : i32
      %dma_start3A_151 = arith.constant 0 : i32
      %dma_start3A_152 = tpu.memref_slice %arg9[%dma_start3A_150, %dma_start3A_151] : memref<8x128xi32, #tpu.memory_space<vmem>> -> memref<1x128xi32, #tpu.memory_space<vmem>>
      %dma_start3A_153 = tpu.memref_squeeze %dma_start3A_152 : memref<1x128xi32, #tpu.memory_space<vmem>> -> memref<128xi32, #tpu.memory_space<vmem>>
      %dma_start3A_154 = arith.constant 0 : i32
      %dma_start3A_155 = arith.constant 0 : i32
      %dma_start3A_156 = tpu.memref_slice %arg2[%dma_start3A_154, %dma_start3A_155] : memref<10000x128xf32, #tpu.memory_space<hbm>> -> memref<10000x128xf32, #tpu.memory_space<hbm>>
      tpu.enqueue_indirect_dma source(%dma_start3A_156 : memref<10000x128xf32, #tpu.memory_space<hbm>>) target(%arg12 : memref<128x128xf32, #tpu.memory_space<vmem>>) offsets(%dma_start3A_153 : memref<128xi32, #tpu.memory_space<vmem>>) semaphore(%arg14 : memref<!tpu.dma_semaphore, #tpu.memory_space<semaphore_mem>>)
      %dma_wait3A_157 = arith.constant 6 : i32
      %dma_wait3A_158 = arith.constant 0 : i32
      %dma_wait3A_159 = tpu.memref_slice %arg9[%dma_wait3A_157, %dma_wait3A_158] : memref<8x128xi32, #tpu.memory_space<vmem>> -> memref<1x128xi32, #tpu.memory_space<vmem>>
      %dma_wait3A_160 = tpu.memref_squeeze %dma_wait3A_159 : memref<1x128xi32, #tpu.memory_space<vmem>> -> memref<128xi32, #tpu.memory_space<vmem>>
      %dma_wait3A_161 = arith.constant 0 : i32
      %dma_wait3A_162 = arith.constant 0 : i32
      %dma_wait3A_163 = tpu.memref_slice %arg2[%dma_wait3A_161, %dma_wait3A_162] : memref<10000x128xf32, #tpu.memory_space<hbm>> -> memref<10000x128xf32, #tpu.memory_space<hbm>>
      tpu.wait_indirect_dma semaphore(%arg13 : memref<!tpu.dma_semaphore, #tpu.memory_space<semaphore_mem>>) src(%dma_wait3A_163 : memref<10000x128xf32, #tpu.memory_space<hbm>>) dst(%arg11 : memref<128x128xf32, #tpu.memory_space<vmem>>)
      %run_scoped3A_164 = arith.constant 6 : i32
      "tpu.region"() ({
        %run_scoped3A_173 = tpu.sem_alloc : memref<!tpu.dma_semaphore, #tpu.memory_space<semaphore_mem>>
        %dma_start3A_174 = arith.constant 0 : i32
        %dma_start3A_175 = tpu.memref_slice %arg10[%run_scoped3A_164, %dma_start3A_174] : memref<8x128xi32, #tpu.memory_space<vmem>> -> memref<1x128xi32, #tpu.memory_space<vmem>>
        %dma_start3A_176 = tpu.memref_squeeze %dma_start3A_175 : memref<1x128xi32, #tpu.memory_space<vmem>> -> memref<128xi32, #tpu.memory_space<vmem>>
        %dma_start3A_177 = arith.constant 0 : i32
        %dma_start3A_178 = arith.constant 0 : i32
        %dma_start3A_179 = tpu.memref_slice %arg8[%dma_start3A_177, %dma_start3A_178] : memref<10240x128xf32, #tpu.memory_space<vmem_shared>> -> memref<10240x128xf32, #tpu.memory_space<vmem_shared>>
        tpu.enqueue_indirect_dma source(%arg11 : memref<128x128xf32, #tpu.memory_space<vmem>>) target(%dma_start3A_179 : memref<10240x128xf32, #tpu.memory_space<vmem_shared>>) offsets(%dma_start3A_176 : memref<128xi32, #tpu.memory_space<vmem>>) semaphore(%run_scoped3A_173 : memref<!tpu.dma_semaphore, #tpu.memory_space<semaphore_mem>>) {add = true}
        %dma_wait3A_180 = arith.constant 0 : i32
        %dma_wait3A_181 = tpu.memref_slice %arg10[%run_scoped3A_164, %dma_wait3A_180] : memref<8x128xi32, #tpu.memory_space<vmem>> -> memref<1x128xi32, #tpu.memory_space<vmem>>
        %dma_wait3A_182 = tpu.memref_squeeze %dma_wait3A_181 : memref<1x128xi32, #tpu.memory_space<vmem>> -> memref<128xi32, #tpu.memory_space<vmem>>
        %dma_wait3A_183 = arith.constant 0 : i32
        %dma_wait3A_184 = arith.constant 0 : i32
        %dma_wait3A_185 = tpu.memref_slice %arg8[%dma_wait3A_183, %dma_wait3A_184] : memref<10240x128xf32, #tpu.memory_space<vmem_shared>> -> memref<10240x128xf32, #tpu.memory_space<vmem_shared>>
        tpu.wait_indirect_dma semaphore(%run_scoped3A_173 : memref<!tpu.dma_semaphore, #tpu.memory_space<semaphore_mem>>) src(%arg11 : memref<128x128xf32, #tpu.memory_space<vmem>>) dst(%dma_wait3A_185 : memref<10240x128xf32, #tpu.memory_space<vmem_shared>>)
        tpu.yield
      }) : () -> ()
      %dma_wait3A_165 = arith.constant 7 : i32
      %dma_wait3A_166 = arith.constant 0 : i32
      %dma_wait3A_167 = tpu.memref_slice %arg9[%dma_wait3A_165, %dma_wait3A_166] : memref<8x128xi32, #tpu.memory_space<vmem>> -> memref<1x128xi32, #tpu.memory_space<vmem>>
      %dma_wait3A_168 = tpu.memref_squeeze %dma_wait3A_167 : memref<1x128xi32, #tpu.memory_space<vmem>> -> memref<128xi32, #tpu.memory_space<vmem>>
      %dma_wait3A_169 = arith.constant 0 : i32
      %dma_wait3A_170 = arith.constant 0 : i32
      %dma_wait3A_171 = tpu.memref_slice %arg2[%dma_wait3A_169, %dma_wait3A_170] : memref<10000x128xf32, #tpu.memory_space<hbm>> -> memref<10000x128xf32, #tpu.memory_space<hbm>>
      tpu.wait_indirect_dma semaphore(%arg14 : memref<!tpu.dma_semaphore, #tpu.memory_space<semaphore_mem>>) src(%dma_wait3A_171 : memref<10000x128xf32, #tpu.memory_space<hbm>>) dst(%arg12 : memref<128x128xf32, #tpu.memory_space<vmem>>)
      %run_scoped3A_172 = arith.constant 7 : i32
      "tpu.region"() ({
        %run_scoped3A_173 = tpu.sem_alloc : memref<!tpu.dma_semaphore, #tpu.memory_space<semaphore_mem>>
        %dma_start3A_174 = arith.constant 0 : i32
        %dma_start3A_175 = tpu.memref_slice %arg10[%run_scoped3A_172, %dma_start3A_174] : memref<8x128xi32, #tpu.memory_space<vmem>> -> memref<1x128xi32, #tpu.memory_space<vmem>>
        %dma_start3A_176 = tpu.memref_squeeze %dma_start3A_175 : memref<1x128xi32, #tpu.memory_space<vmem>> -> memref<128xi32, #tpu.memory_space<vmem>>
        %dma_start3A_177 = arith.constant 0 : i32
        %dma_start3A_178 = arith.constant 0 : i32
        %dma_start3A_179 = tpu.memref_slice %arg8[%dma_start3A_177, %dma_start3A_178] : memref<10240x128xf32, #tpu.memory_space<vmem_shared>> -> memref<10240x128xf32, #tpu.memory_space<vmem_shared>>
        tpu.enqueue_indirect_dma source(%arg12 : memref<128x128xf32, #tpu.memory_space<vmem>>) target(%dma_start3A_179 : memref<10240x128xf32, #tpu.memory_space<vmem_shared>>) offsets(%dma_start3A_176 : memref<128xi32, #tpu.memory_space<vmem>>) semaphore(%run_scoped3A_173 : memref<!tpu.dma_semaphore, #tpu.memory_space<semaphore_mem>>) {add = true}
        %dma_wait3A_180 = arith.constant 0 : i32
        %dma_wait3A_181 = tpu.memref_slice %arg10[%run_scoped3A_172, %dma_wait3A_180] : memref<8x128xi32, #tpu.memory_space<vmem>> -> memref<1x128xi32, #tpu.memory_space<vmem>>
        %dma_wait3A_182 = tpu.memref_squeeze %dma_wait3A_181 : memref<1x128xi32, #tpu.memory_space<vmem>> -> memref<128xi32, #tpu.memory_space<vmem>>
        %dma_wait3A_183 = arith.constant 0 : i32
        %dma_wait3A_184 = arith.constant 0 : i32
        %dma_wait3A_185 = tpu.memref_slice %arg8[%dma_wait3A_183, %dma_wait3A_184] : memref<10240x128xf32, #tpu.memory_space<vmem_shared>> -> memref<10240x128xf32, #tpu.memory_space<vmem_shared>>
        tpu.wait_indirect_dma semaphore(%run_scoped3A_173 : memref<!tpu.dma_semaphore, #tpu.memory_space<semaphore_mem>>) src(%arg12 : memref<128x128xf32, #tpu.memory_space<vmem>>) dst(%dma_wait3A_185 : memref<10240x128xf32, #tpu.memory_space<vmem_shared>>)
        tpu.yield
      }) : () -> ()
    }
    %while3A_42 = arith.constant 1 : i32
    scf.for %while3A_52 = %while3A_40 to %while3A_36 step %while3A_42  : i32 {
      %mul3A_53 = arith.constant 8 : i32
      %mul3A_54 = arith.muli %while3A_52, %mul3A_53 : i32
      %add3A_55 = arith.addi %select_n3A, %mul3A_54 : i32
      "tpu.region"() ({
        %run_scoped3A_173 = tpu.sem_alloc : memref<!tpu.dma_semaphore, #tpu.memory_space<semaphore_mem>>
        %dma_start3A_174 = arith.constant 0 : i32
        %dma_start3A_175 = tpu.memref_slice %arg4[%add3A_55, %dma_start3A_174] : memref<2560x128xi32, #tpu.memory_space<hbm>> -> memref<8x128xi32, #tpu.memory_space<hbm>>
        %dma_start3A_176 = arith.constant 0 : i32
        %dma_start3A_177 = tpu.memref_slice %arg4[%add3A_55, %dma_start3A_176] : memref<2560x128xi32, #tpu.memory_space<hbm>> -> memref<8x128xi32, #tpu.memory_space<hbm>>
        tpu.enqueue_dma source(%dma_start3A_177 : memref<8x128xi32, #tpu.memory_space<hbm>>) target(%arg9 : memref<8x128xi32, #tpu.memory_space<vmem>>) target_semaphore(%run_scoped3A_173 : memref<!tpu.dma_semaphore, #tpu.memory_space<semaphore_mem>>)
        %dma_wait3A_178 = arith.constant 0 : i32
        %dma_wait3A_179 = tpu.memref_slice %arg4[%add3A_55, %dma_wait3A_178] : memref<2560x128xi32, #tpu.memory_space<hbm>> -> memref<8x128xi32, #tpu.memory_space<hbm>>
        %dma_wait3A_180 = arith.constant 0 : i32
        %dma_wait3A_181 = tpu.memref_slice %arg4[%add3A_55, %dma_wait3A_180] : memref<2560x128xi32, #tpu.memory_space<hbm>> -> memref<8x128xi32, #tpu.memory_space<hbm>>
        tpu.wait_dma2 semaphore(%run_scoped3A_173 : memref<!tpu.dma_semaphore, #tpu.memory_space<semaphore_mem>>) src(%dma_wait3A_181 : memref<8x128xi32, #tpu.memory_space<hbm>>) dst(%arg9 : memref<8x128xi32, #tpu.memory_space<vmem>>)
        tpu.yield
      }) : () -> ()
      "tpu.region"() ({
        %run_scoped3A_173 = tpu.sem_alloc : memref<!tpu.dma_semaphore, #tpu.memory_space<semaphore_mem>>
        %dma_start3A_174 = arith.constant 0 : i32
        %dma_start3A_175 = tpu.memref_slice %arg5[%add3A_55, %dma_start3A_174] : memref<2560x128xi32, #tpu.memory_space<hbm>> -> memref<8x128xi32, #tpu.memory_space<hbm>>
        %dma_start3A_176 = arith.constant 0 : i32
        %dma_start3A_177 = tpu.memref_slice %arg5[%add3A_55, %dma_start3A_176] : memref<2560x128xi32, #tpu.memory_space<hbm>> -> memref<8x128xi32, #tpu.memory_space<hbm>>
        tpu.enqueue_dma source(%dma_start3A_177 : memref<8x128xi32, #tpu.memory_space<hbm>>) target(%arg10 : memref<8x128xi32, #tpu.memory_space<vmem>>) target_semaphore(%run_scoped3A_173 : memref<!tpu.dma_semaphore, #tpu.memory_space<semaphore_mem>>)
        %dma_wait3A_178 = arith.constant 0 : i32
        %dma_wait3A_179 = tpu.memref_slice %arg5[%add3A_55, %dma_wait3A_178] : memref<2560x128xi32, #tpu.memory_space<hbm>> -> memref<8x128xi32, #tpu.memory_space<hbm>>
        %dma_wait3A_180 = arith.constant 0 : i32
        %dma_wait3A_181 = tpu.memref_slice %arg5[%add3A_55, %dma_wait3A_180] : memref<2560x128xi32, #tpu.memory_space<hbm>> -> memref<8x128xi32, #tpu.memory_space<hbm>>
        tpu.wait_dma2 semaphore(%run_scoped3A_173 : memref<!tpu.dma_semaphore, #tpu.memory_space<semaphore_mem>>) src(%dma_wait3A_181 : memref<8x128xi32, #tpu.memory_space<hbm>>) dst(%arg10 : memref<8x128xi32, #tpu.memory_space<vmem>>)
        tpu.yield
      }) : () -> ()
      %dma_start3A = arith.constant 0 : i32
      %dma_start3A_56 = arith.constant 0 : i32
      %dma_start3A_57 = tpu.memref_slice %arg9[%dma_start3A, %dma_start3A_56] : memref<8x128xi32, #tpu.memory_space<vmem>> -> memref<1x128xi32, #tpu.memory_space<vmem>>
      %dma_start3A_58 = tpu.memref_squeeze %dma_start3A_57 : memref<1x128xi32, #tpu.memory_space<vmem>> -> memref<128xi32, #tpu.memory_space<vmem>>
      %dma_start3A_59 = arith.constant 0 : i32
      %dma_start3A_60 = arith.constant 0 : i32
      %dma_start3A_61 = tpu.memref_slice %arg2[%dma_start3A_59, %dma_start3A_60] : memref<10000x128xf32, #tpu.memory_space<hbm>> -> memref<10000x128xf32, #tpu.memory_space<hbm>>
      tpu.enqueue_indirect_dma source(%dma_start3A_61 : memref<10000x128xf32, #tpu.memory_space<hbm>>) target(%arg11 : memref<128x128xf32, #tpu.memory_space<vmem>>) offsets(%dma_start3A_58 : memref<128xi32, #tpu.memory_space<vmem>>) semaphore(%arg13 : memref<!tpu.dma_semaphore, #tpu.memory_space<semaphore_mem>>)
      %dma_start3A_62 = arith.constant 1 : i32
      %dma_start3A_63 = arith.constant 0 : i32
      %dma_start3A_64 = tpu.memref_slice %arg9[%dma_start3A_62, %dma_start3A_63] : memref<8x128xi32, #tpu.memory_space<vmem>> -> memref<1x128xi32, #tpu.memory_space<vmem>>
      %dma_start3A_65 = tpu.memref_squeeze %dma_start3A_64 : memref<1x128xi32, #tpu.memory_space<vmem>> -> memref<128xi32, #tpu.memory_space<vmem>>
      %dma_start3A_66 = arith.constant 0 : i32
      %dma_start3A_67 = arith.constant 0 : i32
      %dma_start3A_68 = tpu.memref_slice %arg2[%dma_start3A_66, %dma_start3A_67] : memref<10000x128xf32, #tpu.memory_space<hbm>> -> memref<10000x128xf32, #tpu.memory_space<hbm>>
      tpu.enqueue_indirect_dma source(%dma_start3A_68 : memref<10000x128xf32, #tpu.memory_space<hbm>>) target(%arg12 : memref<128x128xf32, #tpu.memory_space<vmem>>) offsets(%dma_start3A_65 : memref<128xi32, #tpu.memory_space<vmem>>) semaphore(%arg14 : memref<!tpu.dma_semaphore, #tpu.memory_space<semaphore_mem>>)
      %dma_wait3A = arith.constant 0 : i32
      %dma_wait3A_69 = arith.constant 0 : i32
      %dma_wait3A_70 = tpu.memref_slice %arg9[%dma_wait3A, %dma_wait3A_69] : memref<8x128xi32, #tpu.memory_space<vmem>> -> memref<1x128xi32, #tpu.memory_space<vmem>>
      %dma_wait3A_71 = tpu.memref_squeeze %dma_wait3A_70 : memref<1x128xi32, #tpu.memory_space<vmem>> -> memref<128xi32, #tpu.memory_space<vmem>>
      %dma_wait3A_72 = arith.constant 0 : i32
      %dma_wait3A_73 = arith.constant 0 : i32
      %dma_wait3A_74 = tpu.memref_slice %arg2[%dma_wait3A_72, %dma_wait3A_73] : memref<10000x128xf32, #tpu.memory_space<hbm>> -> memref<10000x128xf32, #tpu.memory_space<hbm>>
      tpu.wait_indirect_dma semaphore(%arg13 : memref<!tpu.dma_semaphore, #tpu.memory_space<semaphore_mem>>) src(%dma_wait3A_74 : memref<10000x128xf32, #tpu.memory_space<hbm>>) dst(%arg11 : memref<128x128xf32, #tpu.memory_space<vmem>>)
      %run_scoped3A = arith.constant 0 : i32
      "tpu.region"() ({
        %run_scoped3A_173 = tpu.sem_alloc : memref<!tpu.dma_semaphore, #tpu.memory_space<semaphore_mem>>
        %dma_start3A_174 = arith.constant 0 : i32
        %dma_start3A_175 = tpu.memref_slice %arg10[%run_scoped3A, %dma_start3A_174] : memref<8x128xi32, #tpu.memory_space<vmem>> -> memref<1x128xi32, #tpu.memory_space<vmem>>
        %dma_start3A_176 = tpu.memref_squeeze %dma_start3A_175 : memref<1x128xi32, #tpu.memory_space<vmem>> -> memref<128xi32, #tpu.memory_space<vmem>>
        %dma_start3A_177 = arith.constant 0 : i32
        %dma_start3A_178 = arith.constant 0 : i32
        %dma_start3A_179 = tpu.memref_slice %arg8[%dma_start3A_177, %dma_start3A_178] : memref<10240x128xf32, #tpu.memory_space<vmem_shared>> -> memref<10240x128xf32, #tpu.memory_space<vmem_shared>>
        tpu.enqueue_indirect_dma source(%arg11 : memref<128x128xf32, #tpu.memory_space<vmem>>) target(%dma_start3A_179 : memref<10240x128xf32, #tpu.memory_space<vmem_shared>>) offsets(%dma_start3A_176 : memref<128xi32, #tpu.memory_space<vmem>>) semaphore(%run_scoped3A_173 : memref<!tpu.dma_semaphore, #tpu.memory_space<semaphore_mem>>) {add = true}
        %dma_wait3A_180 = arith.constant 0 : i32
        %dma_wait3A_181 = tpu.memref_slice %arg10[%run_scoped3A, %dma_wait3A_180] : memref<8x128xi32, #tpu.memory_space<vmem>> -> memref<1x128xi32, #tpu.memory_space<vmem>>
        %dma_wait3A_182 = tpu.memref_squeeze %dma_wait3A_181 : memref<1x128xi32, #tpu.memory_space<vmem>> -> memref<128xi32, #tpu.memory_space<vmem>>
        %dma_wait3A_183 = arith.constant 0 : i32
        %dma_wait3A_184 = arith.constant 0 : i32
        %dma_wait3A_185 = tpu.memref_slice %arg8[%dma_wait3A_183, %dma_wait3A_184] : memref<10240x128xf32, #tpu.memory_space<vmem_shared>> -> memref<10240x128xf32, #tpu.memory_space<vmem_shared>>
        tpu.wait_indirect_dma semaphore(%run_scoped3A_173 : memref<!tpu.dma_semaphore, #tpu.memory_space<semaphore_mem>>) src(%arg11 : memref<128x128xf32, #tpu.memory_space<vmem>>) dst(%dma_wait3A_185 : memref<10240x128xf32, #tpu.memory_space<vmem_shared>>)
        tpu.yield
      }) : () -> ()
      %dma_start3A_75 = arith.constant 2 : i32
      %dma_start3A_76 = arith.constant 0 : i32
      %dma_start3A_77 = tpu.memref_slice %arg9[%dma_start3A_75, %dma_start3A_76] : memref<8x128xi32, #tpu.memory_space<vmem>> -> memref<1x128xi32, #tpu.memory_space<vmem>>
      %dma_start3A_78 = tpu.memref_squeeze %dma_start3A_77 : memref<1x128xi32, #tpu.memory_space<vmem>> -> memref<128xi32, #tpu.memory_space<vmem>>
      %dma_start3A_79 = arith.constant 0 : i32
      %dma_start3A_80 = arith.constant 0 : i32
      %dma_start3A_81 = tpu.memref_slice %arg2[%dma_start3A_79, %dma_start3A_80] : memref<10000x128xf32, #tpu.memory_space<hbm>> -> memref<10000x128xf32, #tpu.memory_space<hbm>>
      tpu.enqueue_indirect_dma source(%dma_start3A_81 : memref<10000x128xf32, #tpu.memory_space<hbm>>) target(%arg11 : memref<128x128xf32, #tpu.memory_space<vmem>>) offsets(%dma_start3A_78 : memref<128xi32, #tpu.memory_space<vmem>>) semaphore(%arg13 : memref<!tpu.dma_semaphore, #tpu.memory_space<semaphore_mem>>)
      %dma_wait3A_82 = arith.constant 1 : i32
      %dma_wait3A_83 = arith.constant 0 : i32
      %dma_wait3A_84 = tpu.memref_slice %arg9[%dma_wait3A_82, %dma_wait3A_83] : memref<8x128xi32, #tpu.memory_space<vmem>> -> memref<1x128xi32, #tpu.memory_space<vmem>>
      %dma_wait3A_85 = tpu.memref_squeeze %dma_wait3A_84 : memref<1x128xi32, #tpu.memory_space<vmem>> -> memref<128xi32, #tpu.memory_space<vmem>>
      %dma_wait3A_86 = arith.constant 0 : i32
      %dma_wait3A_87 = arith.constant 0 : i32
      %dma_wait3A_88 = tpu.memref_slice %arg2[%dma_wait3A_86, %dma_wait3A_87] : memref<10000x128xf32, #tpu.memory_space<hbm>> -> memref<10000x128xf32, #tpu.memory_space<hbm>>
      tpu.wait_indirect_dma semaphore(%arg14 : memref<!tpu.dma_semaphore, #tpu.memory_space<semaphore_mem>>) src(%dma_wait3A_88 : memref<10000x128xf32, #tpu.memory_space<hbm>>) dst(%arg12 : memref<128x128xf32, #tpu.memory_space<vmem>>)
      %run_scoped3A_89 = arith.constant 1 : i32
      "tpu.region"() ({
        %run_scoped3A_173 = tpu.sem_alloc : memref<!tpu.dma_semaphore, #tpu.memory_space<semaphore_mem>>
        %dma_start3A_174 = arith.constant 0 : i32
        %dma_start3A_175 = tpu.memref_slice %arg10[%run_scoped3A_89, %dma_start3A_174] : memref<8x128xi32, #tpu.memory_space<vmem>> -> memref<1x128xi32, #tpu.memory_space<vmem>>
        %dma_start3A_176 = tpu.memref_squeeze %dma_start3A_175 : memref<1x128xi32, #tpu.memory_space<vmem>> -> memref<128xi32, #tpu.memory_space<vmem>>
        %dma_start3A_177 = arith.constant 0 : i32
        %dma_start3A_178 = arith.constant 0 : i32
        %dma_start3A_179 = tpu.memref_slice %arg8[%dma_start3A_177, %dma_start3A_178] : memref<10240x128xf32, #tpu.memory_space<vmem_shared>> -> memref<10240x128xf32, #tpu.memory_space<vmem_shared>>
        tpu.enqueue_indirect_dma source(%arg12 : memref<128x128xf32, #tpu.memory_space<vmem>>) target(%dma_start3A_179 : memref<10240x128xf32, #tpu.memory_space<vmem_shared>>) offsets(%dma_start3A_176 : memref<128xi32, #tpu.memory_space<vmem>>) semaphore(%run_scoped3A_173 : memref<!tpu.dma_semaphore, #tpu.memory_space<semaphore_mem>>) {add = true}
        %dma_wait3A_180 = arith.constant 0 : i32
        %dma_wait3A_181 = tpu.memref_slice %arg10[%run_scoped3A_89, %dma_wait3A_180] : memref<8x128xi32, #tpu.memory_space<vmem>> -> memref<1x128xi32, #tpu.memory_space<vmem>>
        %dma_wait3A_182 = tpu.memref_squeeze %dma_wait3A_181 : memref<1x128xi32, #tpu.memory_space<vmem>> -> memref<128xi32, #tpu.memory_space<vmem>>
        %dma_wait3A_183 = arith.constant 0 : i32
        %dma_wait3A_184 = arith.constant 0 : i32
        %dma_wait3A_185 = tpu.memref_slice %arg8[%dma_wait3A_183, %dma_wait3A_184] : memref<10240x128xf32, #tpu.memory_space<vmem_shared>> -> memref<10240x128xf32, #tpu.memory_space<vmem_shared>>
        tpu.wait_indirect_dma semaphore(%run_scoped3A_173 : memref<!tpu.dma_semaphore, #tpu.memory_space<semaphore_mem>>) src(%arg12 : memref<128x128xf32, #tpu.memory_space<vmem>>) dst(%dma_wait3A_185 : memref<10240x128xf32, #tpu.memory_space<vmem_shared>>)
        tpu.yield
      }) : () -> ()
      %dma_start3A_90 = arith.constant 3 : i32
      %dma_start3A_91 = arith.constant 0 : i32
      %dma_start3A_92 = tpu.memref_slice %arg9[%dma_start3A_90, %dma_start3A_91] : memref<8x128xi32, #tpu.memory_space<vmem>> -> memref<1x128xi32, #tpu.memory_space<vmem>>
      %dma_start3A_93 = tpu.memref_squeeze %dma_start3A_92 : memref<1x128xi32, #tpu.memory_space<vmem>> -> memref<128xi32, #tpu.memory_space<vmem>>
      %dma_start3A_94 = arith.constant 0 : i32
      %dma_start3A_95 = arith.constant 0 : i32
      %dma_start3A_96 = tpu.memref_slice %arg2[%dma_start3A_94, %dma_start3A_95] : memref<10000x128xf32, #tpu.memory_space<hbm>> -> memref<10000x128xf32, #tpu.memory_space<hbm>>
      tpu.enqueue_indirect_dma source(%dma_start3A_96 : memref<10000x128xf32, #tpu.memory_space<hbm>>) target(%arg12 : memref<128x128xf32, #tpu.memory_space<vmem>>) offsets(%dma_start3A_93 : memref<128xi32, #tpu.memory_space<vmem>>) semaphore(%arg14 : memref<!tpu.dma_semaphore, #tpu.memory_space<semaphore_mem>>)
      %dma_wait3A_97 = arith.constant 2 : i32
      %dma_wait3A_98 = arith.constant 0 : i32
      %dma_wait3A_99 = tpu.memref_slice %arg9[%dma_wait3A_97, %dma_wait3A_98] : memref<8x128xi32, #tpu.memory_space<vmem>> -> memref<1x128xi32, #tpu.memory_space<vmem>>
      %dma_wait3A_100 = tpu.memref_squeeze %dma_wait3A_99 : memref<1x128xi32, #tpu.memory_space<vmem>> -> memref<128xi32, #tpu.memory_space<vmem>>
      %dma_wait3A_101 = arith.constant 0 : i32
      %dma_wait3A_102 = arith.constant 0 : i32
      %dma_wait3A_103 = tpu.memref_slice %arg2[%dma_wait3A_101, %dma_wait3A_102] : memref<10000x128xf32, #tpu.memory_space<hbm>> -> memref<10000x128xf32, #tpu.memory_space<hbm>>
      tpu.wait_indirect_dma semaphore(%arg13 : memref<!tpu.dma_semaphore, #tpu.memory_space<semaphore_mem>>) src(%dma_wait3A_103 : memref<10000x128xf32, #tpu.memory_space<hbm>>) dst(%arg11 : memref<128x128xf32, #tpu.memory_space<vmem>>)
      %run_scoped3A_104 = arith.constant 2 : i32
      "tpu.region"() ({
        %run_scoped3A_173 = tpu.sem_alloc : memref<!tpu.dma_semaphore, #tpu.memory_space<semaphore_mem>>
        %dma_start3A_174 = arith.constant 0 : i32
        %dma_start3A_175 = tpu.memref_slice %arg10[%run_scoped3A_104, %dma_start3A_174] : memref<8x128xi32, #tpu.memory_space<vmem>> -> memref<1x128xi32, #tpu.memory_space<vmem>>
        %dma_start3A_176 = tpu.memref_squeeze %dma_start3A_175 : memref<1x128xi32, #tpu.memory_space<vmem>> -> memref<128xi32, #tpu.memory_space<vmem>>
        %dma_start3A_177 = arith.constant 0 : i32
        %dma_start3A_178 = arith.constant 0 : i32
        %dma_start3A_179 = tpu.memref_slice %arg8[%dma_start3A_177, %dma_start3A_178] : memref<10240x128xf32, #tpu.memory_space<vmem_shared>> -> memref<10240x128xf32, #tpu.memory_space<vmem_shared>>
        tpu.enqueue_indirect_dma source(%arg11 : memref<128x128xf32, #tpu.memory_space<vmem>>) target(%dma_start3A_179 : memref<10240x128xf32, #tpu.memory_space<vmem_shared>>) offsets(%dma_start3A_176 : memref<128xi32, #tpu.memory_space<vmem>>) semaphore(%run_scoped3A_173 : memref<!tpu.dma_semaphore, #tpu.memory_space<semaphore_mem>>) {add = true}
        %dma_wait3A_180 = arith.constant 0 : i32
        %dma_wait3A_181 = tpu.memref_slice %arg10[%run_scoped3A_104, %dma_wait3A_180] : memref<8x128xi32, #tpu.memory_space<vmem>> -> memref<1x128xi32, #tpu.memory_space<vmem>>
        %dma_wait3A_182 = tpu.memref_squeeze %dma_wait3A_181 : memref<1x128xi32, #tpu.memory_space<vmem>> -> memref<128xi32, #tpu.memory_space<vmem>>
        %dma_wait3A_183 = arith.constant 0 : i32
        %dma_wait3A_184 = arith.constant 0 : i32
        %dma_wait3A_185 = tpu.memref_slice %arg8[%dma_wait3A_183, %dma_wait3A_184] : memref<10240x128xf32, #tpu.memory_space<vmem_shared>> -> memref<10240x128xf32, #tpu.memory_space<vmem_shared>>
        tpu.wait_indirect_dma semaphore(%run_scoped3A_173 : memref<!tpu.dma_semaphore, #tpu.memory_space<semaphore_mem>>) src(%arg11 : memref<128x128xf32, #tpu.memory_space<vmem>>) dst(%dma_wait3A_185 : memref<10240x128xf32, #tpu.memory_space<vmem_shared>>)
        tpu.yield
      }) : () -> ()
      %dma_start3A_105 = arith.constant 4 : i32
      %dma_start3A_106 = arith.constant 0 : i32
      %dma_start3A_107 = tpu.memref_slice %arg9[%dma_start3A_105, %dma_start3A_106] : memref<8x128xi32, #tpu.memory_space<vmem>> -> memref<1x128xi32, #tpu.memory_space<vmem>>
      %dma_start3A_108 = tpu.memref_squeeze %dma_start3A_107 : memref<1x128xi32, #tpu.memory_space<vmem>> -> memref<128xi32, #tpu.memory_space<vmem>>
      %dma_start3A_109 = arith.constant 0 : i32
      %dma_start3A_110 = arith.constant 0 : i32
      %dma_start3A_111 = tpu.memref_slice %arg2[%dma_start3A_109, %dma_start3A_110] : memref<10000x128xf32, #tpu.memory_space<hbm>> -> memref<10000x128xf32, #tpu.memory_space<hbm>>
      tpu.enqueue_indirect_dma source(%dma_start3A_111 : memref<10000x128xf32, #tpu.memory_space<hbm>>) target(%arg11 : memref<128x128xf32, #tpu.memory_space<vmem>>) offsets(%dma_start3A_108 : memref<128xi32, #tpu.memory_space<vmem>>) semaphore(%arg13 : memref<!tpu.dma_semaphore, #tpu.memory_space<semaphore_mem>>)
      %dma_wait3A_112 = arith.constant 3 : i32
      %dma_wait3A_113 = arith.constant 0 : i32
      %dma_wait3A_114 = tpu.memref_slice %arg9[%dma_wait3A_112, %dma_wait3A_113] : memref<8x128xi32, #tpu.memory_space<vmem>> -> memref<1x128xi32, #tpu.memory_space<vmem>>
      %dma_wait3A_115 = tpu.memref_squeeze %dma_wait3A_114 : memref<1x128xi32, #tpu.memory_space<vmem>> -> memref<128xi32, #tpu.memory_space<vmem>>
      %dma_wait3A_116 = arith.constant 0 : i32
      %dma_wait3A_117 = arith.constant 0 : i32
      %dma_wait3A_118 = tpu.memref_slice %arg2[%dma_wait3A_116, %dma_wait3A_117] : memref<10000x128xf32, #tpu.memory_space<hbm>> -> memref<10000x128xf32, #tpu.memory_space<hbm>>
      tpu.wait_indirect_dma semaphore(%arg14 : memref<!tpu.dma_semaphore, #tpu.memory_space<semaphore_mem>>) src(%dma_wait3A_118 : memref<10000x128xf32, #tpu.memory_space<hbm>>) dst(%arg12 : memref<128x128xf32, #tpu.memory_space<vmem>>)
      %run_scoped3A_119 = arith.constant 3 : i32
      "tpu.region"() ({
        %run_scoped3A_173 = tpu.sem_alloc : memref<!tpu.dma_semaphore, #tpu.memory_space<semaphore_mem>>
        %dma_start3A_174 = arith.constant 0 : i32
        %dma_start3A_175 = tpu.memref_slice %arg10[%run_scoped3A_119, %dma_start3A_174] : memref<8x128xi32, #tpu.memory_space<vmem>> -> memref<1x128xi32, #tpu.memory_space<vmem>>
        %dma_start3A_176 = tpu.memref_squeeze %dma_start3A_175 : memref<1x128xi32, #tpu.memory_space<vmem>> -> memref<128xi32, #tpu.memory_space<vmem>>
        %dma_start3A_177 = arith.constant 0 : i32
        %dma_start3A_178 = arith.constant 0 : i32
        %dma_start3A_179 = tpu.memref_slice %arg8[%dma_start3A_177, %dma_start3A_178] : memref<10240x128xf32, #tpu.memory_space<vmem_shared>> -> memref<10240x128xf32, #tpu.memory_space<vmem_shared>>
        tpu.enqueue_indirect_dma source(%arg12 : memref<128x128xf32, #tpu.memory_space<vmem>>) target(%dma_start3A_179 : memref<10240x128xf32, #tpu.memory_space<vmem_shared>>) offsets(%dma_start3A_176 : memref<128xi32, #tpu.memory_space<vmem>>) semaphore(%run_scoped3A_173 : memref<!tpu.dma_semaphore, #tpu.memory_space<semaphore_mem>>) {add = true}
        %dma_wait3A_180 = arith.constant 0 : i32
        %dma_wait3A_181 = tpu.memref_slice %arg10[%run_scoped3A_119, %dma_wait3A_180] : memref<8x128xi32, #tpu.memory_space<vmem>> -> memref<1x128xi32, #tpu.memory_space<vmem>>
        %dma_wait3A_182 = tpu.memref_squeeze %dma_wait3A_181 : memref<1x128xi32, #tpu.memory_space<vmem>> -> memref<128xi32, #tpu.memory_space<vmem>>
        %dma_wait3A_183 = arith.constant 0 : i32
        %dma_wait3A_184 = arith.constant 0 : i32
        %dma_wait3A_185 = tpu.memref_slice %arg8[%dma_wait3A_183, %dma_wait3A_184] : memref<10240x128xf32, #tpu.memory_space<vmem_shared>> -> memref<10240x128xf32, #tpu.memory_space<vmem_shared>>
        tpu.wait_indirect_dma semaphore(%run_scoped3A_173 : memref<!tpu.dma_semaphore, #tpu.memory_space<semaphore_mem>>) src(%arg12 : memref<128x128xf32, #tpu.memory_space<vmem>>) dst(%dma_wait3A_185 : memref<10240x128xf32, #tpu.memory_space<vmem_shared>>)
        tpu.yield
      }) : () -> ()
      %dma_start3A_120 = arith.constant 5 : i32
      %dma_start3A_121 = arith.constant 0 : i32
      %dma_start3A_122 = tpu.memref_slice %arg9[%dma_start3A_120, %dma_start3A_121] : memref<8x128xi32, #tpu.memory_space<vmem>> -> memref<1x128xi32, #tpu.memory_space<vmem>>
      %dma_start3A_123 = tpu.memref_squeeze %dma_start3A_122 : memref<1x128xi32, #tpu.memory_space<vmem>> -> memref<128xi32, #tpu.memory_space<vmem>>
      %dma_start3A_124 = arith.constant 0 : i32
      %dma_start3A_125 = arith.constant 0 : i32
      %dma_start3A_126 = tpu.memref_slice %arg2[%dma_start3A_124, %dma_start3A_125] : memref<10000x128xf32, #tpu.memory_space<hbm>> -> memref<10000x128xf32, #tpu.memory_space<hbm>>
      tpu.enqueue_indirect_dma source(%dma_start3A_126 : memref<10000x128xf32, #tpu.memory_space<hbm>>) target(%arg12 : memref<128x128xf32, #tpu.memory_space<vmem>>) offsets(%dma_start3A_123 : memref<128xi32, #tpu.memory_space<vmem>>) semaphore(%arg14 : memref<!tpu.dma_semaphore, #tpu.memory_space<semaphore_mem>>)
      %dma_wait3A_127 = arith.constant 4 : i32
      %dma_wait3A_128 = arith.constant 0 : i32
      %dma_wait3A_129 = tpu.memref_slice %arg9[%dma_wait3A_127, %dma_wait3A_128] : memref<8x128xi32, #tpu.memory_space<vmem>> -> memref<1x128xi32, #tpu.memory_space<vmem>>
      %dma_wait3A_130 = tpu.memref_squeeze %dma_wait3A_129 : memref<1x128xi32, #tpu.memory_space<vmem>> -> memref<128xi32, #tpu.memory_space<vmem>>
      %dma_wait3A_131 = arith.constant 0 : i32
      %dma_wait3A_132 = arith.constant 0 : i32
      %dma_wait3A_133 = tpu.memref_slice %arg2[%dma_wait3A_131, %dma_wait3A_132] : memref<10000x128xf32, #tpu.memory_space<hbm>> -> memref<10000x128xf32, #tpu.memory_space<hbm>>
      tpu.wait_indirect_dma semaphore(%arg13 : memref<!tpu.dma_semaphore, #tpu.memory_space<semaphore_mem>>) src(%dma_wait3A_133 : memref<10000x128xf32, #tpu.memory_space<hbm>>) dst(%arg11 : memref<128x128xf32, #tpu.memory_space<vmem>>)
      %run_scoped3A_134 = arith.constant 4 : i32
      "tpu.region"() ({
        %run_scoped3A_173 = tpu.sem_alloc : memref<!tpu.dma_semaphore, #tpu.memory_space<semaphore_mem>>
        %dma_start3A_174 = arith.constant 0 : i32
        %dma_start3A_175 = tpu.memref_slice %arg10[%run_scoped3A_134, %dma_start3A_174] : memref<8x128xi32, #tpu.memory_space<vmem>> -> memref<1x128xi32, #tpu.memory_space<vmem>>
        %dma_start3A_176 = tpu.memref_squeeze %dma_start3A_175 : memref<1x128xi32, #tpu.memory_space<vmem>> -> memref<128xi32, #tpu.memory_space<vmem>>
        %dma_start3A_177 = arith.constant 0 : i32
        %dma_start3A_178 = arith.constant 0 : i32
        %dma_start3A_179 = tpu.memref_slice %arg8[%dma_start3A_177, %dma_start3A_178] : memref<10240x128xf32, #tpu.memory_space<vmem_shared>> -> memref<10240x128xf32, #tpu.memory_space<vmem_shared>>
        tpu.enqueue_indirect_dma source(%arg11 : memref<128x128xf32, #tpu.memory_space<vmem>>) target(%dma_start3A_179 : memref<10240x128xf32, #tpu.memory_space<vmem_shared>>) offsets(%dma_start3A_176 : memref<128xi32, #tpu.memory_space<vmem>>) semaphore(%run_scoped3A_173 : memref<!tpu.dma_semaphore, #tpu.memory_space<semaphore_mem>>) {add = true}
        %dma_wait3A_180 = arith.constant 0 : i32
        %dma_wait3A_181 = tpu.memref_slice %arg10[%run_scoped3A_134, %dma_wait3A_180] : memref<8x128xi32, #tpu.memory_space<vmem>> -> memref<1x128xi32, #tpu.memory_space<vmem>>
        %dma_wait3A_182 = tpu.memref_squeeze %dma_wait3A_181 : memref<1x128xi32, #tpu.memory_space<vmem>> -> memref<128xi32, #tpu.memory_space<vmem>>
        %dma_wait3A_183 = arith.constant 0 : i32
        %dma_wait3A_184 = arith.constant 0 : i32
        %dma_wait3A_185 = tpu.memref_slice %arg8[%dma_wait3A_183, %dma_wait3A_184] : memref<10240x128xf32, #tpu.memory_space<vmem_shared>> -> memref<10240x128xf32, #tpu.memory_space<vmem_shared>>
        tpu.wait_indirect_dma semaphore(%run_scoped3A_173 : memref<!tpu.dma_semaphore, #tpu.memory_space<semaphore_mem>>) src(%arg11 : memref<128x128xf32, #tpu.memory_space<vmem>>) dst(%dma_wait3A_185 : memref<10240x128xf32, #tpu.memory_space<vmem_shared>>)
        tpu.yield
      }) : () -> ()
      %dma_start3A_135 = arith.constant 6 : i32
      %dma_start3A_136 = arith.constant 0 : i32
      %dma_start3A_137 = tpu.memref_slice %arg9[%dma_start3A_135, %dma_start3A_136] : memref<8x128xi32, #tpu.memory_space<vmem>> -> memref<1x128xi32, #tpu.memory_space<vmem>>
      %dma_start3A_138 = tpu.memref_squeeze %dma_start3A_137 : memref<1x128xi32, #tpu.memory_space<vmem>> -> memref<128xi32, #tpu.memory_space<vmem>>
      %dma_start3A_139 = arith.constant 0 : i32
      %dma_start3A_140 = arith.constant 0 : i32
      %dma_start3A_141 = tpu.memref_slice %arg2[%dma_start3A_139, %dma_start3A_140] : memref<10000x128xf32, #tpu.memory_space<hbm>> -> memref<10000x128xf32, #tpu.memory_space<hbm>>
      tpu.enqueue_indirect_dma source(%dma_start3A_141 : memref<10000x128xf32, #tpu.memory_space<hbm>>) target(%arg11 : memref<128x128xf32, #tpu.memory_space<vmem>>) offsets(%dma_start3A_138 : memref<128xi32, #tpu.memory_space<vmem>>) semaphore(%arg13 : memref<!tpu.dma_semaphore, #tpu.memory_space<semaphore_mem>>)
      %dma_wait3A_142 = arith.constant 5 : i32
      %dma_wait3A_143 = arith.constant 0 : i32
      %dma_wait3A_144 = tpu.memref_slice %arg9[%dma_wait3A_142, %dma_wait3A_143] : memref<8x128xi32, #tpu.memory_space<vmem>> -> memref<1x128xi32, #tpu.memory_space<vmem>>
      %dma_wait3A_145 = tpu.memref_squeeze %dma_wait3A_144 : memref<1x128xi32, #tpu.memory_space<vmem>> -> memref<128xi32, #tpu.memory_space<vmem>>
      %dma_wait3A_146 = arith.constant 0 : i32
      %dma_wait3A_147 = arith.constant 0 : i32
      %dma_wait3A_148 = tpu.memref_slice %arg2[%dma_wait3A_146, %dma_wait3A_147] : memref<10000x128xf32, #tpu.memory_space<hbm>> -> memref<10000x128xf32, #tpu.memory_space<hbm>>
      tpu.wait_indirect_dma semaphore(%arg14 : memref<!tpu.dma_semaphore, #tpu.memory_space<semaphore_mem>>) src(%dma_wait3A_148 : memref<10000x128xf32, #tpu.memory_space<hbm>>) dst(%arg12 : memref<128x128xf32, #tpu.memory_space<vmem>>)
      %run_scoped3A_149 = arith.constant 5 : i32
      "tpu.region"() ({
        %run_scoped3A_173 = tpu.sem_alloc : memref<!tpu.dma_semaphore, #tpu.memory_space<semaphore_mem>>
        %dma_start3A_174 = arith.constant 0 : i32
        %dma_start3A_175 = tpu.memref_slice %arg10[%run_scoped3A_149, %dma_start3A_174] : memref<8x128xi32, #tpu.memory_space<vmem>> -> memref<1x128xi32, #tpu.memory_space<vmem>>
        %dma_start3A_176 = tpu.memref_squeeze %dma_start3A_175 : memref<1x128xi32, #tpu.memory_space<vmem>> -> memref<128xi32, #tpu.memory_space<vmem>>
        %dma_start3A_177 = arith.constant 0 : i32
        %dma_start3A_178 = arith.constant 0 : i32
        %dma_start3A_179 = tpu.memref_slice %arg8[%dma_start3A_177, %dma_start3A_178] : memref<10240x128xf32, #tpu.memory_space<vmem_shared>> -> memref<10240x128xf32, #tpu.memory_space<vmem_shared>>
        tpu.enqueue_indirect_dma source(%arg12 : memref<128x128xf32, #tpu.memory_space<vmem>>) target(%dma_start3A_179 : memref<10240x128xf32, #tpu.memory_space<vmem_shared>>) offsets(%dma_start3A_176 : memref<128xi32, #tpu.memory_space<vmem>>) semaphore(%run_scoped3A_173 : memref<!tpu.dma_semaphore, #tpu.memory_space<semaphore_mem>>) {add = true}
        %dma_wait3A_180 = arith.constant 0 : i32
        %dma_wait3A_181 = tpu.memref_slice %arg10[%run_scoped3A_149, %dma_wait3A_180] : memref<8x128xi32, #tpu.memory_space<vmem>> -> memref<1x128xi32, #tpu.memory_space<vmem>>
        %dma_wait3A_182 = tpu.memref_squeeze %dma_wait3A_181 : memref<1x128xi32, #tpu.memory_space<vmem>> -> memref<128xi32, #tpu.memory_space<vmem>>
        %dma_wait3A_183 = arith.constant 0 : i32
        %dma_wait3A_184 = arith.constant 0 : i32
        %dma_wait3A_185 = tpu.memref_slice %arg8[%dma_wait3A_183, %dma_wait3A_184] : memref<10240x128xf32, #tpu.memory_space<vmem_shared>> -> memref<10240x128xf32, #tpu.memory_space<vmem_shared>>
        tpu.wait_indirect_dma semaphore(%run_scoped3A_173 : memref<!tpu.dma_semaphore, #tpu.memory_space<semaphore_mem>>) src(%arg12 : memref<128x128xf32, #tpu.memory_space<vmem>>) dst(%dma_wait3A_185 : memref<10240x128xf32, #tpu.memory_space<vmem_shared>>)
        tpu.yield
      }) : () -> ()
      %dma_start3A_150 = arith.constant 7 : i32
      %dma_start3A_151 = arith.constant 0 : i32
      %dma_start3A_152 = tpu.memref_slice %arg9[%dma_start3A_150, %dma_start3A_151] : memref<8x128xi32, #tpu.memory_space<vmem>> -> memref<1x128xi32, #tpu.memory_space<vmem>>
      %dma_start3A_153 = tpu.memref_squeeze %dma_start3A_152 : memref<1x128xi32, #tpu.memory_space<vmem>> -> memref<128xi32, #tpu.memory_space<vmem>>
      %dma_start3A_154 = arith.constant 0 : i32
      %dma_start3A_155 = arith.constant 0 : i32
      %dma_start3A_156 = tpu.memref_slice %arg2[%dma_start3A_154, %dma_start3A_155] : memref<10000x128xf32, #tpu.memory_space<hbm>> -> memref<10000x128xf32, #tpu.memory_space<hbm>>
      tpu.enqueue_indirect_dma source(%dma_start3A_156 : memref<10000x128xf32, #tpu.memory_space<hbm>>) target(%arg12 : memref<128x128xf32, #tpu.memory_space<vmem>>) offsets(%dma_start3A_153 : memref<128xi32, #tpu.memory_space<vmem>>) semaphore(%arg14 : memref<!tpu.dma_semaphore, #tpu.memory_space<semaphore_mem>>)
      %dma_wait3A_157 = arith.constant 6 : i32
      %dma_wait3A_158 = arith.constant 0 : i32
      %dma_wait3A_159 = tpu.memref_slice %arg9[%dma_wait3A_157, %dma_wait3A_158] : memref<8x128xi32, #tpu.memory_space<vmem>> -> memref<1x128xi32, #tpu.memory_space<vmem>>
      %dma_wait3A_160 = tpu.memref_squeeze %dma_wait3A_159 : memref<1x128xi32, #tpu.memory_space<vmem>> -> memref<128xi32, #tpu.memory_space<vmem>>
      %dma_wait3A_161 = arith.constant 0 : i32
      %dma_wait3A_162 = arith.constant 0 : i32
      %dma_wait3A_163 = tpu.memref_slice %arg2[%dma_wait3A_161, %dma_wait3A_162] : memref<10000x128xf32, #tpu.memory_space<hbm>> -> memref<10000x128xf32, #tpu.memory_space<hbm>>
      tpu.wait_indirect_dma semaphore(%arg13 : memref<!tpu.dma_semaphore, #tpu.memory_space<semaphore_mem>>) src(%dma_wait3A_163 : memref<10000x128xf32, #tpu.memory_space<hbm>>) dst(%arg11 : memref<128x128xf32, #tpu.memory_space<vmem>>)
      %run_scoped3A_164 = arith.constant 6 : i32
      "tpu.region"() ({
        %run_scoped3A_173 = tpu.sem_alloc : memref<!tpu.dma_semaphore, #tpu.memory_space<semaphore_mem>>
        %dma_start3A_174 = arith.constant 0 : i32
        %dma_start3A_175 = tpu.memref_slice %arg10[%run_scoped3A_164, %dma_start3A_174] : memref<8x128xi32, #tpu.memory_space<vmem>> -> memref<1x128xi32, #tpu.memory_space<vmem>>
        %dma_start3A_176 = tpu.memref_squeeze %dma_start3A_175 : memref<1x128xi32, #tpu.memory_space<vmem>> -> memref<128xi32, #tpu.memory_space<vmem>>
        %dma_start3A_177 = arith.constant 0 : i32
        %dma_start3A_178 = arith.constant 0 : i32
        %dma_start3A_179 = tpu.memref_slice %arg8[%dma_start3A_177, %dma_start3A_178] : memref<10240x128xf32, #tpu.memory_space<vmem_shared>> -> memref<10240x128xf32, #tpu.memory_space<vmem_shared>>
        tpu.enqueue_indirect_dma source(%arg11 : memref<128x128xf32, #tpu.memory_space<vmem>>) target(%dma_start3A_179 : memref<10240x128xf32, #tpu.memory_space<vmem_shared>>) offsets(%dma_start3A_176 : memref<128xi32, #tpu.memory_space<vmem>>) semaphore(%run_scoped3A_173 : memref<!tpu.dma_semaphore, #tpu.memory_space<semaphore_mem>>) {add = true}
        %dma_wait3A_180 = arith.constant 0 : i32
        %dma_wait3A_181 = tpu.memref_slice %arg10[%run_scoped3A_164, %dma_wait3A_180] : memref<8x128xi32, #tpu.memory_space<vmem>> -> memref<1x128xi32, #tpu.memory_space<vmem>>
        %dma_wait3A_182 = tpu.memref_squeeze %dma_wait3A_181 : memref<1x128xi32, #tpu.memory_space<vmem>> -> memref<128xi32, #tpu.memory_space<vmem>>
        %dma_wait3A_183 = arith.constant 0 : i32
        %dma_wait3A_184 = arith.constant 0 : i32
        %dma_wait3A_185 = tpu.memref_slice %arg8[%dma_wait3A_183, %dma_wait3A_184] : memref<10240x128xf32, #tpu.memory_space<vmem_shared>> -> memref<10240x128xf32, #tpu.memory_space<vmem_shared>>
        tpu.wait_indirect_dma semaphore(%run_scoped3A_173 : memref<!tpu.dma_semaphore, #tpu.memory_space<semaphore_mem>>) src(%arg11 : memref<128x128xf32, #tpu.memory_space<vmem>>) dst(%dma_wait3A_185 : memref<10240x128xf32, #tpu.memory_space<vmem_shared>>)
        tpu.yield
      }) : () -> ()
      %dma_wait3A_165 = arith.constant 7 : i32
      %dma_wait3A_166 = arith.constant 0 : i32
      %dma_wait3A_167 = tpu.memref_slice %arg9[%dma_wait3A_165, %dma_wait3A_166] : memref<8x128xi32, #tpu.memory_space<vmem>> -> memref<1x128xi32, #tpu.memory_space<vmem>>
      %dma_wait3A_168 = tpu.memref_squeeze %dma_wait3A_167 : memref<1x128xi32, #tpu.memory_space<vmem>> -> memref<128xi32, #tpu.memory_space<vmem>>
      %dma_wait3A_169 = arith.constant 0 : i32
      %dma_wait3A_170 = arith.constant 0 : i32
      %dma_wait3A_171 = tpu.memref_slice %arg2[%dma_wait3A_169, %dma_wait3A_170] : memref<10000x128xf32, #tpu.memory_space<hbm>> -> memref<10000x128xf32, #tpu.memory_space<hbm>>
      tpu.wait_indirect_dma semaphore(%arg14 : memref<!tpu.dma_semaphore, #tpu.memory_space<semaphore_mem>>) src(%dma_wait3A_171 : memref<10000x128xf32, #tpu.memory_space<hbm>>) dst(%arg12 : memref<128x128xf32, #tpu.memory_space<vmem>>)
      %run_scoped3A_172 = arith.constant 7 : i32
      "tpu.region"() ({
        %run_scoped3A_173 = tpu.sem_alloc : memref<!tpu.dma_semaphore, #tpu.memory_space<semaphore_mem>>
        %dma_start3A_174 = arith.constant 0 : i32
        %dma_start3A_175 = tpu.memref_slice %arg10[%run_scoped3A_172, %dma_start3A_174] : memref<8x128xi32, #tpu.memory_space<vmem>> -> memref<1x128xi32, #tpu.memory_space<vmem>>
        %dma_start3A_176 = tpu.memref_squeeze %dma_start3A_175 : memref<1x128xi32, #tpu.memory_space<vmem>> -> memref<128xi32, #tpu.memory_space<vmem>>
        %dma_start3A_177 = arith.constant 0 : i32
        %dma_start3A_178 = arith.constant 0 : i32
        %dma_start3A_179 = tpu.memref_slice %arg8[%dma_start3A_177, %dma_start3A_178] : memref<10240x128xf32, #tpu.memory_space<vmem_shared>> -> memref<10240x128xf32, #tpu.memory_space<vmem_shared>>
        tpu.enqueue_indirect_dma source(%arg12 : memref<128x128xf32, #tpu.memory_space<vmem>>) target(%dma_start3A_179 : memref<10240x128xf32, #tpu.memory_space<vmem_shared>>) offsets(%dma_start3A_176 : memref<128xi32, #tpu.memory_space<vmem>>) semaphore(%run_scoped3A_173 : memref<!tpu.dma_semaphore, #tpu.memory_space<semaphore_mem>>) {add = true}
        %dma_wait3A_180 = arith.constant 0 : i32
        %dma_wait3A_181 = tpu.memref_slice %arg10[%run_scoped3A_172, %dma_wait3A_180] : memref<8x128xi32, #tpu.memory_space<vmem>> -> memref<1x128xi32, #tpu.memory_space<vmem>>
        %dma_wait3A_182 = tpu.memref_squeeze %dma_wait3A_181 : memref<1x128xi32, #tpu.memory_space<vmem>> -> memref<128xi32, #tpu.memory_space<vmem>>
        %dma_wait3A_183 = arith.constant 0 : i32
        %dma_wait3A_184 = arith.constant 0 : i32
        %dma_wait3A_185 = tpu.memref_slice %arg8[%dma_wait3A_183, %dma_wait3A_184] : memref<10240x128xf32, #tpu.memory_space<vmem_shared>> -> memref<10240x128xf32, #tpu.memory_space<vmem_shared>>
        tpu.wait_indirect_dma semaphore(%run_scoped3A_173 : memref<!tpu.dma_semaphore, #tpu.memory_space<semaphore_mem>>) src(%arg12 : memref<128x128xf32, #tpu.memory_space<vmem>>) dst(%dma_wait3A_185 : memref<10240x128xf32, #tpu.memory_space<vmem_shared>>)
        tpu.yield
      }) : () -> ()
    }
    %barrier3A_43 = arith.constant 0 : index
    tpu.barrier barrier_id(%barrier3A_43)
    %eq3A_44 = arith.constant 0 : i32
    %eq3A_45 = arith.cmpi eq, %arg0, %eq3A_44 : i32
    %convert_element_type3A = arith.extui %eq3A_45 : i1 to i32
    %cond3A = arith.constant 0 : i32
    %cond3A_46 = arith.cmpi ne, %convert_element_type3A, %cond3A : i32
    scf.if %cond3A_46 {
      %mul3A_52 = arith.constant 640 : i32
      %mul3A_53 = arith.muli %arg1, %mul3A_52 : i32
      %mul3A_54 = arith.constant 640 : i32
      %mul3A_55 = arith.muli %arg1, %mul3A_54 : i32
      "tpu.region"() ({
        %run_scoped3A = tpu.sem_alloc : memref<!tpu.dma_semaphore, #tpu.memory_space<semaphore_mem>>
        %dma_start3A = arith.constant 0 : i32
        %dma_start3A_56 = tpu.memref_slice %arg6[%mul3A_55, %dma_start3A] : memref<10240x128xf32, #tpu.memory_space<hbm>> -> memref<640x128xf32, #tpu.memory_space<hbm>>
        %dma_start3A_57 = arith.constant 0 : i32
        %dma_start3A_58 = tpu.memref_slice %arg8[%mul3A_53, %dma_start3A_57] : memref<10240x128xf32, #tpu.memory_space<vmem_shared>> -> memref<640x128xf32, #tpu.memory_space<vmem_shared>>
        tpu.enqueue_dma source(%dma_start3A_58 : memref<640x128xf32, #tpu.memory_space<vmem_shared>>) target(%dma_start3A_56 : memref<640x128xf32, #tpu.memory_space<hbm>>) target_semaphore(%run_scoped3A : memref<!tpu.dma_semaphore, #tpu.memory_space<semaphore_mem>>)
        %dma_wait3A = arith.constant 0 : i32
        %dma_wait3A_59 = tpu.memref_slice %arg6[%mul3A_55, %dma_wait3A] : memref<10240x128xf32, #tpu.memory_space<hbm>> -> memref<640x128xf32, #tpu.memory_space<hbm>>
        %dma_wait3A_60 = arith.constant 0 : i32
        %dma_wait3A_61 = tpu.memref_slice %arg8[%mul3A_53, %dma_wait3A_60] : memref<10240x128xf32, #tpu.memory_space<vmem_shared>> -> memref<640x128xf32, #tpu.memory_space<vmem_shared>>
        tpu.wait_dma2 semaphore(%run_scoped3A : memref<!tpu.dma_semaphore, #tpu.memory_space<semaphore_mem>>) src(%dma_wait3A_61 : memref<640x128xf32, #tpu.memory_space<vmem_shared>>) dst(%dma_wait3A_59 : memref<640x128xf32, #tpu.memory_space<hbm>>)
        tpu.yield
      }) : () -> ()
    } else {
    }
    %eq3A_47 = arith.constant 1 : i32
    %eq3A_48 = arith.cmpi eq, %arg0, %eq3A_47 : i32
    %convert_element_type3A_49 = arith.extui %eq3A_48 : i1 to i32
    %cond3A_50 = arith.constant 0 : i32
    %cond3A_51 = arith.cmpi ne, %convert_element_type3A_49, %cond3A_50 : i32
    scf.if %cond3A_51 {
      %mul3A_52 = arith.constant 640 : i32
      %mul3A_53 = arith.muli %arg1, %mul3A_52 : i32
      %mul3A_54 = arith.constant 640 : i32
      %mul3A_55 = arith.muli %arg1, %mul3A_54 : i32
      "tpu.region"() ({
        %run_scoped3A = tpu.sem_alloc : memref<!tpu.dma_semaphore, #tpu.memory_space<semaphore_mem>>
        %dma_start3A = arith.constant 0 : i32
        %dma_start3A_56 = tpu.memref_slice %arg7[%mul3A_55, %dma_start3A] : memref<10240x128xf32, #tpu.memory_space<hbm>> -> memref<640x128xf32, #tpu.memory_space<hbm>>
        %dma_start3A_57 = arith.constant 0 : i32
        %dma_start3A_58 = tpu.memref_slice %arg8[%mul3A_53, %dma_start3A_57] : memref<10240x128xf32, #tpu.memory_space<vmem_shared>> -> memref<640x128xf32, #tpu.memory_space<vmem_shared>>
        tpu.enqueue_dma source(%dma_start3A_58 : memref<640x128xf32, #tpu.memory_space<vmem_shared>>) target(%dma_start3A_56 : memref<640x128xf32, #tpu.memory_space<hbm>>) target_semaphore(%run_scoped3A : memref<!tpu.dma_semaphore, #tpu.memory_space<semaphore_mem>>)
        %dma_wait3A = arith.constant 0 : i32
        %dma_wait3A_59 = tpu.memref_slice %arg7[%mul3A_55, %dma_wait3A] : memref<10240x128xf32, #tpu.memory_space<hbm>> -> memref<640x128xf32, #tpu.memory_space<hbm>>
        %dma_wait3A_60 = arith.constant 0 : i32
        %dma_wait3A_61 = tpu.memref_slice %arg8[%mul3A_53, %dma_wait3A_60] : memref<10240x128xf32, #tpu.memory_space<vmem_shared>> -> memref<640x128xf32, #tpu.memory_space<vmem_shared>>
        tpu.wait_dma2 semaphore(%run_scoped3A : memref<!tpu.dma_semaphore, #tpu.memory_space<semaphore_mem>>) src(%dma_wait3A_61 : memref<640x128xf32, #tpu.memory_space<vmem_shared>>) dst(%dma_wait3A_59 : memref<640x128xf32, #tpu.memory_space<hbm>>)
        tpu.yield
      }) : () -> ()
    } else {
    }
    return
  }
}

#map = affine_map<(d0, d1) -> (0, 0)>
module attributes {stable_mosaic.version = 14 : i64} {
  func.func @k(%arg0: i32, %arg1: i32, %arg2: memref<10000x128xf32, #tpu.memory_space<hbm>>, %arg3: memref<10000x128xf32, #tpu.memory_space<hbm>>, %arg4: memref<2560x128xi32, #tpu.memory_space<hbm>>, %arg5: memref<2560x128xi32, #tpu.memory_space<hbm>>, %arg6: memref<10240x128xf32, #tpu.memory_space<hbm>>, %arg7: memref<10240x128xf32, #tpu.memory_space<hbm>>, %arg8: memref<10240x128xf32, #tpu.memory_space<vmem_shared>>, %arg9: memref<8x128xi32, #tpu.memory_space<vmem>>, %arg10: memref<8x128xi32, #tpu.memory_space<vmem>>, %arg11: memref<128x128xf32, #tpu.memory_space<vmem>>, %arg12: memref<128x128xf32, #tpu.memory_space<vmem>>, %arg13: memref<!tpu.dma_semaphore, #tpu.memory_space<semaphore_mem>>, %arg14: memref<!tpu.dma_semaphore, #tpu.memory_space<semaphore_mem>>, %arg15: memref<!tpu.dma_semaphore, #tpu.memory_space<semaphore_mem>>) attributes {dimension_semantics = [#tpu.dimension_semantics<core_parallel>, #tpu.dimension_semantics<subcore_parallel>], iteration_bounds = array<i64: 2, 16>, scalar_prefetch = 0 : i64, scratch_operands = 8 : i64, tpu.core_type = #tpu.core_type<sc_vector_subcore>, window_params = [{transform_indices = #map}, {transform_indices = #map}, {transform_indices = #map}, {transform_indices = #map}, {transform_indices = #map}, {transform_indices = #map}]} {
    %eq3A = arith.constant 0 : i32
    %eq3A_0 = arith.cmpi eq, %arg0, %eq3A : i32
    %mul3A = arith.constant 80 : i32
    %mul3A_1 = arith.muli %arg1, %mul3A : i32
    %mul3A_2 = arith.constant 80 : i32
    %mul3A_3 = arith.muli %arg1, %mul3A_2 : i32
    %add3A = arith.constant 1280 : i32
    %add3A_4 = arith.addi %add3A, %mul3A_3 : i32
    %select_n3A = arith.select %eq3A_0, %mul3A_1, %add3A_4 : i32
    %eq3A_5 = arith.constant 0 : i32
    %eq3A_6 = arith.cmpi eq, %arg0, %eq3A_5 : i32
    %jit3A = arith.constant 10 : i32
    %jit3A_7 = arith.constant 10 : i32
    %select_n3A_8 = arith.select %eq3A_6, %jit3A, %jit3A_7 : i32
    %scan3A = arith.constant 0 : i32
    %scan3A_9 = arith.constant 0 : i32
    %scan3A_10 = arith.constant 128 : i32
    %scan3A_11 = arith.addi %scan3A_9, %scan3A_10 : i32
    %scan3A_12 = arith.constant 1 : i32
    scf.for %scan3A_52 = %scan3A_9 to %scan3A_11 step %scan3A_12  : i32 {
      %broadcast_in_dim3A = arith.constant 0.000000e+00 : f32
      %broadcast_in_dim3A_53 = vector.broadcast %broadcast_in_dim3A : f32 to vector<16xf32>
      %swap3A = arith.index_cast %scan3A_52 : i32 to index
      %swap3A_54 = arith.constant 0 : index
      %swap3A_55 = tpu.vector_load %arg11[%swap3A, %swap3A_54] {strides = array<i32>} : memref<128x128xf32, #tpu.memory_space<vmem>>, vector<1x16xf32>,
      %swap3A_56 = vector.shape_cast %swap3A_55 : vector<1x16xf32> to vector<16xf32>
      %swap3A_57 = vector.shape_cast %broadcast_in_dim3A_53 : vector<16xf32> to vector<1x16xf32>
      tpu.vector_store %arg11[%swap3A, %swap3A_54], %swap3A_57 {strides = array<i32>} : memref<128x128xf32, #tpu.memory_space<vmem>>, vector<1x16xf32>,
      %broadcast_in_dim3A_58 = arith.constant 0.000000e+00 : f32
      %broadcast_in_dim3A_59 = vector.broadcast %broadcast_in_dim3A_58 : f32 to vector<16xf32>
      %swap3A_60 = arith.index_cast %scan3A_52 : i32 to index
      %swap3A_61 = arith.constant 16 : index
      %swap3A_62 = tpu.vector_load %arg11[%swap3A_60, %swap3A_61] {strides = array<i32>} : memref<128x128xf32, #tpu.memory_space<vmem>>, vector<1x16xf32>,
      %swap3A_63 = vector.shape_cast %swap3A_62 : vector<1x16xf32> to vector<16xf32>
      %swap3A_64 = vector.shape_cast %broadcast_in_dim3A_59 : vector<16xf32> to vector<1x16xf32>
      tpu.vector_store %arg11[%swap3A_60, %swap3A_61], %swap3A_64 {strides = array<i32>} : memref<128x128xf32, #tpu.memory_space<vmem>>, vector<1x16xf32>,
      %broadcast_in_dim3A_65 = arith.constant 0.000000e+00 : f32
      %broadcast_in_dim3A_66 = vector.broadcast %broadcast_in_dim3A_65 : f32 to vector<16xf32>
      %swap3A_67 = arith.index_cast %scan3A_52 : i32 to index
      %swap3A_68 = arith.constant 32 : index
      %swap3A_69 = tpu.vector_load %arg11[%swap3A_67, %swap3A_68] {strides = array<i32>} : memref<128x128xf32, #tpu.memory_space<vmem>>, vector<1x16xf32>,
      %swap3A_70 = vector.shape_cast %swap3A_69 : vector<1x16xf32> to vector<16xf32>
      %swap3A_71 = vector.shape_cast %broadcast_in_dim3A_66 : vector<16xf32> to vector<1x16xf32>
      tpu.vector_store %arg11[%swap3A_67, %swap3A_68], %swap3A_71 {strides = array<i32>} : memref<128x128xf32, #tpu.memory_space<vmem>>, vector<1x16xf32>,
      %broadcast_in_dim3A_72 = arith.constant 0.000000e+00 : f32
      %broadcast_in_dim3A_73 = vector.broadcast %broadcast_in_dim3A_72 : f32 to vector<16xf32>
      %swap3A_74 = arith.index_cast %scan3A_52 : i32 to index
      %swap3A_75 = arith.constant 48 : index
      %swap3A_76 = tpu.vector_load %arg11[%swap3A_74, %swap3A_75] {strides = array<i32>} : memref<128x128xf32, #tpu.memory_space<vmem>>, vector<1x16xf32>,
      %swap3A_77 = vector.shape_cast %swap3A_76 : vector<1x16xf32> to vector<16xf32>
      %swap3A_78 = vector.shape_cast %broadcast_in_dim3A_73 : vector<16xf32> to vector<1x16xf32>
      tpu.vector_store %arg11[%swap3A_74, %swap3A_75], %swap3A_78 {strides = array<i32>} : memref<128x128xf32, #tpu.memory_space<vmem>>, vector<1x16xf32>,
      %broadcast_in_dim3A_79 = arith.constant 0.000000e+00 : f32
      %broadcast_in_dim3A_80 = vector.broadcast %broadcast_in_dim3A_79 : f32 to vector<16xf32>
      %swap3A_81 = arith.index_cast %scan3A_52 : i32 to index
      %swap3A_82 = arith.constant 64 : index
      %swap3A_83 = tpu.vector_load %arg11[%swap3A_81, %swap3A_82] {strides = array<i32>} : memref<128x128xf32, #tpu.memory_space<vmem>>, vector<1x16xf32>,
      %swap3A_84 = vector.shape_cast %swap3A_83 : vector<1x16xf32> to vector<16xf32>
      %swap3A_85 = vector.shape_cast %broadcast_in_dim3A_80 : vector<16xf32> to vector<1x16xf32>
      tpu.vector_store %arg11[%swap3A_81, %swap3A_82], %swap3A_85 {strides = array<i32>} : memref<128x128xf32, #tpu.memory_space<vmem>>, vector<1x16xf32>,
      %broadcast_in_dim3A_86 = arith.constant 0.000000e+00 : f32
      %broadcast_in_dim3A_87 = vector.broadcast %broadcast_in_dim3A_86 : f32 to vector<16xf32>
      %swap3A_88 = arith.index_cast %scan3A_52 : i32 to index
      %swap3A_89 = arith.constant 80 : index
      %swap3A_90 = tpu.vector_load %arg11[%swap3A_88, %swap3A_89] {strides = array<i32>} : memref<128x128xf32, #tpu.memory_space<vmem>>, vector<1x16xf32>,
      %swap3A_91 = vector.shape_cast %swap3A_90 : vector<1x16xf32> to vector<16xf32>
      %swap3A_92 = vector.shape_cast %broadcast_in_dim3A_87 : vector<16xf32> to vector<1x16xf32>
      tpu.vector_store %arg11[%swap3A_88, %swap3A_89], %swap3A_92 {strides = array<i32>} : memref<128x128xf32, #tpu.memory_space<vmem>>, vector<1x16xf32>,
      %broadcast_in_dim3A_93 = arith.constant 0.000000e+00 : f32
      %broadcast_in_dim3A_94 = vector.broadcast %broadcast_in_dim3A_93 : f32 to vector<16xf32>
      %swap3A_95 = arith.index_cast %scan3A_52 : i32 to index
      %swap3A_96 = arith.constant 96 : index
      %swap3A_97 = tpu.vector_load %arg11[%swap3A_95, %swap3A_96] {strides = array<i32>} : memref<128x128xf32, #tpu.memory_space<vmem>>, vector<1x16xf32>,
      %swap3A_98 = vector.shape_cast %swap3A_97 : vector<1x16xf32> to vector<16xf32>
      %swap3A_99 = vector.shape_cast %broadcast_in_dim3A_94 : vector<16xf32> to vector<1x16xf32>
      tpu.vector_store %arg11[%swap3A_95, %swap3A_96], %swap3A_99 {strides = array<i32>} : memref<128x128xf32, #tpu.memory_space<vmem>>, vector<1x16xf32>,
      %broadcast_in_dim3A_100 = arith.constant 0.000000e+00 : f32
      %broadcast_in_dim3A_101 = vector.broadcast %broadcast_in_dim3A_100 : f32 to vector<16xf32>
      %swap3A_102 = arith.index_cast %scan3A_52 : i32 to index
      %swap3A_103 = arith.constant 112 : index
      %swap3A_104 = tpu.vector_load %arg11[%swap3A_102, %swap3A_103] {strides = array<i32>} : memref<128x128xf32, #tpu.memory_space<vmem>>, vector<1x16xf32>,
      %swap3A_105 = vector.shape_cast %swap3A_104 : vector<1x16xf32> to vector<16xf32>
      %swap3A_106 = vector.shape_cast %broadcast_in_dim3A_101 : vector<16xf32> to vector<1x16xf32>
      tpu.vector_store %arg11[%swap3A_102, %swap3A_103], %swap3A_106 {strides = array<i32>} : memref<128x128xf32, #tpu.memory_space<vmem>>, vector<1x16xf32>,
    }
    %scan3A_13 = arith.constant 128 : i32
    %mul3A_14 = arith.constant 640 : i32
    %mul3A_15 = arith.muli %arg1, %mul3A_14 : i32
    %add3A_16 = arith.constant 0 : i32
    %add3A_17 = arith.addi %mul3A_15, %add3A_16 : i32
    "tpu.region"() ({
      %run_scoped3A = tpu.sem_alloc : memref<!tpu.dma_semaphore, #tpu.memory_space<semaphore_mem>>
      %dma_start3A = arith.constant 0 : i32
      %dma_start3A_52 = tpu.memref_slice %arg8[%add3A_17, %dma_start3A] : memref<10240x128xf32, #tpu.memory_space<vmem_shared>> -> memref<128x128xf32, #tpu.memory_space<vmem_shared>>
      %dma_start3A_53 = arith.constant 0 : i32
      %dma_start3A_54 = tpu.memref_slice %arg8[%add3A_17, %dma_start3A_53] : memref<10240x128xf32, #tpu.memory_space<vmem_shared>> -> memref<128x128xf32, #tpu.memory_space<vmem_shared>>
      tpu.enqueue_dma source(%arg11 : memref<128x128xf32, #tpu.memory_space<vmem>>) target(%dma_start3A_54 : memref<128x128xf32, #tpu.memory_space<vmem_shared>>) target_semaphore(%run_scoped3A : memref<!tpu.dma_semaphore, #tpu.memory_space<semaphore_mem>>)
      %dma_wait3A = arith.constant 0 : i32
      %dma_wait3A_55 = tpu.memref_slice %arg8[%add3A_17, %dma_wait3A] : memref<10240x128xf32, #tpu.memory_space<vmem_shared>> -> memref<128x128xf32, #tpu.memory_space<vmem_shared>>
      %dma_wait3A_56 = arith.constant 0 : i32
      %dma_wait3A_57 = tpu.memref_slice %arg8[%add3A_17, %dma_wait3A_56] : memref<10240x128xf32, #tpu.memory_space<vmem_shared>> -> memref<128x128xf32, #tpu.memory_space<vmem_shared>>
      tpu.wait_dma2 semaphore(%run_scoped3A : memref<!tpu.dma_semaphore, #tpu.memory_space<semaphore_mem>>) src(%arg11 : memref<128x128xf32, #tpu.memory_space<vmem>>) dst(%dma_wait3A_57 : memref<128x128xf32, #tpu.memory_space<vmem_shared>>)
      tpu.yield
    }) : () -> ()
    %mul3A_18 = arith.constant 640 : i32
    %mul3A_19 = arith.muli %arg1, %mul3A_18 : i32
    %add3A_20 = arith.constant 128 : i32
    %add3A_21 = arith.addi %mul3A_19, %add3A_20 : i32
    "tpu.region"() ({
      %run_scoped3A = tpu.sem_alloc : memref<!tpu.dma_semaphore, #tpu.memory_space<semaphore_mem>>
      %dma_start3A = arith.constant 0 : i32
      %dma_start3A_52 = tpu.memref_slice %arg8[%add3A_21, %dma_start3A] : memref<10240x128xf32, #tpu.memory_space<vmem_shared>> -> memref<128x128xf32, #tpu.memory_space<vmem_shared>>
      %dma_start3A_53 = arith.constant 0 : i32
      %dma_start3A_54 = tpu.memref_slice %arg8[%add3A_21, %dma_start3A_53] : memref<10240x128xf32, #tpu.memory_space<vmem_shared>> -> memref<128x128xf32, #tpu.memory_space<vmem_shared>>
      tpu.enqueue_dma source(%arg11 : memref<128x128xf32, #tpu.memory_space<vmem>>) target(%dma_start3A_54 : memref<128x128xf32, #tpu.memory_space<vmem_shared>>) target_semaphore(%run_scoped3A : memref<!tpu.dma_semaphore, #tpu.memory_space<semaphore_mem>>)
      %dma_wait3A = arith.constant 0 : i32
      %dma_wait3A_55 = tpu.memref_slice %arg8[%add3A_21, %dma_wait3A] : memref<10240x128xf32, #tpu.memory_space<vmem_shared>> -> memref<128x128xf32, #tpu.memory_space<vmem_shared>>
      %dma_wait3A_56 = arith.constant 0 : i32
      %dma_wait3A_57 = tpu.memref_slice %arg8[%add3A_21, %dma_wait3A_56] : memref<10240x128xf32, #tpu.memory_space<vmem_shared>> -> memref<128x128xf32, #tpu.memory_space<vmem_shared>>
      tpu.wait_dma2 semaphore(%run_scoped3A : memref<!tpu.dma_semaphore, #tpu.memory_space<semaphore_mem>>) src(%arg11 : memref<128x128xf32, #tpu.memory_space<vmem>>) dst(%dma_wait3A_57 : memref<128x128xf32, #tpu.memory_space<vmem_shared>>)
      tpu.yield
    }) : () -> ()
    %mul3A_22 = arith.constant 640 : i32
    %mul3A_23 = arith.muli %arg1, %mul3A_22 : i32
    %add3A_24 = arith.constant 256 : i32
    %add3A_25 = arith.addi %mul3A_23, %add3A_24 : i32
    "tpu.region"() ({
      %run_scoped3A = tpu.sem_alloc : memref<!tpu.dma_semaphore, #tpu.memory_space<semaphore_mem>>
      %dma_start3A = arith.constant 0 : i32
      %dma_start3A_52 = tpu.memref_slice %arg8[%add3A_25, %dma_start3A] : memref<10240x128xf32, #tpu.memory_space<vmem_shared>> -> memref<128x128xf32, #tpu.memory_space<vmem_shared>>
      %dma_start3A_53 = arith.constant 0 : i32
      %dma_start3A_54 = tpu.memref_slice %arg8[%add3A_25, %dma_start3A_53] : memref<10240x128xf32, #tpu.memory_space<vmem_shared>> -> memref<128x128xf32, #tpu.memory_space<vmem_shared>>
      tpu.enqueue_dma source(%arg11 : memref<128x128xf32, #tpu.memory_space<vmem>>) target(%dma_start3A_54 : memref<128x128xf32, #tpu.memory_space<vmem_shared>>) target_semaphore(%run_scoped3A : memref<!tpu.dma_semaphore, #tpu.memory_space<semaphore_mem>>)
      %dma_wait3A = arith.constant 0 : i32
      %dma_wait3A_55 = tpu.memref_slice %arg8[%add3A_25, %dma_wait3A] : memref<10240x128xf32, #tpu.memory_space<vmem_shared>> -> memref<128x128xf32, #tpu.memory_space<vmem_shared>>
      %dma_wait3A_56 = arith.constant 0 : i32
      %dma_wait3A_57 = tpu.memref_slice %arg8[%add3A_25, %dma_wait3A_56] : memref<10240x128xf32, #tpu.memory_space<vmem_shared>> -> memref<128x128xf32, #tpu.memory_space<vmem_shared>>
      tpu.wait_dma2 semaphore(%run_scoped3A : memref<!tpu.dma_semaphore, #tpu.memory_space<semaphore_mem>>) src(%arg11 : memref<128x128xf32, #tpu.memory_space<vmem>>) dst(%dma_wait3A_57 : memref<128x128xf32, #tpu.memory_space<vmem_shared>>)
      tpu.yield
    }) : () -> ()
    %mul3A_26 = arith.constant 640 : i32
    %mul3A_27 = arith.muli %arg1, %mul3A_26 : i32
    %add3A_28 = arith.constant 384 : i32
    %add3A_29 = arith.addi %mul3A_27, %add3A_28 : i32
    "tpu.region"() ({
      %run_scoped3A = tpu.sem_alloc : memref<!tpu.dma_semaphore, #tpu.memory_space<semaphore_mem>>
      %dma_start3A = arith.constant 0 : i32
      %dma_start3A_52 = tpu.memref_slice %arg8[%add3A_29, %dma_start3A] : memref<10240x128xf32, #tpu.memory_space<vmem_shared>> -> memref<128x128xf32, #tpu.memory_space<vmem_shared>>
      %dma_start3A_53 = arith.constant 0 : i32
      %dma_start3A_54 = tpu.memref_slice %arg8[%add3A_29, %dma_start3A_53] : memref<10240x128xf32, #tpu.memory_space<vmem_shared>> -> memref<128x128xf32, #tpu.memory_space<vmem_shared>>
      tpu.enqueue_dma source(%arg11 : memref<128x128xf32, #tpu.memory_space<vmem>>) target(%dma_start3A_54 : memref<128x128xf32, #tpu.memory_space<vmem_shared>>) target_semaphore(%run_scoped3A : memref<!tpu.dma_semaphore, #tpu.memory_space<semaphore_mem>>)
      %dma_wait3A = arith.constant 0 : i32
      %dma_wait3A_55 = tpu.memref_slice %arg8[%add3A_29, %dma_wait3A] : memref<10240x128xf32, #tpu.memory_space<vmem_shared>> -> memref<128x128xf32, #tpu.memory_space<vmem_shared>>
      %dma_wait3A_56 = arith.constant 0 : i32
      %dma_wait3A_57 = tpu.memref_slice %arg8[%add3A_29, %dma_wait3A_56] : memref<10240x128xf32, #tpu.memory_space<vmem_shared>> -> memref<128x128xf32, #tpu.memory_space<vmem_shared>>
      tpu.wait_dma2 semaphore(%run_scoped3A : memref<!tpu.dma_semaphore, #tpu.memory_space<semaphore_mem>>) src(%arg11 : memref<128x128xf32, #tpu.memory_space<vmem>>) dst(%dma_wait3A_57 : memref<128x128xf32, #tpu.memory_space<vmem_shared>>)
      tpu.yield
    }) : () -> ()
    %mul3A_30 = arith.constant 640 : i32
    %mul3A_31 = arith.muli %arg1, %mul3A_30 : i32
    %add3A_32 = arith.constant 512 : i32
    %add3A_33 = arith.addi %mul3A_31, %add3A_32 : i32
    "tpu.region"() ({
      %run_scoped3A = tpu.sem_alloc : memref<!tpu.dma_semaphore, #tpu.memory_space<semaphore_mem>>
      %dma_start3A = arith.constant 0 : i32
      %dma_start3A_52 = tpu.memref_slice %arg8[%add3A_33, %dma_start3A] : memref<10240x128xf32, #tpu.memory_space<vmem_shared>> -> memref<128x128xf32, #tpu.memory_space<vmem_shared>>
      %dma_start3A_53 = arith.constant 0 : i32
      %dma_start3A_54 = tpu.memref_slice %arg8[%add3A_33, %dma_start3A_53] : memref<10240x128xf32, #tpu.memory_space<vmem_shared>> -> memref<128x128xf32, #tpu.memory_space<vmem_shared>>
      tpu.enqueue_dma source(%arg11 : memref<128x128xf32, #tpu.memory_space<vmem>>) target(%dma_start3A_54 : memref<128x128xf32, #tpu.memory_space<vmem_shared>>) target_semaphore(%run_scoped3A : memref<!tpu.dma_semaphore, #tpu.memory_space<semaphore_mem>>)
      %dma_wait3A = arith.constant 0 : i32
      %dma_wait3A_55 = tpu.memref_slice %arg8[%add3A_33, %dma_wait3A] : memref<10240x128xf32, #tpu.memory_space<vmem_shared>> -> memref<128x128xf32, #tpu.memory_space<vmem_shared>>
      %dma_wait3A_56 = arith.constant 0 : i32
      %dma_wait3A_57 = tpu.memref_slice %arg8[%add3A_33, %dma_wait3A_56] : memref<10240x128xf32, #tpu.memory_space<vmem_shared>> -> memref<128x128xf32, #tpu.memory_space<vmem_shared>>
      tpu.wait_dma2 semaphore(%run_scoped3A : memref<!tpu.dma_semaphore, #tpu.memory_space<semaphore_mem>>) src(%arg11 : memref<128x128xf32, #tpu.memory_space<vmem>>) dst(%dma_wait3A_57 : memref<128x128xf32, #tpu.memory_space<vmem_shared>>)
      tpu.yield
    }) : () -> ()
    %barrier3A = arith.constant 0 : index
    tpu.barrier barrier_id(%barrier3A)
    %while3A = arith.constant 0 : i32
    %while3A_34 = arith.constant 0 : i32
    %while3A_35 = arith.subi %select_n3A_8, %while3A_34 : i32
    %while3A_36 = arith.addi %while3A_34, %while3A_35 : i32
    %while3A_37 = arith.constant 1 : i32
    %while3A_38 = arith.divsi %while3A_35, %while3A_37 : i32
    %while3A_39 = arith.muli %while3A_38, %while3A_37 : i32
    %while3A_40 = arith.addi %while3A_34, %while3A_39 : i32
    %while3A_41 = arith.constant 1 : i32
    scf.for %while3A_52 = %while3A_34 to %while3A_40 step %while3A_41  : i32 {
      %mul3A_53 = arith.constant 8 : i32
      %mul3A_54 = arith.muli %while3A_52, %mul3A_53 : i32
      %add3A_55 = arith.addi %select_n3A, %mul3A_54 : i32
      "tpu.region"() ({
        %run_scoped3A_173 = tpu.sem_alloc : memref<!tpu.dma_semaphore, #tpu.memory_space<semaphore_mem>>
        %dma_start3A_174 = arith.constant 0 : i32
        %dma_start3A_175 = tpu.memref_slice %arg4[%add3A_55, %dma_start3A_174] : memref<2560x128xi32, #tpu.memory_space<hbm>> -> memref<8x128xi32, #tpu.memory_space<hbm>>
        %dma_start3A_176 = arith.constant 0 : i32
        %dma_start3A_177 = tpu.memref_slice %arg4[%add3A_55, %dma_start3A_176] : memref<2560x128xi32, #tpu.memory_space<hbm>> -> memref<8x128xi32, #tpu.memory_space<hbm>>
        tpu.enqueue_dma source(%dma_start3A_177 : memref<8x128xi32, #tpu.memory_space<hbm>>) target(%arg9 : memref<8x128xi32, #tpu.memory_space<vmem>>) target_semaphore(%run_scoped3A_173 : memref<!tpu.dma_semaphore, #tpu.memory_space<semaphore_mem>>)
        %dma_wait3A_178 = arith.constant 0 : i32
        %dma_wait3A_179 = tpu.memref_slice %arg4[%add3A_55, %dma_wait3A_178] : memref<2560x128xi32, #tpu.memory_space<hbm>> -> memref<8x128xi32, #tpu.memory_space<hbm>>
        %dma_wait3A_180 = arith.constant 0 : i32
        %dma_wait3A_181 = tpu.memref_slice %arg4[%add3A_55, %dma_wait3A_180] : memref<2560x128xi32, #tpu.memory_space<hbm>> -> memref<8x128xi32, #tpu.memory_space<hbm>>
        tpu.wait_dma2 semaphore(%run_scoped3A_173 : memref<!tpu.dma_semaphore, #tpu.memory_space<semaphore_mem>>) src(%dma_wait3A_181 : memref<8x128xi32, #tpu.memory_space<hbm>>) dst(%arg9 : memref<8x128xi32, #tpu.memory_space<vmem>>)
        tpu.yield
      }) : () -> ()
      "tpu.region"() ({
        %run_scoped3A_173 = tpu.sem_alloc : memref<!tpu.dma_semaphore, #tpu.memory_space<semaphore_mem>>
        %dma_start3A_174 = arith.constant 0 : i32
        %dma_start3A_175 = tpu.memref_slice %arg5[%add3A_55, %dma_start3A_174] : memref<2560x128xi32, #tpu.memory_space<hbm>> -> memref<8x128xi32, #tpu.memory_space<hbm>>
        %dma_start3A_176 = arith.constant 0 : i32
        %dma_start3A_177 = tpu.memref_slice %arg5[%add3A_55, %dma_start3A_176] : memref<2560x128xi32, #tpu.memory_space<hbm>> -> memref<8x128xi32, #tpu.memory_space<hbm>>
        tpu.enqueue_dma source(%dma_start3A_177 : memref<8x128xi32, #tpu.memory_space<hbm>>) target(%arg10 : memref<8x128xi32, #tpu.memory_space<vmem>>) target_semaphore(%run_scoped3A_173 : memref<!tpu.dma_semaphore, #tpu.memory_space<semaphore_mem>>)
        %dma_wait3A_178 = arith.constant 0 : i32
        %dma_wait3A_179 = tpu.memref_slice %arg5[%add3A_55, %dma_wait3A_178] : memref<2560x128xi32, #tpu.memory_space<hbm>> -> memref<8x128xi32, #tpu.memory_space<hbm>>
        %dma_wait3A_180 = arith.constant 0 : i32
        %dma_wait3A_181 = tpu.memref_slice %arg5[%add3A_55, %dma_wait3A_180] : memref<2560x128xi32, #tpu.memory_space<hbm>> -> memref<8x128xi32, #tpu.memory_space<hbm>>
        tpu.wait_dma2 semaphore(%run_scoped3A_173 : memref<!tpu.dma_semaphore, #tpu.memory_space<semaphore_mem>>) src(%dma_wait3A_181 : memref<8x128xi32, #tpu.memory_space<hbm>>) dst(%arg10 : memref<8x128xi32, #tpu.memory_space<vmem>>)
        tpu.yield
      }) : () -> ()
      %dma_start3A = arith.constant 0 : i32
      %dma_start3A_56 = arith.constant 0 : i32
      %dma_start3A_57 = tpu.memref_slice %arg9[%dma_start3A, %dma_start3A_56] : memref<8x128xi32, #tpu.memory_space<vmem>> -> memref<1x128xi32, #tpu.memory_space<vmem>>
      %dma_start3A_58 = tpu.memref_squeeze %dma_start3A_57 : memref<1x128xi32, #tpu.memory_space<vmem>> -> memref<128xi32, #tpu.memory_space<vmem>>
      %dma_start3A_59 = arith.constant 0 : i32
      %dma_start3A_60 = arith.constant 0 : i32
      %dma_start3A_61 = tpu.memref_slice %arg2[%dma_start3A_59, %dma_start3A_60] : memref<10000x128xf32, #tpu.memory_space<hbm>> -> memref<10000x128xf32, #tpu.memory_space<hbm>>
      tpu.enqueue_indirect_dma source(%dma_start3A_61 : memref<10000x128xf32, #tpu.memory_space<hbm>>) target(%arg11 : memref<128x128xf32, #tpu.memory_space<vmem>>) offsets(%dma_start3A_58 : memref<128xi32, #tpu.memory_space<vmem>>) semaphore(%arg13 : memref<!tpu.dma_semaphore, #tpu.memory_space<semaphore_mem>>)
      %dma_start3A_62 = arith.constant 1 : i32
      %dma_start3A_63 = arith.constant 0 : i32
      %dma_start3A_64 = tpu.memref_slice %arg9[%dma_start3A_62, %dma_start3A_63] : memref<8x128xi32, #tpu.memory_space<vmem>> -> memref<1x128xi32, #tpu.memory_space<vmem>>
      %dma_start3A_65 = tpu.memref_squeeze %dma_start3A_64 : memref<1x128xi32, #tpu.memory_space<vmem>> -> memref<128xi32, #tpu.memory_space<vmem>>
      %dma_start3A_66 = arith.constant 0 : i32
      %dma_start3A_67 = arith.constant 0 : i32
      %dma_start3A_68 = tpu.memref_slice %arg2[%dma_start3A_66, %dma_start3A_67] : memref<10000x128xf32, #tpu.memory_space<hbm>> -> memref<10000x128xf32, #tpu.memory_space<hbm>>
      tpu.enqueue_indirect_dma source(%dma_start3A_68 : memref<10000x128xf32, #tpu.memory_space<hbm>>) target(%arg12 : memref<128x128xf32, #tpu.memory_space<vmem>>) offsets(%dma_start3A_65 : memref<128xi32, #tpu.memory_space<vmem>>) semaphore(%arg14 : memref<!tpu.dma_semaphore, #tpu.memory_space<semaphore_mem>>)
      %dma_wait3A = arith.constant 0 : i32
      %dma_wait3A_69 = arith.constant 0 : i32
      %dma_wait3A_70 = tpu.memref_slice %arg9[%dma_wait3A, %dma_wait3A_69] : memref<8x128xi32, #tpu.memory_space<vmem>> -> memref<1x128xi32, #tpu.memory_space<vmem>>
      %dma_wait3A_71 = tpu.memref_squeeze %dma_wait3A_70 : memref<1x128xi32, #tpu.memory_space<vmem>> -> memref<128xi32, #tpu.memory_space<vmem>>
      %dma_wait3A_72 = arith.constant 0 : i32
      %dma_wait3A_73 = arith.constant 0 : i32
      %dma_wait3A_74 = tpu.memref_slice %arg2[%dma_wait3A_72, %dma_wait3A_73] : memref<10000x128xf32, #tpu.memory_space<hbm>> -> memref<10000x128xf32, #tpu.memory_space<hbm>>
      tpu.wait_indirect_dma semaphore(%arg13 : memref<!tpu.dma_semaphore, #tpu.memory_space<semaphore_mem>>) src(%dma_wait3A_74 : memref<10000x128xf32, #tpu.memory_space<hbm>>) dst(%arg11 : memref<128x128xf32, #tpu.memory_space<vmem>>)
      %run_scoped3A = arith.constant 0 : i32
      "tpu.region"() ({
        %run_scoped3A_173 = tpu.sem_alloc : memref<!tpu.dma_semaphore, #tpu.memory_space<semaphore_mem>>
        %dma_start3A_174 = arith.constant 0 : i32
        %dma_start3A_175 = tpu.memref_slice %arg10[%run_scoped3A, %dma_start3A_174] : memref<8x128xi32, #tpu.memory_space<vmem>> -> memref<1x128xi32, #tpu.memory_space<vmem>>
        %dma_start3A_176 = tpu.memref_squeeze %dma_start3A_175 : memref<1x128xi32, #tpu.memory_space<vmem>> -> memref<128xi32, #tpu.memory_space<vmem>>
        %dma_start3A_177 = arith.constant 0 : i32
        %dma_start3A_178 = arith.constant 0 : i32
        %dma_start3A_179 = tpu.memref_slice %arg8[%dma_start3A_177, %dma_start3A_178] : memref<10240x128xf32, #tpu.memory_space<vmem_shared>> -> memref<10240x128xf32, #tpu.memory_space<vmem_shared>>
        tpu.enqueue_indirect_dma source(%arg11 : memref<128x128xf32, #tpu.memory_space<vmem>>) target(%dma_start3A_179 : memref<10240x128xf32, #tpu.memory_space<vmem_shared>>) offsets(%dma_start3A_176 : memref<128xi32, #tpu.memory_space<vmem>>) semaphore(%run_scoped3A_173 : memref<!tpu.dma_semaphore, #tpu.memory_space<semaphore_mem>>) {add = true}
        %dma_wait3A_180 = arith.constant 0 : i32
        %dma_wait3A_181 = tpu.memref_slice %arg10[%run_scoped3A, %dma_wait3A_180] : memref<8x128xi32, #tpu.memory_space<vmem>> -> memref<1x128xi32, #tpu.memory_space<vmem>>
        %dma_wait3A_182 = tpu.memref_squeeze %dma_wait3A_181 : memref<1x128xi32, #tpu.memory_space<vmem>> -> memref<128xi32, #tpu.memory_space<vmem>>
        %dma_wait3A_183 = arith.constant 0 : i32
        %dma_wait3A_184 = arith.constant 0 : i32
        %dma_wait3A_185 = tpu.memref_slice %arg8[%dma_wait3A_183, %dma_wait3A_184] : memref<10240x128xf32, #tpu.memory_space<vmem_shared>> -> memref<10240x128xf32, #tpu.memory_space<vmem_shared>>
        tpu.wait_indirect_dma semaphore(%run_scoped3A_173 : memref<!tpu.dma_semaphore, #tpu.memory_space<semaphore_mem>>) src(%arg11 : memref<128x128xf32, #tpu.memory_space<vmem>>) dst(%dma_wait3A_185 : memref<10240x128xf32, #tpu.memory_space<vmem_shared>>)
        tpu.yield
      }) : () -> ()
      %dma_start3A_75 = arith.constant 2 : i32
      %dma_start3A_76 = arith.constant 0 : i32
      %dma_start3A_77 = tpu.memref_slice %arg9[%dma_start3A_75, %dma_start3A_76] : memref<8x128xi32, #tpu.memory_space<vmem>> -> memref<1x128xi32, #tpu.memory_space<vmem>>
      %dma_start3A_78 = tpu.memref_squeeze %dma_start3A_77 : memref<1x128xi32, #tpu.memory_space<vmem>> -> memref<128xi32, #tpu.memory_space<vmem>>
      %dma_start3A_79 = arith.constant 0 : i32
      %dma_start3A_80 = arith.constant 0 : i32
      %dma_start3A_81 = tpu.memref_slice %arg2[%dma_start3A_79, %dma_start3A_80] : memref<10000x128xf32, #tpu.memory_space<hbm>> -> memref<10000x128xf32, #tpu.memory_space<hbm>>
      tpu.enqueue_indirect_dma source(%dma_start3A_81 : memref<10000x128xf32, #tpu.memory_space<hbm>>) target(%arg11 : memref<128x128xf32, #tpu.memory_space<vmem>>) offsets(%dma_start3A_78 : memref<128xi32, #tpu.memory_space<vmem>>) semaphore(%arg13 : memref<!tpu.dma_semaphore, #tpu.memory_space<semaphore_mem>>)
      %dma_wait3A_82 = arith.constant 1 : i32
      %dma_wait3A_83 = arith.constant 0 : i32
      %dma_wait3A_84 = tpu.memref_slice %arg9[%dma_wait3A_82, %dma_wait3A_83] : memref<8x128xi32, #tpu.memory_space<vmem>> -> memref<1x128xi32, #tpu.memory_space<vmem>>
      %dma_wait3A_85 = tpu.memref_squeeze %dma_wait3A_84 : memref<1x128xi32, #tpu.memory_space<vmem>> -> memref<128xi32, #tpu.memory_space<vmem>>
      %dma_wait3A_86 = arith.constant 0 : i32
      %dma_wait3A_87 = arith.constant 0 : i32
      %dma_wait3A_88 = tpu.memref_slice %arg2[%dma_wait3A_86, %dma_wait3A_87] : memref<10000x128xf32, #tpu.memory_space<hbm>> -> memref<10000x128xf32, #tpu.memory_space<hbm>>
      tpu.wait_indirect_dma semaphore(%arg14 : memref<!tpu.dma_semaphore, #tpu.memory_space<semaphore_mem>>) src(%dma_wait3A_88 : memref<10000x128xf32, #tpu.memory_space<hbm>>) dst(%arg12 : memref<128x128xf32, #tpu.memory_space<vmem>>)
      %run_scoped3A_89 = arith.constant 1 : i32
      "tpu.region"() ({
        %run_scoped3A_173 = tpu.sem_alloc : memref<!tpu.dma_semaphore, #tpu.memory_space<semaphore_mem>>
        %dma_start3A_174 = arith.constant 0 : i32
        %dma_start3A_175 = tpu.memref_slice %arg10[%run_scoped3A_89, %dma_start3A_174] : memref<8x128xi32, #tpu.memory_space<vmem>> -> memref<1x128xi32, #tpu.memory_space<vmem>>
        %dma_start3A_176 = tpu.memref_squeeze %dma_start3A_175 : memref<1x128xi32, #tpu.memory_space<vmem>> -> memref<128xi32, #tpu.memory_space<vmem>>
        %dma_start3A_177 = arith.constant 0 : i32
        %dma_start3A_178 = arith.constant 0 : i32
        %dma_start3A_179 = tpu.memref_slice %arg8[%dma_start3A_177, %dma_start3A_178] : memref<10240x128xf32, #tpu.memory_space<vmem_shared>> -> memref<10240x128xf32, #tpu.memory_space<vmem_shared>>
        tpu.enqueue_indirect_dma source(%arg12 : memref<128x128xf32, #tpu.memory_space<vmem>>) target(%dma_start3A_179 : memref<10240x128xf32, #tpu.memory_space<vmem_shared>>) offsets(%dma_start3A_176 : memref<128xi32, #tpu.memory_space<vmem>>) semaphore(%run_scoped3A_173 : memref<!tpu.dma_semaphore, #tpu.memory_space<semaphore_mem>>) {add = true}
        %dma_wait3A_180 = arith.constant 0 : i32
        %dma_wait3A_181 = tpu.memref_slice %arg10[%run_scoped3A_89, %dma_wait3A_180] : memref<8x128xi32, #tpu.memory_space<vmem>> -> memref<1x128xi32, #tpu.memory_space<vmem>>
        %dma_wait3A_182 = tpu.memref_squeeze %dma_wait3A_181 : memref<1x128xi32, #tpu.memory_space<vmem>> -> memref<128xi32, #tpu.memory_space<vmem>>
        %dma_wait3A_183 = arith.constant 0 : i32
        %dma_wait3A_184 = arith.constant 0 : i32
        %dma_wait3A_185 = tpu.memref_slice %arg8[%dma_wait3A_183, %dma_wait3A_184] : memref<10240x128xf32, #tpu.memory_space<vmem_shared>> -> memref<10240x128xf32, #tpu.memory_space<vmem_shared>>
        tpu.wait_indirect_dma semaphore(%run_scoped3A_173 : memref<!tpu.dma_semaphore, #tpu.memory_space<semaphore_mem>>) src(%arg12 : memref<128x128xf32, #tpu.memory_space<vmem>>) dst(%dma_wait3A_185 : memref<10240x128xf32, #tpu.memory_space<vmem_shared>>)
        tpu.yield
      }) : () -> ()
      %dma_start3A_90 = arith.constant 3 : i32
      %dma_start3A_91 = arith.constant 0 : i32
      %dma_start3A_92 = tpu.memref_slice %arg9[%dma_start3A_90, %dma_start3A_91] : memref<8x128xi32, #tpu.memory_space<vmem>> -> memref<1x128xi32, #tpu.memory_space<vmem>>
      %dma_start3A_93 = tpu.memref_squeeze %dma_start3A_92 : memref<1x128xi32, #tpu.memory_space<vmem>> -> memref<128xi32, #tpu.memory_space<vmem>>
      %dma_start3A_94 = arith.constant 0 : i32
      %dma_start3A_95 = arith.constant 0 : i32
      %dma_start3A_96 = tpu.memref_slice %arg2[%dma_start3A_94, %dma_start3A_95] : memref<10000x128xf32, #tpu.memory_space<hbm>> -> memref<10000x128xf32, #tpu.memory_space<hbm>>
      tpu.enqueue_indirect_dma source(%dma_start3A_96 : memref<10000x128xf32, #tpu.memory_space<hbm>>) target(%arg12 : memref<128x128xf32, #tpu.memory_space<vmem>>) offsets(%dma_start3A_93 : memref<128xi32, #tpu.memory_space<vmem>>) semaphore(%arg14 : memref<!tpu.dma_semaphore, #tpu.memory_space<semaphore_mem>>)
      %dma_wait3A_97 = arith.constant 2 : i32
      %dma_wait3A_98 = arith.constant 0 : i32
      %dma_wait3A_99 = tpu.memref_slice %arg9[%dma_wait3A_97, %dma_wait3A_98] : memref<8x128xi32, #tpu.memory_space<vmem>> -> memref<1x128xi32, #tpu.memory_space<vmem>>
      %dma_wait3A_100 = tpu.memref_squeeze %dma_wait3A_99 : memref<1x128xi32, #tpu.memory_space<vmem>> -> memref<128xi32, #tpu.memory_space<vmem>>
      %dma_wait3A_101 = arith.constant 0 : i32
      %dma_wait3A_102 = arith.constant 0 : i32
      %dma_wait3A_103 = tpu.memref_slice %arg2[%dma_wait3A_101, %dma_wait3A_102] : memref<10000x128xf32, #tpu.memory_space<hbm>> -> memref<10000x128xf32, #tpu.memory_space<hbm>>
      tpu.wait_indirect_dma semaphore(%arg13 : memref<!tpu.dma_semaphore, #tpu.memory_space<semaphore_mem>>) src(%dma_wait3A_103 : memref<10000x128xf32, #tpu.memory_space<hbm>>) dst(%arg11 : memref<128x128xf32, #tpu.memory_space<vmem>>)
      %run_scoped3A_104 = arith.constant 2 : i32
      "tpu.region"() ({
        %run_scoped3A_173 = tpu.sem_alloc : memref<!tpu.dma_semaphore, #tpu.memory_space<semaphore_mem>>
        %dma_start3A_174 = arith.constant 0 : i32
        %dma_start3A_175 = tpu.memref_slice %arg10[%run_scoped3A_104, %dma_start3A_174] : memref<8x128xi32, #tpu.memory_space<vmem>> -> memref<1x128xi32, #tpu.memory_space<vmem>>
        %dma_start3A_176 = tpu.memref_squeeze %dma_start3A_175 : memref<1x128xi32, #tpu.memory_space<vmem>> -> memref<128xi32, #tpu.memory_space<vmem>>
        %dma_start3A_177 = arith.constant 0 : i32
        %dma_start3A_178 = arith.constant 0 : i32
        %dma_start3A_179 = tpu.memref_slice %arg8[%dma_start3A_177, %dma_start3A_178] : memref<10240x128xf32, #tpu.memory_space<vmem_shared>> -> memref<10240x128xf32, #tpu.memory_space<vmem_shared>>
        tpu.enqueue_indirect_dma source(%arg11 : memref<128x128xf32, #tpu.memory_space<vmem>>) target(%dma_start3A_179 : memref<10240x128xf32, #tpu.memory_space<vmem_shared>>) offsets(%dma_start3A_176 : memref<128xi32, #tpu.memory_space<vmem>>) semaphore(%run_scoped3A_173 : memref<!tpu.dma_semaphore, #tpu.memory_space<semaphore_mem>>) {add = true}
        %dma_wait3A_180 = arith.constant 0 : i32
        %dma_wait3A_181 = tpu.memref_slice %arg10[%run_scoped3A_104, %dma_wait3A_180] : memref<8x128xi32, #tpu.memory_space<vmem>> -> memref<1x128xi32, #tpu.memory_space<vmem>>
        %dma_wait3A_182 = tpu.memref_squeeze %dma_wait3A_181 : memref<1x128xi32, #tpu.memory_space<vmem>> -> memref<128xi32, #tpu.memory_space<vmem>>
        %dma_wait3A_183 = arith.constant 0 : i32
        %dma_wait3A_184 = arith.constant 0 : i32
        %dma_wait3A_185 = tpu.memref_slice %arg8[%dma_wait3A_183, %dma_wait3A_184] : memref<10240x128xf32, #tpu.memory_space<vmem_shared>> -> memref<10240x128xf32, #tpu.memory_space<vmem_shared>>
        tpu.wait_indirect_dma semaphore(%run_scoped3A_173 : memref<!tpu.dma_semaphore, #tpu.memory_space<semaphore_mem>>) src(%arg11 : memref<128x128xf32, #tpu.memory_space<vmem>>) dst(%dma_wait3A_185 : memref<10240x128xf32, #tpu.memory_space<vmem_shared>>)
        tpu.yield
      }) : () -> ()
      %dma_start3A_105 = arith.constant 4 : i32
      %dma_start3A_106 = arith.constant 0 : i32
      %dma_start3A_107 = tpu.memref_slice %arg9[%dma_start3A_105, %dma_start3A_106] : memref<8x128xi32, #tpu.memory_space<vmem>> -> memref<1x128xi32, #tpu.memory_space<vmem>>
      %dma_start3A_108 = tpu.memref_squeeze %dma_start3A_107 : memref<1x128xi32, #tpu.memory_space<vmem>> -> memref<128xi32, #tpu.memory_space<vmem>>
      %dma_start3A_109 = arith.constant 0 : i32
      %dma_start3A_110 = arith.constant 0 : i32
      %dma_start3A_111 = tpu.memref_slice %arg2[%dma_start3A_109, %dma_start3A_110] : memref<10000x128xf32, #tpu.memory_space<hbm>> -> memref<10000x128xf32, #tpu.memory_space<hbm>>
      tpu.enqueue_indirect_dma source(%dma_start3A_111 : memref<10000x128xf32, #tpu.memory_space<hbm>>) target(%arg11 : memref<128x128xf32, #tpu.memory_space<vmem>>) offsets(%dma_start3A_108 : memref<128xi32, #tpu.memory_space<vmem>>) semaphore(%arg13 : memref<!tpu.dma_semaphore, #tpu.memory_space<semaphore_mem>>)
      %dma_wait3A_112 = arith.constant 3 : i32
      %dma_wait3A_113 = arith.constant 0 : i32
      %dma_wait3A_114 = tpu.memref_slice %arg9[%dma_wait3A_112, %dma_wait3A_113] : memref<8x128xi32, #tpu.memory_space<vmem>> -> memref<1x128xi32, #tpu.memory_space<vmem>>
      %dma_wait3A_115 = tpu.memref_squeeze %dma_wait3A_114 : memref<1x128xi32, #tpu.memory_space<vmem>> -> memref<128xi32, #tpu.memory_space<vmem>>
      %dma_wait3A_116 = arith.constant 0 : i32
      %dma_wait3A_117 = arith.constant 0 : i32
      %dma_wait3A_118 = tpu.memref_slice %arg2[%dma_wait3A_116, %dma_wait3A_117] : memref<10000x128xf32, #tpu.memory_space<hbm>> -> memref<10000x128xf32, #tpu.memory_space<hbm>>
      tpu.wait_indirect_dma semaphore(%arg14 : memref<!tpu.dma_semaphore, #tpu.memory_space<semaphore_mem>>) src(%dma_wait3A_118 : memref<10000x128xf32, #tpu.memory_space<hbm>>) dst(%arg12 : memref<128x128xf32, #tpu.memory_space<vmem>>)
      %run_scoped3A_119 = arith.constant 3 : i32
      "tpu.region"() ({
        %run_scoped3A_173 = tpu.sem_alloc : memref<!tpu.dma_semaphore, #tpu.memory_space<semaphore_mem>>
        %dma_start3A_174 = arith.constant 0 : i32
        %dma_start3A_175 = tpu.memref_slice %arg10[%run_scoped3A_119, %dma_start3A_174] : memref<8x128xi32, #tpu.memory_space<vmem>> -> memref<1x128xi32, #tpu.memory_space<vmem>>
        %dma_start3A_176 = tpu.memref_squeeze %dma_start3A_175 : memref<1x128xi32, #tpu.memory_space<vmem>> -> memref<128xi32, #tpu.memory_space<vmem>>
        %dma_start3A_177 = arith.constant 0 : i32
        %dma_start3A_178 = arith.constant 0 : i32
        %dma_start3A_179 = tpu.memref_slice %arg8[%dma_start3A_177, %dma_start3A_178] : memref<10240x128xf32, #tpu.memory_space<vmem_shared>> -> memref<10240x128xf32, #tpu.memory_space<vmem_shared>>
        tpu.enqueue_indirect_dma source(%arg12 : memref<128x128xf32, #tpu.memory_space<vmem>>) target(%dma_start3A_179 : memref<10240x128xf32, #tpu.memory_space<vmem_shared>>) offsets(%dma_start3A_176 : memref<128xi32, #tpu.memory_space<vmem>>) semaphore(%run_scoped3A_173 : memref<!tpu.dma_semaphore, #tpu.memory_space<semaphore_mem>>) {add = true}
        %dma_wait3A_180 = arith.constant 0 : i32
        %dma_wait3A_181 = tpu.memref_slice %arg10[%run_scoped3A_119, %dma_wait3A_180] : memref<8x128xi32, #tpu.memory_space<vmem>> -> memref<1x128xi32, #tpu.memory_space<vmem>>
        %dma_wait3A_182 = tpu.memref_squeeze %dma_wait3A_181 : memref<1x128xi32, #tpu.memory_space<vmem>> -> memref<128xi32, #tpu.memory_space<vmem>>
        %dma_wait3A_183 = arith.constant 0 : i32
        %dma_wait3A_184 = arith.constant 0 : i32
        %dma_wait3A_185 = tpu.memref_slice %arg8[%dma_wait3A_183, %dma_wait3A_184] : memref<10240x128xf32, #tpu.memory_space<vmem_shared>> -> memref<10240x128xf32, #tpu.memory_space<vmem_shared>>
        tpu.wait_indirect_dma semaphore(%run_scoped3A_173 : memref<!tpu.dma_semaphore, #tpu.memory_space<semaphore_mem>>) src(%arg12 : memref<128x128xf32, #tpu.memory_space<vmem>>) dst(%dma_wait3A_185 : memref<10240x128xf32, #tpu.memory_space<vmem_shared>>)
        tpu.yield
      }) : () -> ()
      %dma_start3A_120 = arith.constant 5 : i32
      %dma_start3A_121 = arith.constant 0 : i32
      %dma_start3A_122 = tpu.memref_slice %arg9[%dma_start3A_120, %dma_start3A_121] : memref<8x128xi32, #tpu.memory_space<vmem>> -> memref<1x128xi32, #tpu.memory_space<vmem>>
      %dma_start3A_123 = tpu.memref_squeeze %dma_start3A_122 : memref<1x128xi32, #tpu.memory_space<vmem>> -> memref<128xi32, #tpu.memory_space<vmem>>
      %dma_start3A_124 = arith.constant 0 : i32
      %dma_start3A_125 = arith.constant 0 : i32
      %dma_start3A_126 = tpu.memref_slice %arg2[%dma_start3A_124, %dma_start3A_125] : memref<10000x128xf32, #tpu.memory_space<hbm>> -> memref<10000x128xf32, #tpu.memory_space<hbm>>
      tpu.enqueue_indirect_dma source(%dma_start3A_126 : memref<10000x128xf32, #tpu.memory_space<hbm>>) target(%arg12 : memref<128x128xf32, #tpu.memory_space<vmem>>) offsets(%dma_start3A_123 : memref<128xi32, #tpu.memory_space<vmem>>) semaphore(%arg14 : memref<!tpu.dma_semaphore, #tpu.memory_space<semaphore_mem>>)
      %dma_wait3A_127 = arith.constant 4 : i32
      %dma_wait3A_128 = arith.constant 0 : i32
      %dma_wait3A_129 = tpu.memref_slice %arg9[%dma_wait3A_127, %dma_wait3A_128] : memref<8x128xi32, #tpu.memory_space<vmem>> -> memref<1x128xi32, #tpu.memory_space<vmem>>
      %dma_wait3A_130 = tpu.memref_squeeze %dma_wait3A_129 : memref<1x128xi32, #tpu.memory_space<vmem>> -> memref<128xi32, #tpu.memory_space<vmem>>
      %dma_wait3A_131 = arith.constant 0 : i32
      %dma_wait3A_132 = arith.constant 0 : i32
      %dma_wait3A_133 = tpu.memref_slice %arg2[%dma_wait3A_131, %dma_wait3A_132] : memref<10000x128xf32, #tpu.memory_space<hbm>> -> memref<10000x128xf32, #tpu.memory_space<hbm>>
      tpu.wait_indirect_dma semaphore(%arg13 : memref<!tpu.dma_semaphore, #tpu.memory_space<semaphore_mem>>) src(%dma_wait3A_133 : memref<10000x128xf32, #tpu.memory_space<hbm>>) dst(%arg11 : memref<128x128xf32, #tpu.memory_space<vmem>>)
      %run_scoped3A_134 = arith.constant 4 : i32
      "tpu.region"() ({
        %run_scoped3A_173 = tpu.sem_alloc : memref<!tpu.dma_semaphore, #tpu.memory_space<semaphore_mem>>
        %dma_start3A_174 = arith.constant 0 : i32
        %dma_start3A_175 = tpu.memref_slice %arg10[%run_scoped3A_134, %dma_start3A_174] : memref<8x128xi32, #tpu.memory_space<vmem>> -> memref<1x128xi32, #tpu.memory_space<vmem>>
        %dma_start3A_176 = tpu.memref_squeeze %dma_start3A_175 : memref<1x128xi32, #tpu.memory_space<vmem>> -> memref<128xi32, #tpu.memory_space<vmem>>
        %dma_start3A_177 = arith.constant 0 : i32
        %dma_start3A_178 = arith.constant 0 : i32
        %dma_start3A_179 = tpu.memref_slice %arg8[%dma_start3A_177, %dma_start3A_178] : memref<10240x128xf32, #tpu.memory_space<vmem_shared>> -> memref<10240x128xf32, #tpu.memory_space<vmem_shared>>
        tpu.enqueue_indirect_dma source(%arg11 : memref<128x128xf32, #tpu.memory_space<vmem>>) target(%dma_start3A_179 : memref<10240x128xf32, #tpu.memory_space<vmem_shared>>) offsets(%dma_start3A_176 : memref<128xi32, #tpu.memory_space<vmem>>) semaphore(%run_scoped3A_173 : memref<!tpu.dma_semaphore, #tpu.memory_space<semaphore_mem>>) {add = true}
        %dma_wait3A_180 = arith.constant 0 : i32
        %dma_wait3A_181 = tpu.memref_slice %arg10[%run_scoped3A_134, %dma_wait3A_180] : memref<8x128xi32, #tpu.memory_space<vmem>> -> memref<1x128xi32, #tpu.memory_space<vmem>>
        %dma_wait3A_182 = tpu.memref_squeeze %dma_wait3A_181 : memref<1x128xi32, #tpu.memory_space<vmem>> -> memref<128xi32, #tpu.memory_space<vmem>>
        %dma_wait3A_183 = arith.constant 0 : i32
        %dma_wait3A_184 = arith.constant 0 : i32
        %dma_wait3A_185 = tpu.memref_slice %arg8[%dma_wait3A_183, %dma_wait3A_184] : memref<10240x128xf32, #tpu.memory_space<vmem_shared>> -> memref<10240x128xf32, #tpu.memory_space<vmem_shared>>
        tpu.wait_indirect_dma semaphore(%run_scoped3A_173 : memref<!tpu.dma_semaphore, #tpu.memory_space<semaphore_mem>>) src(%arg11 : memref<128x128xf32, #tpu.memory_space<vmem>>) dst(%dma_wait3A_185 : memref<10240x128xf32, #tpu.memory_space<vmem_shared>>)
        tpu.yield
      }) : () -> ()
      %dma_start3A_135 = arith.constant 6 : i32
      %dma_start3A_136 = arith.constant 0 : i32
      %dma_start3A_137 = tpu.memref_slice %arg9[%dma_start3A_135, %dma_start3A_136] : memref<8x128xi32, #tpu.memory_space<vmem>> -> memref<1x128xi32, #tpu.memory_space<vmem>>
      %dma_start3A_138 = tpu.memref_squeeze %dma_start3A_137 : memref<1x128xi32, #tpu.memory_space<vmem>> -> memref<128xi32, #tpu.memory_space<vmem>>
      %dma_start3A_139 = arith.constant 0 : i32
      %dma_start3A_140 = arith.constant 0 : i32
      %dma_start3A_141 = tpu.memref_slice %arg2[%dma_start3A_139, %dma_start3A_140] : memref<10000x128xf32, #tpu.memory_space<hbm>> -> memref<10000x128xf32, #tpu.memory_space<hbm>>
      tpu.enqueue_indirect_dma source(%dma_start3A_141 : memref<10000x128xf32, #tpu.memory_space<hbm>>) target(%arg11 : memref<128x128xf32, #tpu.memory_space<vmem>>) offsets(%dma_start3A_138 : memref<128xi32, #tpu.memory_space<vmem>>) semaphore(%arg13 : memref<!tpu.dma_semaphore, #tpu.memory_space<semaphore_mem>>)
      %dma_wait3A_142 = arith.constant 5 : i32
      %dma_wait3A_143 = arith.constant 0 : i32
      %dma_wait3A_144 = tpu.memref_slice %arg9[%dma_wait3A_142, %dma_wait3A_143] : memref<8x128xi32, #tpu.memory_space<vmem>> -> memref<1x128xi32, #tpu.memory_space<vmem>>
      %dma_wait3A_145 = tpu.memref_squeeze %dma_wait3A_144 : memref<1x128xi32, #tpu.memory_space<vmem>> -> memref<128xi32, #tpu.memory_space<vmem>>
      %dma_wait3A_146 = arith.constant 0 : i32
      %dma_wait3A_147 = arith.constant 0 : i32
      %dma_wait3A_148 = tpu.memref_slice %arg2[%dma_wait3A_146, %dma_wait3A_147] : memref<10000x128xf32, #tpu.memory_space<hbm>> -> memref<10000x128xf32, #tpu.memory_space<hbm>>
      tpu.wait_indirect_dma semaphore(%arg14 : memref<!tpu.dma_semaphore, #tpu.memory_space<semaphore_mem>>) src(%dma_wait3A_148 : memref<10000x128xf32, #tpu.memory_space<hbm>>) dst(%arg12 : memref<128x128xf32, #tpu.memory_space<vmem>>)
      %run_scoped3A_149 = arith.constant 5 : i32
      "tpu.region"() ({
        %run_scoped3A_173 = tpu.sem_alloc : memref<!tpu.dma_semaphore, #tpu.memory_space<semaphore_mem>>
        %dma_start3A_174 = arith.constant 0 : i32
        %dma_start3A_175 = tpu.memref_slice %arg10[%run_scoped3A_149, %dma_start3A_174] : memref<8x128xi32, #tpu.memory_space<vmem>> -> memref<1x128xi32, #tpu.memory_space<vmem>>
        %dma_start3A_176 = tpu.memref_squeeze %dma_start3A_175 : memref<1x128xi32, #tpu.memory_space<vmem>> -> memref<128xi32, #tpu.memory_space<vmem>>
        %dma_start3A_177 = arith.constant 0 : i32
        %dma_start3A_178 = arith.constant 0 : i32
        %dma_start3A_179 = tpu.memref_slice %arg8[%dma_start3A_177, %dma_start3A_178] : memref<10240x128xf32, #tpu.memory_space<vmem_shared>> -> memref<10240x128xf32, #tpu.memory_space<vmem_shared>>
        tpu.enqueue_indirect_dma source(%arg12 : memref<128x128xf32, #tpu.memory_space<vmem>>) target(%dma_start3A_179 : memref<10240x128xf32, #tpu.memory_space<vmem_shared>>) offsets(%dma_start3A_176 : memref<128xi32, #tpu.memory_space<vmem>>) semaphore(%run_scoped3A_173 : memref<!tpu.dma_semaphore, #tpu.memory_space<semaphore_mem>>) {add = true}
        %dma_wait3A_180 = arith.constant 0 : i32
        %dma_wait3A_181 = tpu.memref_slice %arg10[%run_scoped3A_149, %dma_wait3A_180] : memref<8x128xi32, #tpu.memory_space<vmem>> -> memref<1x128xi32, #tpu.memory_space<vmem>>
        %dma_wait3A_182 = tpu.memref_squeeze %dma_wait3A_181 : memref<1x128xi32, #tpu.memory_space<vmem>> -> memref<128xi32, #tpu.memory_space<vmem>>
        %dma_wait3A_183 = arith.constant 0 : i32
        %dma_wait3A_184 = arith.constant 0 : i32
        %dma_wait3A_185 = tpu.memref_slice %arg8[%dma_wait3A_183, %dma_wait3A_184] : memref<10240x128xf32, #tpu.memory_space<vmem_shared>> -> memref<10240x128xf32, #tpu.memory_space<vmem_shared>>
        tpu.wait_indirect_dma semaphore(%run_scoped3A_173 : memref<!tpu.dma_semaphore, #tpu.memory_space<semaphore_mem>>) src(%arg12 : memref<128x128xf32, #tpu.memory_space<vmem>>) dst(%dma_wait3A_185 : memref<10240x128xf32, #tpu.memory_space<vmem_shared>>)
        tpu.yield
      }) : () -> ()
      %dma_start3A_150 = arith.constant 7 : i32
      %dma_start3A_151 = arith.constant 0 : i32
      %dma_start3A_152 = tpu.memref_slice %arg9[%dma_start3A_150, %dma_start3A_151] : memref<8x128xi32, #tpu.memory_space<vmem>> -> memref<1x128xi32, #tpu.memory_space<vmem>>
      %dma_start3A_153 = tpu.memref_squeeze %dma_start3A_152 : memref<1x128xi32, #tpu.memory_space<vmem>> -> memref<128xi32, #tpu.memory_space<vmem>>
      %dma_start3A_154 = arith.constant 0 : i32
      %dma_start3A_155 = arith.constant 0 : i32
      %dma_start3A_156 = tpu.memref_slice %arg2[%dma_start3A_154, %dma_start3A_155] : memref<10000x128xf32, #tpu.memory_space<hbm>> -> memref<10000x128xf32, #tpu.memory_space<hbm>>
      tpu.enqueue_indirect_dma source(%dma_start3A_156 : memref<10000x128xf32, #tpu.memory_space<hbm>>) target(%arg12 : memref<128x128xf32, #tpu.memory_space<vmem>>) offsets(%dma_start3A_153 : memref<128xi32, #tpu.memory_space<vmem>>) semaphore(%arg14 : memref<!tpu.dma_semaphore, #tpu.memory_space<semaphore_mem>>)
      %dma_wait3A_157 = arith.constant 6 : i32
      %dma_wait3A_158 = arith.constant 0 : i32
      %dma_wait3A_159 = tpu.memref_slice %arg9[%dma_wait3A_157, %dma_wait3A_158] : memref<8x128xi32, #tpu.memory_space<vmem>> -> memref<1x128xi32, #tpu.memory_space<vmem>>
      %dma_wait3A_160 = tpu.memref_squeeze %dma_wait3A_159 : memref<1x128xi32, #tpu.memory_space<vmem>> -> memref<128xi32, #tpu.memory_space<vmem>>
      %dma_wait3A_161 = arith.constant 0 : i32
      %dma_wait3A_162 = arith.constant 0 : i32
      %dma_wait3A_163 = tpu.memref_slice %arg2[%dma_wait3A_161, %dma_wait3A_162] : memref<10000x128xf32, #tpu.memory_space<hbm>> -> memref<10000x128xf32, #tpu.memory_space<hbm>>
      tpu.wait_indirect_dma semaphore(%arg13 : memref<!tpu.dma_semaphore, #tpu.memory_space<semaphore_mem>>) src(%dma_wait3A_163 : memref<10000x128xf32, #tpu.memory_space<hbm>>) dst(%arg11 : memref<128x128xf32, #tpu.memory_space<vmem>>)
      %run_scoped3A_164 = arith.constant 6 : i32
      "tpu.region"() ({
        %run_scoped3A_173 = tpu.sem_alloc : memref<!tpu.dma_semaphore, #tpu.memory_space<semaphore_mem>>
        %dma_start3A_174 = arith.constant 0 : i32
        %dma_start3A_175 = tpu.memref_slice %arg10[%run_scoped3A_164, %dma_start3A_174] : memref<8x128xi32, #tpu.memory_space<vmem>> -> memref<1x128xi32, #tpu.memory_space<vmem>>
        %dma_start3A_176 = tpu.memref_squeeze %dma_start3A_175 : memref<1x128xi32, #tpu.memory_space<vmem>> -> memref<128xi32, #tpu.memory_space<vmem>>
        %dma_start3A_177 = arith.constant 0 : i32
        %dma_start3A_178 = arith.constant 0 : i32
        %dma_start3A_179 = tpu.memref_slice %arg8[%dma_start3A_177, %dma_start3A_178] : memref<10240x128xf32, #tpu.memory_space<vmem_shared>> -> memref<10240x128xf32, #tpu.memory_space<vmem_shared>>
        tpu.enqueue_indirect_dma source(%arg11 : memref<128x128xf32, #tpu.memory_space<vmem>>) target(%dma_start3A_179 : memref<10240x128xf32, #tpu.memory_space<vmem_shared>>) offsets(%dma_start3A_176 : memref<128xi32, #tpu.memory_space<vmem>>) semaphore(%run_scoped3A_173 : memref<!tpu.dma_semaphore, #tpu.memory_space<semaphore_mem>>) {add = true}
        %dma_wait3A_180 = arith.constant 0 : i32
        %dma_wait3A_181 = tpu.memref_slice %arg10[%run_scoped3A_164, %dma_wait3A_180] : memref<8x128xi32, #tpu.memory_space<vmem>> -> memref<1x128xi32, #tpu.memory_space<vmem>>
        %dma_wait3A_182 = tpu.memref_squeeze %dma_wait3A_181 : memref<1x128xi32, #tpu.memory_space<vmem>> -> memref<128xi32, #tpu.memory_space<vmem>>
        %dma_wait3A_183 = arith.constant 0 : i32
        %dma_wait3A_184 = arith.constant 0 : i32
        %dma_wait3A_185 = tpu.memref_slice %arg8[%dma_wait3A_183, %dma_wait3A_184] : memref<10240x128xf32, #tpu.memory_space<vmem_shared>> -> memref<10240x128xf32, #tpu.memory_space<vmem_shared>>
        tpu.wait_indirect_dma semaphore(%run_scoped3A_173 : memref<!tpu.dma_semaphore, #tpu.memory_space<semaphore_mem>>) src(%arg11 : memref<128x128xf32, #tpu.memory_space<vmem>>) dst(%dma_wait3A_185 : memref<10240x128xf32, #tpu.memory_space<vmem_shared>>)
        tpu.yield
      }) : () -> ()
      %dma_wait3A_165 = arith.constant 7 : i32
      %dma_wait3A_166 = arith.constant 0 : i32
      %dma_wait3A_167 = tpu.memref_slice %arg9[%dma_wait3A_165, %dma_wait3A_166] : memref<8x128xi32, #tpu.memory_space<vmem>> -> memref<1x128xi32, #tpu.memory_space<vmem>>
      %dma_wait3A_168 = tpu.memref_squeeze %dma_wait3A_167 : memref<1x128xi32, #tpu.memory_space<vmem>> -> memref<128xi32, #tpu.memory_space<vmem>>
      %dma_wait3A_169 = arith.constant 0 : i32
      %dma_wait3A_170 = arith.constant 0 : i32
      %dma_wait3A_171 = tpu.memref_slice %arg2[%dma_wait3A_169, %dma_wait3A_170] : memref<10000x128xf32, #tpu.memory_space<hbm>> -> memref<10000x128xf32, #tpu.memory_space<hbm>>
      tpu.wait_indirect_dma semaphore(%arg14 : memref<!tpu.dma_semaphore, #tpu.memory_space<semaphore_mem>>) src(%dma_wait3A_171 : memref<10000x128xf32, #tpu.memory_space<hbm>>) dst(%arg12 : memref<128x128xf32, #tpu.memory_space<vmem>>)
      %run_scoped3A_172 = arith.constant 7 : i32
      "tpu.region"() ({
        %run_scoped3A_173 = tpu.sem_alloc : memref<!tpu.dma_semaphore, #tpu.memory_space<semaphore_mem>>
        %dma_start3A_174 = arith.constant 0 : i32
        %dma_start3A_175 = tpu.memref_slice %arg10[%run_scoped3A_172, %dma_start3A_174] : memref<8x128xi32, #tpu.memory_space<vmem>> -> memref<1x128xi32, #tpu.memory_space<vmem>>
        %dma_start3A_176 = tpu.memref_squeeze %dma_start3A_175 : memref<1x128xi32, #tpu.memory_space<vmem>> -> memref<128xi32, #tpu.memory_space<vmem>>
        %dma_start3A_177 = arith.constant 0 : i32
        %dma_start3A_178 = arith.constant 0 : i32
        %dma_start3A_179 = tpu.memref_slice %arg8[%dma_start3A_177, %dma_start3A_178] : memref<10240x128xf32, #tpu.memory_space<vmem_shared>> -> memref<10240x128xf32, #tpu.memory_space<vmem_shared>>
        tpu.enqueue_indirect_dma source(%arg12 : memref<128x128xf32, #tpu.memory_space<vmem>>) target(%dma_start3A_179 : memref<10240x128xf32, #tpu.memory_space<vmem_shared>>) offsets(%dma_start3A_176 : memref<128xi32, #tpu.memory_space<vmem>>) semaphore(%run_scoped3A_173 : memref<!tpu.dma_semaphore, #tpu.memory_space<semaphore_mem>>) {add = true}
        %dma_wait3A_180 = arith.constant 0 : i32
        %dma_wait3A_181 = tpu.memref_slice %arg10[%run_scoped3A_172, %dma_wait3A_180] : memref<8x128xi32, #tpu.memory_space<vmem>> -> memref<1x128xi32, #tpu.memory_space<vmem>>
        %dma_wait3A_182 = tpu.memref_squeeze %dma_wait3A_181 : memref<1x128xi32, #tpu.memory_space<vmem>> -> memref<128xi32, #tpu.memory_space<vmem>>
        %dma_wait3A_183 = arith.constant 0 : i32
        %dma_wait3A_184 = arith.constant 0 : i32
        %dma_wait3A_185 = tpu.memref_slice %arg8[%dma_wait3A_183, %dma_wait3A_184] : memref<10240x128xf32, #tpu.memory_space<vmem_shared>> -> memref<10240x128xf32, #tpu.memory_space<vmem_shared>>
        tpu.wait_indirect_dma semaphore(%run_scoped3A_173 : memref<!tpu.dma_semaphore, #tpu.memory_space<semaphore_mem>>) src(%arg12 : memref<128x128xf32, #tpu.memory_space<vmem>>) dst(%dma_wait3A_185 : memref<10240x128xf32, #tpu.memory_space<vmem_shared>>)
        tpu.yield
      }) : () -> ()
    }
    %while3A_42 = arith.constant 1 : i32
    scf.for %while3A_52 = %while3A_40 to %while3A_36 step %while3A_42  : i32 {
      %mul3A_53 = arith.constant 8 : i32
      %mul3A_54 = arith.muli %while3A_52, %mul3A_53 : i32
      %add3A_55 = arith.addi %select_n3A, %mul3A_54 : i32
      "tpu.region"() ({
        %run_scoped3A_173 = tpu.sem_alloc : memref<!tpu.dma_semaphore, #tpu.memory_space<semaphore_mem>>
        %dma_start3A_174 = arith.constant 0 : i32
        %dma_start3A_175 = tpu.memref_slice %arg4[%add3A_55, %dma_start3A_174] : memref<2560x128xi32, #tpu.memory_space<hbm>> -> memref<8x128xi32, #tpu.memory_space<hbm>>
        %dma_start3A_176 = arith.constant 0 : i32
        %dma_start3A_177 = tpu.memref_slice %arg4[%add3A_55, %dma_start3A_176] : memref<2560x128xi32, #tpu.memory_space<hbm>> -> memref<8x128xi32, #tpu.memory_space<hbm>>
        tpu.enqueue_dma source(%dma_start3A_177 : memref<8x128xi32, #tpu.memory_space<hbm>>) target(%arg9 : memref<8x128xi32, #tpu.memory_space<vmem>>) target_semaphore(%run_scoped3A_173 : memref<!tpu.dma_semaphore, #tpu.memory_space<semaphore_mem>>)
        %dma_wait3A_178 = arith.constant 0 : i32
        %dma_wait3A_179 = tpu.memref_slice %arg4[%add3A_55, %dma_wait3A_178] : memref<2560x128xi32, #tpu.memory_space<hbm>> -> memref<8x128xi32, #tpu.memory_space<hbm>>
        %dma_wait3A_180 = arith.constant 0 : i32
        %dma_wait3A_181 = tpu.memref_slice %arg4[%add3A_55, %dma_wait3A_180] : memref<2560x128xi32, #tpu.memory_space<hbm>> -> memref<8x128xi32, #tpu.memory_space<hbm>>
        tpu.wait_dma2 semaphore(%run_scoped3A_173 : memref<!tpu.dma_semaphore, #tpu.memory_space<semaphore_mem>>) src(%dma_wait3A_181 : memref<8x128xi32, #tpu.memory_space<hbm>>) dst(%arg9 : memref<8x128xi32, #tpu.memory_space<vmem>>)
        tpu.yield
      }) : () -> ()
      "tpu.region"() ({
        %run_scoped3A_173 = tpu.sem_alloc : memref<!tpu.dma_semaphore, #tpu.memory_space<semaphore_mem>>
        %dma_start3A_174 = arith.constant 0 : i32
        %dma_start3A_175 = tpu.memref_slice %arg5[%add3A_55, %dma_start3A_174] : memref<2560x128xi32, #tpu.memory_space<hbm>> -> memref<8x128xi32, #tpu.memory_space<hbm>>
        %dma_start3A_176 = arith.constant 0 : i32
        %dma_start3A_177 = tpu.memref_slice %arg5[%add3A_55, %dma_start3A_176] : memref<2560x128xi32, #tpu.memory_space<hbm>> -> memref<8x128xi32, #tpu.memory_space<hbm>>
        tpu.enqueue_dma source(%dma_start3A_177 : memref<8x128xi32, #tpu.memory_space<hbm>>) target(%arg10 : memref<8x128xi32, #tpu.memory_space<vmem>>) target_semaphore(%run_scoped3A_173 : memref<!tpu.dma_semaphore, #tpu.memory_space<semaphore_mem>>)
        %dma_wait3A_178 = arith.constant 0 : i32
        %dma_wait3A_179 = tpu.memref_slice %arg5[%add3A_55, %dma_wait3A_178] : memref<2560x128xi32, #tpu.memory_space<hbm>> -> memref<8x128xi32, #tpu.memory_space<hbm>>
        %dma_wait3A_180 = arith.constant 0 : i32
        %dma_wait3A_181 = tpu.memref_slice %arg5[%add3A_55, %dma_wait3A_180] : memref<2560x128xi32, #tpu.memory_space<hbm>> -> memref<8x128xi32, #tpu.memory_space<hbm>>
        tpu.wait_dma2 semaphore(%run_scoped3A_173 : memref<!tpu.dma_semaphore, #tpu.memory_space<semaphore_mem>>) src(%dma_wait3A_181 : memref<8x128xi32, #tpu.memory_space<hbm>>) dst(%arg10 : memref<8x128xi32, #tpu.memory_space<vmem>>)
        tpu.yield
      }) : () -> ()
      %dma_start3A = arith.constant 0 : i32
      %dma_start3A_56 = arith.constant 0 : i32
      %dma_start3A_57 = tpu.memref_slice %arg9[%dma_start3A, %dma_start3A_56] : memref<8x128xi32, #tpu.memory_space<vmem>> -> memref<1x128xi32, #tpu.memory_space<vmem>>
      %dma_start3A_58 = tpu.memref_squeeze %dma_start3A_57 : memref<1x128xi32, #tpu.memory_space<vmem>> -> memref<128xi32, #tpu.memory_space<vmem>>
      %dma_start3A_59 = arith.constant 0 : i32
      %dma_start3A_60 = arith.constant 0 : i32
      %dma_start3A_61 = tpu.memref_slice %arg2[%dma_start3A_59, %dma_start3A_60] : memref<10000x128xf32, #tpu.memory_space<hbm>> -> memref<10000x128xf32, #tpu.memory_space<hbm>>
      tpu.enqueue_indirect_dma source(%dma_start3A_61 : memref<10000x128xf32, #tpu.memory_space<hbm>>) target(%arg11 : memref<128x128xf32, #tpu.memory_space<vmem>>) offsets(%dma_start3A_58 : memref<128xi32, #tpu.memory_space<vmem>>) semaphore(%arg13 : memref<!tpu.dma_semaphore, #tpu.memory_space<semaphore_mem>>)
      %dma_start3A_62 = arith.constant 1 : i32
      %dma_start3A_63 = arith.constant 0 : i32
      %dma_start3A_64 = tpu.memref_slice %arg9[%dma_start3A_62, %dma_start3A_63] : memref<8x128xi32, #tpu.memory_space<vmem>> -> memref<1x128xi32, #tpu.memory_space<vmem>>
      %dma_start3A_65 = tpu.memref_squeeze %dma_start3A_64 : memref<1x128xi32, #tpu.memory_space<vmem>> -> memref<128xi32, #tpu.memory_space<vmem>>
      %dma_start3A_66 = arith.constant 0 : i32
      %dma_start3A_67 = arith.constant 0 : i32
      %dma_start3A_68 = tpu.memref_slice %arg2[%dma_start3A_66, %dma_start3A_67] : memref<10000x128xf32, #tpu.memory_space<hbm>> -> memref<10000x128xf32, #tpu.memory_space<hbm>>
      tpu.enqueue_indirect_dma source(%dma_start3A_68 : memref<10000x128xf32, #tpu.memory_space<hbm>>) target(%arg12 : memref<128x128xf32, #tpu.memory_space<vmem>>) offsets(%dma_start3A_65 : memref<128xi32, #tpu.memory_space<vmem>>) semaphore(%arg14 : memref<!tpu.dma_semaphore, #tpu.memory_space<semaphore_mem>>)
      %dma_wait3A = arith.constant 0 : i32
      %dma_wait3A_69 = arith.constant 0 : i32
      %dma_wait3A_70 = tpu.memref_slice %arg9[%dma_wait3A, %dma_wait3A_69] : memref<8x128xi32, #tpu.memory_space<vmem>> -> memref<1x128xi32, #tpu.memory_space<vmem>>
      %dma_wait3A_71 = tpu.memref_squeeze %dma_wait3A_70 : memref<1x128xi32, #tpu.memory_space<vmem>> -> memref<128xi32, #tpu.memory_space<vmem>>
      %dma_wait3A_72 = arith.constant 0 : i32
      %dma_wait3A_73 = arith.constant 0 : i32
      %dma_wait3A_74 = tpu.memref_slice %arg2[%dma_wait3A_72, %dma_wait3A_73] : memref<10000x128xf32, #tpu.memory_space<hbm>> -> memref<10000x128xf32, #tpu.memory_space<hbm>>
      tpu.wait_indirect_dma semaphore(%arg13 : memref<!tpu.dma_semaphore, #tpu.memory_space<semaphore_mem>>) src(%dma_wait3A_74 : memref<10000x128xf32, #tpu.memory_space<hbm>>) dst(%arg11 : memref<128x128xf32, #tpu.memory_space<vmem>>)
      %run_scoped3A = arith.constant 0 : i32
      "tpu.region"() ({
        %run_scoped3A_173 = tpu.sem_alloc : memref<!tpu.dma_semaphore, #tpu.memory_space<semaphore_mem>>
        %dma_start3A_174 = arith.constant 0 : i32
        %dma_start3A_175 = tpu.memref_slice %arg10[%run_scoped3A, %dma_start3A_174] : memref<8x128xi32, #tpu.memory_space<vmem>> -> memref<1x128xi32, #tpu.memory_space<vmem>>
        %dma_start3A_176 = tpu.memref_squeeze %dma_start3A_175 : memref<1x128xi32, #tpu.memory_space<vmem>> -> memref<128xi32, #tpu.memory_space<vmem>>
        %dma_start3A_177 = arith.constant 0 : i32
        %dma_start3A_178 = arith.constant 0 : i32
        %dma_start3A_179 = tpu.memref_slice %arg8[%dma_start3A_177, %dma_start3A_178] : memref<10240x128xf32, #tpu.memory_space<vmem_shared>> -> memref<10240x128xf32, #tpu.memory_space<vmem_shared>>
        tpu.enqueue_indirect_dma source(%arg11 : memref<128x128xf32, #tpu.memory_space<vmem>>) target(%dma_start3A_179 : memref<10240x128xf32, #tpu.memory_space<vmem_shared>>) offsets(%dma_start3A_176 : memref<128xi32, #tpu.memory_space<vmem>>) semaphore(%run_scoped3A_173 : memref<!tpu.dma_semaphore, #tpu.memory_space<semaphore_mem>>) {add = true}
        %dma_wait3A_180 = arith.constant 0 : i32
        %dma_wait3A_181 = tpu.memref_slice %arg10[%run_scoped3A, %dma_wait3A_180] : memref<8x128xi32, #tpu.memory_space<vmem>> -> memref<1x128xi32, #tpu.memory_space<vmem>>
        %dma_wait3A_182 = tpu.memref_squeeze %dma_wait3A_181 : memref<1x128xi32, #tpu.memory_space<vmem>> -> memref<128xi32, #tpu.memory_space<vmem>>
        %dma_wait3A_183 = arith.constant 0 : i32
        %dma_wait3A_184 = arith.constant 0 : i32
        %dma_wait3A_185 = tpu.memref_slice %arg8[%dma_wait3A_183, %dma_wait3A_184] : memref<10240x128xf32, #tpu.memory_space<vmem_shared>> -> memref<10240x128xf32, #tpu.memory_space<vmem_shared>>
        tpu.wait_indirect_dma semaphore(%run_scoped3A_173 : memref<!tpu.dma_semaphore, #tpu.memory_space<semaphore_mem>>) src(%arg11 : memref<128x128xf32, #tpu.memory_space<vmem>>) dst(%dma_wait3A_185 : memref<10240x128xf32, #tpu.memory_space<vmem_shared>>)
        tpu.yield
      }) : () -> ()
      %dma_start3A_75 = arith.constant 2 : i32
      %dma_start3A_76 = arith.constant 0 : i32
      %dma_start3A_77 = tpu.memref_slice %arg9[%dma_start3A_75, %dma_start3A_76] : memref<8x128xi32, #tpu.memory_space<vmem>> -> memref<1x128xi32, #tpu.memory_space<vmem>>
      %dma_start3A_78 = tpu.memref_squeeze %dma_start3A_77 : memref<1x128xi32, #tpu.memory_space<vmem>> -> memref<128xi32, #tpu.memory_space<vmem>>
      %dma_start3A_79 = arith.constant 0 : i32
      %dma_start3A_80 = arith.constant 0 : i32
      %dma_start3A_81 = tpu.memref_slice %arg2[%dma_start3A_79, %dma_start3A_80] : memref<10000x128xf32, #tpu.memory_space<hbm>> -> memref<10000x128xf32, #tpu.memory_space<hbm>>
      tpu.enqueue_indirect_dma source(%dma_start3A_81 : memref<10000x128xf32, #tpu.memory_space<hbm>>) target(%arg11 : memref<128x128xf32, #tpu.memory_space<vmem>>) offsets(%dma_start3A_78 : memref<128xi32, #tpu.memory_space<vmem>>) semaphore(%arg13 : memref<!tpu.dma_semaphore, #tpu.memory_space<semaphore_mem>>)
      %dma_wait3A_82 = arith.constant 1 : i32
      %dma_wait3A_83 = arith.constant 0 : i32
      %dma_wait3A_84 = tpu.memref_slice %arg9[%dma_wait3A_82, %dma_wait3A_83] : memref<8x128xi32, #tpu.memory_space<vmem>> -> memref<1x128xi32, #tpu.memory_space<vmem>>
      %dma_wait3A_85 = tpu.memref_squeeze %dma_wait3A_84 : memref<1x128xi32, #tpu.memory_space<vmem>> -> memref<128xi32, #tpu.memory_space<vmem>>
      %dma_wait3A_86 = arith.constant 0 : i32
      %dma_wait3A_87 = arith.constant 0 : i32
      %dma_wait3A_88 = tpu.memref_slice %arg2[%dma_wait3A_86, %dma_wait3A_87] : memref<10000x128xf32, #tpu.memory_space<hbm>> -> memref<10000x128xf32, #tpu.memory_space<hbm>>
      tpu.wait_indirect_dma semaphore(%arg14 : memref<!tpu.dma_semaphore, #tpu.memory_space<semaphore_mem>>) src(%dma_wait3A_88 : memref<10000x128xf32, #tpu.memory_space<hbm>>) dst(%arg12 : memref<128x128xf32, #tpu.memory_space<vmem>>)
      %run_scoped3A_89 = arith.constant 1 : i32
      "tpu.region"() ({
        %run_scoped3A_173 = tpu.sem_alloc : memref<!tpu.dma_semaphore, #tpu.memory_space<semaphore_mem>>
        %dma_start3A_174 = arith.constant 0 : i32
        %dma_start3A_175 = tpu.memref_slice %arg10[%run_scoped3A_89, %dma_start3A_174] : memref<8x128xi32, #tpu.memory_space<vmem>> -> memref<1x128xi32, #tpu.memory_space<vmem>>
        %dma_start3A_176 = tpu.memref_squeeze %dma_start3A_175 : memref<1x128xi32, #tpu.memory_space<vmem>> -> memref<128xi32, #tpu.memory_space<vmem>>
        %dma_start3A_177 = arith.constant 0 : i32
        %dma_start3A_178 = arith.constant 0 : i32
        %dma_start3A_179 = tpu.memref_slice %arg8[%dma_start3A_177, %dma_start3A_178] : memref<10240x128xf32, #tpu.memory_space<vmem_shared>> -> memref<10240x128xf32, #tpu.memory_space<vmem_shared>>
        tpu.enqueue_indirect_dma source(%arg12 : memref<128x128xf32, #tpu.memory_space<vmem>>) target(%dma_start3A_179 : memref<10240x128xf32, #tpu.memory_space<vmem_shared>>) offsets(%dma_start3A_176 : memref<128xi32, #tpu.memory_space<vmem>>) semaphore(%run_scoped3A_173 : memref<!tpu.dma_semaphore, #tpu.memory_space<semaphore_mem>>) {add = true}
        %dma_wait3A_180 = arith.constant 0 : i32
        %dma_wait3A_181 = tpu.memref_slice %arg10[%run_scoped3A_89, %dma_wait3A_180] : memref<8x128xi32, #tpu.memory_space<vmem>> -> memref<1x128xi32, #tpu.memory_space<vmem>>
        %dma_wait3A_182 = tpu.memref_squeeze %dma_wait3A_181 : memref<1x128xi32, #tpu.memory_space<vmem>> -> memref<128xi32, #tpu.memory_space<vmem>>
        %dma_wait3A_183 = arith.constant 0 : i32
        %dma_wait3A_184 = arith.constant 0 : i32
        %dma_wait3A_185 = tpu.memref_slice %arg8[%dma_wait3A_183, %dma_wait3A_184] : memref<10240x128xf32, #tpu.memory_space<vmem_shared>> -> memref<10240x128xf32, #tpu.memory_space<vmem_shared>>
        tpu.wait_indirect_dma semaphore(%run_scoped3A_173 : memref<!tpu.dma_semaphore, #tpu.memory_space<semaphore_mem>>) src(%arg12 : memref<128x128xf32, #tpu.memory_space<vmem>>) dst(%dma_wait3A_185 : memref<10240x128xf32, #tpu.memory_space<vmem_shared>>)
        tpu.yield
      }) : () -> ()
      %dma_start3A_90 = arith.constant 3 : i32
      %dma_start3A_91 = arith.constant 0 : i32
      %dma_start3A_92 = tpu.memref_slice %arg9[%dma_start3A_90, %dma_start3A_91] : memref<8x128xi32, #tpu.memory_space<vmem>> -> memref<1x128xi32, #tpu.memory_space<vmem>>
      %dma_start3A_93 = tpu.memref_squeeze %dma_start3A_92 : memref<1x128xi32, #tpu.memory_space<vmem>> -> memref<128xi32, #tpu.memory_space<vmem>>
      %dma_start3A_94 = arith.constant 0 : i32
      %dma_start3A_95 = arith.constant 0 : i32
      %dma_start3A_96 = tpu.memref_slice %arg2[%dma_start3A_94, %dma_start3A_95] : memref<10000x128xf32, #tpu.memory_space<hbm>> -> memref<10000x128xf32, #tpu.memory_space<hbm>>
      tpu.enqueue_indirect_dma source(%dma_start3A_96 : memref<10000x128xf32, #tpu.memory_space<hbm>>) target(%arg12 : memref<128x128xf32, #tpu.memory_space<vmem>>) offsets(%dma_start3A_93 : memref<128xi32, #tpu.memory_space<vmem>>) semaphore(%arg14 : memref<!tpu.dma_semaphore, #tpu.memory_space<semaphore_mem>>)
      %dma_wait3A_97 = arith.constant 2 : i32
      %dma_wait3A_98 = arith.constant 0 : i32
      %dma_wait3A_99 = tpu.memref_slice %arg9[%dma_wait3A_97, %dma_wait3A_98] : memref<8x128xi32, #tpu.memory_space<vmem>> -> memref<1x128xi32, #tpu.memory_space<vmem>>
      %dma_wait3A_100 = tpu.memref_squeeze %dma_wait3A_99 : memref<1x128xi32, #tpu.memory_space<vmem>> -> memref<128xi32, #tpu.memory_space<vmem>>
      %dma_wait3A_101 = arith.constant 0 : i32
      %dma_wait3A_102 = arith.constant 0 : i32
      %dma_wait3A_103 = tpu.memref_slice %arg2[%dma_wait3A_101, %dma_wait3A_102] : memref<10000x128xf32, #tpu.memory_space<hbm>> -> memref<10000x128xf32, #tpu.memory_space<hbm>>
      tpu.wait_indirect_dma semaphore(%arg13 : memref<!tpu.dma_semaphore, #tpu.memory_space<semaphore_mem>>) src(%dma_wait3A_103 : memref<10000x128xf32, #tpu.memory_space<hbm>>) dst(%arg11 : memref<128x128xf32, #tpu.memory_space<vmem>>)
      %run_scoped3A_104 = arith.constant 2 : i32
      "tpu.region"() ({
        %run_scoped3A_173 = tpu.sem_alloc : memref<!tpu.dma_semaphore, #tpu.memory_space<semaphore_mem>>
        %dma_start3A_174 = arith.constant 0 : i32
        %dma_start3A_175 = tpu.memref_slice %arg10[%run_scoped3A_104, %dma_start3A_174] : memref<8x128xi32, #tpu.memory_space<vmem>> -> memref<1x128xi32, #tpu.memory_space<vmem>>
        %dma_start3A_176 = tpu.memref_squeeze %dma_start3A_175 : memref<1x128xi32, #tpu.memory_space<vmem>> -> memref<128xi32, #tpu.memory_space<vmem>>
        %dma_start3A_177 = arith.constant 0 : i32
        %dma_start3A_178 = arith.constant 0 : i32
        %dma_start3A_179 = tpu.memref_slice %arg8[%dma_start3A_177, %dma_start3A_178] : memref<10240x128xf32, #tpu.memory_space<vmem_shared>> -> memref<10240x128xf32, #tpu.memory_space<vmem_shared>>
        tpu.enqueue_indirect_dma source(%arg11 : memref<128x128xf32, #tpu.memory_space<vmem>>) target(%dma_start3A_179 : memref<10240x128xf32, #tpu.memory_space<vmem_shared>>) offsets(%dma_start3A_176 : memref<128xi32, #tpu.memory_space<vmem>>) semaphore(%run_scoped3A_173 : memref<!tpu.dma_semaphore, #tpu.memory_space<semaphore_mem>>) {add = true}
        %dma_wait3A_180 = arith.constant 0 : i32
        %dma_wait3A_181 = tpu.memref_slice %arg10[%run_scoped3A_104, %dma_wait3A_180] : memref<8x128xi32, #tpu.memory_space<vmem>> -> memref<1x128xi32, #tpu.memory_space<vmem>>
        %dma_wait3A_182 = tpu.memref_squeeze %dma_wait3A_181 : memref<1x128xi32, #tpu.memory_space<vmem>> -> memref<128xi32, #tpu.memory_space<vmem>>
        %dma_wait3A_183 = arith.constant 0 : i32
        %dma_wait3A_184 = arith.constant 0 : i32
        %dma_wait3A_185 = tpu.memref_slice %arg8[%dma_wait3A_183, %dma_wait3A_184] : memref<10240x128xf32, #tpu.memory_space<vmem_shared>> -> memref<10240x128xf32, #tpu.memory_space<vmem_shared>>
        tpu.wait_indirect_dma semaphore(%run_scoped3A_173 : memref<!tpu.dma_semaphore, #tpu.memory_space<semaphore_mem>>) src(%arg11 : memref<128x128xf32, #tpu.memory_space<vmem>>) dst(%dma_wait3A_185 : memref<10240x128xf32, #tpu.memory_space<vmem_shared>>)
        tpu.yield
      }) : () -> ()
      %dma_start3A_105 = arith.constant 4 : i32
      %dma_start3A_106 = arith.constant 0 : i32
      %dma_start3A_107 = tpu.memref_slice %arg9[%dma_start3A_105, %dma_start3A_106] : memref<8x128xi32, #tpu.memory_space<vmem>> -> memref<1x128xi32, #tpu.memory_space<vmem>>
      %dma_start3A_108 = tpu.memref_squeeze %dma_start3A_107 : memref<1x128xi32, #tpu.memory_space<vmem>> -> memref<128xi32, #tpu.memory_space<vmem>>
      %dma_start3A_109 = arith.constant 0 : i32
      %dma_start3A_110 = arith.constant 0 : i32
      %dma_start3A_111 = tpu.memref_slice %arg2[%dma_start3A_109, %dma_start3A_110] : memref<10000x128xf32, #tpu.memory_space<hbm>> -> memref<10000x128xf32, #tpu.memory_space<hbm>>
      tpu.enqueue_indirect_dma source(%dma_start3A_111 : memref<10000x128xf32, #tpu.memory_space<hbm>>) target(%arg11 : memref<128x128xf32, #tpu.memory_space<vmem>>) offsets(%dma_start3A_108 : memref<128xi32, #tpu.memory_space<vmem>>) semaphore(%arg13 : memref<!tpu.dma_semaphore, #tpu.memory_space<semaphore_mem>>)
      %dma_wait3A_112 = arith.constant 3 : i32
      %dma_wait3A_113 = arith.constant 0 : i32
      %dma_wait3A_114 = tpu.memref_slice %arg9[%dma_wait3A_112, %dma_wait3A_113] : memref<8x128xi32, #tpu.memory_space<vmem>> -> memref<1x128xi32, #tpu.memory_space<vmem>>
      %dma_wait3A_115 = tpu.memref_squeeze %dma_wait3A_114 : memref<1x128xi32, #tpu.memory_space<vmem>> -> memref<128xi32, #tpu.memory_space<vmem>>
      %dma_wait3A_116 = arith.constant 0 : i32
      %dma_wait3A_117 = arith.constant 0 : i32
      %dma_wait3A_118 = tpu.memref_slice %arg2[%dma_wait3A_116, %dma_wait3A_117] : memref<10000x128xf32, #tpu.memory_space<hbm>> -> memref<10000x128xf32, #tpu.memory_space<hbm>>
      tpu.wait_indirect_dma semaphore(%arg14 : memref<!tpu.dma_semaphore, #tpu.memory_space<semaphore_mem>>) src(%dma_wait3A_118 : memref<10000x128xf32, #tpu.memory_space<hbm>>) dst(%arg12 : memref<128x128xf32, #tpu.memory_space<vmem>>)
      %run_scoped3A_119 = arith.constant 3 : i32
      "tpu.region"() ({
        %run_scoped3A_173 = tpu.sem_alloc : memref<!tpu.dma_semaphore, #tpu.memory_space<semaphore_mem>>
        %dma_start3A_174 = arith.constant 0 : i32
        %dma_start3A_175 = tpu.memref_slice %arg10[%run_scoped3A_119, %dma_start3A_174] : memref<8x128xi32, #tpu.memory_space<vmem>> -> memref<1x128xi32, #tpu.memory_space<vmem>>
        %dma_start3A_176 = tpu.memref_squeeze %dma_start3A_175 : memref<1x128xi32, #tpu.memory_space<vmem>> -> memref<128xi32, #tpu.memory_space<vmem>>
        %dma_start3A_177 = arith.constant 0 : i32
        %dma_start3A_178 = arith.constant 0 : i32
        %dma_start3A_179 = tpu.memref_slice %arg8[%dma_start3A_177, %dma_start3A_178] : memref<10240x128xf32, #tpu.memory_space<vmem_shared>> -> memref<10240x128xf32, #tpu.memory_space<vmem_shared>>
        tpu.enqueue_indirect_dma source(%arg12 : memref<128x128xf32, #tpu.memory_space<vmem>>) target(%dma_start3A_179 : memref<10240x128xf32, #tpu.memory_space<vmem_shared>>) offsets(%dma_start3A_176 : memref<128xi32, #tpu.memory_space<vmem>>) semaphore(%run_scoped3A_173 : memref<!tpu.dma_semaphore, #tpu.memory_space<semaphore_mem>>) {add = true}
        %dma_wait3A_180 = arith.constant 0 : i32
        %dma_wait3A_181 = tpu.memref_slice %arg10[%run_scoped3A_119, %dma_wait3A_180] : memref<8x128xi32, #tpu.memory_space<vmem>> -> memref<1x128xi32, #tpu.memory_space<vmem>>
        %dma_wait3A_182 = tpu.memref_squeeze %dma_wait3A_181 : memref<1x128xi32, #tpu.memory_space<vmem>> -> memref<128xi32, #tpu.memory_space<vmem>>
        %dma_wait3A_183 = arith.constant 0 : i32
        %dma_wait3A_184 = arith.constant 0 : i32
        %dma_wait3A_185 = tpu.memref_slice %arg8[%dma_wait3A_183, %dma_wait3A_184] : memref<10240x128xf32, #tpu.memory_space<vmem_shared>> -> memref<10240x128xf32, #tpu.memory_space<vmem_shared>>
        tpu.wait_indirect_dma semaphore(%run_scoped3A_173 : memref<!tpu.dma_semaphore, #tpu.memory_space<semaphore_mem>>) src(%arg12 : memref<128x128xf32, #tpu.memory_space<vmem>>) dst(%dma_wait3A_185 : memref<10240x128xf32, #tpu.memory_space<vmem_shared>>)
        tpu.yield
      }) : () -> ()
      %dma_start3A_120 = arith.constant 5 : i32
      %dma_start3A_121 = arith.constant 0 : i32
      %dma_start3A_122 = tpu.memref_slice %arg9[%dma_start3A_120, %dma_start3A_121] : memref<8x128xi32, #tpu.memory_space<vmem>> -> memref<1x128xi32, #tpu.memory_space<vmem>>
      %dma_start3A_123 = tpu.memref_squeeze %dma_start3A_122 : memref<1x128xi32, #tpu.memory_space<vmem>> -> memref<128xi32, #tpu.memory_space<vmem>>
      %dma_start3A_124 = arith.constant 0 : i32
      %dma_start3A_125 = arith.constant 0 : i32
      %dma_start3A_126 = tpu.memref_slice %arg2[%dma_start3A_124, %dma_start3A_125] : memref<10000x128xf32, #tpu.memory_space<hbm>> -> memref<10000x128xf32, #tpu.memory_space<hbm>>
      tpu.enqueue_indirect_dma source(%dma_start3A_126 : memref<10000x128xf32, #tpu.memory_space<hbm>>) target(%arg12 : memref<128x128xf32, #tpu.memory_space<vmem>>) offsets(%dma_start3A_123 : memref<128xi32, #tpu.memory_space<vmem>>) semaphore(%arg14 : memref<!tpu.dma_semaphore, #tpu.memory_space<semaphore_mem>>)
      %dma_wait3A_127 = arith.constant 4 : i32
      %dma_wait3A_128 = arith.constant 0 : i32
      %dma_wait3A_129 = tpu.memref_slice %arg9[%dma_wait3A_127, %dma_wait3A_128] : memref<8x128xi32, #tpu.memory_space<vmem>> -> memref<1x128xi32, #tpu.memory_space<vmem>>
      %dma_wait3A_130 = tpu.memref_squeeze %dma_wait3A_129 : memref<1x128xi32, #tpu.memory_space<vmem>> -> memref<128xi32, #tpu.memory_space<vmem>>
      %dma_wait3A_131 = arith.constant 0 : i32
      %dma_wait3A_132 = arith.constant 0 : i32
      %dma_wait3A_133 = tpu.memref_slice %arg2[%dma_wait3A_131, %dma_wait3A_132] : memref<10000x128xf32, #tpu.memory_space<hbm>> -> memref<10000x128xf32, #tpu.memory_space<hbm>>
      tpu.wait_indirect_dma semaphore(%arg13 : memref<!tpu.dma_semaphore, #tpu.memory_space<semaphore_mem>>) src(%dma_wait3A_133 : memref<10000x128xf32, #tpu.memory_space<hbm>>) dst(%arg11 : memref<128x128xf32, #tpu.memory_space<vmem>>)
      %run_scoped3A_134 = arith.constant 4 : i32
      "tpu.region"() ({
        %run_scoped3A_173 = tpu.sem_alloc : memref<!tpu.dma_semaphore, #tpu.memory_space<semaphore_mem>>
        %dma_start3A_174 = arith.constant 0 : i32
        %dma_start3A_175 = tpu.memref_slice %arg10[%run_scoped3A_134, %dma_start3A_174] : memref<8x128xi32, #tpu.memory_space<vmem>> -> memref<1x128xi32, #tpu.memory_space<vmem>>
        %dma_start3A_176 = tpu.memref_squeeze %dma_start3A_175 : memref<1x128xi32, #tpu.memory_space<vmem>> -> memref<128xi32, #tpu.memory_space<vmem>>
        %dma_start3A_177 = arith.constant 0 : i32
        %dma_start3A_178 = arith.constant 0 : i32
        %dma_start3A_179 = tpu.memref_slice %arg8[%dma_start3A_177, %dma_start3A_178] : memref<10240x128xf32, #tpu.memory_space<vmem_shared>> -> memref<10240x128xf32, #tpu.memory_space<vmem_shared>>
        tpu.enqueue_indirect_dma source(%arg11 : memref<128x128xf32, #tpu.memory_space<vmem>>) target(%dma_start3A_179 : memref<10240x128xf32, #tpu.memory_space<vmem_shared>>) offsets(%dma_start3A_176 : memref<128xi32, #tpu.memory_space<vmem>>) semaphore(%run_scoped3A_173 : memref<!tpu.dma_semaphore, #tpu.memory_space<semaphore_mem>>) {add = true}
        %dma_wait3A_180 = arith.constant 0 : i32
        %dma_wait3A_181 = tpu.memref_slice %arg10[%run_scoped3A_134, %dma_wait3A_180] : memref<8x128xi32, #tpu.memory_space<vmem>> -> memref<1x128xi32, #tpu.memory_space<vmem>>
        %dma_wait3A_182 = tpu.memref_squeeze %dma_wait3A_181 : memref<1x128xi32, #tpu.memory_space<vmem>> -> memref<128xi32, #tpu.memory_space<vmem>>
        %dma_wait3A_183 = arith.constant 0 : i32
        %dma_wait3A_184 = arith.constant 0 : i32
        %dma_wait3A_185 = tpu.memref_slice %arg8[%dma_wait3A_183, %dma_wait3A_184] : memref<10240x128xf32, #tpu.memory_space<vmem_shared>> -> memref<10240x128xf32, #tpu.memory_space<vmem_shared>>
        tpu.wait_indirect_dma semaphore(%run_scoped3A_173 : memref<!tpu.dma_semaphore, #tpu.memory_space<semaphore_mem>>) src(%arg11 : memref<128x128xf32, #tpu.memory_space<vmem>>) dst(%dma_wait3A_185 : memref<10240x128xf32, #tpu.memory_space<vmem_shared>>)
        tpu.yield
      }) : () -> ()
      %dma_start3A_135 = arith.constant 6 : i32
      %dma_start3A_136 = arith.constant 0 : i32
      %dma_start3A_137 = tpu.memref_slice %arg9[%dma_start3A_135, %dma_start3A_136] : memref<8x128xi32, #tpu.memory_space<vmem>> -> memref<1x128xi32, #tpu.memory_space<vmem>>
      %dma_start3A_138 = tpu.memref_squeeze %dma_start3A_137 : memref<1x128xi32, #tpu.memory_space<vmem>> -> memref<128xi32, #tpu.memory_space<vmem>>
      %dma_start3A_139 = arith.constant 0 : i32
      %dma_start3A_140 = arith.constant 0 : i32
      %dma_start3A_141 = tpu.memref_slice %arg2[%dma_start3A_139, %dma_start3A_140] : memref<10000x128xf32, #tpu.memory_space<hbm>> -> memref<10000x128xf32, #tpu.memory_space<hbm>>
      tpu.enqueue_indirect_dma source(%dma_start3A_141 : memref<10000x128xf32, #tpu.memory_space<hbm>>) target(%arg11 : memref<128x128xf32, #tpu.memory_space<vmem>>) offsets(%dma_start3A_138 : memref<128xi32, #tpu.memory_space<vmem>>) semaphore(%arg13 : memref<!tpu.dma_semaphore, #tpu.memory_space<semaphore_mem>>)
      %dma_wait3A_142 = arith.constant 5 : i32
      %dma_wait3A_143 = arith.constant 0 : i32
      %dma_wait3A_144 = tpu.memref_slice %arg9[%dma_wait3A_142, %dma_wait3A_143] : memref<8x128xi32, #tpu.memory_space<vmem>> -> memref<1x128xi32, #tpu.memory_space<vmem>>
      %dma_wait3A_145 = tpu.memref_squeeze %dma_wait3A_144 : memref<1x128xi32, #tpu.memory_space<vmem>> -> memref<128xi32, #tpu.memory_space<vmem>>
      %dma_wait3A_146 = arith.constant 0 : i32
      %dma_wait3A_147 = arith.constant 0 : i32
      %dma_wait3A_148 = tpu.memref_slice %arg2[%dma_wait3A_146, %dma_wait3A_147] : memref<10000x128xf32, #tpu.memory_space<hbm>> -> memref<10000x128xf32, #tpu.memory_space<hbm>>
      tpu.wait_indirect_dma semaphore(%arg14 : memref<!tpu.dma_semaphore, #tpu.memory_space<semaphore_mem>>) src(%dma_wait3A_148 : memref<10000x128xf32, #tpu.memory_space<hbm>>) dst(%arg12 : memref<128x128xf32, #tpu.memory_space<vmem>>)
      %run_scoped3A_149 = arith.constant 5 : i32
      "tpu.region"() ({
        %run_scoped3A_173 = tpu.sem_alloc : memref<!tpu.dma_semaphore, #tpu.memory_space<semaphore_mem>>
        %dma_start3A_174 = arith.constant 0 : i32
        %dma_start3A_175 = tpu.memref_slice %arg10[%run_scoped3A_149, %dma_start3A_174] : memref<8x128xi32, #tpu.memory_space<vmem>> -> memref<1x128xi32, #tpu.memory_space<vmem>>
        %dma_start3A_176 = tpu.memref_squeeze %dma_start3A_175 : memref<1x128xi32, #tpu.memory_space<vmem>> -> memref<128xi32, #tpu.memory_space<vmem>>
        %dma_start3A_177 = arith.constant 0 : i32
        %dma_start3A_178 = arith.constant 0 : i32
        %dma_start3A_179 = tpu.memref_slice %arg8[%dma_start3A_177, %dma_start3A_178] : memref<10240x128xf32, #tpu.memory_space<vmem_shared>> -> memref<10240x128xf32, #tpu.memory_space<vmem_shared>>
        tpu.enqueue_indirect_dma source(%arg12 : memref<128x128xf32, #tpu.memory_space<vmem>>) target(%dma_start3A_179 : memref<10240x128xf32, #tpu.memory_space<vmem_shared>>) offsets(%dma_start3A_176 : memref<128xi32, #tpu.memory_space<vmem>>) semaphore(%run_scoped3A_173 : memref<!tpu.dma_semaphore, #tpu.memory_space<semaphore_mem>>) {add = true}
        %dma_wait3A_180 = arith.constant 0 : i32
        %dma_wait3A_181 = tpu.memref_slice %arg10[%run_scoped3A_149, %dma_wait3A_180] : memref<8x128xi32, #tpu.memory_space<vmem>> -> memref<1x128xi32, #tpu.memory_space<vmem>>
        %dma_wait3A_182 = tpu.memref_squeeze %dma_wait3A_181 : memref<1x128xi32, #tpu.memory_space<vmem>> -> memref<128xi32, #tpu.memory_space<vmem>>
        %dma_wait3A_183 = arith.constant 0 : i32
        %dma_wait3A_184 = arith.constant 0 : i32
        %dma_wait3A_185 = tpu.memref_slice %arg8[%dma_wait3A_183, %dma_wait3A_184] : memref<10240x128xf32, #tpu.memory_space<vmem_shared>> -> memref<10240x128xf32, #tpu.memory_space<vmem_shared>>
        tpu.wait_indirect_dma semaphore(%run_scoped3A_173 : memref<!tpu.dma_semaphore, #tpu.memory_space<semaphore_mem>>) src(%arg12 : memref<128x128xf32, #tpu.memory_space<vmem>>) dst(%dma_wait3A_185 : memref<10240x128xf32, #tpu.memory_space<vmem_shared>>)
        tpu.yield
      }) : () -> ()
      %dma_start3A_150 = arith.constant 7 : i32
      %dma_start3A_151 = arith.constant 0 : i32
      %dma_start3A_152 = tpu.memref_slice %arg9[%dma_start3A_150, %dma_start3A_151] : memref<8x128xi32, #tpu.memory_space<vmem>> -> memref<1x128xi32, #tpu.memory_space<vmem>>
      %dma_start3A_153 = tpu.memref_squeeze %dma_start3A_152 : memref<1x128xi32, #tpu.memory_space<vmem>> -> memref<128xi32, #tpu.memory_space<vmem>>
      %dma_start3A_154 = arith.constant 0 : i32
      %dma_start3A_155 = arith.constant 0 : i32
      %dma_start3A_156 = tpu.memref_slice %arg2[%dma_start3A_154, %dma_start3A_155] : memref<10000x128xf32, #tpu.memory_space<hbm>> -> memref<10000x128xf32, #tpu.memory_space<hbm>>
      tpu.enqueue_indirect_dma source(%dma_start3A_156 : memref<10000x128xf32, #tpu.memory_space<hbm>>) target(%arg12 : memref<128x128xf32, #tpu.memory_space<vmem>>) offsets(%dma_start3A_153 : memref<128xi32, #tpu.memory_space<vmem>>) semaphore(%arg14 : memref<!tpu.dma_semaphore, #tpu.memory_space<semaphore_mem>>)
      %dma_wait3A_157 = arith.constant 6 : i32
      %dma_wait3A_158 = arith.constant 0 : i32
      %dma_wait3A_159 = tpu.memref_slice %arg9[%dma_wait3A_157, %dma_wait3A_158] : memref<8x128xi32, #tpu.memory_space<vmem>> -> memref<1x128xi32, #tpu.memory_space<vmem>>
      %dma_wait3A_160 = tpu.memref_squeeze %dma_wait3A_159 : memref<1x128xi32, #tpu.memory_space<vmem>> -> memref<128xi32, #tpu.memory_space<vmem>>
      %dma_wait3A_161 = arith.constant 0 : i32
      %dma_wait3A_162 = arith.constant 0 : i32
      %dma_wait3A_163 = tpu.memref_slice %arg2[%dma_wait3A_161, %dma_wait3A_162] : memref<10000x128xf32, #tpu.memory_space<hbm>> -> memref<10000x128xf32, #tpu.memory_space<hbm>>
      tpu.wait_indirect_dma semaphore(%arg13 : memref<!tpu.dma_semaphore, #tpu.memory_space<semaphore_mem>>) src(%dma_wait3A_163 : memref<10000x128xf32, #tpu.memory_space<hbm>>) dst(%arg11 : memref<128x128xf32, #tpu.memory_space<vmem>>)
      %run_scoped3A_164 = arith.constant 6 : i32
      "tpu.region"() ({
        %run_scoped3A_173 = tpu.sem_alloc : memref<!tpu.dma_semaphore, #tpu.memory_space<semaphore_mem>>
        %dma_start3A_174 = arith.constant 0 : i32
        %dma_start3A_175 = tpu.memref_slice %arg10[%run_scoped3A_164, %dma_start3A_174] : memref<8x128xi32, #tpu.memory_space<vmem>> -> memref<1x128xi32, #tpu.memory_space<vmem>>
        %dma_start3A_176 = tpu.memref_squeeze %dma_start3A_175 : memref<1x128xi32, #tpu.memory_space<vmem>> -> memref<128xi32, #tpu.memory_space<vmem>>
        %dma_start3A_177 = arith.constant 0 : i32
        %dma_start3A_178 = arith.constant 0 : i32
        %dma_start3A_179 = tpu.memref_slice %arg8[%dma_start3A_177, %dma_start3A_178] : memref<10240x128xf32, #tpu.memory_space<vmem_shared>> -> memref<10240x128xf32, #tpu.memory_space<vmem_shared>>
        tpu.enqueue_indirect_dma source(%arg11 : memref<128x128xf32, #tpu.memory_space<vmem>>) target(%dma_start3A_179 : memref<10240x128xf32, #tpu.memory_space<vmem_shared>>) offsets(%dma_start3A_176 : memref<128xi32, #tpu.memory_space<vmem>>) semaphore(%run_scoped3A_173 : memref<!tpu.dma_semaphore, #tpu.memory_space<semaphore_mem>>) {add = true}
        %dma_wait3A_180 = arith.constant 0 : i32
        %dma_wait3A_181 = tpu.memref_slice %arg10[%run_scoped3A_164, %dma_wait3A_180] : memref<8x128xi32, #tpu.memory_space<vmem>> -> memref<1x128xi32, #tpu.memory_space<vmem>>
        %dma_wait3A_182 = tpu.memref_squeeze %dma_wait3A_181 : memref<1x128xi32, #tpu.memory_space<vmem>> -> memref<128xi32, #tpu.memory_space<vmem>>
        %dma_wait3A_183 = arith.constant 0 : i32
        %dma_wait3A_184 = arith.constant 0 : i32
        %dma_wait3A_185 = tpu.memref_slice %arg8[%dma_wait3A_183, %dma_wait3A_184] : memref<10240x128xf32, #tpu.memory_space<vmem_shared>> -> memref<10240x128xf32, #tpu.memory_space<vmem_shared>>
        tpu.wait_indirect_dma semaphore(%run_scoped3A_173 : memref<!tpu.dma_semaphore, #tpu.memory_space<semaphore_mem>>) src(%arg11 : memref<128x128xf32, #tpu.memory_space<vmem>>) dst(%dma_wait3A_185 : memref<10240x128xf32, #tpu.memory_space<vmem_shared>>)
        tpu.yield
      }) : () -> ()
      %dma_wait3A_165 = arith.constant 7 : i32
      %dma_wait3A_166 = arith.constant 0 : i32
      %dma_wait3A_167 = tpu.memref_slice %arg9[%dma_wait3A_165, %dma_wait3A_166] : memref<8x128xi32, #tpu.memory_space<vmem>> -> memref<1x128xi32, #tpu.memory_space<vmem>>
      %dma_wait3A_168 = tpu.memref_squeeze %dma_wait3A_167 : memref<1x128xi32, #tpu.memory_space<vmem>> -> memref<128xi32, #tpu.memory_space<vmem>>
      %dma_wait3A_169 = arith.constant 0 : i32
      %dma_wait3A_170 = arith.constant 0 : i32
      %dma_wait3A_171 = tpu.memref_slice %arg2[%dma_wait3A_169, %dma_wait3A_170] : memref<10000x128xf32, #tpu.memory_space<hbm>> -> memref<10000x128xf32, #tpu.memory_space<hbm>>
      tpu.wait_indirect_dma semaphore(%arg14 : memref<!tpu.dma_semaphore, #tpu.memory_space<semaphore_mem>>) src(%dma_wait3A_171 : memref<10000x128xf32, #tpu.memory_space<hbm>>) dst(%arg12 : memref<128x128xf32, #tpu.memory_space<vmem>>)
      %run_scoped3A_172 = arith.constant 7 : i32
      "tpu.region"() ({
        %run_scoped3A_173 = tpu.sem_alloc : memref<!tpu.dma_semaphore, #tpu.memory_space<semaphore_mem>>
        %dma_start3A_174 = arith.constant 0 : i32
        %dma_start3A_175 = tpu.memref_slice %arg10[%run_scoped3A_172, %dma_start3A_174] : memref<8x128xi32, #tpu.memory_space<vmem>> -> memref<1x128xi32, #tpu.memory_space<vmem>>
        %dma_start3A_176 = tpu.memref_squeeze %dma_start3A_175 : memref<1x128xi32, #tpu.memory_space<vmem>> -> memref<128xi32, #tpu.memory_space<vmem>>
        %dma_start3A_177 = arith.constant 0 : i32
        %dma_start3A_178 = arith.constant 0 : i32
        %dma_start3A_179 = tpu.memref_slice %arg8[%dma_start3A_177, %dma_start3A_178] : memref<10240x128xf32, #tpu.memory_space<vmem_shared>> -> memref<10240x128xf32, #tpu.memory_space<vmem_shared>>
        tpu.enqueue_indirect_dma source(%arg12 : memref<128x128xf32, #tpu.memory_space<vmem>>) target(%dma_start3A_179 : memref<10240x128xf32, #tpu.memory_space<vmem_shared>>) offsets(%dma_start3A_176 : memref<128xi32, #tpu.memory_space<vmem>>) semaphore(%run_scoped3A_173 : memref<!tpu.dma_semaphore, #tpu.memory_space<semaphore_mem>>) {add = true}
        %dma_wait3A_180 = arith.constant 0 : i32
        %dma_wait3A_181 = tpu.memref_slice %arg10[%run_scoped3A_172, %dma_wait3A_180] : memref<8x128xi32, #tpu.memory_space<vmem>> -> memref<1x128xi32, #tpu.memory_space<vmem>>
        %dma_wait3A_182 = tpu.memref_squeeze %dma_wait3A_181 : memref<1x128xi32, #tpu.memory_space<vmem>> -> memref<128xi32, #tpu.memory_space<vmem>>
        %dma_wait3A_183 = arith.constant 0 : i32
        %dma_wait3A_184 = arith.constant 0 : i32
        %dma_wait3A_185 = tpu.memref_slice %arg8[%dma_wait3A_183, %dma_wait3A_184] : memref<10240x128xf32, #tpu.memory_space<vmem_shared>> -> memref<10240x128xf32, #tpu.memory_space<vmem_shared>>
        tpu.wait_indirect_dma semaphore(%run_scoped3A_173 : memref<!tpu.dma_semaphore, #tpu.memory_space<semaphore_mem>>) src(%arg12 : memref<128x128xf32, #tpu.memory_space<vmem>>) dst(%dma_wait3A_185 : memref<10240x128xf32, #tpu.memory_space<vmem_shared>>)
        tpu.yield
      }) : () -> ()
    }
    %barrier3A_43 = arith.constant 0 : index
    tpu.barrier barrier_id(%barrier3A_43)
    %eq3A_44 = arith.constant 0 : i32
    %eq3A_45 = arith.cmpi eq, %arg0, %eq3A_44 : i32
    %convert_element_type3A = arith.extui %eq3A_45 : i1 to i32
    %cond3A = arith.constant 0 : i32
    %cond3A_46 = arith.cmpi ne, %convert_element_type3A, %cond3A : i32
    scf.if %cond3A_46 {
      %mul3A_52 = arith.constant 640 : i32
      %mul3A_53 = arith.muli %arg1, %mul3A_52 : i32
      %mul3A_54 = arith.constant 640 : i32
      %mul3A_55 = arith.muli %arg1, %mul3A_54 : i32
      "tpu.region"() ({
        %run_scoped3A = tpu.sem_alloc : memref<!tpu.dma_semaphore, #tpu.memory_space<semaphore_mem>>
        %dma_start3A = arith.constant 0 : i32
        %dma_start3A_56 = tpu.memref_slice %arg6[%mul3A_55, %dma_start3A] : memref<10240x128xf32, #tpu.memory_space<hbm>> -> memref<640x128xf32, #tpu.memory_space<hbm>>
        %dma_start3A_57 = arith.constant 0 : i32
        %dma_start3A_58 = tpu.memref_slice %arg8[%mul3A_53, %dma_start3A_57] : memref<10240x128xf32, #tpu.memory_space<vmem_shared>> -> memref<640x128xf32, #tpu.memory_space<vmem_shared>>
        tpu.enqueue_dma source(%dma_start3A_58 : memref<640x128xf32, #tpu.memory_space<vmem_shared>>) target(%dma_start3A_56 : memref<640x128xf32, #tpu.memory_space<hbm>>) target_semaphore(%run_scoped3A : memref<!tpu.dma_semaphore, #tpu.memory_space<semaphore_mem>>)
        %dma_wait3A = arith.constant 0 : i32
        %dma_wait3A_59 = tpu.memref_slice %arg6[%mul3A_55, %dma_wait3A] : memref<10240x128xf32, #tpu.memory_space<hbm>> -> memref<640x128xf32, #tpu.memory_space<hbm>>
        %dma_wait3A_60 = arith.constant 0 : i32
        %dma_wait3A_61 = tpu.memref_slice %arg8[%mul3A_53, %dma_wait3A_60] : memref<10240x128xf32, #tpu.memory_space<vmem_shared>> -> memref<640x128xf32, #tpu.memory_space<vmem_shared>>
        tpu.wait_dma2 semaphore(%run_scoped3A : memref<!tpu.dma_semaphore, #tpu.memory_space<semaphore_mem>>) src(%dma_wait3A_61 : memref<640x128xf32, #tpu.memory_space<vmem_shared>>) dst(%dma_wait3A_59 : memref<640x128xf32, #tpu.memory_space<hbm>>)
        tpu.yield
      }) : () -> ()
    } else {
    }
    %eq3A_47 = arith.constant 1 : i32
    %eq3A_48 = arith.cmpi eq, %arg0, %eq3A_47 : i32
    %convert_element_type3A_49 = arith.extui %eq3A_48 : i1 to i32
    %cond3A_50 = arith.constant 0 : i32
    %cond3A_51 = arith.cmpi ne, %convert_element_type3A_49, %cond3A_50 : i32
    scf.if %cond3A_51 {
      %mul3A_52 = arith.constant 640 : i32
      %mul3A_53 = arith.muli %arg1, %mul3A_52 : i32
      %mul3A_54 = arith.constant 640 : i32
      %mul3A_55 = arith.muli %arg1, %mul3A_54 : i32
      "tpu.region"() ({
        %run_scoped3A = tpu.sem_alloc : memref<!tpu.dma_semaphore, #tpu.memory_space<semaphore_mem>>
        %dma_start3A = arith.constant 0 : i32
        %dma_start3A_56 = tpu.memref_slice %arg7[%mul3A_55, %dma_start3A] : memref<10240x128xf32, #tpu.memory_space<hbm>> -> memref<640x128xf32, #tpu.memory_space<hbm>>
        %dma_start3A_57 = arith.constant 0 : i32
        %dma_start3A_58 = tpu.memref_slice %arg8[%mul3A_53, %dma_start3A_57] : memref<10240x128xf32, #tpu.memory_space<vmem_shared>> -> memref<640x128xf32, #tpu.memory_space<vmem_shared>>
        tpu.enqueue_dma source(%dma_start3A_58 : memref<640x128xf32, #tpu.memory_space<vmem_shared>>) target(%dma_start3A_56 : memref<640x128xf32, #tpu.memory_space<hbm>>) target_semaphore(%run_scoped3A : memref<!tpu.dma_semaphore, #tpu.memory_space<semaphore_mem>>)
        %dma_wait3A = arith.constant 0 : i32
        %dma_wait3A_59 = tpu.memref_slice %arg7[%mul3A_55, %dma_wait3A] : memref<10240x128xf32, #tpu.memory_space<hbm>> -> memref<640x128xf32, #tpu.memory_space<hbm>>
        %dma_wait3A_60 = arith.constant 0 : i32
        %dma_wait3A_61 = tpu.memref_slice %arg8[%mul3A_53, %dma_wait3A_60] : memref<10240x128xf32, #tpu.memory_space<vmem_shared>> -> memref<640x128xf32, #tpu.memory_space<vmem_shared>>
        tpu.wait_dma2 semaphore(%run_scoped3A : memref<!tpu.dma_semaphore, #tpu.memory_space<semaphore_mem>>) src(%dma_wait3A_61 : memref<640x128xf32, #tpu.memory_space<vmem_shared>>) dst(%dma_wait3A_59 : memref<640x128xf32, #tpu.memory_space<hbm>>)
        tpu.yield
      }) : () -> ()
    } else {
    }
    return
  }
}

#map = affine_map<(d0, d1) -> (0, 0)>
module attributes {stable_mosaic.version = 14 : i64} {
  func.func @k(%arg0: i32, %arg1: i32, %arg2: memref<10000x128xf32, #tpu.memory_space<hbm>>, %arg3: memref<10000x128xf32, #tpu.memory_space<hbm>>, %arg4: memref<2560x128xi32, #tpu.memory_space<hbm>>, %arg5: memref<2560x128xi32, #tpu.memory_space<hbm>>, %arg6: memref<10240x128xf32, #tpu.memory_space<hbm>>, %arg7: memref<10240x128xf32, #tpu.memory_space<hbm>>, %arg8: memref<10240x128xf32, #tpu.memory_space<vmem_shared>>, %arg9: memref<8x128xi32, #tpu.memory_space<vmem>>, %arg10: memref<8x128xi32, #tpu.memory_space<vmem>>, %arg11: memref<128x128xf32, #tpu.memory_space<vmem>>, %arg12: memref<128x128xf32, #tpu.memory_space<vmem>>, %arg13: memref<!tpu.dma_semaphore, #tpu.memory_space<semaphore_mem>>, %arg14: memref<!tpu.dma_semaphore, #tpu.memory_space<semaphore_mem>>, %arg15: memref<!tpu.dma_semaphore, #tpu.memory_space<semaphore_mem>>) attributes {dimension_semantics = [#tpu.dimension_semantics<core_parallel>, #tpu.dimension_semantics<subcore_parallel>], iteration_bounds = array<i64: 2, 16>, scalar_prefetch = 0 : i64, scratch_operands = 8 : i64, tpu.core_type = #tpu.core_type<sc_vector_subcore>, window_params = [{transform_indices = #map}, {transform_indices = #map}, {transform_indices = #map}, {transform_indices = #map}, {transform_indices = #map}, {transform_indices = #map}]} {
    %eq3A = arith.constant 0 : i32
    %eq3A_0 = arith.cmpi eq, %arg0, %eq3A : i32
    %mul3A = arith.constant 80 : i32
    %mul3A_1 = arith.muli %arg1, %mul3A : i32
    %mul3A_2 = arith.constant 80 : i32
    %mul3A_3 = arith.muli %arg1, %mul3A_2 : i32
    %add3A = arith.constant 1280 : i32
    %add3A_4 = arith.addi %add3A, %mul3A_3 : i32
    %select_n3A = arith.select %eq3A_0, %mul3A_1, %add3A_4 : i32
    %eq3A_5 = arith.constant 0 : i32
    %eq3A_6 = arith.cmpi eq, %arg0, %eq3A_5 : i32
    %jit3A = arith.constant 10 : i32
    %jit3A_7 = arith.constant 10 : i32
    %select_n3A_8 = arith.select %eq3A_6, %jit3A, %jit3A_7 : i32
    %scan3A = arith.constant 0 : i32
    %scan3A_9 = arith.constant 0 : i32
    %scan3A_10 = arith.constant 128 : i32
    %scan3A_11 = arith.addi %scan3A_9, %scan3A_10 : i32
    %scan3A_12 = arith.constant 1 : i32
    scf.for %scan3A_52 = %scan3A_9 to %scan3A_11 step %scan3A_12  : i32 {
      %broadcast_in_dim3A = arith.constant 0.000000e+00 : f32
      %broadcast_in_dim3A_53 = vector.broadcast %broadcast_in_dim3A : f32 to vector<16xf32>
      %swap3A = arith.index_cast %scan3A_52 : i32 to index
      %swap3A_54 = arith.constant 0 : index
      %swap3A_55 = tpu.vector_load %arg11[%swap3A, %swap3A_54] {strides = array<i32>} : memref<128x128xf32, #tpu.memory_space<vmem>>, vector<1x16xf32>,
      %swap3A_56 = vector.shape_cast %swap3A_55 : vector<1x16xf32> to vector<16xf32>
      %swap3A_57 = vector.shape_cast %broadcast_in_dim3A_53 : vector<16xf32> to vector<1x16xf32>
      tpu.vector_store %arg11[%swap3A, %swap3A_54], %swap3A_57 {strides = array<i32>} : memref<128x128xf32, #tpu.memory_space<vmem>>, vector<1x16xf32>,
      %broadcast_in_dim3A_58 = arith.constant 0.000000e+00 : f32
      %broadcast_in_dim3A_59 = vector.broadcast %broadcast_in_dim3A_58 : f32 to vector<16xf32>
      %swap3A_60 = arith.index_cast %scan3A_52 : i32 to index
      %swap3A_61 = arith.constant 16 : index
      %swap3A_62 = tpu.vector_load %arg11[%swap3A_60, %swap3A_61] {strides = array<i32>} : memref<128x128xf32, #tpu.memory_space<vmem>>, vector<1x16xf32>,
      %swap3A_63 = vector.shape_cast %swap3A_62 : vector<1x16xf32> to vector<16xf32>
      %swap3A_64 = vector.shape_cast %broadcast_in_dim3A_59 : vector<16xf32> to vector<1x16xf32>
      tpu.vector_store %arg11[%swap3A_60, %swap3A_61], %swap3A_64 {strides = array<i32>} : memref<128x128xf32, #tpu.memory_space<vmem>>, vector<1x16xf32>,
      %broadcast_in_dim3A_65 = arith.constant 0.000000e+00 : f32
      %broadcast_in_dim3A_66 = vector.broadcast %broadcast_in_dim3A_65 : f32 to vector<16xf32>
      %swap3A_67 = arith.index_cast %scan3A_52 : i32 to index
      %swap3A_68 = arith.constant 32 : index
      %swap3A_69 = tpu.vector_load %arg11[%swap3A_67, %swap3A_68] {strides = array<i32>} : memref<128x128xf32, #tpu.memory_space<vmem>>, vector<1x16xf32>,
      %swap3A_70 = vector.shape_cast %swap3A_69 : vector<1x16xf32> to vector<16xf32>
      %swap3A_71 = vector.shape_cast %broadcast_in_dim3A_66 : vector<16xf32> to vector<1x16xf32>
      tpu.vector_store %arg11[%swap3A_67, %swap3A_68], %swap3A_71 {strides = array<i32>} : memref<128x128xf32, #tpu.memory_space<vmem>>, vector<1x16xf32>,
      %broadcast_in_dim3A_72 = arith.constant 0.000000e+00 : f32
      %broadcast_in_dim3A_73 = vector.broadcast %broadcast_in_dim3A_72 : f32 to vector<16xf32>
      %swap3A_74 = arith.index_cast %scan3A_52 : i32 to index
      %swap3A_75 = arith.constant 48 : index
      %swap3A_76 = tpu.vector_load %arg11[%swap3A_74, %swap3A_75] {strides = array<i32>} : memref<128x128xf32, #tpu.memory_space<vmem>>, vector<1x16xf32>,
      %swap3A_77 = vector.shape_cast %swap3A_76 : vector<1x16xf32> to vector<16xf32>
      %swap3A_78 = vector.shape_cast %broadcast_in_dim3A_73 : vector<16xf32> to vector<1x16xf32>
      tpu.vector_store %arg11[%swap3A_74, %swap3A_75], %swap3A_78 {strides = array<i32>} : memref<128x128xf32, #tpu.memory_space<vmem>>, vector<1x16xf32>,
      %broadcast_in_dim3A_79 = arith.constant 0.000000e+00 : f32
      %broadcast_in_dim3A_80 = vector.broadcast %broadcast_in_dim3A_79 : f32 to vector<16xf32>
      %swap3A_81 = arith.index_cast %scan3A_52 : i32 to index
      %swap3A_82 = arith.constant 64 : index
      %swap3A_83 = tpu.vector_load %arg11[%swap3A_81, %swap3A_82] {strides = array<i32>} : memref<128x128xf32, #tpu.memory_space<vmem>>, vector<1x16xf32>,
      %swap3A_84 = vector.shape_cast %swap3A_83 : vector<1x16xf32> to vector<16xf32>
      %swap3A_85 = vector.shape_cast %broadcast_in_dim3A_80 : vector<16xf32> to vector<1x16xf32>
      tpu.vector_store %arg11[%swap3A_81, %swap3A_82], %swap3A_85 {strides = array<i32>} : memref<128x128xf32, #tpu.memory_space<vmem>>, vector<1x16xf32>,
      %broadcast_in_dim3A_86 = arith.constant 0.000000e+00 : f32
      %broadcast_in_dim3A_87 = vector.broadcast %broadcast_in_dim3A_86 : f32 to vector<16xf32>
      %swap3A_88 = arith.index_cast %scan3A_52 : i32 to index
      %swap3A_89 = arith.constant 80 : index
      %swap3A_90 = tpu.vector_load %arg11[%swap3A_88, %swap3A_89] {strides = array<i32>} : memref<128x128xf32, #tpu.memory_space<vmem>>, vector<1x16xf32>,
      %swap3A_91 = vector.shape_cast %swap3A_90 : vector<1x16xf32> to vector<16xf32>
      %swap3A_92 = vector.shape_cast %broadcast_in_dim3A_87 : vector<16xf32> to vector<1x16xf32>
      tpu.vector_store %arg11[%swap3A_88, %swap3A_89], %swap3A_92 {strides = array<i32>} : memref<128x128xf32, #tpu.memory_space<vmem>>, vector<1x16xf32>,
      %broadcast_in_dim3A_93 = arith.constant 0.000000e+00 : f32
      %broadcast_in_dim3A_94 = vector.broadcast %broadcast_in_dim3A_93 : f32 to vector<16xf32>
      %swap3A_95 = arith.index_cast %scan3A_52 : i32 to index
      %swap3A_96 = arith.constant 96 : index
      %swap3A_97 = tpu.vector_load %arg11[%swap3A_95, %swap3A_96] {strides = array<i32>} : memref<128x128xf32, #tpu.memory_space<vmem>>, vector<1x16xf32>,
      %swap3A_98 = vector.shape_cast %swap3A_97 : vector<1x16xf32> to vector<16xf32>
      %swap3A_99 = vector.shape_cast %broadcast_in_dim3A_94 : vector<16xf32> to vector<1x16xf32>
      tpu.vector_store %arg11[%swap3A_95, %swap3A_96], %swap3A_99 {strides = array<i32>} : memref<128x128xf32, #tpu.memory_space<vmem>>, vector<1x16xf32>,
      %broadcast_in_dim3A_100 = arith.constant 0.000000e+00 : f32
      %broadcast_in_dim3A_101 = vector.broadcast %broadcast_in_dim3A_100 : f32 to vector<16xf32>
      %swap3A_102 = arith.index_cast %scan3A_52 : i32 to index
      %swap3A_103 = arith.constant 112 : index
      %swap3A_104 = tpu.vector_load %arg11[%swap3A_102, %swap3A_103] {strides = array<i32>} : memref<128x128xf32, #tpu.memory_space<vmem>>, vector<1x16xf32>,
      %swap3A_105 = vector.shape_cast %swap3A_104 : vector<1x16xf32> to vector<16xf32>
      %swap3A_106 = vector.shape_cast %broadcast_in_dim3A_101 : vector<16xf32> to vector<1x16xf32>
      tpu.vector_store %arg11[%swap3A_102, %swap3A_103], %swap3A_106 {strides = array<i32>} : memref<128x128xf32, #tpu.memory_space<vmem>>, vector<1x16xf32>,
    }
    %scan3A_13 = arith.constant 128 : i32
    %mul3A_14 = arith.constant 640 : i32
    %mul3A_15 = arith.muli %arg1, %mul3A_14 : i32
    %add3A_16 = arith.constant 0 : i32
    %add3A_17 = arith.addi %mul3A_15, %add3A_16 : i32
    "tpu.region"() ({
      %run_scoped3A = tpu.sem_alloc : memref<!tpu.dma_semaphore, #tpu.memory_space<semaphore_mem>>
      %dma_start3A = arith.constant 0 : i32
      %dma_start3A_52 = tpu.memref_slice %arg8[%add3A_17, %dma_start3A] : memref<10240x128xf32, #tpu.memory_space<vmem_shared>> -> memref<128x128xf32, #tpu.memory_space<vmem_shared>>
      %dma_start3A_53 = arith.constant 0 : i32
      %dma_start3A_54 = tpu.memref_slice %arg8[%add3A_17, %dma_start3A_53] : memref<10240x128xf32, #tpu.memory_space<vmem_shared>> -> memref<128x128xf32, #tpu.memory_space<vmem_shared>>
      tpu.enqueue_dma source(%arg11 : memref<128x128xf32, #tpu.memory_space<vmem>>) target(%dma_start3A_54 : memref<128x128xf32, #tpu.memory_space<vmem_shared>>) target_semaphore(%run_scoped3A : memref<!tpu.dma_semaphore, #tpu.memory_space<semaphore_mem>>)
      %dma_wait3A = arith.constant 0 : i32
      %dma_wait3A_55 = tpu.memref_slice %arg8[%add3A_17, %dma_wait3A] : memref<10240x128xf32, #tpu.memory_space<vmem_shared>> -> memref<128x128xf32, #tpu.memory_space<vmem_shared>>
      %dma_wait3A_56 = arith.constant 0 : i32
      %dma_wait3A_57 = tpu.memref_slice %arg8[%add3A_17, %dma_wait3A_56] : memref<10240x128xf32, #tpu.memory_space<vmem_shared>> -> memref<128x128xf32, #tpu.memory_space<vmem_shared>>
      tpu.wait_dma2 semaphore(%run_scoped3A : memref<!tpu.dma_semaphore, #tpu.memory_space<semaphore_mem>>) src(%arg11 : memref<128x128xf32, #tpu.memory_space<vmem>>) dst(%dma_wait3A_57 : memref<128x128xf32, #tpu.memory_space<vmem_shared>>)
      tpu.yield
    }) : () -> ()
    %mul3A_18 = arith.constant 640 : i32
    %mul3A_19 = arith.muli %arg1, %mul3A_18 : i32
    %add3A_20 = arith.constant 128 : i32
    %add3A_21 = arith.addi %mul3A_19, %add3A_20 : i32
    "tpu.region"() ({
      %run_scoped3A = tpu.sem_alloc : memref<!tpu.dma_semaphore, #tpu.memory_space<semaphore_mem>>
      %dma_start3A = arith.constant 0 : i32
      %dma_start3A_52 = tpu.memref_slice %arg8[%add3A_21, %dma_start3A] : memref<10240x128xf32, #tpu.memory_space<vmem_shared>> -> memref<128x128xf32, #tpu.memory_space<vmem_shared>>
      %dma_start3A_53 = arith.constant 0 : i32
      %dma_start3A_54 = tpu.memref_slice %arg8[%add3A_21, %dma_start3A_53] : memref<10240x128xf32, #tpu.memory_space<vmem_shared>> -> memref<128x128xf32, #tpu.memory_space<vmem_shared>>
      tpu.enqueue_dma source(%arg11 : memref<128x128xf32, #tpu.memory_space<vmem>>) target(%dma_start3A_54 : memref<128x128xf32, #tpu.memory_space<vmem_shared>>) target_semaphore(%run_scoped3A : memref<!tpu.dma_semaphore, #tpu.memory_space<semaphore_mem>>)
      %dma_wait3A = arith.constant 0 : i32
      %dma_wait3A_55 = tpu.memref_slice %arg8[%add3A_21, %dma_wait3A] : memref<10240x128xf32, #tpu.memory_space<vmem_shared>> -> memref<128x128xf32, #tpu.memory_space<vmem_shared>>
      %dma_wait3A_56 = arith.constant 0 : i32
      %dma_wait3A_57 = tpu.memref_slice %arg8[%add3A_21, %dma_wait3A_56] : memref<10240x128xf32, #tpu.memory_space<vmem_shared>> -> memref<128x128xf32, #tpu.memory_space<vmem_shared>>
      tpu.wait_dma2 semaphore(%run_scoped3A : memref<!tpu.dma_semaphore, #tpu.memory_space<semaphore_mem>>) src(%arg11 : memref<128x128xf32, #tpu.memory_space<vmem>>) dst(%dma_wait3A_57 : memref<128x128xf32, #tpu.memory_space<vmem_shared>>)
      tpu.yield
    }) : () -> ()
    %mul3A_22 = arith.constant 640 : i32
    %mul3A_23 = arith.muli %arg1, %mul3A_22 : i32
    %add3A_24 = arith.constant 256 : i32
    %add3A_25 = arith.addi %mul3A_23, %add3A_24 : i32
    "tpu.region"() ({
      %run_scoped3A = tpu.sem_alloc : memref<!tpu.dma_semaphore, #tpu.memory_space<semaphore_mem>>
      %dma_start3A = arith.constant 0 : i32
      %dma_start3A_52 = tpu.memref_slice %arg8[%add3A_25, %dma_start3A] : memref<10240x128xf32, #tpu.memory_space<vmem_shared>> -> memref<128x128xf32, #tpu.memory_space<vmem_shared>>
      %dma_start3A_53 = arith.constant 0 : i32
      %dma_start3A_54 = tpu.memref_slice %arg8[%add3A_25, %dma_start3A_53] : memref<10240x128xf32, #tpu.memory_space<vmem_shared>> -> memref<128x128xf32, #tpu.memory_space<vmem_shared>>
      tpu.enqueue_dma source(%arg11 : memref<128x128xf32, #tpu.memory_space<vmem>>) target(%dma_start3A_54 : memref<128x128xf32, #tpu.memory_space<vmem_shared>>) target_semaphore(%run_scoped3A : memref<!tpu.dma_semaphore, #tpu.memory_space<semaphore_mem>>)
      %dma_wait3A = arith.constant 0 : i32
      %dma_wait3A_55 = tpu.memref_slice %arg8[%add3A_25, %dma_wait3A] : memref<10240x128xf32, #tpu.memory_space<vmem_shared>> -> memref<128x128xf32, #tpu.memory_space<vmem_shared>>
      %dma_wait3A_56 = arith.constant 0 : i32
      %dma_wait3A_57 = tpu.memref_slice %arg8[%add3A_25, %dma_wait3A_56] : memref<10240x128xf32, #tpu.memory_space<vmem_shared>> -> memref<128x128xf32, #tpu.memory_space<vmem_shared>>
      tpu.wait_dma2 semaphore(%run_scoped3A : memref<!tpu.dma_semaphore, #tpu.memory_space<semaphore_mem>>) src(%arg11 : memref<128x128xf32, #tpu.memory_space<vmem>>) dst(%dma_wait3A_57 : memref<128x128xf32, #tpu.memory_space<vmem_shared>>)
      tpu.yield
    }) : () -> ()
    %mul3A_26 = arith.constant 640 : i32
    %mul3A_27 = arith.muli %arg1, %mul3A_26 : i32
    %add3A_28 = arith.constant 384 : i32
    %add3A_29 = arith.addi %mul3A_27, %add3A_28 : i32
    "tpu.region"() ({
      %run_scoped3A = tpu.sem_alloc : memref<!tpu.dma_semaphore, #tpu.memory_space<semaphore_mem>>
      %dma_start3A = arith.constant 0 : i32
      %dma_start3A_52 = tpu.memref_slice %arg8[%add3A_29, %dma_start3A] : memref<10240x128xf32, #tpu.memory_space<vmem_shared>> -> memref<128x128xf32, #tpu.memory_space<vmem_shared>>
      %dma_start3A_53 = arith.constant 0 : i32
      %dma_start3A_54 = tpu.memref_slice %arg8[%add3A_29, %dma_start3A_53] : memref<10240x128xf32, #tpu.memory_space<vmem_shared>> -> memref<128x128xf32, #tpu.memory_space<vmem_shared>>
      tpu.enqueue_dma source(%arg11 : memref<128x128xf32, #tpu.memory_space<vmem>>) target(%dma_start3A_54 : memref<128x128xf32, #tpu.memory_space<vmem_shared>>) target_semaphore(%run_scoped3A : memref<!tpu.dma_semaphore, #tpu.memory_space<semaphore_mem>>)
      %dma_wait3A = arith.constant 0 : i32
      %dma_wait3A_55 = tpu.memref_slice %arg8[%add3A_29, %dma_wait3A] : memref<10240x128xf32, #tpu.memory_space<vmem_shared>> -> memref<128x128xf32, #tpu.memory_space<vmem_shared>>
      %dma_wait3A_56 = arith.constant 0 : i32
      %dma_wait3A_57 = tpu.memref_slice %arg8[%add3A_29, %dma_wait3A_56] : memref<10240x128xf32, #tpu.memory_space<vmem_shared>> -> memref<128x128xf32, #tpu.memory_space<vmem_shared>>
      tpu.wait_dma2 semaphore(%run_scoped3A : memref<!tpu.dma_semaphore, #tpu.memory_space<semaphore_mem>>) src(%arg11 : memref<128x128xf32, #tpu.memory_space<vmem>>) dst(%dma_wait3A_57 : memref<128x128xf32, #tpu.memory_space<vmem_shared>>)
      tpu.yield
    }) : () -> ()
    %mul3A_30 = arith.constant 640 : i32
    %mul3A_31 = arith.muli %arg1, %mul3A_30 : i32
    %add3A_32 = arith.constant 512 : i32
    %add3A_33 = arith.addi %mul3A_31, %add3A_32 : i32
    "tpu.region"() ({
      %run_scoped3A = tpu.sem_alloc : memref<!tpu.dma_semaphore, #tpu.memory_space<semaphore_mem>>
      %dma_start3A = arith.constant 0 : i32
      %dma_start3A_52 = tpu.memref_slice %arg8[%add3A_33, %dma_start3A] : memref<10240x128xf32, #tpu.memory_space<vmem_shared>> -> memref<128x128xf32, #tpu.memory_space<vmem_shared>>
      %dma_start3A_53 = arith.constant 0 : i32
      %dma_start3A_54 = tpu.memref_slice %arg8[%add3A_33, %dma_start3A_53] : memref<10240x128xf32, #tpu.memory_space<vmem_shared>> -> memref<128x128xf32, #tpu.memory_space<vmem_shared>>
      tpu.enqueue_dma source(%arg11 : memref<128x128xf32, #tpu.memory_space<vmem>>) target(%dma_start3A_54 : memref<128x128xf32, #tpu.memory_space<vmem_shared>>) target_semaphore(%run_scoped3A : memref<!tpu.dma_semaphore, #tpu.memory_space<semaphore_mem>>)
      %dma_wait3A = arith.constant 0 : i32
      %dma_wait3A_55 = tpu.memref_slice %arg8[%add3A_33, %dma_wait3A] : memref<10240x128xf32, #tpu.memory_space<vmem_shared>> -> memref<128x128xf32, #tpu.memory_space<vmem_shared>>
      %dma_wait3A_56 = arith.constant 0 : i32
      %dma_wait3A_57 = tpu.memref_slice %arg8[%add3A_33, %dma_wait3A_56] : memref<10240x128xf32, #tpu.memory_space<vmem_shared>> -> memref<128x128xf32, #tpu.memory_space<vmem_shared>>
      tpu.wait_dma2 semaphore(%run_scoped3A : memref<!tpu.dma_semaphore, #tpu.memory_space<semaphore_mem>>) src(%arg11 : memref<128x128xf32, #tpu.memory_space<vmem>>) dst(%dma_wait3A_57 : memref<128x128xf32, #tpu.memory_space<vmem_shared>>)
      tpu.yield
    }) : () -> ()
    %barrier3A = arith.constant 0 : index
    tpu.barrier barrier_id(%barrier3A)
    %while3A = arith.constant 0 : i32
    %while3A_34 = arith.constant 0 : i32
    %while3A_35 = arith.subi %select_n3A_8, %while3A_34 : i32
    %while3A_36 = arith.addi %while3A_34, %while3A_35 : i32
    %while3A_37 = arith.constant 1 : i32
    %while3A_38 = arith.divsi %while3A_35, %while3A_37 : i32
    %while3A_39 = arith.muli %while3A_38, %while3A_37 : i32
    %while3A_40 = arith.addi %while3A_34, %while3A_39 : i32
    %while3A_41 = arith.constant 1 : i32
    scf.for %while3A_52 = %while3A_34 to %while3A_40 step %while3A_41  : i32 {
      %mul3A_53 = arith.constant 8 : i32
      %mul3A_54 = arith.muli %while3A_52, %mul3A_53 : i32
      %add3A_55 = arith.addi %select_n3A, %mul3A_54 : i32
      "tpu.region"() ({
        %run_scoped3A_173 = tpu.sem_alloc : memref<!tpu.dma_semaphore, #tpu.memory_space<semaphore_mem>>
        %dma_start3A_174 = arith.constant 0 : i32
        %dma_start3A_175 = tpu.memref_slice %arg4[%add3A_55, %dma_start3A_174] : memref<2560x128xi32, #tpu.memory_space<hbm>> -> memref<8x128xi32, #tpu.memory_space<hbm>>
        %dma_start3A_176 = arith.constant 0 : i32
        %dma_start3A_177 = tpu.memref_slice %arg4[%add3A_55, %dma_start3A_176] : memref<2560x128xi32, #tpu.memory_space<hbm>> -> memref<8x128xi32, #tpu.memory_space<hbm>>
        tpu.enqueue_dma source(%dma_start3A_177 : memref<8x128xi32, #tpu.memory_space<hbm>>) target(%arg9 : memref<8x128xi32, #tpu.memory_space<vmem>>) target_semaphore(%run_scoped3A_173 : memref<!tpu.dma_semaphore, #tpu.memory_space<semaphore_mem>>)
        %dma_wait3A_178 = arith.constant 0 : i32
        %dma_wait3A_179 = tpu.memref_slice %arg4[%add3A_55, %dma_wait3A_178] : memref<2560x128xi32, #tpu.memory_space<hbm>> -> memref<8x128xi32, #tpu.memory_space<hbm>>
        %dma_wait3A_180 = arith.constant 0 : i32
        %dma_wait3A_181 = tpu.memref_slice %arg4[%add3A_55, %dma_wait3A_180] : memref<2560x128xi32, #tpu.memory_space<hbm>> -> memref<8x128xi32, #tpu.memory_space<hbm>>
        tpu.wait_dma2 semaphore(%run_scoped3A_173 : memref<!tpu.dma_semaphore, #tpu.memory_space<semaphore_mem>>) src(%dma_wait3A_181 : memref<8x128xi32, #tpu.memory_space<hbm>>) dst(%arg9 : memref<8x128xi32, #tpu.memory_space<vmem>>)
        tpu.yield
      }) : () -> ()
      "tpu.region"() ({
        %run_scoped3A_173 = tpu.sem_alloc : memref<!tpu.dma_semaphore, #tpu.memory_space<semaphore_mem>>
        %dma_start3A_174 = arith.constant 0 : i32
        %dma_start3A_175 = tpu.memref_slice %arg5[%add3A_55, %dma_start3A_174] : memref<2560x128xi32, #tpu.memory_space<hbm>> -> memref<8x128xi32, #tpu.memory_space<hbm>>
        %dma_start3A_176 = arith.constant 0 : i32
        %dma_start3A_177 = tpu.memref_slice %arg5[%add3A_55, %dma_start3A_176] : memref<2560x128xi32, #tpu.memory_space<hbm>> -> memref<8x128xi32, #tpu.memory_space<hbm>>
        tpu.enqueue_dma source(%dma_start3A_177 : memref<8x128xi32, #tpu.memory_space<hbm>>) target(%arg10 : memref<8x128xi32, #tpu.memory_space<vmem>>) target_semaphore(%run_scoped3A_173 : memref<!tpu.dma_semaphore, #tpu.memory_space<semaphore_mem>>)
        %dma_wait3A_178 = arith.constant 0 : i32
        %dma_wait3A_179 = tpu.memref_slice %arg5[%add3A_55, %dma_wait3A_178] : memref<2560x128xi32, #tpu.memory_space<hbm>> -> memref<8x128xi32, #tpu.memory_space<hbm>>
        %dma_wait3A_180 = arith.constant 0 : i32
        %dma_wait3A_181 = tpu.memref_slice %arg5[%add3A_55, %dma_wait3A_180] : memref<2560x128xi32, #tpu.memory_space<hbm>> -> memref<8x128xi32, #tpu.memory_space<hbm>>
        tpu.wait_dma2 semaphore(%run_scoped3A_173 : memref<!tpu.dma_semaphore, #tpu.memory_space<semaphore_mem>>) src(%dma_wait3A_181 : memref<8x128xi32, #tpu.memory_space<hbm>>) dst(%arg10 : memref<8x128xi32, #tpu.memory_space<vmem>>)
        tpu.yield
      }) : () -> ()
      %dma_start3A = arith.constant 0 : i32
      %dma_start3A_56 = arith.constant 0 : i32
      %dma_start3A_57 = tpu.memref_slice %arg9[%dma_start3A, %dma_start3A_56] : memref<8x128xi32, #tpu.memory_space<vmem>> -> memref<1x128xi32, #tpu.memory_space<vmem>>
      %dma_start3A_58 = tpu.memref_squeeze %dma_start3A_57 : memref<1x128xi32, #tpu.memory_space<vmem>> -> memref<128xi32, #tpu.memory_space<vmem>>
      %dma_start3A_59 = arith.constant 0 : i32
      %dma_start3A_60 = arith.constant 0 : i32
      %dma_start3A_61 = tpu.memref_slice %arg2[%dma_start3A_59, %dma_start3A_60] : memref<10000x128xf32, #tpu.memory_space<hbm>> -> memref<10000x128xf32, #tpu.memory_space<hbm>>
      tpu.enqueue_indirect_dma source(%dma_start3A_61 : memref<10000x128xf32, #tpu.memory_space<hbm>>) target(%arg11 : memref<128x128xf32, #tpu.memory_space<vmem>>) offsets(%dma_start3A_58 : memref<128xi32, #tpu.memory_space<vmem>>) semaphore(%arg13 : memref<!tpu.dma_semaphore, #tpu.memory_space<semaphore_mem>>)
      %dma_start3A_62 = arith.constant 1 : i32
      %dma_start3A_63 = arith.constant 0 : i32
      %dma_start3A_64 = tpu.memref_slice %arg9[%dma_start3A_62, %dma_start3A_63] : memref<8x128xi32, #tpu.memory_space<vmem>> -> memref<1x128xi32, #tpu.memory_space<vmem>>
      %dma_start3A_65 = tpu.memref_squeeze %dma_start3A_64 : memref<1x128xi32, #tpu.memory_space<vmem>> -> memref<128xi32, #tpu.memory_space<vmem>>
      %dma_start3A_66 = arith.constant 0 : i32
      %dma_start3A_67 = arith.constant 0 : i32
      %dma_start3A_68 = tpu.memref_slice %arg2[%dma_start3A_66, %dma_start3A_67] : memref<10000x128xf32, #tpu.memory_space<hbm>> -> memref<10000x128xf32, #tpu.memory_space<hbm>>
      tpu.enqueue_indirect_dma source(%dma_start3A_68 : memref<10000x128xf32, #tpu.memory_space<hbm>>) target(%arg12 : memref<128x128xf32, #tpu.memory_space<vmem>>) offsets(%dma_start3A_65 : memref<128xi32, #tpu.memory_space<vmem>>) semaphore(%arg14 : memref<!tpu.dma_semaphore, #tpu.memory_space<semaphore_mem>>)
      %dma_wait3A = arith.constant 0 : i32
      %dma_wait3A_69 = arith.constant 0 : i32
      %dma_wait3A_70 = tpu.memref_slice %arg9[%dma_wait3A, %dma_wait3A_69] : memref<8x128xi32, #tpu.memory_space<vmem>> -> memref<1x128xi32, #tpu.memory_space<vmem>>
      %dma_wait3A_71 = tpu.memref_squeeze %dma_wait3A_70 : memref<1x128xi32, #tpu.memory_space<vmem>> -> memref<128xi32, #tpu.memory_space<vmem>>
      %dma_wait3A_72 = arith.constant 0 : i32
      %dma_wait3A_73 = arith.constant 0 : i32
      %dma_wait3A_74 = tpu.memref_slice %arg2[%dma_wait3A_72, %dma_wait3A_73] : memref<10000x128xf32, #tpu.memory_space<hbm>> -> memref<10000x128xf32, #tpu.memory_space<hbm>>
      tpu.wait_indirect_dma semaphore(%arg13 : memref<!tpu.dma_semaphore, #tpu.memory_space<semaphore_mem>>) src(%dma_wait3A_74 : memref<10000x128xf32, #tpu.memory_space<hbm>>) dst(%arg11 : memref<128x128xf32, #tpu.memory_space<vmem>>)
      %run_scoped3A = arith.constant 0 : i32
      "tpu.region"() ({
        %run_scoped3A_173 = tpu.sem_alloc : memref<!tpu.dma_semaphore, #tpu.memory_space<semaphore_mem>>
        %dma_start3A_174 = arith.constant 0 : i32
        %dma_start3A_175 = tpu.memref_slice %arg10[%run_scoped3A, %dma_start3A_174] : memref<8x128xi32, #tpu.memory_space<vmem>> -> memref<1x128xi32, #tpu.memory_space<vmem>>
        %dma_start3A_176 = tpu.memref_squeeze %dma_start3A_175 : memref<1x128xi32, #tpu.memory_space<vmem>> -> memref<128xi32, #tpu.memory_space<vmem>>
        %dma_start3A_177 = arith.constant 0 : i32
        %dma_start3A_178 = arith.constant 0 : i32
        %dma_start3A_179 = tpu.memref_slice %arg8[%dma_start3A_177, %dma_start3A_178] : memref<10240x128xf32, #tpu.memory_space<vmem_shared>> -> memref<10240x128xf32, #tpu.memory_space<vmem_shared>>
        tpu.enqueue_indirect_dma source(%arg11 : memref<128x128xf32, #tpu.memory_space<vmem>>) target(%dma_start3A_179 : memref<10240x128xf32, #tpu.memory_space<vmem_shared>>) offsets(%dma_start3A_176 : memref<128xi32, #tpu.memory_space<vmem>>) semaphore(%run_scoped3A_173 : memref<!tpu.dma_semaphore, #tpu.memory_space<semaphore_mem>>) {add = true}
        %dma_wait3A_180 = arith.constant 0 : i32
        %dma_wait3A_181 = tpu.memref_slice %arg10[%run_scoped3A, %dma_wait3A_180] : memref<8x128xi32, #tpu.memory_space<vmem>> -> memref<1x128xi32, #tpu.memory_space<vmem>>
        %dma_wait3A_182 = tpu.memref_squeeze %dma_wait3A_181 : memref<1x128xi32, #tpu.memory_space<vmem>> -> memref<128xi32, #tpu.memory_space<vmem>>
        %dma_wait3A_183 = arith.constant 0 : i32
        %dma_wait3A_184 = arith.constant 0 : i32
        %dma_wait3A_185 = tpu.memref_slice %arg8[%dma_wait3A_183, %dma_wait3A_184] : memref<10240x128xf32, #tpu.memory_space<vmem_shared>> -> memref<10240x128xf32, #tpu.memory_space<vmem_shared>>
        tpu.wait_indirect_dma semaphore(%run_scoped3A_173 : memref<!tpu.dma_semaphore, #tpu.memory_space<semaphore_mem>>) src(%arg11 : memref<128x128xf32, #tpu.memory_space<vmem>>) dst(%dma_wait3A_185 : memref<10240x128xf32, #tpu.memory_space<vmem_shared>>)
        tpu.yield
      }) : () -> ()
      %dma_start3A_75 = arith.constant 2 : i32
      %dma_start3A_76 = arith.constant 0 : i32
      %dma_start3A_77 = tpu.memref_slice %arg9[%dma_start3A_75, %dma_start3A_76] : memref<8x128xi32, #tpu.memory_space<vmem>> -> memref<1x128xi32, #tpu.memory_space<vmem>>
      %dma_start3A_78 = tpu.memref_squeeze %dma_start3A_77 : memref<1x128xi32, #tpu.memory_space<vmem>> -> memref<128xi32, #tpu.memory_space<vmem>>
      %dma_start3A_79 = arith.constant 0 : i32
      %dma_start3A_80 = arith.constant 0 : i32
      %dma_start3A_81 = tpu.memref_slice %arg2[%dma_start3A_79, %dma_start3A_80] : memref<10000x128xf32, #tpu.memory_space<hbm>> -> memref<10000x128xf32, #tpu.memory_space<hbm>>
      tpu.enqueue_indirect_dma source(%dma_start3A_81 : memref<10000x128xf32, #tpu.memory_space<hbm>>) target(%arg11 : memref<128x128xf32, #tpu.memory_space<vmem>>) offsets(%dma_start3A_78 : memref<128xi32, #tpu.memory_space<vmem>>) semaphore(%arg13 : memref<!tpu.dma_semaphore, #tpu.memory_space<semaphore_mem>>)
      %dma_wait3A_82 = arith.constant 1 : i32
      %dma_wait3A_83 = arith.constant 0 : i32
      %dma_wait3A_84 = tpu.memref_slice %arg9[%dma_wait3A_82, %dma_wait3A_83] : memref<8x128xi32, #tpu.memory_space<vmem>> -> memref<1x128xi32, #tpu.memory_space<vmem>>
      %dma_wait3A_85 = tpu.memref_squeeze %dma_wait3A_84 : memref<1x128xi32, #tpu.memory_space<vmem>> -> memref<128xi32, #tpu.memory_space<vmem>>
      %dma_wait3A_86 = arith.constant 0 : i32
      %dma_wait3A_87 = arith.constant 0 : i32
      %dma_wait3A_88 = tpu.memref_slice %arg2[%dma_wait3A_86, %dma_wait3A_87] : memref<10000x128xf32, #tpu.memory_space<hbm>> -> memref<10000x128xf32, #tpu.memory_space<hbm>>
      tpu.wait_indirect_dma semaphore(%arg14 : memref<!tpu.dma_semaphore, #tpu.memory_space<semaphore_mem>>) src(%dma_wait3A_88 : memref<10000x128xf32, #tpu.memory_space<hbm>>) dst(%arg12 : memref<128x128xf32, #tpu.memory_space<vmem>>)
      %run_scoped3A_89 = arith.constant 1 : i32
      "tpu.region"() ({
        %run_scoped3A_173 = tpu.sem_alloc : memref<!tpu.dma_semaphore, #tpu.memory_space<semaphore_mem>>
        %dma_start3A_174 = arith.constant 0 : i32
        %dma_start3A_175 = tpu.memref_slice %arg10[%run_scoped3A_89, %dma_start3A_174] : memref<8x128xi32, #tpu.memory_space<vmem>> -> memref<1x128xi32, #tpu.memory_space<vmem>>
        %dma_start3A_176 = tpu.memref_squeeze %dma_start3A_175 : memref<1x128xi32, #tpu.memory_space<vmem>> -> memref<128xi32, #tpu.memory_space<vmem>>
        %dma_start3A_177 = arith.constant 0 : i32
        %dma_start3A_178 = arith.constant 0 : i32
        %dma_start3A_179 = tpu.memref_slice %arg8[%dma_start3A_177, %dma_start3A_178] : memref<10240x128xf32, #tpu.memory_space<vmem_shared>> -> memref<10240x128xf32, #tpu.memory_space<vmem_shared>>
        tpu.enqueue_indirect_dma source(%arg12 : memref<128x128xf32, #tpu.memory_space<vmem>>) target(%dma_start3A_179 : memref<10240x128xf32, #tpu.memory_space<vmem_shared>>) offsets(%dma_start3A_176 : memref<128xi32, #tpu.memory_space<vmem>>) semaphore(%run_scoped3A_173 : memref<!tpu.dma_semaphore, #tpu.memory_space<semaphore_mem>>) {add = true}
        %dma_wait3A_180 = arith.constant 0 : i32
        %dma_wait3A_181 = tpu.memref_slice %arg10[%run_scoped3A_89, %dma_wait3A_180] : memref<8x128xi32, #tpu.memory_space<vmem>> -> memref<1x128xi32, #tpu.memory_space<vmem>>
        %dma_wait3A_182 = tpu.memref_squeeze %dma_wait3A_181 : memref<1x128xi32, #tpu.memory_space<vmem>> -> memref<128xi32, #tpu.memory_space<vmem>>
        %dma_wait3A_183 = arith.constant 0 : i32
        %dma_wait3A_184 = arith.constant 0 : i32
        %dma_wait3A_185 = tpu.memref_slice %arg8[%dma_wait3A_183, %dma_wait3A_184] : memref<10240x128xf32, #tpu.memory_space<vmem_shared>> -> memref<10240x128xf32, #tpu.memory_space<vmem_shared>>
        tpu.wait_indirect_dma semaphore(%run_scoped3A_173 : memref<!tpu.dma_semaphore, #tpu.memory_space<semaphore_mem>>) src(%arg12 : memref<128x128xf32, #tpu.memory_space<vmem>>) dst(%dma_wait3A_185 : memref<10240x128xf32, #tpu.memory_space<vmem_shared>>)
        tpu.yield
      }) : () -> ()
      %dma_start3A_90 = arith.constant 3 : i32
      %dma_start3A_91 = arith.constant 0 : i32
      %dma_start3A_92 = tpu.memref_slice %arg9[%dma_start3A_90, %dma_start3A_91] : memref<8x128xi32, #tpu.memory_space<vmem>> -> memref<1x128xi32, #tpu.memory_space<vmem>>
      %dma_start3A_93 = tpu.memref_squeeze %dma_start3A_92 : memref<1x128xi32, #tpu.memory_space<vmem>> -> memref<128xi32, #tpu.memory_space<vmem>>
      %dma_start3A_94 = arith.constant 0 : i32
      %dma_start3A_95 = arith.constant 0 : i32
      %dma_start3A_96 = tpu.memref_slice %arg2[%dma_start3A_94, %dma_start3A_95] : memref<10000x128xf32, #tpu.memory_space<hbm>> -> memref<10000x128xf32, #tpu.memory_space<hbm>>
      tpu.enqueue_indirect_dma source(%dma_start3A_96 : memref<10000x128xf32, #tpu.memory_space<hbm>>) target(%arg12 : memref<128x128xf32, #tpu.memory_space<vmem>>) offsets(%dma_start3A_93 : memref<128xi32, #tpu.memory_space<vmem>>) semaphore(%arg14 : memref<!tpu.dma_semaphore, #tpu.memory_space<semaphore_mem>>)
      %dma_wait3A_97 = arith.constant 2 : i32
      %dma_wait3A_98 = arith.constant 0 : i32
      %dma_wait3A_99 = tpu.memref_slice %arg9[%dma_wait3A_97, %dma_wait3A_98] : memref<8x128xi32, #tpu.memory_space<vmem>> -> memref<1x128xi32, #tpu.memory_space<vmem>>
      %dma_wait3A_100 = tpu.memref_squeeze %dma_wait3A_99 : memref<1x128xi32, #tpu.memory_space<vmem>> -> memref<128xi32, #tpu.memory_space<vmem>>
      %dma_wait3A_101 = arith.constant 0 : i32
      %dma_wait3A_102 = arith.constant 0 : i32
      %dma_wait3A_103 = tpu.memref_slice %arg2[%dma_wait3A_101, %dma_wait3A_102] : memref<10000x128xf32, #tpu.memory_space<hbm>> -> memref<10000x128xf32, #tpu.memory_space<hbm>>
      tpu.wait_indirect_dma semaphore(%arg13 : memref<!tpu.dma_semaphore, #tpu.memory_space<semaphore_mem>>) src(%dma_wait3A_103 : memref<10000x128xf32, #tpu.memory_space<hbm>>) dst(%arg11 : memref<128x128xf32, #tpu.memory_space<vmem>>)
      %run_scoped3A_104 = arith.constant 2 : i32
      "tpu.region"() ({
        %run_scoped3A_173 = tpu.sem_alloc : memref<!tpu.dma_semaphore, #tpu.memory_space<semaphore_mem>>
        %dma_start3A_174 = arith.constant 0 : i32
        %dma_start3A_175 = tpu.memref_slice %arg10[%run_scoped3A_104, %dma_start3A_174] : memref<8x128xi32, #tpu.memory_space<vmem>> -> memref<1x128xi32, #tpu.memory_space<vmem>>
        %dma_start3A_176 = tpu.memref_squeeze %dma_start3A_175 : memref<1x128xi32, #tpu.memory_space<vmem>> -> memref<128xi32, #tpu.memory_space<vmem>>
        %dma_start3A_177 = arith.constant 0 : i32
        %dma_start3A_178 = arith.constant 0 : i32
        %dma_start3A_179 = tpu.memref_slice %arg8[%dma_start3A_177, %dma_start3A_178] : memref<10240x128xf32, #tpu.memory_space<vmem_shared>> -> memref<10240x128xf32, #tpu.memory_space<vmem_shared>>
        tpu.enqueue_indirect_dma source(%arg11 : memref<128x128xf32, #tpu.memory_space<vmem>>) target(%dma_start3A_179 : memref<10240x128xf32, #tpu.memory_space<vmem_shared>>) offsets(%dma_start3A_176 : memref<128xi32, #tpu.memory_space<vmem>>) semaphore(%run_scoped3A_173 : memref<!tpu.dma_semaphore, #tpu.memory_space<semaphore_mem>>) {add = true}
        %dma_wait3A_180 = arith.constant 0 : i32
        %dma_wait3A_181 = tpu.memref_slice %arg10[%run_scoped3A_104, %dma_wait3A_180] : memref<8x128xi32, #tpu.memory_space<vmem>> -> memref<1x128xi32, #tpu.memory_space<vmem>>
        %dma_wait3A_182 = tpu.memref_squeeze %dma_wait3A_181 : memref<1x128xi32, #tpu.memory_space<vmem>> -> memref<128xi32, #tpu.memory_space<vmem>>
        %dma_wait3A_183 = arith.constant 0 : i32
        %dma_wait3A_184 = arith.constant 0 : i32
        %dma_wait3A_185 = tpu.memref_slice %arg8[%dma_wait3A_183, %dma_wait3A_184] : memref<10240x128xf32, #tpu.memory_space<vmem_shared>> -> memref<10240x128xf32, #tpu.memory_space<vmem_shared>>
        tpu.wait_indirect_dma semaphore(%run_scoped3A_173 : memref<!tpu.dma_semaphore, #tpu.memory_space<semaphore_mem>>) src(%arg11 : memref<128x128xf32, #tpu.memory_space<vmem>>) dst(%dma_wait3A_185 : memref<10240x128xf32, #tpu.memory_space<vmem_shared>>)
        tpu.yield
      }) : () -> ()
      %dma_start3A_105 = arith.constant 4 : i32
      %dma_start3A_106 = arith.constant 0 : i32
      %dma_start3A_107 = tpu.memref_slice %arg9[%dma_start3A_105, %dma_start3A_106] : memref<8x128xi32, #tpu.memory_space<vmem>> -> memref<1x128xi32, #tpu.memory_space<vmem>>
      %dma_start3A_108 = tpu.memref_squeeze %dma_start3A_107 : memref<1x128xi32, #tpu.memory_space<vmem>> -> memref<128xi32, #tpu.memory_space<vmem>>
      %dma_start3A_109 = arith.constant 0 : i32
      %dma_start3A_110 = arith.constant 0 : i32
      %dma_start3A_111 = tpu.memref_slice %arg2[%dma_start3A_109, %dma_start3A_110] : memref<10000x128xf32, #tpu.memory_space<hbm>> -> memref<10000x128xf32, #tpu.memory_space<hbm>>
      tpu.enqueue_indirect_dma source(%dma_start3A_111 : memref<10000x128xf32, #tpu.memory_space<hbm>>) target(%arg11 : memref<128x128xf32, #tpu.memory_space<vmem>>) offsets(%dma_start3A_108 : memref<128xi32, #tpu.memory_space<vmem>>) semaphore(%arg13 : memref<!tpu.dma_semaphore, #tpu.memory_space<semaphore_mem>>)
      %dma_wait3A_112 = arith.constant 3 : i32
      %dma_wait3A_113 = arith.constant 0 : i32
      %dma_wait3A_114 = tpu.memref_slice %arg9[%dma_wait3A_112, %dma_wait3A_113] : memref<8x128xi32, #tpu.memory_space<vmem>> -> memref<1x128xi32, #tpu.memory_space<vmem>>
      %dma_wait3A_115 = tpu.memref_squeeze %dma_wait3A_114 : memref<1x128xi32, #tpu.memory_space<vmem>> -> memref<128xi32, #tpu.memory_space<vmem>>
      %dma_wait3A_116 = arith.constant 0 : i32
      %dma_wait3A_117 = arith.constant 0 : i32
      %dma_wait3A_118 = tpu.memref_slice %arg2[%dma_wait3A_116, %dma_wait3A_117] : memref<10000x128xf32, #tpu.memory_space<hbm>> -> memref<10000x128xf32, #tpu.memory_space<hbm>>
      tpu.wait_indirect_dma semaphore(%arg14 : memref<!tpu.dma_semaphore, #tpu.memory_space<semaphore_mem>>) src(%dma_wait3A_118 : memref<10000x128xf32, #tpu.memory_space<hbm>>) dst(%arg12 : memref<128x128xf32, #tpu.memory_space<vmem>>)
      %run_scoped3A_119 = arith.constant 3 : i32
      "tpu.region"() ({
        %run_scoped3A_173 = tpu.sem_alloc : memref<!tpu.dma_semaphore, #tpu.memory_space<semaphore_mem>>
        %dma_start3A_174 = arith.constant 0 : i32
        %dma_start3A_175 = tpu.memref_slice %arg10[%run_scoped3A_119, %dma_start3A_174] : memref<8x128xi32, #tpu.memory_space<vmem>> -> memref<1x128xi32, #tpu.memory_space<vmem>>
        %dma_start3A_176 = tpu.memref_squeeze %dma_start3A_175 : memref<1x128xi32, #tpu.memory_space<vmem>> -> memref<128xi32, #tpu.memory_space<vmem>>
        %dma_start3A_177 = arith.constant 0 : i32
        %dma_start3A_178 = arith.constant 0 : i32
        %dma_start3A_179 = tpu.memref_slice %arg8[%dma_start3A_177, %dma_start3A_178] : memref<10240x128xf32, #tpu.memory_space<vmem_shared>> -> memref<10240x128xf32, #tpu.memory_space<vmem_shared>>
        tpu.enqueue_indirect_dma source(%arg12 : memref<128x128xf32, #tpu.memory_space<vmem>>) target(%dma_start3A_179 : memref<10240x128xf32, #tpu.memory_space<vmem_shared>>) offsets(%dma_start3A_176 : memref<128xi32, #tpu.memory_space<vmem>>) semaphore(%run_scoped3A_173 : memref<!tpu.dma_semaphore, #tpu.memory_space<semaphore_mem>>) {add = true}
        %dma_wait3A_180 = arith.constant 0 : i32
        %dma_wait3A_181 = tpu.memref_slice %arg10[%run_scoped3A_119, %dma_wait3A_180] : memref<8x128xi32, #tpu.memory_space<vmem>> -> memref<1x128xi32, #tpu.memory_space<vmem>>
        %dma_wait3A_182 = tpu.memref_squeeze %dma_wait3A_181 : memref<1x128xi32, #tpu.memory_space<vmem>> -> memref<128xi32, #tpu.memory_space<vmem>>
        %dma_wait3A_183 = arith.constant 0 : i32
        %dma_wait3A_184 = arith.constant 0 : i32
        %dma_wait3A_185 = tpu.memref_slice %arg8[%dma_wait3A_183, %dma_wait3A_184] : memref<10240x128xf32, #tpu.memory_space<vmem_shared>> -> memref<10240x128xf32, #tpu.memory_space<vmem_shared>>
        tpu.wait_indirect_dma semaphore(%run_scoped3A_173 : memref<!tpu.dma_semaphore, #tpu.memory_space<semaphore_mem>>) src(%arg12 : memref<128x128xf32, #tpu.memory_space<vmem>>) dst(%dma_wait3A_185 : memref<10240x128xf32, #tpu.memory_space<vmem_shared>>)
        tpu.yield
      }) : () -> ()
      %dma_start3A_120 = arith.constant 5 : i32
      %dma_start3A_121 = arith.constant 0 : i32
      %dma_start3A_122 = tpu.memref_slice %arg9[%dma_start3A_120, %dma_start3A_121] : memref<8x128xi32, #tpu.memory_space<vmem>> -> memref<1x128xi32, #tpu.memory_space<vmem>>
      %dma_start3A_123 = tpu.memref_squeeze %dma_start3A_122 : memref<1x128xi32, #tpu.memory_space<vmem>> -> memref<128xi32, #tpu.memory_space<vmem>>
      %dma_start3A_124 = arith.constant 0 : i32
      %dma_start3A_125 = arith.constant 0 : i32
      %dma_start3A_126 = tpu.memref_slice %arg2[%dma_start3A_124, %dma_start3A_125] : memref<10000x128xf32, #tpu.memory_space<hbm>> -> memref<10000x128xf32, #tpu.memory_space<hbm>>
      tpu.enqueue_indirect_dma source(%dma_start3A_126 : memref<10000x128xf32, #tpu.memory_space<hbm>>) target(%arg12 : memref<128x128xf32, #tpu.memory_space<vmem>>) offsets(%dma_start3A_123 : memref<128xi32, #tpu.memory_space<vmem>>) semaphore(%arg14 : memref<!tpu.dma_semaphore, #tpu.memory_space<semaphore_mem>>)
      %dma_wait3A_127 = arith.constant 4 : i32
      %dma_wait3A_128 = arith.constant 0 : i32
      %dma_wait3A_129 = tpu.memref_slice %arg9[%dma_wait3A_127, %dma_wait3A_128] : memref<8x128xi32, #tpu.memory_space<vmem>> -> memref<1x128xi32, #tpu.memory_space<vmem>>
      %dma_wait3A_130 = tpu.memref_squeeze %dma_wait3A_129 : memref<1x128xi32, #tpu.memory_space<vmem>> -> memref<128xi32, #tpu.memory_space<vmem>>
      %dma_wait3A_131 = arith.constant 0 : i32
      %dma_wait3A_132 = arith.constant 0 : i32
      %dma_wait3A_133 = tpu.memref_slice %arg2[%dma_wait3A_131, %dma_wait3A_132] : memref<10000x128xf32, #tpu.memory_space<hbm>> -> memref<10000x128xf32, #tpu.memory_space<hbm>>
      tpu.wait_indirect_dma semaphore(%arg13 : memref<!tpu.dma_semaphore, #tpu.memory_space<semaphore_mem>>) src(%dma_wait3A_133 : memref<10000x128xf32, #tpu.memory_space<hbm>>) dst(%arg11 : memref<128x128xf32, #tpu.memory_space<vmem>>)
      %run_scoped3A_134 = arith.constant 4 : i32
      "tpu.region"() ({
        %run_scoped3A_173 = tpu.sem_alloc : memref<!tpu.dma_semaphore, #tpu.memory_space<semaphore_mem>>
        %dma_start3A_174 = arith.constant 0 : i32
        %dma_start3A_175 = tpu.memref_slice %arg10[%run_scoped3A_134, %dma_start3A_174] : memref<8x128xi32, #tpu.memory_space<vmem>> -> memref<1x128xi32, #tpu.memory_space<vmem>>
        %dma_start3A_176 = tpu.memref_squeeze %dma_start3A_175 : memref<1x128xi32, #tpu.memory_space<vmem>> -> memref<128xi32, #tpu.memory_space<vmem>>
        %dma_start3A_177 = arith.constant 0 : i32
        %dma_start3A_178 = arith.constant 0 : i32
        %dma_start3A_179 = tpu.memref_slice %arg8[%dma_start3A_177, %dma_start3A_178] : memref<10240x128xf32, #tpu.memory_space<vmem_shared>> -> memref<10240x128xf32, #tpu.memory_space<vmem_shared>>
        tpu.enqueue_indirect_dma source(%arg11 : memref<128x128xf32, #tpu.memory_space<vmem>>) target(%dma_start3A_179 : memref<10240x128xf32, #tpu.memory_space<vmem_shared>>) offsets(%dma_start3A_176 : memref<128xi32, #tpu.memory_space<vmem>>) semaphore(%run_scoped3A_173 : memref<!tpu.dma_semaphore, #tpu.memory_space<semaphore_mem>>) {add = true}
        %dma_wait3A_180 = arith.constant 0 : i32
        %dma_wait3A_181 = tpu.memref_slice %arg10[%run_scoped3A_134, %dma_wait3A_180] : memref<8x128xi32, #tpu.memory_space<vmem>> -> memref<1x128xi32, #tpu.memory_space<vmem>>
        %dma_wait3A_182 = tpu.memref_squeeze %dma_wait3A_181 : memref<1x128xi32, #tpu.memory_space<vmem>> -> memref<128xi32, #tpu.memory_space<vmem>>
        %dma_wait3A_183 = arith.constant 0 : i32
        %dma_wait3A_184 = arith.constant 0 : i32
        %dma_wait3A_185 = tpu.memref_slice %arg8[%dma_wait3A_183, %dma_wait3A_184] : memref<10240x128xf32, #tpu.memory_space<vmem_shared>> -> memref<10240x128xf32, #tpu.memory_space<vmem_shared>>
        tpu.wait_indirect_dma semaphore(%run_scoped3A_173 : memref<!tpu.dma_semaphore, #tpu.memory_space<semaphore_mem>>) src(%arg11 : memref<128x128xf32, #tpu.memory_space<vmem>>) dst(%dma_wait3A_185 : memref<10240x128xf32, #tpu.memory_space<vmem_shared>>)
        tpu.yield
      }) : () -> ()
      %dma_start3A_135 = arith.constant 6 : i32
      %dma_start3A_136 = arith.constant 0 : i32
      %dma_start3A_137 = tpu.memref_slice %arg9[%dma_start3A_135, %dma_start3A_136] : memref<8x128xi32, #tpu.memory_space<vmem>> -> memref<1x128xi32, #tpu.memory_space<vmem>>
      %dma_start3A_138 = tpu.memref_squeeze %dma_start3A_137 : memref<1x128xi32, #tpu.memory_space<vmem>> -> memref<128xi32, #tpu.memory_space<vmem>>
      %dma_start3A_139 = arith.constant 0 : i32
      %dma_start3A_140 = arith.constant 0 : i32
      %dma_start3A_141 = tpu.memref_slice %arg2[%dma_start3A_139, %dma_start3A_140] : memref<10000x128xf32, #tpu.memory_space<hbm>> -> memref<10000x128xf32, #tpu.memory_space<hbm>>
      tpu.enqueue_indirect_dma source(%dma_start3A_141 : memref<10000x128xf32, #tpu.memory_space<hbm>>) target(%arg11 : memref<128x128xf32, #tpu.memory_space<vmem>>) offsets(%dma_start3A_138 : memref<128xi32, #tpu.memory_space<vmem>>) semaphore(%arg13 : memref<!tpu.dma_semaphore, #tpu.memory_space<semaphore_mem>>)
      %dma_wait3A_142 = arith.constant 5 : i32
      %dma_wait3A_143 = arith.constant 0 : i32
      %dma_wait3A_144 = tpu.memref_slice %arg9[%dma_wait3A_142, %dma_wait3A_143] : memref<8x128xi32, #tpu.memory_space<vmem>> -> memref<1x128xi32, #tpu.memory_space<vmem>>
      %dma_wait3A_145 = tpu.memref_squeeze %dma_wait3A_144 : memref<1x128xi32, #tpu.memory_space<vmem>> -> memref<128xi32, #tpu.memory_space<vmem>>
      %dma_wait3A_146 = arith.constant 0 : i32
      %dma_wait3A_147 = arith.constant 0 : i32
      %dma_wait3A_148 = tpu.memref_slice %arg2[%dma_wait3A_146, %dma_wait3A_147] : memref<10000x128xf32, #tpu.memory_space<hbm>> -> memref<10000x128xf32, #tpu.memory_space<hbm>>
      tpu.wait_indirect_dma semaphore(%arg14 : memref<!tpu.dma_semaphore, #tpu.memory_space<semaphore_mem>>) src(%dma_wait3A_148 : memref<10000x128xf32, #tpu.memory_space<hbm>>) dst(%arg12 : memref<128x128xf32, #tpu.memory_space<vmem>>)
      %run_scoped3A_149 = arith.constant 5 : i32
      "tpu.region"() ({
        %run_scoped3A_173 = tpu.sem_alloc : memref<!tpu.dma_semaphore, #tpu.memory_space<semaphore_mem>>
        %dma_start3A_174 = arith.constant 0 : i32
        %dma_start3A_175 = tpu.memref_slice %arg10[%run_scoped3A_149, %dma_start3A_174] : memref<8x128xi32, #tpu.memory_space<vmem>> -> memref<1x128xi32, #tpu.memory_space<vmem>>
        %dma_start3A_176 = tpu.memref_squeeze %dma_start3A_175 : memref<1x128xi32, #tpu.memory_space<vmem>> -> memref<128xi32, #tpu.memory_space<vmem>>
        %dma_start3A_177 = arith.constant 0 : i32
        %dma_start3A_178 = arith.constant 0 : i32
        %dma_start3A_179 = tpu.memref_slice %arg8[%dma_start3A_177, %dma_start3A_178] : memref<10240x128xf32, #tpu.memory_space<vmem_shared>> -> memref<10240x128xf32, #tpu.memory_space<vmem_shared>>
        tpu.enqueue_indirect_dma source(%arg12 : memref<128x128xf32, #tpu.memory_space<vmem>>) target(%dma_start3A_179 : memref<10240x128xf32, #tpu.memory_space<vmem_shared>>) offsets(%dma_start3A_176 : memref<128xi32, #tpu.memory_space<vmem>>) semaphore(%run_scoped3A_173 : memref<!tpu.dma_semaphore, #tpu.memory_space<semaphore_mem>>) {add = true}
        %dma_wait3A_180 = arith.constant 0 : i32
        %dma_wait3A_181 = tpu.memref_slice %arg10[%run_scoped3A_149, %dma_wait3A_180] : memref<8x128xi32, #tpu.memory_space<vmem>> -> memref<1x128xi32, #tpu.memory_space<vmem>>
        %dma_wait3A_182 = tpu.memref_squeeze %dma_wait3A_181 : memref<1x128xi32, #tpu.memory_space<vmem>> -> memref<128xi32, #tpu.memory_space<vmem>>
        %dma_wait3A_183 = arith.constant 0 : i32
        %dma_wait3A_184 = arith.constant 0 : i32
        %dma_wait3A_185 = tpu.memref_slice %arg8[%dma_wait3A_183, %dma_wait3A_184] : memref<10240x128xf32, #tpu.memory_space<vmem_shared>> -> memref<10240x128xf32, #tpu.memory_space<vmem_shared>>
        tpu.wait_indirect_dma semaphore(%run_scoped3A_173 : memref<!tpu.dma_semaphore, #tpu.memory_space<semaphore_mem>>) src(%arg12 : memref<128x128xf32, #tpu.memory_space<vmem>>) dst(%dma_wait3A_185 : memref<10240x128xf32, #tpu.memory_space<vmem_shared>>)
        tpu.yield
      }) : () -> ()
      %dma_start3A_150 = arith.constant 7 : i32
      %dma_start3A_151 = arith.constant 0 : i32
      %dma_start3A_152 = tpu.memref_slice %arg9[%dma_start3A_150, %dma_start3A_151] : memref<8x128xi32, #tpu.memory_space<vmem>> -> memref<1x128xi32, #tpu.memory_space<vmem>>
      %dma_start3A_153 = tpu.memref_squeeze %dma_start3A_152 : memref<1x128xi32, #tpu.memory_space<vmem>> -> memref<128xi32, #tpu.memory_space<vmem>>
      %dma_start3A_154 = arith.constant 0 : i32
      %dma_start3A_155 = arith.constant 0 : i32
      %dma_start3A_156 = tpu.memref_slice %arg2[%dma_start3A_154, %dma_start3A_155] : memref<10000x128xf32, #tpu.memory_space<hbm>> -> memref<10000x128xf32, #tpu.memory_space<hbm>>
      tpu.enqueue_indirect_dma source(%dma_start3A_156 : memref<10000x128xf32, #tpu.memory_space<hbm>>) target(%arg12 : memref<128x128xf32, #tpu.memory_space<vmem>>) offsets(%dma_start3A_153 : memref<128xi32, #tpu.memory_space<vmem>>) semaphore(%arg14 : memref<!tpu.dma_semaphore, #tpu.memory_space<semaphore_mem>>)
      %dma_wait3A_157 = arith.constant 6 : i32
      %dma_wait3A_158 = arith.constant 0 : i32
      %dma_wait3A_159 = tpu.memref_slice %arg9[%dma_wait3A_157, %dma_wait3A_158] : memref<8x128xi32, #tpu.memory_space<vmem>> -> memref<1x128xi32, #tpu.memory_space<vmem>>
      %dma_wait3A_160 = tpu.memref_squeeze %dma_wait3A_159 : memref<1x128xi32, #tpu.memory_space<vmem>> -> memref<128xi32, #tpu.memory_space<vmem>>
      %dma_wait3A_161 = arith.constant 0 : i32
      %dma_wait3A_162 = arith.constant 0 : i32
      %dma_wait3A_163 = tpu.memref_slice %arg2[%dma_wait3A_161, %dma_wait3A_162] : memref<10000x128xf32, #tpu.memory_space<hbm>> -> memref<10000x128xf32, #tpu.memory_space<hbm>>
      tpu.wait_indirect_dma semaphore(%arg13 : memref<!tpu.dma_semaphore, #tpu.memory_space<semaphore_mem>>) src(%dma_wait3A_163 : memref<10000x128xf32, #tpu.memory_space<hbm>>) dst(%arg11 : memref<128x128xf32, #tpu.memory_space<vmem>>)
      %run_scoped3A_164 = arith.constant 6 : i32
      "tpu.region"() ({
        %run_scoped3A_173 = tpu.sem_alloc : memref<!tpu.dma_semaphore, #tpu.memory_space<semaphore_mem>>
        %dma_start3A_174 = arith.constant 0 : i32
        %dma_start3A_175 = tpu.memref_slice %arg10[%run_scoped3A_164, %dma_start3A_174] : memref<8x128xi32, #tpu.memory_space<vmem>> -> memref<1x128xi32, #tpu.memory_space<vmem>>
        %dma_start3A_176 = tpu.memref_squeeze %dma_start3A_175 : memref<1x128xi32, #tpu.memory_space<vmem>> -> memref<128xi32, #tpu.memory_space<vmem>>
        %dma_start3A_177 = arith.constant 0 : i32
        %dma_start3A_178 = arith.constant 0 : i32
        %dma_start3A_179 = tpu.memref_slice %arg8[%dma_start3A_177, %dma_start3A_178] : memref<10240x128xf32, #tpu.memory_space<vmem_shared>> -> memref<10240x128xf32, #tpu.memory_space<vmem_shared>>
        tpu.enqueue_indirect_dma source(%arg11 : memref<128x128xf32, #tpu.memory_space<vmem>>) target(%dma_start3A_179 : memref<10240x128xf32, #tpu.memory_space<vmem_shared>>) offsets(%dma_start3A_176 : memref<128xi32, #tpu.memory_space<vmem>>) semaphore(%run_scoped3A_173 : memref<!tpu.dma_semaphore, #tpu.memory_space<semaphore_mem>>) {add = true}
        %dma_wait3A_180 = arith.constant 0 : i32
        %dma_wait3A_181 = tpu.memref_slice %arg10[%run_scoped3A_164, %dma_wait3A_180] : memref<8x128xi32, #tpu.memory_space<vmem>> -> memref<1x128xi32, #tpu.memory_space<vmem>>
        %dma_wait3A_182 = tpu.memref_squeeze %dma_wait3A_181 : memref<1x128xi32, #tpu.memory_space<vmem>> -> memref<128xi32, #tpu.memory_space<vmem>>
        %dma_wait3A_183 = arith.constant 0 : i32
        %dma_wait3A_184 = arith.constant 0 : i32
        %dma_wait3A_185 = tpu.memref_slice %arg8[%dma_wait3A_183, %dma_wait3A_184] : memref<10240x128xf32, #tpu.memory_space<vmem_shared>> -> memref<10240x128xf32, #tpu.memory_space<vmem_shared>>
        tpu.wait_indirect_dma semaphore(%run_scoped3A_173 : memref<!tpu.dma_semaphore, #tpu.memory_space<semaphore_mem>>) src(%arg11 : memref<128x128xf32, #tpu.memory_space<vmem>>) dst(%dma_wait3A_185 : memref<10240x128xf32, #tpu.memory_space<vmem_shared>>)
        tpu.yield
      }) : () -> ()
      %dma_wait3A_165 = arith.constant 7 : i32
      %dma_wait3A_166 = arith.constant 0 : i32
      %dma_wait3A_167 = tpu.memref_slice %arg9[%dma_wait3A_165, %dma_wait3A_166] : memref<8x128xi32, #tpu.memory_space<vmem>> -> memref<1x128xi32, #tpu.memory_space<vmem>>
      %dma_wait3A_168 = tpu.memref_squeeze %dma_wait3A_167 : memref<1x128xi32, #tpu.memory_space<vmem>> -> memref<128xi32, #tpu.memory_space<vmem>>
      %dma_wait3A_169 = arith.constant 0 : i32
      %dma_wait3A_170 = arith.constant 0 : i32
      %dma_wait3A_171 = tpu.memref_slice %arg2[%dma_wait3A_169, %dma_wait3A_170] : memref<10000x128xf32, #tpu.memory_space<hbm>> -> memref<10000x128xf32, #tpu.memory_space<hbm>>
      tpu.wait_indirect_dma semaphore(%arg14 : memref<!tpu.dma_semaphore, #tpu.memory_space<semaphore_mem>>) src(%dma_wait3A_171 : memref<10000x128xf32, #tpu.memory_space<hbm>>) dst(%arg12 : memref<128x128xf32, #tpu.memory_space<vmem>>)
      %run_scoped3A_172 = arith.constant 7 : i32
      "tpu.region"() ({
        %run_scoped3A_173 = tpu.sem_alloc : memref<!tpu.dma_semaphore, #tpu.memory_space<semaphore_mem>>
        %dma_start3A_174 = arith.constant 0 : i32
        %dma_start3A_175 = tpu.memref_slice %arg10[%run_scoped3A_172, %dma_start3A_174] : memref<8x128xi32, #tpu.memory_space<vmem>> -> memref<1x128xi32, #tpu.memory_space<vmem>>
        %dma_start3A_176 = tpu.memref_squeeze %dma_start3A_175 : memref<1x128xi32, #tpu.memory_space<vmem>> -> memref<128xi32, #tpu.memory_space<vmem>>
        %dma_start3A_177 = arith.constant 0 : i32
        %dma_start3A_178 = arith.constant 0 : i32
        %dma_start3A_179 = tpu.memref_slice %arg8[%dma_start3A_177, %dma_start3A_178] : memref<10240x128xf32, #tpu.memory_space<vmem_shared>> -> memref<10240x128xf32, #tpu.memory_space<vmem_shared>>
        tpu.enqueue_indirect_dma source(%arg12 : memref<128x128xf32, #tpu.memory_space<vmem>>) target(%dma_start3A_179 : memref<10240x128xf32, #tpu.memory_space<vmem_shared>>) offsets(%dma_start3A_176 : memref<128xi32, #tpu.memory_space<vmem>>) semaphore(%run_scoped3A_173 : memref<!tpu.dma_semaphore, #tpu.memory_space<semaphore_mem>>) {add = true}
        %dma_wait3A_180 = arith.constant 0 : i32
        %dma_wait3A_181 = tpu.memref_slice %arg10[%run_scoped3A_172, %dma_wait3A_180] : memref<8x128xi32, #tpu.memory_space<vmem>> -> memref<1x128xi32, #tpu.memory_space<vmem>>
        %dma_wait3A_182 = tpu.memref_squeeze %dma_wait3A_181 : memref<1x128xi32, #tpu.memory_space<vmem>> -> memref<128xi32, #tpu.memory_space<vmem>>
        %dma_wait3A_183 = arith.constant 0 : i32
        %dma_wait3A_184 = arith.constant 0 : i32
        %dma_wait3A_185 = tpu.memref_slice %arg8[%dma_wait3A_183, %dma_wait3A_184] : memref<10240x128xf32, #tpu.memory_space<vmem_shared>> -> memref<10240x128xf32, #tpu.memory_space<vmem_shared>>
        tpu.wait_indirect_dma semaphore(%run_scoped3A_173 : memref<!tpu.dma_semaphore, #tpu.memory_space<semaphore_mem>>) src(%arg12 : memref<128x128xf32, #tpu.memory_space<vmem>>) dst(%dma_wait3A_185 : memref<10240x128xf32, #tpu.memory_space<vmem_shared>>)
        tpu.yield
      }) : () -> ()
    }
    %while3A_42 = arith.constant 1 : i32
    scf.for %while3A_52 = %while3A_40 to %while3A_36 step %while3A_42  : i32 {
      %mul3A_53 = arith.constant 8 : i32
      %mul3A_54 = arith.muli %while3A_52, %mul3A_53 : i32
      %add3A_55 = arith.addi %select_n3A, %mul3A_54 : i32
      "tpu.region"() ({
        %run_scoped3A_173 = tpu.sem_alloc : memref<!tpu.dma_semaphore, #tpu.memory_space<semaphore_mem>>
        %dma_start3A_174 = arith.constant 0 : i32
        %dma_start3A_175 = tpu.memref_slice %arg4[%add3A_55, %dma_start3A_174] : memref<2560x128xi32, #tpu.memory_space<hbm>> -> memref<8x128xi32, #tpu.memory_space<hbm>>
        %dma_start3A_176 = arith.constant 0 : i32
        %dma_start3A_177 = tpu.memref_slice %arg4[%add3A_55, %dma_start3A_176] : memref<2560x128xi32, #tpu.memory_space<hbm>> -> memref<8x128xi32, #tpu.memory_space<hbm>>
        tpu.enqueue_dma source(%dma_start3A_177 : memref<8x128xi32, #tpu.memory_space<hbm>>) target(%arg9 : memref<8x128xi32, #tpu.memory_space<vmem>>) target_semaphore(%run_scoped3A_173 : memref<!tpu.dma_semaphore, #tpu.memory_space<semaphore_mem>>)
        %dma_wait3A_178 = arith.constant 0 : i32
        %dma_wait3A_179 = tpu.memref_slice %arg4[%add3A_55, %dma_wait3A_178] : memref<2560x128xi32, #tpu.memory_space<hbm>> -> memref<8x128xi32, #tpu.memory_space<hbm>>
        %dma_wait3A_180 = arith.constant 0 : i32
        %dma_wait3A_181 = tpu.memref_slice %arg4[%add3A_55, %dma_wait3A_180] : memref<2560x128xi32, #tpu.memory_space<hbm>> -> memref<8x128xi32, #tpu.memory_space<hbm>>
        tpu.wait_dma2 semaphore(%run_scoped3A_173 : memref<!tpu.dma_semaphore, #tpu.memory_space<semaphore_mem>>) src(%dma_wait3A_181 : memref<8x128xi32, #tpu.memory_space<hbm>>) dst(%arg9 : memref<8x128xi32, #tpu.memory_space<vmem>>)
        tpu.yield
      }) : () -> ()
      "tpu.region"() ({
        %run_scoped3A_173 = tpu.sem_alloc : memref<!tpu.dma_semaphore, #tpu.memory_space<semaphore_mem>>
        %dma_start3A_174 = arith.constant 0 : i32
        %dma_start3A_175 = tpu.memref_slice %arg5[%add3A_55, %dma_start3A_174] : memref<2560x128xi32, #tpu.memory_space<hbm>> -> memref<8x128xi32, #tpu.memory_space<hbm>>
        %dma_start3A_176 = arith.constant 0 : i32
        %dma_start3A_177 = tpu.memref_slice %arg5[%add3A_55, %dma_start3A_176] : memref<2560x128xi32, #tpu.memory_space<hbm>> -> memref<8x128xi32, #tpu.memory_space<hbm>>
        tpu.enqueue_dma source(%dma_start3A_177 : memref<8x128xi32, #tpu.memory_space<hbm>>) target(%arg10 : memref<8x128xi32, #tpu.memory_space<vmem>>) target_semaphore(%run_scoped3A_173 : memref<!tpu.dma_semaphore, #tpu.memory_space<semaphore_mem>>)
        %dma_wait3A_178 = arith.constant 0 : i32
        %dma_wait3A_179 = tpu.memref_slice %arg5[%add3A_55, %dma_wait3A_178] : memref<2560x128xi32, #tpu.memory_space<hbm>> -> memref<8x128xi32, #tpu.memory_space<hbm>>
        %dma_wait3A_180 = arith.constant 0 : i32
        %dma_wait3A_181 = tpu.memref_slice %arg5[%add3A_55, %dma_wait3A_180] : memref<2560x128xi32, #tpu.memory_space<hbm>> -> memref<8x128xi32, #tpu.memory_space<hbm>>
        tpu.wait_dma2 semaphore(%run_scoped3A_173 : memref<!tpu.dma_semaphore, #tpu.memory_space<semaphore_mem>>) src(%dma_wait3A_181 : memref<8x128xi32, #tpu.memory_space<hbm>>) dst(%arg10 : memref<8x128xi32, #tpu.memory_space<vmem>>)
        tpu.yield
      }) : () -> ()
      %dma_start3A = arith.constant 0 : i32
      %dma_start3A_56 = arith.constant 0 : i32
      %dma_start3A_57 = tpu.memref_slice %arg9[%dma_start3A, %dma_start3A_56] : memref<8x128xi32, #tpu.memory_space<vmem>> -> memref<1x128xi32, #tpu.memory_space<vmem>>
      %dma_start3A_58 = tpu.memref_squeeze %dma_start3A_57 : memref<1x128xi32, #tpu.memory_space<vmem>> -> memref<128xi32, #tpu.memory_space<vmem>>
      %dma_start3A_59 = arith.constant 0 : i32
      %dma_start3A_60 = arith.constant 0 : i32
      %dma_start3A_61 = tpu.memref_slice %arg2[%dma_start3A_59, %dma_start3A_60] : memref<10000x128xf32, #tpu.memory_space<hbm>> -> memref<10000x128xf32, #tpu.memory_space<hbm>>
      tpu.enqueue_indirect_dma source(%dma_start3A_61 : memref<10000x128xf32, #tpu.memory_space<hbm>>) target(%arg11 : memref<128x128xf32, #tpu.memory_space<vmem>>) offsets(%dma_start3A_58 : memref<128xi32, #tpu.memory_space<vmem>>) semaphore(%arg13 : memref<!tpu.dma_semaphore, #tpu.memory_space<semaphore_mem>>)
      %dma_start3A_62 = arith.constant 1 : i32
      %dma_start3A_63 = arith.constant 0 : i32
      %dma_start3A_64 = tpu.memref_slice %arg9[%dma_start3A_62, %dma_start3A_63] : memref<8x128xi32, #tpu.memory_space<vmem>> -> memref<1x128xi32, #tpu.memory_space<vmem>>
      %dma_start3A_65 = tpu.memref_squeeze %dma_start3A_64 : memref<1x128xi32, #tpu.memory_space<vmem>> -> memref<128xi32, #tpu.memory_space<vmem>>
      %dma_start3A_66 = arith.constant 0 : i32
      %dma_start3A_67 = arith.constant 0 : i32
      %dma_start3A_68 = tpu.memref_slice %arg2[%dma_start3A_66, %dma_start3A_67] : memref<10000x128xf32, #tpu.memory_space<hbm>> -> memref<10000x128xf32, #tpu.memory_space<hbm>>
      tpu.enqueue_indirect_dma source(%dma_start3A_68 : memref<10000x128xf32, #tpu.memory_space<hbm>>) target(%arg12 : memref<128x128xf32, #tpu.memory_space<vmem>>) offsets(%dma_start3A_65 : memref<128xi32, #tpu.memory_space<vmem>>) semaphore(%arg14 : memref<!tpu.dma_semaphore, #tpu.memory_space<semaphore_mem>>)
      %dma_wait3A = arith.constant 0 : i32
      %dma_wait3A_69 = arith.constant 0 : i32
      %dma_wait3A_70 = tpu.memref_slice %arg9[%dma_wait3A, %dma_wait3A_69] : memref<8x128xi32, #tpu.memory_space<vmem>> -> memref<1x128xi32, #tpu.memory_space<vmem>>
      %dma_wait3A_71 = tpu.memref_squeeze %dma_wait3A_70 : memref<1x128xi32, #tpu.memory_space<vmem>> -> memref<128xi32, #tpu.memory_space<vmem>>
      %dma_wait3A_72 = arith.constant 0 : i32
      %dma_wait3A_73 = arith.constant 0 : i32
      %dma_wait3A_74 = tpu.memref_slice %arg2[%dma_wait3A_72, %dma_wait3A_73] : memref<10000x128xf32, #tpu.memory_space<hbm>> -> memref<10000x128xf32, #tpu.memory_space<hbm>>
      tpu.wait_indirect_dma semaphore(%arg13 : memref<!tpu.dma_semaphore, #tpu.memory_space<semaphore_mem>>) src(%dma_wait3A_74 : memref<10000x128xf32, #tpu.memory_space<hbm>>) dst(%arg11 : memref<128x128xf32, #tpu.memory_space<vmem>>)
      %run_scoped3A = arith.constant 0 : i32
      "tpu.region"() ({
        %run_scoped3A_173 = tpu.sem_alloc : memref<!tpu.dma_semaphore, #tpu.memory_space<semaphore_mem>>
        %dma_start3A_174 = arith.constant 0 : i32
        %dma_start3A_175 = tpu.memref_slice %arg10[%run_scoped3A, %dma_start3A_174] : memref<8x128xi32, #tpu.memory_space<vmem>> -> memref<1x128xi32, #tpu.memory_space<vmem>>
        %dma_start3A_176 = tpu.memref_squeeze %dma_start3A_175 : memref<1x128xi32, #tpu.memory_space<vmem>> -> memref<128xi32, #tpu.memory_space<vmem>>
        %dma_start3A_177 = arith.constant 0 : i32
        %dma_start3A_178 = arith.constant 0 : i32
        %dma_start3A_179 = tpu.memref_slice %arg8[%dma_start3A_177, %dma_start3A_178] : memref<10240x128xf32, #tpu.memory_space<vmem_shared>> -> memref<10240x128xf32, #tpu.memory_space<vmem_shared>>
        tpu.enqueue_indirect_dma source(%arg11 : memref<128x128xf32, #tpu.memory_space<vmem>>) target(%dma_start3A_179 : memref<10240x128xf32, #tpu.memory_space<vmem_shared>>) offsets(%dma_start3A_176 : memref<128xi32, #tpu.memory_space<vmem>>) semaphore(%run_scoped3A_173 : memref<!tpu.dma_semaphore, #tpu.memory_space<semaphore_mem>>) {add = true}
        %dma_wait3A_180 = arith.constant 0 : i32
        %dma_wait3A_181 = tpu.memref_slice %arg10[%run_scoped3A, %dma_wait3A_180] : memref<8x128xi32, #tpu.memory_space<vmem>> -> memref<1x128xi32, #tpu.memory_space<vmem>>
        %dma_wait3A_182 = tpu.memref_squeeze %dma_wait3A_181 : memref<1x128xi32, #tpu.memory_space<vmem>> -> memref<128xi32, #tpu.memory_space<vmem>>
        %dma_wait3A_183 = arith.constant 0 : i32
        %dma_wait3A_184 = arith.constant 0 : i32
        %dma_wait3A_185 = tpu.memref_slice %arg8[%dma_wait3A_183, %dma_wait3A_184] : memref<10240x128xf32, #tpu.memory_space<vmem_shared>> -> memref<10240x128xf32, #tpu.memory_space<vmem_shared>>
        tpu.wait_indirect_dma semaphore(%run_scoped3A_173 : memref<!tpu.dma_semaphore, #tpu.memory_space<semaphore_mem>>) src(%arg11 : memref<128x128xf32, #tpu.memory_space<vmem>>) dst(%dma_wait3A_185 : memref<10240x128xf32, #tpu.memory_space<vmem_shared>>)
        tpu.yield
      }) : () -> ()
      %dma_start3A_75 = arith.constant 2 : i32
      %dma_start3A_76 = arith.constant 0 : i32
      %dma_start3A_77 = tpu.memref_slice %arg9[%dma_start3A_75, %dma_start3A_76] : memref<8x128xi32, #tpu.memory_space<vmem>> -> memref<1x128xi32, #tpu.memory_space<vmem>>
      %dma_start3A_78 = tpu.memref_squeeze %dma_start3A_77 : memref<1x128xi32, #tpu.memory_space<vmem>> -> memref<128xi32, #tpu.memory_space<vmem>>
      %dma_start3A_79 = arith.constant 0 : i32
      %dma_start3A_80 = arith.constant 0 : i32
      %dma_start3A_81 = tpu.memref_slice %arg2[%dma_start3A_79, %dma_start3A_80] : memref<10000x128xf32, #tpu.memory_space<hbm>> -> memref<10000x128xf32, #tpu.memory_space<hbm>>
      tpu.enqueue_indirect_dma source(%dma_start3A_81 : memref<10000x128xf32, #tpu.memory_space<hbm>>) target(%arg11 : memref<128x128xf32, #tpu.memory_space<vmem>>) offsets(%dma_start3A_78 : memref<128xi32, #tpu.memory_space<vmem>>) semaphore(%arg13 : memref<!tpu.dma_semaphore, #tpu.memory_space<semaphore_mem>>)
      %dma_wait3A_82 = arith.constant 1 : i32
      %dma_wait3A_83 = arith.constant 0 : i32
      %dma_wait3A_84 = tpu.memref_slice %arg9[%dma_wait3A_82, %dma_wait3A_83] : memref<8x128xi32, #tpu.memory_space<vmem>> -> memref<1x128xi32, #tpu.memory_space<vmem>>
      %dma_wait3A_85 = tpu.memref_squeeze %dma_wait3A_84 : memref<1x128xi32, #tpu.memory_space<vmem>> -> memref<128xi32, #tpu.memory_space<vmem>>
      %dma_wait3A_86 = arith.constant 0 : i32
      %dma_wait3A_87 = arith.constant 0 : i32
      %dma_wait3A_88 = tpu.memref_slice %arg2[%dma_wait3A_86, %dma_wait3A_87] : memref<10000x128xf32, #tpu.memory_space<hbm>> -> memref<10000x128xf32, #tpu.memory_space<hbm>>
      tpu.wait_indirect_dma semaphore(%arg14 : memref<!tpu.dma_semaphore, #tpu.memory_space<semaphore_mem>>) src(%dma_wait3A_88 : memref<10000x128xf32, #tpu.memory_space<hbm>>) dst(%arg12 : memref<128x128xf32, #tpu.memory_space<vmem>>)
      %run_scoped3A_89 = arith.constant 1 : i32
      "tpu.region"() ({
        %run_scoped3A_173 = tpu.sem_alloc : memref<!tpu.dma_semaphore, #tpu.memory_space<semaphore_mem>>
        %dma_start3A_174 = arith.constant 0 : i32
        %dma_start3A_175 = tpu.memref_slice %arg10[%run_scoped3A_89, %dma_start3A_174] : memref<8x128xi32, #tpu.memory_space<vmem>> -> memref<1x128xi32, #tpu.memory_space<vmem>>
        %dma_start3A_176 = tpu.memref_squeeze %dma_start3A_175 : memref<1x128xi32, #tpu.memory_space<vmem>> -> memref<128xi32, #tpu.memory_space<vmem>>
        %dma_start3A_177 = arith.constant 0 : i32
        %dma_start3A_178 = arith.constant 0 : i32
        %dma_start3A_179 = tpu.memref_slice %arg8[%dma_start3A_177, %dma_start3A_178] : memref<10240x128xf32, #tpu.memory_space<vmem_shared>> -> memref<10240x128xf32, #tpu.memory_space<vmem_shared>>
        tpu.enqueue_indirect_dma source(%arg12 : memref<128x128xf32, #tpu.memory_space<vmem>>) target(%dma_start3A_179 : memref<10240x128xf32, #tpu.memory_space<vmem_shared>>) offsets(%dma_start3A_176 : memref<128xi32, #tpu.memory_space<vmem>>) semaphore(%run_scoped3A_173 : memref<!tpu.dma_semaphore, #tpu.memory_space<semaphore_mem>>) {add = true}
        %dma_wait3A_180 = arith.constant 0 : i32
        %dma_wait3A_181 = tpu.memref_slice %arg10[%run_scoped3A_89, %dma_wait3A_180] : memref<8x128xi32, #tpu.memory_space<vmem>> -> memref<1x128xi32, #tpu.memory_space<vmem>>
        %dma_wait3A_182 = tpu.memref_squeeze %dma_wait3A_181 : memref<1x128xi32, #tpu.memory_space<vmem>> -> memref<128xi32, #tpu.memory_space<vmem>>
        %dma_wait3A_183 = arith.constant 0 : i32
        %dma_wait3A_184 = arith.constant 0 : i32
        %dma_wait3A_185 = tpu.memref_slice %arg8[%dma_wait3A_183, %dma_wait3A_184] : memref<10240x128xf32, #tpu.memory_space<vmem_shared>> -> memref<10240x128xf32, #tpu.memory_space<vmem_shared>>
        tpu.wait_indirect_dma semaphore(%run_scoped3A_173 : memref<!tpu.dma_semaphore, #tpu.memory_space<semaphore_mem>>) src(%arg12 : memref<128x128xf32, #tpu.memory_space<vmem>>) dst(%dma_wait3A_185 : memref<10240x128xf32, #tpu.memory_space<vmem_shared>>)
        tpu.yield
      }) : () -> ()
      %dma_start3A_90 = arith.constant 3 : i32
      %dma_start3A_91 = arith.constant 0 : i32
      %dma_start3A_92 = tpu.memref_slice %arg9[%dma_start3A_90, %dma_start3A_91] : memref<8x128xi32, #tpu.memory_space<vmem>> -> memref<1x128xi32, #tpu.memory_space<vmem>>
      %dma_start3A_93 = tpu.memref_squeeze %dma_start3A_92 : memref<1x128xi32, #tpu.memory_space<vmem>> -> memref<128xi32, #tpu.memory_space<vmem>>
      %dma_start3A_94 = arith.constant 0 : i32
      %dma_start3A_95 = arith.constant 0 : i32
      %dma_start3A_96 = tpu.memref_slice %arg2[%dma_start3A_94, %dma_start3A_95] : memref<10000x128xf32, #tpu.memory_space<hbm>> -> memref<10000x128xf32, #tpu.memory_space<hbm>>
      tpu.enqueue_indirect_dma source(%dma_start3A_96 : memref<10000x128xf32, #tpu.memory_space<hbm>>) target(%arg12 : memref<128x128xf32, #tpu.memory_space<vmem>>) offsets(%dma_start3A_93 : memref<128xi32, #tpu.memory_space<vmem>>) semaphore(%arg14 : memref<!tpu.dma_semaphore, #tpu.memory_space<semaphore_mem>>)
      %dma_wait3A_97 = arith.constant 2 : i32
      %dma_wait3A_98 = arith.constant 0 : i32
      %dma_wait3A_99 = tpu.memref_slice %arg9[%dma_wait3A_97, %dma_wait3A_98] : memref<8x128xi32, #tpu.memory_space<vmem>> -> memref<1x128xi32, #tpu.memory_space<vmem>>
      %dma_wait3A_100 = tpu.memref_squeeze %dma_wait3A_99 : memref<1x128xi32, #tpu.memory_space<vmem>> -> memref<128xi32, #tpu.memory_space<vmem>>
      %dma_wait3A_101 = arith.constant 0 : i32
      %dma_wait3A_102 = arith.constant 0 : i32
      %dma_wait3A_103 = tpu.memref_slice %arg2[%dma_wait3A_101, %dma_wait3A_102] : memref<10000x128xf32, #tpu.memory_space<hbm>> -> memref<10000x128xf32, #tpu.memory_space<hbm>>
      tpu.wait_indirect_dma semaphore(%arg13 : memref<!tpu.dma_semaphore, #tpu.memory_space<semaphore_mem>>) src(%dma_wait3A_103 : memref<10000x128xf32, #tpu.memory_space<hbm>>) dst(%arg11 : memref<128x128xf32, #tpu.memory_space<vmem>>)
      %run_scoped3A_104 = arith.constant 2 : i32
      "tpu.region"() ({
        %run_scoped3A_173 = tpu.sem_alloc : memref<!tpu.dma_semaphore, #tpu.memory_space<semaphore_mem>>
        %dma_start3A_174 = arith.constant 0 : i32
        %dma_start3A_175 = tpu.memref_slice %arg10[%run_scoped3A_104, %dma_start3A_174] : memref<8x128xi32, #tpu.memory_space<vmem>> -> memref<1x128xi32, #tpu.memory_space<vmem>>
        %dma_start3A_176 = tpu.memref_squeeze %dma_start3A_175 : memref<1x128xi32, #tpu.memory_space<vmem>> -> memref<128xi32, #tpu.memory_space<vmem>>
        %dma_start3A_177 = arith.constant 0 : i32
        %dma_start3A_178 = arith.constant 0 : i32
        %dma_start3A_179 = tpu.memref_slice %arg8[%dma_start3A_177, %dma_start3A_178] : memref<10240x128xf32, #tpu.memory_space<vmem_shared>> -> memref<10240x128xf32, #tpu.memory_space<vmem_shared>>
        tpu.enqueue_indirect_dma source(%arg11 : memref<128x128xf32, #tpu.memory_space<vmem>>) target(%dma_start3A_179 : memref<10240x128xf32, #tpu.memory_space<vmem_shared>>) offsets(%dma_start3A_176 : memref<128xi32, #tpu.memory_space<vmem>>) semaphore(%run_scoped3A_173 : memref<!tpu.dma_semaphore, #tpu.memory_space<semaphore_mem>>) {add = true}
        %dma_wait3A_180 = arith.constant 0 : i32
        %dma_wait3A_181 = tpu.memref_slice %arg10[%run_scoped3A_104, %dma_wait3A_180] : memref<8x128xi32, #tpu.memory_space<vmem>> -> memref<1x128xi32, #tpu.memory_space<vmem>>
        %dma_wait3A_182 = tpu.memref_squeeze %dma_wait3A_181 : memref<1x128xi32, #tpu.memory_space<vmem>> -> memref<128xi32, #tpu.memory_space<vmem>>
        %dma_wait3A_183 = arith.constant 0 : i32
        %dma_wait3A_184 = arith.constant 0 : i32
        %dma_wait3A_185 = tpu.memref_slice %arg8[%dma_wait3A_183, %dma_wait3A_184] : memref<10240x128xf32, #tpu.memory_space<vmem_shared>> -> memref<10240x128xf32, #tpu.memory_space<vmem_shared>>
        tpu.wait_indirect_dma semaphore(%run_scoped3A_173 : memref<!tpu.dma_semaphore, #tpu.memory_space<semaphore_mem>>) src(%arg11 : memref<128x128xf32, #tpu.memory_space<vmem>>) dst(%dma_wait3A_185 : memref<10240x128xf32, #tpu.memory_space<vmem_shared>>)
        tpu.yield
      }) : () -> ()
      %dma_start3A_105 = arith.constant 4 : i32
      %dma_start3A_106 = arith.constant 0 : i32
      %dma_start3A_107 = tpu.memref_slice %arg9[%dma_start3A_105, %dma_start3A_106] : memref<8x128xi32, #tpu.memory_space<vmem>> -> memref<1x128xi32, #tpu.memory_space<vmem>>
      %dma_start3A_108 = tpu.memref_squeeze %dma_start3A_107 : memref<1x128xi32, #tpu.memory_space<vmem>> -> memref<128xi32, #tpu.memory_space<vmem>>
      %dma_start3A_109 = arith.constant 0 : i32
      %dma_start3A_110 = arith.constant 0 : i32
      %dma_start3A_111 = tpu.memref_slice %arg2[%dma_start3A_109, %dma_start3A_110] : memref<10000x128xf32, #tpu.memory_space<hbm>> -> memref<10000x128xf32, #tpu.memory_space<hbm>>
      tpu.enqueue_indirect_dma source(%dma_start3A_111 : memref<10000x128xf32, #tpu.memory_space<hbm>>) target(%arg11 : memref<128x128xf32, #tpu.memory_space<vmem>>) offsets(%dma_start3A_108 : memref<128xi32, #tpu.memory_space<vmem>>) semaphore(%arg13 : memref<!tpu.dma_semaphore, #tpu.memory_space<semaphore_mem>>)
      %dma_wait3A_112 = arith.constant 3 : i32
      %dma_wait3A_113 = arith.constant 0 : i32
      %dma_wait3A_114 = tpu.memref_slice %arg9[%dma_wait3A_112, %dma_wait3A_113] : memref<8x128xi32, #tpu.memory_space<vmem>> -> memref<1x128xi32, #tpu.memory_space<vmem>>
      %dma_wait3A_115 = tpu.memref_squeeze %dma_wait3A_114 : memref<1x128xi32, #tpu.memory_space<vmem>> -> memref<128xi32, #tpu.memory_space<vmem>>
      %dma_wait3A_116 = arith.constant 0 : i32
      %dma_wait3A_117 = arith.constant 0 : i32
      %dma_wait3A_118 = tpu.memref_slice %arg2[%dma_wait3A_116, %dma_wait3A_117] : memref<10000x128xf32, #tpu.memory_space<hbm>> -> memref<10000x128xf32, #tpu.memory_space<hbm>>
      tpu.wait_indirect_dma semaphore(%arg14 : memref<!tpu.dma_semaphore, #tpu.memory_space<semaphore_mem>>) src(%dma_wait3A_118 : memref<10000x128xf32, #tpu.memory_space<hbm>>) dst(%arg12 : memref<128x128xf32, #tpu.memory_space<vmem>>)
      %run_scoped3A_119 = arith.constant 3 : i32
      "tpu.region"() ({
        %run_scoped3A_173 = tpu.sem_alloc : memref<!tpu.dma_semaphore, #tpu.memory_space<semaphore_mem>>
        %dma_start3A_174 = arith.constant 0 : i32
        %dma_start3A_175 = tpu.memref_slice %arg10[%run_scoped3A_119, %dma_start3A_174] : memref<8x128xi32, #tpu.memory_space<vmem>> -> memref<1x128xi32, #tpu.memory_space<vmem>>
        %dma_start3A_176 = tpu.memref_squeeze %dma_start3A_175 : memref<1x128xi32, #tpu.memory_space<vmem>> -> memref<128xi32, #tpu.memory_space<vmem>>
        %dma_start3A_177 = arith.constant 0 : i32
        %dma_start3A_178 = arith.constant 0 : i32
        %dma_start3A_179 = tpu.memref_slice %arg8[%dma_start3A_177, %dma_start3A_178] : memref<10240x128xf32, #tpu.memory_space<vmem_shared>> -> memref<10240x128xf32, #tpu.memory_space<vmem_shared>>
        tpu.enqueue_indirect_dma source(%arg12 : memref<128x128xf32, #tpu.memory_space<vmem>>) target(%dma_start3A_179 : memref<10240x128xf32, #tpu.memory_space<vmem_shared>>) offsets(%dma_start3A_176 : memref<128xi32, #tpu.memory_space<vmem>>) semaphore(%run_scoped3A_173 : memref<!tpu.dma_semaphore, #tpu.memory_space<semaphore_mem>>) {add = true}
        %dma_wait3A_180 = arith.constant 0 : i32
        %dma_wait3A_181 = tpu.memref_slice %arg10[%run_scoped3A_119, %dma_wait3A_180] : memref<8x128xi32, #tpu.memory_space<vmem>> -> memref<1x128xi32, #tpu.memory_space<vmem>>
        %dma_wait3A_182 = tpu.memref_squeeze %dma_wait3A_181 : memref<1x128xi32, #tpu.memory_space<vmem>> -> memref<128xi32, #tpu.memory_space<vmem>>
        %dma_wait3A_183 = arith.constant 0 : i32
        %dma_wait3A_184 = arith.constant 0 : i32
        %dma_wait3A_185 = tpu.memref_slice %arg8[%dma_wait3A_183, %dma_wait3A_184] : memref<10240x128xf32, #tpu.memory_space<vmem_shared>> -> memref<10240x128xf32, #tpu.memory_space<vmem_shared>>
        tpu.wait_indirect_dma semaphore(%run_scoped3A_173 : memref<!tpu.dma_semaphore, #tpu.memory_space<semaphore_mem>>) src(%arg12 : memref<128x128xf32, #tpu.memory_space<vmem>>) dst(%dma_wait3A_185 : memref<10240x128xf32, #tpu.memory_space<vmem_shared>>)
        tpu.yield
      }) : () -> ()
      %dma_start3A_120 = arith.constant 5 : i32
      %dma_start3A_121 = arith.constant 0 : i32
      %dma_start3A_122 = tpu.memref_slice %arg9[%dma_start3A_120, %dma_start3A_121] : memref<8x128xi32, #tpu.memory_space<vmem>> -> memref<1x128xi32, #tpu.memory_space<vmem>>
      %dma_start3A_123 = tpu.memref_squeeze %dma_start3A_122 : memref<1x128xi32, #tpu.memory_space<vmem>> -> memref<128xi32, #tpu.memory_space<vmem>>
      %dma_start3A_124 = arith.constant 0 : i32
      %dma_start3A_125 = arith.constant 0 : i32
      %dma_start3A_126 = tpu.memref_slice %arg2[%dma_start3A_124, %dma_start3A_125] : memref<10000x128xf32, #tpu.memory_space<hbm>> -> memref<10000x128xf32, #tpu.memory_space<hbm>>
      tpu.enqueue_indirect_dma source(%dma_start3A_126 : memref<10000x128xf32, #tpu.memory_space<hbm>>) target(%arg12 : memref<128x128xf32, #tpu.memory_space<vmem>>) offsets(%dma_start3A_123 : memref<128xi32, #tpu.memory_space<vmem>>) semaphore(%arg14 : memref<!tpu.dma_semaphore, #tpu.memory_space<semaphore_mem>>)
      %dma_wait3A_127 = arith.constant 4 : i32
      %dma_wait3A_128 = arith.constant 0 : i32
      %dma_wait3A_129 = tpu.memref_slice %arg9[%dma_wait3A_127, %dma_wait3A_128] : memref<8x128xi32, #tpu.memory_space<vmem>> -> memref<1x128xi32, #tpu.memory_space<vmem>>
      %dma_wait3A_130 = tpu.memref_squeeze %dma_wait3A_129 : memref<1x128xi32, #tpu.memory_space<vmem>> -> memref<128xi32, #tpu.memory_space<vmem>>
      %dma_wait3A_131 = arith.constant 0 : i32
      %dma_wait3A_132 = arith.constant 0 : i32
      %dma_wait3A_133 = tpu.memref_slice %arg2[%dma_wait3A_131, %dma_wait3A_132] : memref<10000x128xf32, #tpu.memory_space<hbm>> -> memref<10000x128xf32, #tpu.memory_space<hbm>>
      tpu.wait_indirect_dma semaphore(%arg13 : memref<!tpu.dma_semaphore, #tpu.memory_space<semaphore_mem>>) src(%dma_wait3A_133 : memref<10000x128xf32, #tpu.memory_space<hbm>>) dst(%arg11 : memref<128x128xf32, #tpu.memory_space<vmem>>)
      %run_scoped3A_134 = arith.constant 4 : i32
      "tpu.region"() ({
        %run_scoped3A_173 = tpu.sem_alloc : memref<!tpu.dma_semaphore, #tpu.memory_space<semaphore_mem>>
        %dma_start3A_174 = arith.constant 0 : i32
        %dma_start3A_175 = tpu.memref_slice %arg10[%run_scoped3A_134, %dma_start3A_174] : memref<8x128xi32, #tpu.memory_space<vmem>> -> memref<1x128xi32, #tpu.memory_space<vmem>>
        %dma_start3A_176 = tpu.memref_squeeze %dma_start3A_175 : memref<1x128xi32, #tpu.memory_space<vmem>> -> memref<128xi32, #tpu.memory_space<vmem>>
        %dma_start3A_177 = arith.constant 0 : i32
        %dma_start3A_178 = arith.constant 0 : i32
        %dma_start3A_179 = tpu.memref_slice %arg8[%dma_start3A_177, %dma_start3A_178] : memref<10240x128xf32, #tpu.memory_space<vmem_shared>> -> memref<10240x128xf32, #tpu.memory_space<vmem_shared>>
        tpu.enqueue_indirect_dma source(%arg11 : memref<128x128xf32, #tpu.memory_space<vmem>>) target(%dma_start3A_179 : memref<10240x128xf32, #tpu.memory_space<vmem_shared>>) offsets(%dma_start3A_176 : memref<128xi32, #tpu.memory_space<vmem>>) semaphore(%run_scoped3A_173 : memref<!tpu.dma_semaphore, #tpu.memory_space<semaphore_mem>>) {add = true}
        %dma_wait3A_180 = arith.constant 0 : i32
        %dma_wait3A_181 = tpu.memref_slice %arg10[%run_scoped3A_134, %dma_wait3A_180] : memref<8x128xi32, #tpu.memory_space<vmem>> -> memref<1x128xi32, #tpu.memory_space<vmem>>
        %dma_wait3A_182 = tpu.memref_squeeze %dma_wait3A_181 : memref<1x128xi32, #tpu.memory_space<vmem>> -> memref<128xi32, #tpu.memory_space<vmem>>
        %dma_wait3A_183 = arith.constant 0 : i32
        %dma_wait3A_184 = arith.constant 0 : i32
        %dma_wait3A_185 = tpu.memref_slice %arg8[%dma_wait3A_183, %dma_wait3A_184] : memref<10240x128xf32, #tpu.memory_space<vmem_shared>> -> memref<10240x128xf32, #tpu.memory_space<vmem_shared>>
        tpu.wait_indirect_dma semaphore(%run_scoped3A_173 : memref<!tpu.dma_semaphore, #tpu.memory_space<semaphore_mem>>) src(%arg11 : memref<128x128xf32, #tpu.memory_space<vmem>>) dst(%dma_wait3A_185 : memref<10240x128xf32, #tpu.memory_space<vmem_shared>>)
        tpu.yield
      }) : () -> ()
      %dma_start3A_135 = arith.constant 6 : i32
      %dma_start3A_136 = arith.constant 0 : i32
      %dma_start3A_137 = tpu.memref_slice %arg9[%dma_start3A_135, %dma_start3A_136] : memref<8x128xi32, #tpu.memory_space<vmem>> -> memref<1x128xi32, #tpu.memory_space<vmem>>
      %dma_start3A_138 = tpu.memref_squeeze %dma_start3A_137 : memref<1x128xi32, #tpu.memory_space<vmem>> -> memref<128xi32, #tpu.memory_space<vmem>>
      %dma_start3A_139 = arith.constant 0 : i32
      %dma_start3A_140 = arith.constant 0 : i32
      %dma_start3A_141 = tpu.memref_slice %arg2[%dma_start3A_139, %dma_start3A_140] : memref<10000x128xf32, #tpu.memory_space<hbm>> -> memref<10000x128xf32, #tpu.memory_space<hbm>>
      tpu.enqueue_indirect_dma source(%dma_start3A_141 : memref<10000x128xf32, #tpu.memory_space<hbm>>) target(%arg11 : memref<128x128xf32, #tpu.memory_space<vmem>>) offsets(%dma_start3A_138 : memref<128xi32, #tpu.memory_space<vmem>>) semaphore(%arg13 : memref<!tpu.dma_semaphore, #tpu.memory_space<semaphore_mem>>)
      %dma_wait3A_142 = arith.constant 5 : i32
      %dma_wait3A_143 = arith.constant 0 : i32
      %dma_wait3A_144 = tpu.memref_slice %arg9[%dma_wait3A_142, %dma_wait3A_143] : memref<8x128xi32, #tpu.memory_space<vmem>> -> memref<1x128xi32, #tpu.memory_space<vmem>>
      %dma_wait3A_145 = tpu.memref_squeeze %dma_wait3A_144 : memref<1x128xi32, #tpu.memory_space<vmem>> -> memref<128xi32, #tpu.memory_space<vmem>>
      %dma_wait3A_146 = arith.constant 0 : i32
      %dma_wait3A_147 = arith.constant 0 : i32
      %dma_wait3A_148 = tpu.memref_slice %arg2[%dma_wait3A_146, %dma_wait3A_147] : memref<10000x128xf32, #tpu.memory_space<hbm>> -> memref<10000x128xf32, #tpu.memory_space<hbm>>
      tpu.wait_indirect_dma semaphore(%arg14 : memref<!tpu.dma_semaphore, #tpu.memory_space<semaphore_mem>>) src(%dma_wait3A_148 : memref<10000x128xf32, #tpu.memory_space<hbm>>) dst(%arg12 : memref<128x128xf32, #tpu.memory_space<vmem>>)
      %run_scoped3A_149 = arith.constant 5 : i32
      "tpu.region"() ({
        %run_scoped3A_173 = tpu.sem_alloc : memref<!tpu.dma_semaphore, #tpu.memory_space<semaphore_mem>>
        %dma_start3A_174 = arith.constant 0 : i32
        %dma_start3A_175 = tpu.memref_slice %arg10[%run_scoped3A_149, %dma_start3A_174] : memref<8x128xi32, #tpu.memory_space<vmem>> -> memref<1x128xi32, #tpu.memory_space<vmem>>
        %dma_start3A_176 = tpu.memref_squeeze %dma_start3A_175 : memref<1x128xi32, #tpu.memory_space<vmem>> -> memref<128xi32, #tpu.memory_space<vmem>>
        %dma_start3A_177 = arith.constant 0 : i32
        %dma_start3A_178 = arith.constant 0 : i32
        %dma_start3A_179 = tpu.memref_slice %arg8[%dma_start3A_177, %dma_start3A_178] : memref<10240x128xf32, #tpu.memory_space<vmem_shared>> -> memref<10240x128xf32, #tpu.memory_space<vmem_shared>>
        tpu.enqueue_indirect_dma source(%arg12 : memref<128x128xf32, #tpu.memory_space<vmem>>) target(%dma_start3A_179 : memref<10240x128xf32, #tpu.memory_space<vmem_shared>>) offsets(%dma_start3A_176 : memref<128xi32, #tpu.memory_space<vmem>>) semaphore(%run_scoped3A_173 : memref<!tpu.dma_semaphore, #tpu.memory_space<semaphore_mem>>) {add = true}
        %dma_wait3A_180 = arith.constant 0 : i32
        %dma_wait3A_181 = tpu.memref_slice %arg10[%run_scoped3A_149, %dma_wait3A_180] : memref<8x128xi32, #tpu.memory_space<vmem>> -> memref<1x128xi32, #tpu.memory_space<vmem>>
        %dma_wait3A_182 = tpu.memref_squeeze %dma_wait3A_181 : memref<1x128xi32, #tpu.memory_space<vmem>> -> memref<128xi32, #tpu.memory_space<vmem>>
        %dma_wait3A_183 = arith.constant 0 : i32
        %dma_wait3A_184 = arith.constant 0 : i32
        %dma_wait3A_185 = tpu.memref_slice %arg8[%dma_wait3A_183, %dma_wait3A_184] : memref<10240x128xf32, #tpu.memory_space<vmem_shared>> -> memref<10240x128xf32, #tpu.memory_space<vmem_shared>>
        tpu.wait_indirect_dma semaphore(%run_scoped3A_173 : memref<!tpu.dma_semaphore, #tpu.memory_space<semaphore_mem>>) src(%arg12 : memref<128x128xf32, #tpu.memory_space<vmem>>) dst(%dma_wait3A_185 : memref<10240x128xf32, #tpu.memory_space<vmem_shared>>)
        tpu.yield
      }) : () -> ()
      %dma_start3A_150 = arith.constant 7 : i32
      %dma_start3A_151 = arith.constant 0 : i32
      %dma_start3A_152 = tpu.memref_slice %arg9[%dma_start3A_150, %dma_start3A_151] : memref<8x128xi32, #tpu.memory_space<vmem>> -> memref<1x128xi32, #tpu.memory_space<vmem>>
      %dma_start3A_153 = tpu.memref_squeeze %dma_start3A_152 : memref<1x128xi32, #tpu.memory_space<vmem>> -> memref<128xi32, #tpu.memory_space<vmem>>
      %dma_start3A_154 = arith.constant 0 : i32
      %dma_start3A_155 = arith.constant 0 : i32
      %dma_start3A_156 = tpu.memref_slice %arg2[%dma_start3A_154, %dma_start3A_155] : memref<10000x128xf32, #tpu.memory_space<hbm>> -> memref<10000x128xf32, #tpu.memory_space<hbm>>
      tpu.enqueue_indirect_dma source(%dma_start3A_156 : memref<10000x128xf32, #tpu.memory_space<hbm>>) target(%arg12 : memref<128x128xf32, #tpu.memory_space<vmem>>) offsets(%dma_start3A_153 : memref<128xi32, #tpu.memory_space<vmem>>) semaphore(%arg14 : memref<!tpu.dma_semaphore, #tpu.memory_space<semaphore_mem>>)
      %dma_wait3A_157 = arith.constant 6 : i32
      %dma_wait3A_158 = arith.constant 0 : i32
      %dma_wait3A_159 = tpu.memref_slice %arg9[%dma_wait3A_157, %dma_wait3A_158] : memref<8x128xi32, #tpu.memory_space<vmem>> -> memref<1x128xi32, #tpu.memory_space<vmem>>
      %dma_wait3A_160 = tpu.memref_squeeze %dma_wait3A_159 : memref<1x128xi32, #tpu.memory_space<vmem>> -> memref<128xi32, #tpu.memory_space<vmem>>
      %dma_wait3A_161 = arith.constant 0 : i32
      %dma_wait3A_162 = arith.constant 0 : i32
      %dma_wait3A_163 = tpu.memref_slice %arg2[%dma_wait3A_161, %dma_wait3A_162] : memref<10000x128xf32, #tpu.memory_space<hbm>> -> memref<10000x128xf32, #tpu.memory_space<hbm>>
      tpu.wait_indirect_dma semaphore(%arg13 : memref<!tpu.dma_semaphore, #tpu.memory_space<semaphore_mem>>) src(%dma_wait3A_163 : memref<10000x128xf32, #tpu.memory_space<hbm>>) dst(%arg11 : memref<128x128xf32, #tpu.memory_space<vmem>>)
      %run_scoped3A_164 = arith.constant 6 : i32
      "tpu.region"() ({
        %run_scoped3A_173 = tpu.sem_alloc : memref<!tpu.dma_semaphore, #tpu.memory_space<semaphore_mem>>
        %dma_start3A_174 = arith.constant 0 : i32
        %dma_start3A_175 = tpu.memref_slice %arg10[%run_scoped3A_164, %dma_start3A_174] : memref<8x128xi32, #tpu.memory_space<vmem>> -> memref<1x128xi32, #tpu.memory_space<vmem>>
        %dma_start3A_176 = tpu.memref_squeeze %dma_start3A_175 : memref<1x128xi32, #tpu.memory_space<vmem>> -> memref<128xi32, #tpu.memory_space<vmem>>
        %dma_start3A_177 = arith.constant 0 : i32
        %dma_start3A_178 = arith.constant 0 : i32
        %dma_start3A_179 = tpu.memref_slice %arg8[%dma_start3A_177, %dma_start3A_178] : memref<10240x128xf32, #tpu.memory_space<vmem_shared>> -> memref<10240x128xf32, #tpu.memory_space<vmem_shared>>
        tpu.enqueue_indirect_dma source(%arg11 : memref<128x128xf32, #tpu.memory_space<vmem>>) target(%dma_start3A_179 : memref<10240x128xf32, #tpu.memory_space<vmem_shared>>) offsets(%dma_start3A_176 : memref<128xi32, #tpu.memory_space<vmem>>) semaphore(%run_scoped3A_173 : memref<!tpu.dma_semaphore, #tpu.memory_space<semaphore_mem>>) {add = true}
        %dma_wait3A_180 = arith.constant 0 : i32
        %dma_wait3A_181 = tpu.memref_slice %arg10[%run_scoped3A_164, %dma_wait3A_180] : memref<8x128xi32, #tpu.memory_space<vmem>> -> memref<1x128xi32, #tpu.memory_space<vmem>>
        %dma_wait3A_182 = tpu.memref_squeeze %dma_wait3A_181 : memref<1x128xi32, #tpu.memory_space<vmem>> -> memref<128xi32, #tpu.memory_space<vmem>>
        %dma_wait3A_183 = arith.constant 0 : i32
        %dma_wait3A_184 = arith.constant 0 : i32
        %dma_wait3A_185 = tpu.memref_slice %arg8[%dma_wait3A_183, %dma_wait3A_184] : memref<10240x128xf32, #tpu.memory_space<vmem_shared>> -> memref<10240x128xf32, #tpu.memory_space<vmem_shared>>
        tpu.wait_indirect_dma semaphore(%run_scoped3A_173 : memref<!tpu.dma_semaphore, #tpu.memory_space<semaphore_mem>>) src(%arg11 : memref<128x128xf32, #tpu.memory_space<vmem>>) dst(%dma_wait3A_185 : memref<10240x128xf32, #tpu.memory_space<vmem_shared>>)
        tpu.yield
      }) : () -> ()
      %dma_wait3A_165 = arith.constant 7 : i32
      %dma_wait3A_166 = arith.constant 0 : i32
      %dma_wait3A_167 = tpu.memref_slice %arg9[%dma_wait3A_165, %dma_wait3A_166] : memref<8x128xi32, #tpu.memory_space<vmem>> -> memref<1x128xi32, #tpu.memory_space<vmem>>
      %dma_wait3A_168 = tpu.memref_squeeze %dma_wait3A_167 : memref<1x128xi32, #tpu.memory_space<vmem>> -> memref<128xi32, #tpu.memory_space<vmem>>
      %dma_wait3A_169 = arith.constant 0 : i32
      %dma_wait3A_170 = arith.constant 0 : i32
      %dma_wait3A_171 = tpu.memref_slice %arg2[%dma_wait3A_169, %dma_wait3A_170] : memref<10000x128xf32, #tpu.memory_space<hbm>> -> memref<10000x128xf32, #tpu.memory_space<hbm>>
      tpu.wait_indirect_dma semaphore(%arg14 : memref<!tpu.dma_semaphore, #tpu.memory_space<semaphore_mem>>) src(%dma_wait3A_171 : memref<10000x128xf32, #tpu.memory_space<hbm>>) dst(%arg12 : memref<128x128xf32, #tpu.memory_space<vmem>>)
      %run_scoped3A_172 = arith.constant 7 : i32
      "tpu.region"() ({
        %run_scoped3A_173 = tpu.sem_alloc : memref<!tpu.dma_semaphore, #tpu.memory_space<semaphore_mem>>
        %dma_start3A_174 = arith.constant 0 : i32
        %dma_start3A_175 = tpu.memref_slice %arg10[%run_scoped3A_172, %dma_start3A_174] : memref<8x128xi32, #tpu.memory_space<vmem>> -> memref<1x128xi32, #tpu.memory_space<vmem>>
        %dma_start3A_176 = tpu.memref_squeeze %dma_start3A_175 : memref<1x128xi32, #tpu.memory_space<vmem>> -> memref<128xi32, #tpu.memory_space<vmem>>
        %dma_start3A_177 = arith.constant 0 : i32
        %dma_start3A_178 = arith.constant 0 : i32
        %dma_start3A_179 = tpu.memref_slice %arg8[%dma_start3A_177, %dma_start3A_178] : memref<10240x128xf32, #tpu.memory_space<vmem_shared>> -> memref<10240x128xf32, #tpu.memory_space<vmem_shared>>
        tpu.enqueue_indirect_dma source(%arg12 : memref<128x128xf32, #tpu.memory_space<vmem>>) target(%dma_start3A_179 : memref<10240x128xf32, #tpu.memory_space<vmem_shared>>) offsets(%dma_start3A_176 : memref<128xi32, #tpu.memory_space<vmem>>) semaphore(%run_scoped3A_173 : memref<!tpu.dma_semaphore, #tpu.memory_space<semaphore_mem>>) {add = true}
        %dma_wait3A_180 = arith.constant 0 : i32
        %dma_wait3A_181 = tpu.memref_slice %arg10[%run_scoped3A_172, %dma_wait3A_180] : memref<8x128xi32, #tpu.memory_space<vmem>> -> memref<1x128xi32, #tpu.memory_space<vmem>>
        %dma_wait3A_182 = tpu.memref_squeeze %dma_wait3A_181 : memref<1x128xi32, #tpu.memory_space<vmem>> -> memref<128xi32, #tpu.memory_space<vmem>>
        %dma_wait3A_183 = arith.constant 0 : i32
        %dma_wait3A_184 = arith.constant 0 : i32
        %dma_wait3A_185 = tpu.memref_slice %arg8[%dma_wait3A_183, %dma_wait3A_184] : memref<10240x128xf32, #tpu.memory_space<vmem_shared>> -> memref<10240x128xf32, #tpu.memory_space<vmem_shared>>
        tpu.wait_indirect_dma semaphore(%run_scoped3A_173 : memref<!tpu.dma_semaphore, #tpu.memory_space<semaphore_mem>>) src(%arg12 : memref<128x128xf32, #tpu.memory_space<vmem>>) dst(%dma_wait3A_185 : memref<10240x128xf32, #tpu.memory_space<vmem_shared>>)
        tpu.yield
      }) : () -> ()
    }
    %barrier3A_43 = arith.constant 0 : index
    tpu.barrier barrier_id(%barrier3A_43)
    %eq3A_44 = arith.constant 0 : i32
    %eq3A_45 = arith.cmpi eq, %arg0, %eq3A_44 : i32
    %convert_element_type3A = arith.extui %eq3A_45 : i1 to i32
    %cond3A = arith.constant 0 : i32
    %cond3A_46 = arith.cmpi ne, %convert_element_type3A, %cond3A : i32
    scf.if %cond3A_46 {
      %mul3A_52 = arith.constant 640 : i32
      %mul3A_53 = arith.muli %arg1, %mul3A_52 : i32
      %mul3A_54 = arith.constant 640 : i32
      %mul3A_55 = arith.muli %arg1, %mul3A_54 : i32
      "tpu.region"() ({
        %run_scoped3A = tpu.sem_alloc : memref<!tpu.dma_semaphore, #tpu.memory_space<semaphore_mem>>
        %dma_start3A = arith.constant 0 : i32
        %dma_start3A_56 = tpu.memref_slice %arg6[%mul3A_55, %dma_start3A] : memref<10240x128xf32, #tpu.memory_space<hbm>> -> memref<640x128xf32, #tpu.memory_space<hbm>>
        %dma_start3A_57 = arith.constant 0 : i32
        %dma_start3A_58 = tpu.memref_slice %arg8[%mul3A_53, %dma_start3A_57] : memref<10240x128xf32, #tpu.memory_space<vmem_shared>> -> memref<640x128xf32, #tpu.memory_space<vmem_shared>>
        tpu.enqueue_dma source(%dma_start3A_58 : memref<640x128xf32, #tpu.memory_space<vmem_shared>>) target(%dma_start3A_56 : memref<640x128xf32, #tpu.memory_space<hbm>>) target_semaphore(%run_scoped3A : memref<!tpu.dma_semaphore, #tpu.memory_space<semaphore_mem>>)
        %dma_wait3A = arith.constant 0 : i32
        %dma_wait3A_59 = tpu.memref_slice %arg6[%mul3A_55, %dma_wait3A] : memref<10240x128xf32, #tpu.memory_space<hbm>> -> memref<640x128xf32, #tpu.memory_space<hbm>>
        %dma_wait3A_60 = arith.constant 0 : i32
        %dma_wait3A_61 = tpu.memref_slice %arg8[%mul3A_53, %dma_wait3A_60] : memref<10240x128xf32, #tpu.memory_space<vmem_shared>> -> memref<640x128xf32, #tpu.memory_space<vmem_shared>>
        tpu.wait_dma2 semaphore(%run_scoped3A : memref<!tpu.dma_semaphore, #tpu.memory_space<semaphore_mem>>) src(%dma_wait3A_61 : memref<640x128xf32, #tpu.memory_space<vmem_shared>>) dst(%dma_wait3A_59 : memref<640x128xf32, #tpu.memory_space<hbm>>)
        tpu.yield
      }) : () -> ()
    } else {
    }
    %eq3A_47 = arith.constant 1 : i32
    %eq3A_48 = arith.cmpi eq, %arg0, %eq3A_47 : i32
    %convert_element_type3A_49 = arith.extui %eq3A_48 : i1 to i32
    %cond3A_50 = arith.constant 0 : i32
    %cond3A_51 = arith.cmpi ne, %convert_element_type3A_49, %cond3A_50 : i32
    scf.if %cond3A_51 {
      %mul3A_52 = arith.constant 640 : i32
      %mul3A_53 = arith.muli %arg1, %mul3A_52 : i32
      %mul3A_54 = arith.constant 640 : i32
      %mul3A_55 = arith.muli %arg1, %mul3A_54 : i32
      "tpu.region"() ({
        %run_scoped3A = tpu.sem_alloc : memref<!tpu.dma_semaphore, #tpu.memory_space<semaphore_mem>>
        %dma_start3A = arith.constant 0 : i32
        %dma_start3A_56 = tpu.memref_slice %arg7[%mul3A_55, %dma_start3A] : memref<10240x128xf32, #tpu.memory_space<hbm>> -> memref<640x128xf32, #tpu.memory_space<hbm>>
        %dma_start3A_57 = arith.constant 0 : i32
        %dma_start3A_58 = tpu.memref_slice %arg8[%mul3A_53, %dma_start3A_57] : memref<10240x128xf32, #tpu.memory_space<vmem_shared>> -> memref<640x128xf32, #tpu.memory_space<vmem_shared>>
        tpu.enqueue_dma source(%dma_start3A_58 : memref<640x128xf32, #tpu.memory_space<vmem_shared>>) target(%dma_start3A_56 : memref<640x128xf32, #tpu.memory_space<hbm>>) target_semaphore(%run_scoped3A : memref<!tpu.dma_semaphore, #tpu.memory_space<semaphore_mem>>)
        %dma_wait3A = arith.constant 0 : i32
        %dma_wait3A_59 = tpu.memref_slice %arg7[%mul3A_55, %dma_wait3A] : memref<10240x128xf32, #tpu.memory_space<hbm>> -> memref<640x128xf32, #tpu.memory_space<hbm>>
        %dma_wait3A_60 = arith.constant 0 : i32
        %dma_wait3A_61 = tpu.memref_slice %arg8[%mul3A_53, %dma_wait3A_60] : memref<10240x128xf32, #tpu.memory_space<vmem_shared>> -> memref<640x128xf32, #tpu.memory_space<vmem_shared>>
        tpu.wait_dma2 semaphore(%run_scoped3A : memref<!tpu.dma_semaphore, #tpu.memory_space<semaphore_mem>>) src(%dma_wait3A_61 : memref<640x128xf32, #tpu.memory_space<vmem_shared>>) dst(%dma_wait3A_59 : memref<640x128xf32, #tpu.memory_space<hbm>>)
        tpu.yield
      }) : () -> ()
    } else {
    }
    return
  }
}

module attributes {stable_mosaic.version = 14 : i64} {
  func.func @body(%arg0: i32, %arg1: memref<1000x128xf32, #tpu.memory_space<vmem>>, %arg2: memref<1000x128xf32, #tpu.memory_space<vmem>>, %arg3: memref<1000x128xf32, #tpu.memory_space<vmem>>, %arg4: memref<128x128xf32, #tpu.memory_space<vmem>>, %arg5: memref<1x128xf32, #tpu.memory_space<vmem>>, %arg6: memref<128x128xf32, #tpu.memory_space<vmem>>, %arg7: memref<1x128xf32, #tpu.memory_space<vmem>>, %arg8: memref<1000x128xf32, #tpu.memory_space<vmem>>) attributes {dimension_semantics = [#tpu.dimension_semantics<arbitrary>], iteration_bounds = array<i64: 10>, scalar_prefetch = 0 : i64, scratch_operands = 0 : i64, tpu.core_type = #tpu.core_type<tc>, window_params = [{transform_indices = @transform_0, window_bounds = array<i64: 1000, 128>}, {transform_indices = @transform_1, window_bounds = array<i64: 1000, 128>}, {transform_indices = @transform_2, window_bounds = array<i64: 1000, 128>}, {pipeline_mode = #tpu.pipeline_mode<synchronous>, transform_indices = @transform_3, window_bounds = array<i64: 128, 128>}, {pipeline_mode = #tpu.pipeline_mode<synchronous>, transform_indices = @transform_4, window_bounds = array<i64: 1, 128>}, {pipeline_mode = #tpu.pipeline_mode<synchronous>, transform_indices = @transform_5, window_bounds = array<i64: 128, 128>}, {pipeline_mode = #tpu.pipeline_mode<synchronous>, transform_indices = @transform_6, window_bounds = array<i64: 1, 128>}, {transform_indices = @transform_7, window_bounds = array<i64: 1000, 128>}]} {
    %get3A = arith.constant 0 : index
    %get3A_0 = arith.constant 0 : index
    %get3A_1 = vector.load %arg1[%get3A, %get3A_0] : memref<1000x128xf32, #tpu.memory_space<vmem>>, vector<1000x128xf32>
    %get3A_2 = arith.constant 0 : index
    %get3A_3 = arith.constant 0 : index
    %get3A_4 = vector.load %arg2[%get3A_2, %get3A_3] : memref<1000x128xf32, #tpu.memory_space<vmem>>, vector<1000x128xf32>
    %add3A = arith.addf %get3A_1, %get3A_4 : vector<1000x128xf32>
    %get3A_5 = arith.constant 0 : index
    %get3A_6 = arith.constant 0 : index
    %get3A_7 = vector.load %arg3[%get3A_5, %get3A_6] : memref<1000x128xf32, #tpu.memory_space<vmem>>, vector<1000x128xf32>
    %add3A_8 = arith.addf %add3A, %get3A_7 : vector<1000x128xf32>
    %get3A_9 = arith.constant 0 : index
    %get3A_10 = arith.constant 0 : index
    %get3A_11 = vector.load %arg4[%get3A_9, %get3A_10] : memref<128x128xf32, #tpu.memory_space<vmem>>, vector<128x128xf32>
    %dot_general3A = arith.constant dense<0.000000e+00> : vector<1000x128xf32>
    %dot_general3A_12 = tpu.matmul %add3A_8, %get3A_11, %dot_general3A {dimension_numbers = #tpu.dot_dimension_numbers<[1], [0], [0], [1], [0, 0, 1, 1], [], []>, transpose_lhs_hint = false} : vector<1000x128xf32>, vector<128x128xf32>, vector<1000x128xf32> -> vector<1000x128xf32>
    %get3A_13 = arith.constant 0 : index
    %get3A_14 = arith.constant 0 : index
    %get3A_15 = vector.load %arg5[%get3A_13, %get3A_14] : memref<1x128xf32, #tpu.memory_space<vmem>>, vector<1x128xf32>
    %add3A_16 = vector.broadcast %get3A_15 : vector<1x128xf32> to vector<1000x128xf32>
    %add3A_17 = arith.addf %dot_general3A_12, %add3A_16 : vector<1000x128xf32>
    %gt3A = arith.constant 0.000000e+00 : f32
    %gt3A_18 = vector.broadcast %gt3A : f32 to vector<1000x128xf32>
    %gt3A_19 = arith.cmpf ogt, %add3A_17, %gt3A_18 : vector<1000x128xf32>
    %min3A = arith.constant 0.000000e+00 : f32
    %min3A_20 = vector.broadcast %min3A : f32 to vector<1000x128xf32>
    %min3A_21 = arith.minimumf %add3A_17, %min3A_20 : vector<1000x128xf32>
    %exp3A = math.exp %min3A_21 : vector<1000x128xf32>
    %sub3A = arith.constant 1.000000e+00 : f32
    %sub3A_22 = vector.broadcast %sub3A : f32 to vector<1000x128xf32>
    %sub3A_23 = arith.subf %exp3A, %sub3A_22 : vector<1000x128xf32>
    %select_n3A = arith.select %gt3A_19, %add3A_17, %sub3A_23 : vector<1000x128xi1>, vector<1000x128xf32>
    %get3A_24 = arith.constant 0 : index
    %get3A_25 = arith.constant 0 : index
    %get3A_26 = vector.load %arg6[%get3A_24, %get3A_25] : memref<128x128xf32, #tpu.memory_space<vmem>>, vector<128x128xf32>
    %dot_general3A_27 = arith.constant dense<0.000000e+00> : vector<1000x128xf32>
    %dot_general3A_28 = tpu.matmul %select_n3A, %get3A_26, %dot_general3A_27 {dimension_numbers = #tpu.dot_dimension_numbers<[1], [0], [0], [1], [0, 0, 1, 1], [], []>, transpose_lhs_hint = false} : vector<1000x128xf32>, vector<128x128xf32>, vector<1000x128xf32> -> vector<1000x128xf32>
    %get3A_29 = arith.constant 0 : index
    %get3A_30 = arith.constant 0 : index
    %get3A_31 = vector.load %arg7[%get3A_29, %get3A_30] : memref<1x128xf32, #tpu.memory_space<vmem>>, vector<1x128xf32>
    %add3A_32 = vector.broadcast %get3A_31 : vector<1x128xf32> to vector<1000x128xf32>
    %add3A_33 = arith.addf %dot_general3A_28, %add3A_32 : vector<1000x128xf32>
    %gt3A_34 = arith.constant 0.000000e+00 : f32
    %gt3A_35 = vector.broadcast %gt3A_34 : f32 to vector<1000x128xf32>
    %gt3A_36 = arith.cmpf ogt, %add3A_33, %gt3A_35 : vector<1000x128xf32>
    %min3A_37 = arith.constant 0.000000e+00 : f32
    %min3A_38 = vector.broadcast %min3A_37 : f32 to vector<1000x128xf32>
    %min3A_39 = arith.minimumf %add3A_33, %min3A_38 : vector<1000x128xf32>
    %exp3A_40 = math.exp %min3A_39 : vector<1000x128xf32>
    %sub3A_41 = arith.constant 1.000000e+00 : f32
    %sub3A_42 = vector.broadcast %sub3A_41 : f32 to vector<1000x128xf32>
    %sub3A_43 = arith.subf %exp3A_40, %sub3A_42 : vector<1000x128xf32>
    %select_n3A_44 = arith.select %gt3A_36, %add3A_33, %sub3A_43 : vector<1000x128xi1>, vector<1000x128xf32>
    %gt3A_45 = arith.constant 0.000000e+00 : f32
    %gt3A_46 = vector.broadcast %gt3A_45 : f32 to vector<1000x128xf32>
    %gt3A_47 = arith.cmpf ogt, %select_n3A_44, %gt3A_46 : vector<1000x128xf32>
    %min3A_48 = arith.constant 0.000000e+00 : f32
    %min3A_49 = vector.broadcast %min3A_48 : f32 to vector<1000x128xf32>
    %min3A_50 = arith.minimumf %select_n3A_44, %min3A_49 : vector<1000x128xf32>
    %exp3A_51 = math.exp %min3A_50 : vector<1000x128xf32>
    %sub3A_52 = arith.constant 1.000000e+00 : f32
    %sub3A_53 = vector.broadcast %sub3A_52 : f32 to vector<1000x128xf32>
    %sub3A_54 = arith.subf %exp3A_51, %sub3A_53 : vector<1000x128xf32>
    %select_n3A_55 = arith.select %gt3A_47, %select_n3A_44, %sub3A_54 : vector<1000x128xi1>, vector<1000x128xf32>
    %swap3A = arith.constant 0 : index
    %swap3A_56 = arith.constant 0 : index
    %swap3A_57 = vector.load %arg8[%swap3A, %swap3A_56] : memref<1000x128xf32, #tpu.memory_space<vmem>>, vector<1000x128xf32>
    tpu.vector_store %arg8[%swap3A, %swap3A_56], %select_n3A_55 {strides = array<i32>} : memref<1000x128xf32, #tpu.memory_space<vmem>>, vector<1000x128xf32>,
    return
  }
  func.func @transform_0(%arg0: i32) -> (i32, i32) {
    %c0_i32 = arith.constant 0 : i32
    %c0_i32_0 = arith.constant 0 : i32
    return %arg0, %c0_i32 : i32, i32
  }
  func.func @transform_1(%arg0: i32) -> (i32, i32) {
    %c0_i32 = arith.constant 0 : i32
    %c0_i32_0 = arith.constant 0 : i32
    return %arg0, %c0_i32 : i32, i32
  }
  func.func @transform_2(%arg0: i32) -> (i32, i32) {
    %c0_i32 = arith.constant 0 : i32
    %c0_i32_0 = arith.constant 0 : i32
    return %arg0, %c0_i32 : i32, i32
  }
  func.func @transform_3(%arg0: i32) -> (i32, i32) {
    %c0_i32 = arith.constant 0 : i32
    %c0_i32_0 = arith.constant 0 : i32
    %c0_i32_1 = arith.constant 0 : i32
    return %c0_i32, %c0_i32_0 : i32, i32
  }
  func.func @transform_4(%arg0: i32) -> (i32, i32) {
    %c0_i32 = arith.constant 0 : i32
    %c0_i32_0 = arith.constant 0 : i32
    %c0_i32_1 = arith.constant 0 : i32
    return %c0_i32, %c0_i32_0 : i32, i32
  }
  func.func @transform_5(%arg0: i32) -> (i32, i32) {
    %c0_i32 = arith.constant 0 : i32
    %c0_i32_0 = arith.constant 0 : i32
    %c0_i32_1 = arith.constant 0 : i32
    return %c0_i32, %c0_i32_0 : i32, i32
  }
  func.func @transform_6(%arg0: i32) -> (i32, i32) {
    %c0_i32 = arith.constant 0 : i32
    %c0_i32_0 = arith.constant 0 : i32
    %c0_i32_1 = arith.constant 0 : i32
    return %c0_i32, %c0_i32_0 : i32, i32
  }
  func.func @transform_7(%arg0: i32) -> (i32, i32) {
    %c0_i32 = arith.constant 0 : i32
    %c0_i32_0 = arith.constant 0 : i32
    return %arg0, %c0_i32 : i32, i32
  }
}

module attributes {stable_mosaic.version = 14 : i64} {
  func.func @body(%arg0: i32, %arg1: memref<1000x128xf32, #tpu.memory_space<vmem>>, %arg2: memref<1000x128xf32, #tpu.memory_space<vmem>>, %arg3: memref<1000x128xf32, #tpu.memory_space<vmem>>, %arg4: memref<128x256xf32, #tpu.memory_space<vmem>>, %arg5: memref<1x256xf32, #tpu.memory_space<vmem>>, %arg6: memref<256x256xf32, #tpu.memory_space<vmem>>, %arg7: memref<1x256xf32, #tpu.memory_space<vmem>>, %arg8: memref<256x128xf32, #tpu.memory_space<vmem>>, %arg9: memref<1000x128xf32, #tpu.memory_space<vmem>>) attributes {dimension_semantics = [#tpu.dimension_semantics<arbitrary>], iteration_bounds = array<i64: 10>, scalar_prefetch = 0 : i64, scratch_operands = 0 : i64, tpu.core_type = #tpu.core_type<tc>, window_params = [{transform_indices = @transform_0, window_bounds = array<i64: 1000, 128>}, {transform_indices = @transform_1, window_bounds = array<i64: 1000, 128>}, {transform_indices = @transform_2, window_bounds = array<i64: 1000, 128>}, {pipeline_mode = #tpu.pipeline_mode<synchronous>, transform_indices = @transform_3, window_bounds = array<i64: 128, 256>}, {pipeline_mode = #tpu.pipeline_mode<synchronous>, transform_indices = @transform_4, window_bounds = array<i64: 1, 256>}, {pipeline_mode = #tpu.pipeline_mode<synchronous>, transform_indices = @transform_5, window_bounds = array<i64: 256, 256>}, {pipeline_mode = #tpu.pipeline_mode<synchronous>, transform_indices = @transform_6, window_bounds = array<i64: 1, 256>}, {pipeline_mode = #tpu.pipeline_mode<synchronous>, transform_indices = @transform_7, window_bounds = array<i64: 256, 128>}, {transform_indices = @transform_8, window_bounds = array<i64: 1000, 128>}]} {
    %get3A = arith.constant 0 : index
    %get3A_0 = arith.constant 0 : index
    %get3A_1 = vector.load %arg1[%get3A, %get3A_0] : memref<1000x128xf32, #tpu.memory_space<vmem>>, vector<1000x128xf32>
    %get3A_2 = arith.constant 0 : index
    %get3A_3 = arith.constant 0 : index
    %get3A_4 = vector.load %arg2[%get3A_2, %get3A_3] : memref<1000x128xf32, #tpu.memory_space<vmem>>, vector<1000x128xf32>
    %add3A = arith.addf %get3A_1, %get3A_4 : vector<1000x128xf32>
    %get3A_5 = arith.constant 0 : index
    %get3A_6 = arith.constant 0 : index
    %get3A_7 = vector.load %arg3[%get3A_5, %get3A_6] : memref<1000x128xf32, #tpu.memory_space<vmem>>, vector<1000x128xf32>
    %add3A_8 = arith.addf %add3A, %get3A_7 : vector<1000x128xf32>
    %get3A_9 = arith.constant 0 : index
    %get3A_10 = arith.constant 0 : index
    %get3A_11 = vector.load %arg4[%get3A_9, %get3A_10] : memref<128x256xf32, #tpu.memory_space<vmem>>, vector<128x256xf32>
    %dot_general3A = arith.constant dense<0.000000e+00> : vector<1000x256xf32>
    %dot_general3A_12 = tpu.matmul %add3A_8, %get3A_11, %dot_general3A {dimension_numbers = #tpu.dot_dimension_numbers<[1], [0], [0], [1], [0, 0, 1, 1], [], []>, transpose_lhs_hint = false} : vector<1000x128xf32>, vector<128x256xf32>, vector<1000x256xf32> -> vector<1000x256xf32>
    %get3A_13 = arith.constant 0 : index
    %get3A_14 = arith.constant 0 : index
    %get3A_15 = vector.load %arg5[%get3A_13, %get3A_14] : memref<1x256xf32, #tpu.memory_space<vmem>>, vector<1x256xf32>
    %add3A_16 = vector.broadcast %get3A_15 : vector<1x256xf32> to vector<1000x256xf32>
    %add3A_17 = arith.addf %dot_general3A_12, %add3A_16 : vector<1000x256xf32>
    %gt3A = arith.constant 0.000000e+00 : f32
    %gt3A_18 = vector.broadcast %gt3A : f32 to vector<1000x256xf32>
    %gt3A_19 = arith.cmpf ogt, %add3A_17, %gt3A_18 : vector<1000x256xf32>
    %min3A = arith.constant 0.000000e+00 : f32
    %min3A_20 = vector.broadcast %min3A : f32 to vector<1000x256xf32>
    %min3A_21 = arith.minimumf %add3A_17, %min3A_20 : vector<1000x256xf32>
    %exp3A = math.exp %min3A_21 : vector<1000x256xf32>
    %sub3A = arith.constant 1.000000e+00 : f32
    %sub3A_22 = vector.broadcast %sub3A : f32 to vector<1000x256xf32>
    %sub3A_23 = arith.subf %exp3A, %sub3A_22 : vector<1000x256xf32>
    %select_n3A = arith.select %gt3A_19, %add3A_17, %sub3A_23 : vector<1000x256xi1>, vector<1000x256xf32>
    %get3A_24 = arith.constant 0 : index
    %get3A_25 = arith.constant 0 : index
    %get3A_26 = vector.load %arg6[%get3A_24, %get3A_25] : memref<256x256xf32, #tpu.memory_space<vmem>>, vector<256x256xf32>
    %dot_general3A_27 = arith.constant dense<0.000000e+00> : vector<1000x256xf32>
    %dot_general3A_28 = tpu.matmul %select_n3A, %get3A_26, %dot_general3A_27 {dimension_numbers = #tpu.dot_dimension_numbers<[1], [0], [0], [1], [0, 0, 1, 1], [], []>, transpose_lhs_hint = false} : vector<1000x256xf32>, vector<256x256xf32>, vector<1000x256xf32> -> vector<1000x256xf32>
    %get3A_29 = arith.constant 0 : index
    %get3A_30 = arith.constant 0 : index
    %get3A_31 = vector.load %arg7[%get3A_29, %get3A_30] : memref<1x256xf32, #tpu.memory_space<vmem>>, vector<1x256xf32>
    %add3A_32 = vector.broadcast %get3A_31 : vector<1x256xf32> to vector<1000x256xf32>
    %add3A_33 = arith.addf %dot_general3A_28, %add3A_32 : vector<1000x256xf32>
    %gt3A_34 = arith.constant 0.000000e+00 : f32
    %gt3A_35 = vector.broadcast %gt3A_34 : f32 to vector<1000x256xf32>
    %gt3A_36 = arith.cmpf ogt, %add3A_33, %gt3A_35 : vector<1000x256xf32>
    %min3A_37 = arith.constant 0.000000e+00 : f32
    %min3A_38 = vector.broadcast %min3A_37 : f32 to vector<1000x256xf32>
    %min3A_39 = arith.minimumf %add3A_33, %min3A_38 : vector<1000x256xf32>
    %exp3A_40 = math.exp %min3A_39 : vector<1000x256xf32>
    %sub3A_41 = arith.constant 1.000000e+00 : f32
    %sub3A_42 = vector.broadcast %sub3A_41 : f32 to vector<1000x256xf32>
    %sub3A_43 = arith.subf %exp3A_40, %sub3A_42 : vector<1000x256xf32>
    %select_n3A_44 = arith.select %gt3A_36, %add3A_33, %sub3A_43 : vector<1000x256xi1>, vector<1000x256xf32>
    %gt3A_45 = arith.constant 0.000000e+00 : f32
    %gt3A_46 = vector.broadcast %gt3A_45 : f32 to vector<1000x256xf32>
    %gt3A_47 = arith.cmpf ogt, %select_n3A_44, %gt3A_46 : vector<1000x256xf32>
    %min3A_48 = arith.constant 0.000000e+00 : f32
    %min3A_49 = vector.broadcast %min3A_48 : f32 to vector<1000x256xf32>
    %min3A_50 = arith.minimumf %select_n3A_44, %min3A_49 : vector<1000x256xf32>
    %exp3A_51 = math.exp %min3A_50 : vector<1000x256xf32>
    %sub3A_52 = arith.constant 1.000000e+00 : f32
    %sub3A_53 = vector.broadcast %sub3A_52 : f32 to vector<1000x256xf32>
    %sub3A_54 = arith.subf %exp3A_51, %sub3A_53 : vector<1000x256xf32>
    %select_n3A_55 = arith.select %gt3A_47, %select_n3A_44, %sub3A_54 : vector<1000x256xi1>, vector<1000x256xf32>
    %get3A_56 = arith.constant 0 : index
    %get3A_57 = arith.constant 0 : index
    %get3A_58 = vector.load %arg8[%get3A_56, %get3A_57] : memref<256x128xf32, #tpu.memory_space<vmem>>, vector<256x128xf32>
    %dot_general3A_59 = arith.constant dense<0.000000e+00> : vector<1000x128xf32>
    %dot_general3A_60 = tpu.matmul %select_n3A_55, %get3A_58, %dot_general3A_59 {dimension_numbers = #tpu.dot_dimension_numbers<[1], [0], [0], [1], [0, 0, 1, 1], [], []>, transpose_lhs_hint = false} : vector<1000x256xf32>, vector<256x128xf32>, vector<1000x128xf32> -> vector<1000x128xf32>
    %swap3A = arith.constant 0 : index
    %swap3A_61 = arith.constant 0 : index
    %swap3A_62 = vector.load %arg9[%swap3A, %swap3A_61] : memref<1000x128xf32, #tpu.memory_space<vmem>>, vector<1000x128xf32>
    tpu.vector_store %arg9[%swap3A, %swap3A_61], %dot_general3A_60 {strides = array<i32>} : memref<1000x128xf32, #tpu.memory_space<vmem>>, vector<1000x128xf32>,
    return
  }
  func.func @transform_0(%arg0: i32) -> (i32, i32) {
    %c0_i32 = arith.constant 0 : i32
    %c0_i32_0 = arith.constant 0 : i32
    return %arg0, %c0_i32 : i32, i32
  }
  func.func @transform_1(%arg0: i32) -> (i32, i32) {
    %c0_i32 = arith.constant 0 : i32
    %c0_i32_0 = arith.constant 0 : i32
    return %arg0, %c0_i32 : i32, i32
  }
  func.func @transform_2(%arg0: i32) -> (i32, i32) {
    %c0_i32 = arith.constant 0 : i32
    %c0_i32_0 = arith.constant 0 : i32
    return %arg0, %c0_i32 : i32, i32
  }
  func.func @transform_3(%arg0: i32) -> (i32, i32) {
    %c0_i32 = arith.constant 0 : i32
    %c0_i32_0 = arith.constant 0 : i32
    %c0_i32_1 = arith.constant 0 : i32
    return %c0_i32, %c0_i32_0 : i32, i32
  }
  func.func @transform_4(%arg0: i32) -> (i32, i32) {
    %c0_i32 = arith.constant 0 : i32
    %c0_i32_0 = arith.constant 0 : i32
    %c0_i32_1 = arith.constant 0 : i32
    return %c0_i32, %c0_i32_0 : i32, i32
  }
  func.func @transform_5(%arg0: i32) -> (i32, i32) {
    %c0_i32 = arith.constant 0 : i32
    %c0_i32_0 = arith.constant 0 : i32
    %c0_i32_1 = arith.constant 0 : i32
    return %c0_i32, %c0_i32_0 : i32, i32
  }
  func.func @transform_6(%arg0: i32) -> (i32, i32) {
    %c0_i32 = arith.constant 0 : i32
    %c0_i32_0 = arith.constant 0 : i32
    %c0_i32_1 = arith.constant 0 : i32
    return %c0_i32, %c0_i32_0 : i32, i32
  }
  func.func @transform_7(%arg0: i32) -> (i32, i32) {
    %c0_i32 = arith.constant 0 : i32
    %c0_i32_0 = arith.constant 0 : i32
    %c0_i32_1 = arith.constant 0 : i32
    return %c0_i32, %c0_i32_0 : i32, i32
  }
  func.func @transform_8(%arg0: i32) -> (i32, i32) {
    %c0_i32 = arith.constant 0 : i32
    %c0_i32_0 = arith.constant 0 : i32
    return %arg0, %c0_i32 : i32, i32
  }
}

module attributes {stable_mosaic.version = 14 : i64} {
  func.func @body(%arg0: i32, %arg1: memref<1000x128xf32, #tpu.memory_space<vmem>>, %arg2: memref<1000x128xf32, #tpu.memory_space<vmem>>, %arg3: memref<1000x128xf32, #tpu.memory_space<vmem>>, %arg4: memref<1x128xf32, #tpu.memory_space<vmem>>, %arg5: memref<128x128xf32, #tpu.memory_space<vmem>>, %arg6: memref<1x128xf32, #tpu.memory_space<vmem>>, %arg7: memref<1000x128xf32, #tpu.memory_space<vmem>>) attributes {dimension_semantics = [#tpu.dimension_semantics<arbitrary>], iteration_bounds = array<i64: 10>, scalar_prefetch = 0 : i64, scratch_operands = 0 : i64, tpu.core_type = #tpu.core_type<tc>, window_params = [{transform_indices = @transform_0, window_bounds = array<i64: 1000, 128>}, {transform_indices = @transform_1, window_bounds = array<i64: 1000, 128>}, {transform_indices = @transform_2, window_bounds = array<i64: 1000, 128>}, {pipeline_mode = #tpu.pipeline_mode<synchronous>, transform_indices = @transform_3, window_bounds = array<i64: 1, 128>}, {pipeline_mode = #tpu.pipeline_mode<synchronous>, transform_indices = @transform_4, window_bounds = array<i64: 128, 128>}, {pipeline_mode = #tpu.pipeline_mode<synchronous>, transform_indices = @transform_5, window_bounds = array<i64: 1, 128>}, {transform_indices = @transform_6, window_bounds = array<i64: 1000, 128>}]} {
    %get3A = arith.constant 0 : index
    %get3A_0 = arith.constant 0 : index
    %get3A_1 = vector.load %arg1[%get3A, %get3A_0] : memref<1000x128xf32, #tpu.memory_space<vmem>>, vector<1000x128xf32>
    %get3A_2 = arith.constant 0 : index
    %get3A_3 = arith.constant 0 : index
    %get3A_4 = vector.load %arg2[%get3A_2, %get3A_3] : memref<1000x128xf32, #tpu.memory_space<vmem>>, vector<1000x128xf32>
    %add3A = arith.addf %get3A_1, %get3A_4 : vector<1000x128xf32>
    %get3A_5 = arith.constant 0 : index
    %get3A_6 = arith.constant 0 : index
    %get3A_7 = vector.load %arg3[%get3A_5, %get3A_6] : memref<1000x128xf32, #tpu.memory_space<vmem>>, vector<1000x128xf32>
    %add3A_8 = arith.addf %add3A, %get3A_7 : vector<1000x128xf32>
    %get3A_9 = arith.constant 0 : index
    %get3A_10 = arith.constant 0 : index
    %get3A_11 = vector.load %arg4[%get3A_9, %get3A_10] : memref<1x128xf32, #tpu.memory_space<vmem>>, vector<1x128xf32>
    %add3A_12 = vector.broadcast %get3A_11 : vector<1x128xf32> to vector<1000x128xf32>
    %add3A_13 = arith.addf %add3A_8, %add3A_12 : vector<1000x128xf32>
    %gt3A = arith.constant 0.000000e+00 : f32
    %gt3A_14 = vector.broadcast %gt3A : f32 to vector<1000x128xf32>
    %gt3A_15 = arith.cmpf ogt, %add3A_13, %gt3A_14 : vector<1000x128xf32>
    %min3A = arith.constant 0.000000e+00 : f32
    %min3A_16 = vector.broadcast %min3A : f32 to vector<1000x128xf32>
    %min3A_17 = arith.minimumf %add3A_13, %min3A_16 : vector<1000x128xf32>
    %exp3A = math.exp %min3A_17 : vector<1000x128xf32>
    %sub3A = arith.constant 1.000000e+00 : f32
    %sub3A_18 = vector.broadcast %sub3A : f32 to vector<1000x128xf32>
    %sub3A_19 = arith.subf %exp3A, %sub3A_18 : vector<1000x128xf32>
    %select_n3A = arith.select %gt3A_15, %add3A_13, %sub3A_19 : vector<1000x128xi1>, vector<1000x128xf32>
    %get3A_20 = arith.constant 0 : index
    %get3A_21 = arith.constant 0 : index
    %get3A_22 = vector.load %arg5[%get3A_20, %get3A_21] : memref<128x128xf32, #tpu.memory_space<vmem>>, vector<128x128xf32>
    %dot_general3A = arith.constant dense<0.000000e+00> : vector<1000x128xf32>
    %dot_general3A_23 = tpu.matmul %select_n3A, %get3A_22, %dot_general3A {dimension_numbers = #tpu.dot_dimension_numbers<[1], [0], [0], [1], [0, 0, 1, 1], [], []>, transpose_lhs_hint = false} : vector<1000x128xf32>, vector<128x128xf32>, vector<1000x128xf32> -> vector<1000x128xf32>
    %get3A_24 = arith.constant 0 : index
    %get3A_25 = arith.constant 0 : index
    %get3A_26 = vector.load %arg6[%get3A_24, %get3A_25] : memref<1x128xf32, #tpu.memory_space<vmem>>, vector<1x128xf32>
    %add3A_27 = vector.broadcast %get3A_26 : vector<1x128xf32> to vector<1000x128xf32>
    %add3A_28 = arith.addf %dot_general3A_23, %add3A_27 : vector<1000x128xf32>
    %gt3A_29 = arith.constant 0.000000e+00 : f32
    %gt3A_30 = vector.broadcast %gt3A_29 : f32 to vector<1000x128xf32>
    %gt3A_31 = arith.cmpf ogt, %add3A_28, %gt3A_30 : vector<1000x128xf32>
    %min3A_32 = arith.constant 0.000000e+00 : f32
    %min3A_33 = vector.broadcast %min3A_32 : f32 to vector<1000x128xf32>
    %min3A_34 = arith.minimumf %add3A_28, %min3A_33 : vector<1000x128xf32>
    %exp3A_35 = math.exp %min3A_34 : vector<1000x128xf32>
    %sub3A_36 = arith.constant 1.000000e+00 : f32
    %sub3A_37 = vector.broadcast %sub3A_36 : f32 to vector<1000x128xf32>
    %sub3A_38 = arith.subf %exp3A_35, %sub3A_37 : vector<1000x128xf32>
    %select_n3A_39 = arith.select %gt3A_31, %add3A_28, %sub3A_38 : vector<1000x128xi1>, vector<1000x128xf32>
    %swap3A = arith.constant 0 : index
    %swap3A_40 = arith.constant 0 : index
    %swap3A_41 = vector.load %arg7[%swap3A, %swap3A_40] : memref<1000x128xf32, #tpu.memory_space<vmem>>, vector<1000x128xf32>
    tpu.vector_store %arg7[%swap3A, %swap3A_40], %select_n3A_39 {strides = array<i32>} : memref<1000x128xf32, #tpu.memory_space<vmem>>, vector<1000x128xf32>,
    return
  }
  func.func @transform_0(%arg0: i32) -> (i32, i32) {
    %c0_i32 = arith.constant 0 : i32
    %c0_i32_0 = arith.constant 0 : i32
    return %arg0, %c0_i32 : i32, i32
  }
  func.func @transform_1(%arg0: i32) -> (i32, i32) {
    %c0_i32 = arith.constant 0 : i32
    %c0_i32_0 = arith.constant 0 : i32
    return %arg0, %c0_i32 : i32, i32
  }
  func.func @transform_2(%arg0: i32) -> (i32, i32) {
    %c0_i32 = arith.constant 0 : i32
    %c0_i32_0 = arith.constant 0 : i32
    return %arg0, %c0_i32 : i32, i32
  }
  func.func @transform_3(%arg0: i32) -> (i32, i32) {
    %c0_i32 = arith.constant 0 : i32
    %c0_i32_0 = arith.constant 0 : i32
    %c0_i32_1 = arith.constant 0 : i32
    return %c0_i32, %c0_i32_0 : i32, i32
  }
  func.func @transform_4(%arg0: i32) -> (i32, i32) {
    %c0_i32 = arith.constant 0 : i32
    %c0_i32_0 = arith.constant 0 : i32
    %c0_i32_1 = arith.constant 0 : i32
    return %c0_i32, %c0_i32_0 : i32, i32
  }
  func.func @transform_5(%arg0: i32) -> (i32, i32) {
    %c0_i32 = arith.constant 0 : i32
    %c0_i32_0 = arith.constant 0 : i32
    %c0_i32_1 = arith.constant 0 : i32
    return %c0_i32, %c0_i32_0 : i32, i32
  }
  func.func @transform_6(%arg0: i32) -> (i32, i32) {
    %c0_i32 = arith.constant 0 : i32
    %c0_i32_0 = arith.constant 0 : i32
    return %arg0, %c0_i32 : i32, i32
  }
}

module attributes {stable_mosaic.version = 14 : i64} {
  func.func @body(%arg0: i32, %arg1: memref<1000x128xf32, #tpu.memory_space<vmem>>, %arg2: memref<1x1x1000xi32, #tpu.memory_space<vmem>>, %arg3: memref<128x256xf32, #tpu.memory_space<vmem>>, %arg4: memref<1x256xf32, #tpu.memory_space<vmem>>, %arg5: memref<256x128xf32, #tpu.memory_space<vmem>>, %arg6: memref<1x128xf32, #tpu.memory_space<vmem>>, %arg7: memref<128x128xf32, #tpu.memory_space<vmem>>, %arg8: memref<1x128xf32, #tpu.memory_space<vmem>>, %arg9: memref<64x128xf32, #tpu.memory_space<vmem>>, %arg10: memref<64x128xf32, #tpu.memory_space<vmem>>, %arg11: memref<64x128xf32, #tpu.memory_space<vmem>>) attributes {dimension_semantics = [#tpu.dimension_semantics<arbitrary>], iteration_bounds = array<i64: 10>, scalar_prefetch = 0 : i64, scratch_operands = 2 : i64, tpu.core_type = #tpu.core_type<tc>, window_params = [{transform_indices = @transform_0, window_bounds = array<i64: 1000, 128>}, {transform_indices = @transform_1, window_bounds = array<i64: 1, 1, 1000>}, {pipeline_mode = #tpu.pipeline_mode<synchronous>, transform_indices = @transform_2, window_bounds = array<i64: 128, 256>}, {pipeline_mode = #tpu.pipeline_mode<synchronous>, transform_indices = @transform_3, window_bounds = array<i64: 1, 256>}, {pipeline_mode = #tpu.pipeline_mode<synchronous>, transform_indices = @transform_4, window_bounds = array<i64: 256, 128>}, {pipeline_mode = #tpu.pipeline_mode<synchronous>, transform_indices = @transform_5, window_bounds = array<i64: 1, 128>}, {pipeline_mode = #tpu.pipeline_mode<synchronous>, transform_indices = @transform_6, window_bounds = array<i64: 128, 128>}, {pipeline_mode = #tpu.pipeline_mode<synchronous>, transform_indices = @transform_7, window_bounds = array<i64: 1, 128>}, {pipeline_mode = #tpu.pipeline_mode<synchronous>, transform_indices = @transform_8, window_bounds = array<i64: 64, 128>}]} {
    %eq3A = arith.constant 0 : i32
    %eq3A_0 = arith.cmpi eq, %arg0, %eq3A : i32
    %convert_element_type3A = arith.extui %eq3A_0 : i1 to i32
    %cond3A = arith.constant 0 : i32
    %cond3A_1 = arith.cmpi ne, %convert_element_type3A, %cond3A : i32
    scf.if %cond3A_1 {
      %broadcast_in_dim3A_35 = arith.constant 0.000000e+00 : f32
      %broadcast_in_dim3A_36 = vector.broadcast %broadcast_in_dim3A_35 : f32 to vector<64x128xf32>
      %swap3A_37 = arith.constant 0 : index
      %swap3A_38 = arith.constant 0 : index
      %swap3A_39 = vector.load %arg10[%swap3A_37, %swap3A_38] : memref<64x128xf32, #tpu.memory_space<vmem>>, vector<64x128xf32>
      tpu.vector_store %arg10[%swap3A_37, %swap3A_38], %broadcast_in_dim3A_36 {strides = array<i32>} : memref<64x128xf32, #tpu.memory_space<vmem>>, vector<64x128xf32>,
      %broadcast_in_dim3A_40 = arith.constant 0.000000e+00 : f32
      %broadcast_in_dim3A_41 = vector.broadcast %broadcast_in_dim3A_40 : f32 to vector<64x128xf32>
      %swap3A_42 = arith.constant 0 : index
      %swap3A_43 = arith.constant 0 : index
      %swap3A_44 = vector.load %arg11[%swap3A_42, %swap3A_43] : memref<64x128xf32, #tpu.memory_space<vmem>>, vector<64x128xf32>
      tpu.vector_store %arg11[%swap3A_42, %swap3A_43], %broadcast_in_dim3A_41 {strides = array<i32>} : memref<64x128xf32, #tpu.memory_space<vmem>>, vector<64x128xf32>,
    } else {
    }
    %get3A = arith.constant 0 : index
    %get3A_2 = arith.constant 0 : index
    %get3A_3 = arith.constant 0 : index
    %get3A_4 = vector.load %arg2[%get3A, %get3A_2, %get3A_3] : memref<1x1x1000xi32, #tpu.memory_space<vmem>>, vector<1x1x1000xi32>
    %get3A_5 = vector.shape_cast %get3A_4 : vector<1x1x1000xi32> to vector<1000xi32>
    %broadcast_in_dim3A = vector.shape_cast %get3A_5 : vector<1000xi32> to vector<1000x1xi32>
    %iota3A = tpu.iota {dimensions = array<i32: 1>} : vector<1000x64xi32>
    %eq3A_6 = vector.broadcast %broadcast_in_dim3A : vector<1000x1xi32> to vector<1000x64xi32>
    %eq3A_7 = arith.cmpi eq, %eq3A_6, %iota3A : vector<1000x64xi32>
    %convert_element_type3A_8 = arith.extui %eq3A_7 : vector<1000x64xi1> to vector<1000x64xi32>
    %convert_element_type3A_9 = arith.sitofp %convert_element_type3A_8 : vector<1000x64xi32> to vector<1000x64xf32>
    %get3A_10 = arith.constant 0 : index
    %get3A_11 = arith.constant 0 : index
    %get3A_12 = vector.load %arg1[%get3A_10, %get3A_11] : memref<1000x128xf32, #tpu.memory_space<vmem>>, vector<1000x128xf32>
    %get3A_13 = arith.constant 0 : index
    %get3A_14 = arith.constant 0 : index
    %get3A_15 = vector.load %arg10[%get3A_13, %get3A_14] : memref<64x128xf32, #tpu.memory_space<vmem>>, vector<64x128xf32>
    %dot_general3A = arith.constant dense<0.000000e+00> : vector<64x128xf32>
    %dot_general3A_16 = tpu.matmul %convert_element_type3A_9, %get3A_12, %dot_general3A {dimension_numbers = #tpu.dot_dimension_numbers<[0], [0], [1], [1], [0, 1, 1, 1], [], []>, transpose_lhs_hint = false} : vector<1000x64xf32>, vector<1000x128xf32>, vector<64x128xf32> -> vector<64x128xf32>
    %add3A = arith.addf %get3A_15, %dot_general3A_16 : vector<64x128xf32>
    %swap3A = arith.constant 0 : index
    %swap3A_17 = arith.constant 0 : index
    %swap3A_18 = vector.load %arg10[%swap3A, %swap3A_17] : memref<64x128xf32, #tpu.memory_space<vmem>>, vector<64x128xf32>
    tpu.vector_store %arg10[%swap3A, %swap3A_17], %add3A {strides = array<i32>} : memref<64x128xf32, #tpu.memory_space<vmem>>, vector<64x128xf32>,
    %get3A_19 = arith.constant 0 : index
    %get3A_20 = arith.constant 0 : index
    %get3A_21 = vector.load %arg11[%get3A_19, %get3A_20] : memref<64x128xf32, #tpu.memory_space<vmem>>, vector<64x128xf32>
    %broadcast_in_dim3A_22 = arith.constant 1.000000e+00 : f32
    %broadcast_in_dim3A_23 = vector.broadcast %broadcast_in_dim3A_22 : f32 to vector<1000x128xf32>
    %dot_general3A_24 = arith.constant dense<0.000000e+00> : vector<64x128xf32>
    %dot_general3A_25 = tpu.matmul %convert_element_type3A_9, %broadcast_in_dim3A_23, %dot_general3A_24 {dimension_numbers = #tpu.dot_dimension_numbers<[0], [0], [1], [1], [0, 1, 1, 1], [], []>, transpose_lhs_hint = false} : vector<1000x64xf32>, vector<1000x128xf32>, vector<64x128xf32> -> vector<64x128xf32>
    %add3A_26 = arith.addf %get3A_21, %dot_general3A_25 : vector<64x128xf32>
    %swap3A_27 = arith.constant 0 : index
    %swap3A_28 = arith.constant 0 : index
    %swap3A_29 = vector.load %arg11[%swap3A_27, %swap3A_28] : memref<64x128xf32, #tpu.memory_space<vmem>>, vector<64x128xf32>
    tpu.vector_store %arg11[%swap3A_27, %swap3A_28], %add3A_26 {strides = array<i32>} : memref<64x128xf32, #tpu.memory_space<vmem>>, vector<64x128xf32>,
    %eq3A_30 = arith.constant 9 : i32
    %eq3A_31 = arith.cmpi eq, %arg0, %eq3A_30 : i32
    %convert_element_type3A_32 = arith.extui %eq3A_31 : i1 to i32
    %cond3A_33 = arith.constant 0 : i32
    %cond3A_34 = arith.cmpi ne, %convert_element_type3A_32, %cond3A_33 : i32
    scf.if %cond3A_34 {
      %get3A_35 = arith.constant 0 : index
      %get3A_36 = arith.constant 0 : index
      %get3A_37 = vector.load %arg10[%get3A_35, %get3A_36] : memref<64x128xf32, #tpu.memory_space<vmem>>, vector<64x128xf32>
      %get3A_38 = arith.constant 0 : index
      %get3A_39 = arith.constant 0 : index
      %get3A_40 = vector.load %arg11[%get3A_38, %get3A_39] : memref<64x128xf32, #tpu.memory_space<vmem>>, vector<64x128xf32>
      %max3A = arith.constant 1.000000e+00 : f32
      %max3A_41 = vector.broadcast %max3A : f32 to vector<64x128xf32>
      %max3A_42 = arith.maximumf %get3A_40, %max3A_41 : vector<64x128xf32>
      %div3A = arith.divf %get3A_37, %max3A_42 : vector<64x128xf32>
      %get3A_43 = arith.constant 0 : index
      %get3A_44 = arith.constant 0 : index
      %get3A_45 = vector.load %arg3[%get3A_43, %get3A_44] : memref<128x256xf32, #tpu.memory_space<vmem>>, vector<128x256xf32>
      %dot_general3A_46 = arith.constant dense<0.000000e+00> : vector<64x256xf32>
      %dot_general3A_47 = tpu.matmul %div3A, %get3A_45, %dot_general3A_46 {dimension_numbers = #tpu.dot_dimension_numbers<[1], [0], [0], [1], [0, 0, 1, 1], [], []>, transpose_lhs_hint = false} : vector<64x128xf32>, vector<128x256xf32>, vector<64x256xf32> -> vector<64x256xf32>
      %get3A_48 = arith.constant 0 : index
      %get3A_49 = arith.constant 0 : index
      %get3A_50 = vector.load %arg4[%get3A_48, %get3A_49] : memref<1x256xf32, #tpu.memory_space<vmem>>, vector<1x256xf32>
      %add3A_51 = vector.broadcast %get3A_50 : vector<1x256xf32> to vector<64x256xf32>
      %add3A_52 = arith.addf %dot_general3A_47, %add3A_51 : vector<64x256xf32>
      %gt3A = arith.constant 0.000000e+00 : f32
      %gt3A_53 = vector.broadcast %gt3A : f32 to vector<64x256xf32>
      %gt3A_54 = arith.cmpf ogt, %add3A_52, %gt3A_53 : vector<64x256xf32>
      %min3A = arith.constant 0.000000e+00 : f32
      %min3A_55 = vector.broadcast %min3A : f32 to vector<64x256xf32>
      %min3A_56 = arith.minimumf %add3A_52, %min3A_55 : vector<64x256xf32>
      %exp3A = math.exp %min3A_56 : vector<64x256xf32>
      %sub3A = arith.constant 1.000000e+00 : f32
      %sub3A_57 = vector.broadcast %sub3A : f32 to vector<64x256xf32>
      %sub3A_58 = arith.subf %exp3A, %sub3A_57 : vector<64x256xf32>
      %select_n3A = arith.select %gt3A_54, %add3A_52, %sub3A_58 : vector<64x256xi1>, vector<64x256xf32>
      %get3A_59 = arith.constant 0 : index
      %get3A_60 = arith.constant 0 : index
      %get3A_61 = vector.load %arg5[%get3A_59, %get3A_60] : memref<256x128xf32, #tpu.memory_space<vmem>>, vector<256x128xf32>
      %dot_general3A_62 = arith.constant dense<0.000000e+00> : vector<64x128xf32>
      %dot_general3A_63 = tpu.matmul %select_n3A, %get3A_61, %dot_general3A_62 {dimension_numbers = #tpu.dot_dimension_numbers<[1], [0], [0], [1], [0, 0, 1, 1], [], []>, transpose_lhs_hint = false} : vector<64x256xf32>, vector<256x128xf32>, vector<64x128xf32> -> vector<64x128xf32>
      %get3A_64 = arith.constant 0 : index
      %get3A_65 = arith.constant 0 : index
      %get3A_66 = vector.load %arg6[%get3A_64, %get3A_65] : memref<1x128xf32, #tpu.memory_space<vmem>>, vector<1x128xf32>
      %add3A_67 = vector.broadcast %get3A_66 : vector<1x128xf32> to vector<64x128xf32>
      %add3A_68 = arith.addf %dot_general3A_63, %add3A_67 : vector<64x128xf32>
      %gt3A_69 = arith.constant 0.000000e+00 : f32
      %gt3A_70 = vector.broadcast %gt3A_69 : f32 to vector<64x128xf32>
      %gt3A_71 = arith.cmpf ogt, %add3A_68, %gt3A_70 : vector<64x128xf32>
      %min3A_72 = arith.constant 0.000000e+00 : f32
      %min3A_73 = vector.broadcast %min3A_72 : f32 to vector<64x128xf32>
      %min3A_74 = arith.minimumf %add3A_68, %min3A_73 : vector<64x128xf32>
      %exp3A_75 = math.exp %min3A_74 : vector<64x128xf32>
      %sub3A_76 = arith.constant 1.000000e+00 : f32
      %sub3A_77 = vector.broadcast %sub3A_76 : f32 to vector<64x128xf32>
      %sub3A_78 = arith.subf %exp3A_75, %sub3A_77 : vector<64x128xf32>
      %select_n3A_79 = arith.select %gt3A_71, %add3A_68, %sub3A_78 : vector<64x128xi1>, vector<64x128xf32>
      %get3A_80 = arith.constant 0 : index
      %get3A_81 = arith.constant 0 : index
      %get3A_82 = vector.load %arg7[%get3A_80, %get3A_81] : memref<128x128xf32, #tpu.memory_space<vmem>>, vector<128x128xf32>
      %dot_general3A_83 = arith.constant dense<0.000000e+00> : vector<64x128xf32>
      %dot_general3A_84 = tpu.matmul %select_n3A_79, %get3A_82, %dot_general3A_83 {dimension_numbers = #tpu.dot_dimension_numbers<[1], [0], [0], [1], [0, 0, 1, 1], [], []>, transpose_lhs_hint = false} : vector<64x128xf32>, vector<128x128xf32>, vector<64x128xf32> -> vector<64x128xf32>
      %get3A_85 = arith.constant 0 : index
      %get3A_86 = arith.constant 0 : index
      %get3A_87 = vector.load %arg8[%get3A_85, %get3A_86] : memref<1x128xf32, #tpu.memory_space<vmem>>, vector<1x128xf32>
      %add3A_88 = vector.broadcast %get3A_87 : vector<1x128xf32> to vector<64x128xf32>
      %add3A_89 = arith.addf %dot_general3A_84, %add3A_88 : vector<64x128xf32>
      %gt3A_90 = arith.constant 0.000000e+00 : f32
      %gt3A_91 = vector.broadcast %gt3A_90 : f32 to vector<64x128xf32>
      %gt3A_92 = arith.cmpf ogt, %add3A_89, %gt3A_91 : vector<64x128xf32>
      %min3A_93 = arith.constant 0.000000e+00 : f32
      %min3A_94 = vector.broadcast %min3A_93 : f32 to vector<64x128xf32>
      %min3A_95 = arith.minimumf %add3A_89, %min3A_94 : vector<64x128xf32>
      %exp3A_96 = math.exp %min3A_95 : vector<64x128xf32>
      %sub3A_97 = arith.constant 1.000000e+00 : f32
      %sub3A_98 = vector.broadcast %sub3A_97 : f32 to vector<64x128xf32>
      %sub3A_99 = arith.subf %exp3A_96, %sub3A_98 : vector<64x128xf32>
      %select_n3A_100 = arith.select %gt3A_92, %add3A_89, %sub3A_99 : vector<64x128xi1>, vector<64x128xf32>
      %swap3A_101 = arith.constant 0 : index
      %swap3A_102 = arith.constant 0 : index
      %swap3A_103 = vector.load %arg9[%swap3A_101, %swap3A_102] : memref<64x128xf32, #tpu.memory_space<vmem>>, vector<64x128xf32>
      tpu.vector_store %arg9[%swap3A_101, %swap3A_102], %select_n3A_100 {strides = array<i32>} : memref<64x128xf32, #tpu.memory_space<vmem>>, vector<64x128xf32>,
    } else {
    }
    return
  }
  func.func @transform_0(%arg0: i32) -> (i32, i32) {
    %c0_i32 = arith.constant 0 : i32
    %c0_i32_0 = arith.constant 0 : i32
    return %arg0, %c0_i32 : i32, i32
  }
  func.func @transform_1(%arg0: i32) -> (i32, i32, i32) {
    %c0_i32 = arith.constant 0 : i32
    %c0_i32_0 = arith.constant 0 : i32
    %c0_i32_1 = arith.constant 0 : i32
    return %arg0, %c0_i32, %c0_i32_0 : i32, i32, i32
  }
  func.func @transform_2(%arg0: i32) -> (i32, i32) {
    %c0_i32 = arith.constant 0 : i32
    %c0_i32_0 = arith.constant 0 : i32
    %c0_i32_1 = arith.constant 0 : i32
    return %c0_i32, %c0_i32_0 : i32, i32
  }
  func.func @transform_3(%arg0: i32) -> (i32, i32) {
    %c0_i32 = arith.constant 0 : i32
    %c0_i32_0 = arith.constant 0 : i32
    %c0_i32_1 = arith.constant 0 : i32
    return %c0_i32, %c0_i32_0 : i32, i32
  }
  func.func @transform_4(%arg0: i32) -> (i32, i32) {
    %c0_i32 = arith.constant 0 : i32
    %c0_i32_0 = arith.constant 0 : i32
    %c0_i32_1 = arith.constant 0 : i32
    return %c0_i32, %c0_i32_0 : i32, i32
  }
  func.func @transform_5(%arg0: i32) -> (i32, i32) {
    %c0_i32 = arith.constant 0 : i32
    %c0_i32_0 = arith.constant 0 : i32
    %c0_i32_1 = arith.constant 0 : i32
    return %c0_i32, %c0_i32_0 : i32, i32
  }
  func.func @transform_6(%arg0: i32) -> (i32, i32) {
    %c0_i32 = arith.constant 0 : i32
    %c0_i32_0 = arith.constant 0 : i32
    %c0_i32_1 = arith.constant 0 : i32
    return %c0_i32, %c0_i32_0 : i32, i32
  }
  func.func @transform_7(%arg0: i32) -> (i32, i32) {
    %c0_i32 = arith.constant 0 : i32
    %c0_i32_0 = arith.constant 0 : i32
    %c0_i32_1 = arith.constant 0 : i32
    return %c0_i32, %c0_i32_0 : i32, i32
  }
  func.func @transform_8(%arg0: i32) -> (i32, i32) {
    %c0_i32 = arith.constant 0 : i32
    %c0_i32_0 = arith.constant 0 : i32
    %c0_i32_1 = arith.constant 0 : i32
    return %c0_i32, %c0_i32_0 : i32, i32
  }
}

</mosaic_0001>

<sc_bundles>
// kernel: kernel.12.cloned.1.call-start
scs
__scs_entry_jumppad:
0x0: {  	(pc) =	sbr.rel $0x88, $3  }
0x1: {  	(tag) =	ssettag $0x0;
	lr =	simm.s32 $0x1  }
0x2: {  	[smem:$0x3F8C] =	sst lr;
	_ =	strace $0xD0000000  }
0x3: {  	_ = 	snop  }
0x4: {  	_ = 	snop  }
0x5: {  	_ = 	snop  }
0x6: {  	_ = 	snop  }
0x7: {  	_ = 	snop  }
__scs_overlays_trampoline_lowered:
0x8: {  	[smem:$0x3F9B] =	sst s0  }
0x9: {  	[smem:$0x3F9C] =	sst s1  }
0xa: {  	[smem:$0x3F9D] =	sst s2  }
0xb: {  	[smem:$0x3F9E] =	sst s3  }
0xc: {  	[smem:$0x3F9F] =	sst s4  }
0xd: {  	[smem:$0x3FA0] =	sst s5  }
0xe: {  	[smem:$0x3FA1] =	sst s6  }
0xf: {  	[smem:$0x3FA2] =	sst s7  }
0x10: {  	[smem:$0x3FA3] =	sst s8  }
0x11: {  	[smem:$0x3FA4] =	sst s9;
	s0 =	simm.s32 @!p0 $0x0  }
0x12: {  	s1 =	sld [smem:$0x3F8A];
	s0 =	simm.s32 @p0 $0x1  }
0x13: {  	[smem:$0x3FA5] =	sst s0;
	s0 =	simm.s32 @!p1 $0x0  }
0x14: {  	s2 =	sld [smem:$0x3F89];
	s0 =	simm.s32 @p1 $0x1  }
0x15: {  	[smem:$0x3FA6] =	sst s0;
	s0 =	simm.s32 @!p2 $0x0  }
0x16: {  	s3 =	sld [smem:$0x3FDB];
	s0 =	simm.s32 @p2 $0x1  }
0x17: {  	s4 =	simm.s32 $0x1BF5;
	[smem:$0x3FA8] =	sst s0  }
0x18: {  	s0 =	sld [smem:$0x3F8B];
	_ =	swait.ge [sflag:s4], $0x0  }
0x19: {  	s7 =	sld [smem:$0x3F8C]  }
0x1a: {  	s8 =	sadd.s32 $0xFFFFE003, lr  }
0x1b: {  	s9 =	sadd.s32 $0xFFFFFEF7, lr;
	s5 =	simm.s32 $0xFFFFFFFF;
	p2 =	slt.u32 s8, $0xFFFFF086  }
0x1c: {  	p1 =	slt.u32 s9, $0xF7A;
	s5 =	simm.s32 @!p2 $0x0  }
0x1d: {  	s5 =	simm.s32 @p1 $0x1;
	p0 =	seq.s32 s7, s2  }
0x1e: {  	s7 =	smul.u32 @!p0 $0xF7A, s2;
	p2 =	seq.s32 @!p0 s5, $0x0  }
0x1f: {  	s9 =	smul.u32 $0xF7A, s1;
	s8 =	simm.s32 @!p0 $0x1BF5;
	p2 =	por !p2, p0  }
0x20: {  	[sflag:s8] =	ssyncset.s32 @!p0 $0xFFFFF086;
	s6 =	sadd.s32 @!p0 s3, s7;
	s7 =	simm.s32 @!p0 $0x108  }
0x21: {  	s3 =	sadd.s32 s3, s9;
	s6 =	sadd.s32 @!p0 $0x88, s6;
	s7 =	simm.s32 @p2 $0x1082  }
0x22: {  	[simem:s7], [sflag:s8] =	dma.local @!p0 [hbm:s6], $0xF7A  }
0x23: {  	s9 =	sor.u32 $0xD0000000, s2;
	s6 =	simm.s32 $0x108;
	_ =	swait.ge @!p0 [sflag:s8], $0x0  }
0x24: {  	s3 =	sadd.s32 $0x88, s3;
	s6 =	simm.s32 @!p1 $0x1082;
	[sflag:s4] =	ssyncset.s32 $0xFFFFF086  }
0x25: {  	[simem:s6], [sflag:s4] =	dma.local [hbm:s3], $0xF7A  }
0x26: {  	[smem:$0x3F8C] =	sst s1;
	(tag) =	ssettag s2;
	_ =	strace s9  }
0x27: {  	s1 =	sld [smem:$0x3F9C]  }
0x28: {  	s2 =	sld [smem:$0x3F9D]  }
0x29: {  	s4 =	sld [smem:$0x3F9F]  }
0x2a: {  	p0 =	seq.s32 s5, $0x0;
	s5 =	sld [smem:$0x3FA0]  }
0x2b: {  	s6 =	sld [smem:$0x3FA1]  }
0x2c: {  	s7 =	sld [smem:$0x3FA2]  }
0x2d: {  	s3 =	simm.s32 $0x108;
	s8 =	sld [smem:$0x3FA3]  }
0x2e: {  	s3 =	simm.s32 @!p0 $0x1082;
	s9 =	sld [smem:$0x3FA4]  }
0x2f: {  	lr =	sadd.s32 s0, s3;
	s0 =	sld [smem:$0x3F9B]  }
0x30: {  	s3 =	sld [smem:$0x3F9E]  }
0x31: {  	[smem:$0x3FA7] =	sst s10  }
0x32: {  	s10 =	sld [smem:$0x3FA5];
	_ =	sdelay $0x3  }
0x33: {  	p0 =	seq.s32 s10, $0x1;
	s10 =	sld [smem:$0x3FA7];
	_ =	sdelay $0x3  }
0x34: {  	[smem:$0x3FA7] =	sst s10  }
0x35: {  	s10 =	sld [smem:$0x3FA6];
	_ =	sdelay $0x3  }
0x36: {  	p1 =	seq.s32 s10, $0x1;
	s10 =	sld [smem:$0x3FA7];
	_ =	sdelay $0x3  }
0x37: {  	[smem:$0x3FA7] =	sst s10  }
0x38: {  	s10 =	sld [smem:$0x3FA8]  }
0x39: {  	_ = 	snop;
	(pc) =	sbr.ind lr, $3  }
0x3a: {  	_ = 	snop  }
0x3b: {  	_ = 	snop  }
0x3c: {  	p2 =	seq.s32 s10, $0x1;
	s10 =	sld [smem:$0x3FA7]  }
0x3d: {  	_ =	shalt  }
0x3e: {  	_ =	shalt  }
0x3f: {  	_ =	shalt  }
0x40: {  	_ =	shalt  }
0x41: {  	_ =	shalt  }
0x42: {  	_ =	shalt  }
0x43: {  	_ =	shalt  }
0x44: {  	_ =	shalt  }
0x45: {  	_ =	shalt  }
0x46: {  	_ =	shalt  }
0x47: {  	_ =	shalt  }
0x48: {  	_ =	shalt  }
0x49: {  	_ =	shalt  }
0x4a: {  	_ =	shalt  }
0x4b: {  	_ =	shalt  }
0x4c: {  	_ =	shalt  }
0x4d: {  	_ =	shalt  }
0x4e: {  	_ =	shalt  }
0x4f: {  	_ =	shalt  }
0x50: {  	_ =	shalt  }
0x51: {  	_ =	shalt  }
0x52: {  	_ =	shalt  }
0x53: {  	_ =	shalt  }
0x54: {  	_ =	shalt  }
0x55: {  	_ =	shalt  }
0x56: {  	_ =	shalt  }
0x57: {  	_ =	shalt  }
0x58: {  	_ =	shalt  }
0x59: {  	_ =	shalt  }
0x5a: {  	_ =	shalt  }
0x5b: {  	_ =	shalt  }
0x5c: {  	_ =	shalt  }
0x5d: {  	_ =	shalt  }
0x5e: {  	_ =	shalt  }
0x5f: {  	_ =	shalt  }
0x60: {  	_ =	shalt  }
0x61: {  	_ =	shalt  }
0x62: {  	_ =	shalt  }
0x63: {  	_ =	shalt  }
0x64: {  	_ =	shalt  }
0x65: {  	_ =	shalt  }
0x66: {  	_ =	shalt  }
0x67: {  	_ =	shalt  }
0x68: {  	_ =	shalt  }
0x69: {  	_ =	shalt  }
0x6a: {  	_ =	shalt  }
0x6b: {  	_ =	shalt  }
0x6c: {  	_ =	shalt  }
0x6d: {  	_ =	shalt  }
0x6e: {  	_ =	shalt  }
0x6f: {  	_ =	shalt  }
0x70: {  	_ =	shalt  }
0x71: {  	_ =	shalt  }
0x72: {  	_ =	shalt  }
0x73: {  	_ =	shalt  }
0x74: {  	_ =	shalt  }
0x75: {  	_ =	shalt  }
0x76: {  	_ =	shalt  }
0x77: {  	_ =	shalt  }
0x78: {  	_ =	shalt  }
0x79: {  	_ =	shalt  }
0x7a: {  	_ =	shalt  }
0x7b: {  	_ =	shalt  }
0x7c: {  	_ =	shalt  }
0x7d: {  	_ =	shalt  }
0x7e: {  	_ =	shalt  }
0x7f: {  	_ =	shalt  }
0x80: {  	_ =	shalt  }
0x81: {  	_ =	shalt  }
0x82: {  	_ =	shalt  }
0x83: {  	_ =	shalt  }
0x84: {  	_ =	shalt  }
0x85: {  	_ =	shalt  }
0x86: {  	_ =	shalt  }
0x87: {  	_ =	shalt  }
.Lfunc_end0:
.L_simem_size_0:
called_computation.1_lowered:
.L_overlay_start_0:
0x88: {  	s2 =	sld [smem:$0x3FD9]  }
0x89: {  	s3 =	sld [smem:$0x3FFE];
	_ =	sdelay $0x1  }
0x8a: {  	s1 =	srdreg.scid  }
0x8b: {  	s0 =	sand.u32 $0x1, s1  }
0x8c: {  	s16 =	sshll.u32 s0, $0xA;
	s2 =	sadd.s32 s3, s2  }
0x8d: {  	s2 =	sadd.s32 s2, s16  }
0x8e: {  	[smem:$0x3FB3] =	sst s2  }
0x8f: {  	_ = 	snop  }
0x90: {  	(tm) =	ssettm $0x1  }
0x91: {  	s17 =	sld [smem:$0x3FFB];
	_ =	sdelay $0x3  }
0x92: {  	_ =	strace s17  }
0x93: {  	s2 =	sld [smem:$0x3FFC];
	_ =	sdelay $0x3  }
0x94: {  	_ =	strace s2  }
0x95: {  	s2 =	sld [smem:$0x3FFD];
	_ =	sdelay $0x3  }
0x96: {  	_ =	strace s2  }
0x97: {  	_ =	strace $0x8FFFFFFF  }
0x98: {  	s18 =	sld [smem:$0x3FDB];
	_ =	sdelay $0x1  }
0x99: {  	s19 =	simm.s32 $_scs_section_size  }
0x9a: {  	s4 =	simm.s32 $_size__tile_overlayer_lowered;
	s5 =	simm.s32 $_tile_overlayer_lowered  }
0x9b: {  	s22 =	simm.s32 $0x1BFF;
	s21 =	sshll.u32 s5, $0x1;
	s2 =	sadd.s32 s19, s18  }
0x9c: {  	s6 =	simm.s32 $0x0;
	s20 =	sshll.u32 s4, $0x1;
	s4 =	sadd.s32 s21, s2  }
0x9d: {  	[timem:s6], [sflag:s22] =	dma.local [hbm:s4], s20  }
0x9e: {  	_ =	swait.ge [sflag:s22], s20  }
0x9f: {  	s3 =	ssub.s32 $0x0, s20;
	[sflag:s22] =	ssyncset.done $0x0  }
0xa0: {  	[sflag:s22] =	ssyncadd.s32 s3;
	_ =	sdelay $0x1  }
0xa1: {  	s23 =	simm.s32 $0x1B8B  }
0xa2: {  	_ =	swait.ge [sflag:s23], $0x1  }
0xa3: {  	[sflag:s23] =	ssyncset.done $0x0  }
0xa4: {  	s25 =	simm.s32 $0x1B8E;
	s24 =	sld [smem:$0x3FFE];
	[sflag:s23] =	ssyncadd.s32 $0xFFFFFFFF  }
0xa5: {  	s26 =	simm.s32 $execute0_lowered;
	[smem:$0x3FD2] =	sst s25  }
0xa6: {  	s4 =	sshll.u32 s26, $0x1;
	_ =	strace $0x80000049;
	[dreg:$0x1] =	wrdreg $0xFFFFFFFF  }
0xa7: {  	s28 =	simm.s32 $_size_execute0_lowered;
	s2 =	sadd.s32 s2, s4;
	[dreg:$0x0] =	wrdreg $0x0  }
0xa8: {  	s4 =	sshll.u32 s28, $0x1;
	[dreg:$0x2] =	wrdreg s2  }
0xa9: {  	[dreg:$0x3] =	wrdreg s4  }
0xaa: {  	[dreg:$0x4] =	wrdreg $0xC0  }
0xab: {  	_ =	task [dreg:s6], $0x5FFFF  }
0xac: {  	[dreg:$0x1] =	wrdreg $0xFFFFFFFF  }
0xad: {  	[dreg:$0x0] =	wrdreg $0x60  }
0xae: {  	[dreg:$0x2] =	wrdreg s24  }
0xaf: {  	[dreg:$0x3] =	wrdreg $0x0  }
0xb0: {  	[dreg:$0x4] =	wrdreg $0x9  }
0xb1: {  	_ =	task.clear_ibuf [dreg:s6], $0x5FFFF;
	_ =	strace $0x90000049  }
0xb2: {  	s29 =	simm.s32 $0x9;
	_ =	strace $0x8000004B  }
0xb3: {  	_ =	swait.ge [sflag:s29], $0x1  }
0xb4: {  	[sflag:s29] =	ssyncadd.s32 $0xFFFFFFFF  }
0xb5: {  	_ =	strace $0x9000004B  }
0xb6: {  	_ =	sfence  }
0xb7: {  	s30 =	sld [smem:$0x0];
	_ =	sdelay $0x2  }
0xb8: {  	s31 =	sshll.u32 s1, $0xD;
	s1 =	sshrl.u32 s1, $0x2  }
0xb9: {  	s3 =	sand.u32 $0x4000, s31;
	s1 =	sadd.s32 s1, s30  }
0xba: {  	s0 =	sor.u32 s3, s0;
	s1 =	sshll.u32 s1, $0x11  }
0xbb: {  	s0 =	sor.u32 s1, s0  }
0xbc: {  	s0 =	sadd.s32 $0x8F2B, s0  }
0xbd: {  	[sflag:s0] =	ssyncadd.remote.s32 $0x1  }
0xbe: {  	_ =	sfence.sel $0xFFFF  }
0xbf: {  	[dreg:$0x0] =	wrdreg $0xFFFFFFFF;
	(pc) =	sbr.abs _section_cstart, $3  }
0xc0: {  	[dreg:$0x1] =	wrdreg $0xFFFFFFFF  }
0xc1: {  	_ =	task.clear_ibuf [dreg:s6], $0x2FFFF;
	_ =	strace $0x9FFFFFFF  }
0xc2: {  	(tm) =	ssettm $0x7FFFFFFF  }
0xc3: {  	_ =	shalt  }
tec
execute0_lowered:
.L_overlay_start_1:
0x0: {  	(tag) =	ssettag $0x1  }
0x1: {  	s0 =	rddreg [dreg:$0x0]  }
0x2: {  	s2 =	rddreg [dreg:$0x1]  }
0x3: {  	s9 =	stileid.u32;
	s1 =	srdreg.scid  }
0x4: {  	s3 =	simm.s32 $0x0;
	s13 =	simm.s32 $0x14800;
	s14 =	simm.s32 $0x3  }
0x5: {  	s15 =	simm.s32 $0x14000;
	s16 =	simm.s32 $0x14400;
	s17 =	simm.s32 $0x80  }
0x6: {  	s18 =	simm.s32 $0x14080;
	s19 =	simm.s32 $0x18800;
	s20 =	simm.s32 $0x1  }
0x7: {  	s28 =	simm.s32 $0x14580;
	s29 =	simm.s32 $0x14280;
	s4 =	smul.u32 $0x50, s9  }
0x8: {  	s30 =	simm.s32 $0x14600;
	s31 =	simm.s32 $0x14300;
	s6 =	smul.u32 $0x50000, s9  }
0x9: {  	s1 =	sand.u32 $0x1, s1;
	[smem:$0x7FF] =	sst s3;
	s24 =	smul.u32 $0x2800, s9  }
0xa: {  	p0 =	seq.s32 s1, $0x0;
	_ =	strace $0x8000004A;
	s1 =	ssub.s32 $0x2, s1  }
0xb: {  	s5 =	sadd.s32 $0x500, s4;
	s21 =	sshrl.u32 s6, $0x2;
	s6 =	sadd.s32 $0x40600, s0  }
0xc: {  	s8 =	sshrl.u32 s1, $0x1;
	s5 =	smov.u32 @p0 s4;
	s4 =	sadd.s32 $0x19400, s0  }
0xd: {  	s11 =	sadd.s32 s21, s2;
	s1 =	ssub.s32 s1, s8;
	s21 =	simm.s32 $0x14100  }
0xe: {  	s8 =	simm.s32 $0x0;
	s22 =	sadd.s32 $0x8000, s11;
	[dreg:$0x4] =	wrdreg s11  }
0xf: {  	s5 =	sshll.u32 s5, $0x4;
	s23 =	sadd.s32 $0xC000, s11;
	[dreg:$0x6] =	wrdreg s22  }
0x10: {  	s25 =	sadd.s32 $0x10000, s11;
	s1 =	smax.u32 s1, $0x1;
	[dreg:$0x7] =	wrdreg s23  }
0x11: {  	s7 =	sadd.s32 s5, s0;
	s0 =	sadd.s32 $0x68600, s0;
	[dreg:$0x8] =	wrdreg s25  }
0x12: {  	s5 =	sadd.s32 $0x4000, s11;
	[dreg:$0x9] =	wrdreg s1;
	s22 =	simm.s32 $0x2  }
0x13: {  	s23 =	simm.s32 $0x14480;
	s25 =	simm.s32 $0x14500;
	s1 =	simm.s32 $0x14680  }
0x14: {  	[dreg:$0x5] =	wrdreg s5;
	s0 =	smov.u32 @p0 s6;
	s26 =	sadd.s32 $0xF400, s7  }
0x15: {  	s12 =	sadd.s32 $0x5400, s7;
	s6 =	simm.s32 $0x14700;
	s7 =	simm.s32 $0x14780  }
0x16: {  	s0 =	sadd.s32 s0, s24;
	[dreg:$0x3] =	wrdreg s26;
	s24 =	simm.s32 $0x14180  }
0x17: {  	v0 =	vimm.f32 $0.0e+00;
	s26 =	simm.s32 $0x14200;
	[dreg:$0xa] =	wrdreg s0;
	s0 =	simm.s32 $0x14380  }
.LBB2_1:
0x18: {  	s9 =	simm.s32 $0x0;
	s10 =	simm.s32 $0x200  }
.LBB2_2:
0x19: {  	p0 =	sne.s32 s10, $0xFE00;
	[tilespmem:s9+$0x14870] =	vst v0  }
0x1a: {  	[tilespmem:s9+$0x14800] =	vst v0  }
0x1b: {  	[tilespmem:s9+$0x14810] =	vst v0  }
.Ltmp0:
0x1c: {  	[tilespmem:s9+$0x14820] =	vst v0;
	(pc) =	sbr.rel @p0 .LBB2_2-.Ltmp0, $4  }
0x1d: {  	[tilespmem:s9+$0x14830] =	vst v0  }
0x1e: {  	[tilespmem:s9+$0x14840] =	vst v0  }
0x1f: {  	[tilespmem:s9+$0x14850] =	vst v0  }
0x20: {  	[tilespmem:s9+$0x14860] =	vst v0;
	s9 =	sshra.s32 s10, $0x2;
	s10 =	sadd.s32 $0x200, s10  }
0x21: {  	[tilespmem:s9+$0x14870] =	vst v0  }
0x22: {  	[tilespmem:s9+$0x14800] =	vst v0  }
0x23: {  	[tilespmem:s9+$0x14810] =	vst v0  }
0x24: {  	[tilespmem:s9+$0x14820] =	vst v0  }
0x25: {  	[tilespmem:s9+$0x14830] =	vst v0  }
0x26: {  	[tilespmem:s9+$0x14840] =	vst v0  }
0x27: {  	[tilespmem:s9+$0x14850] =	vst v0  }
0x28: {  	[dreg:$0xb] =	wrdreg s8;
	[tilespmem:s9+$0x14860] =	vst v0  }
0x29: {  	[spmem:s11] =	stream.linear.scatter [tilespmem:s13], [sflag:$0x3], $0x4000, $0x38;
	[tilespmem:$0x1C800] =	vst v63  }
0x2a: {  	_ =	swait.ge [sflag:s14], $0x4000  }
0x2b: {  	[sflag:s14] =	ssyncset.done $0x0  }
0x2c: {  	s5 =	rddreg [dreg:$0x5];
	[sflag:s14] =	ssyncadd.s32 $0xFFFFC000  }
0x2d: {  	[spmem:s5] =	stream.linear.scatter [tilespmem:s13], [sflag:$0x3], $0x4000, $0x38;
	[tilespmem:$0x1C800] =	vst v63  }
0x2e: {  	_ =	swait.ge [sflag:s14], $0x4000  }
0x2f: {  	[sflag:s14] =	ssyncset.done $0x0  }
0x30: {  	s11 =	rddreg [dreg:$0x6];
	[sflag:s14] =	ssyncadd.s32 $0xFFFFC000  }
0x31: {  	[spmem:s11] =	stream.linear.scatter [tilespmem:s13], [sflag:$0x3], $0x4000, $0x38;
	[tilespmem:$0x1C800] =	vst v63  }
0x32: {  	_ =	swait.ge [sflag:s14], $0x4000  }
0x33: {  	[sflag:s14] =	ssyncset.done $0x0  }
0x34: {  	s8 =	rddreg [dreg:$0x7];
	[sflag:s14] =	ssyncadd.s32 $0xFFFFC000  }
0x35: {  	[spmem:s8] =	stream.linear.scatter [tilespmem:s13], [sflag:$0x3], $0x4000, $0x38;
	[tilespmem:$0x1C800] =	vst v63  }
0x36: {  	_ =	swait.ge [sflag:s14], $0x4000  }
0x37: {  	[sflag:s14] =	ssyncset.done $0x0  }
0x38: {  	s9 =	rddreg [dreg:$0x8];
	[sflag:s14] =	ssyncadd.s32 $0xFFFFC000  }
0x39: {  	[spmem:s9] =	stream.linear.scatter [tilespmem:s13], [sflag:$0x3], $0x4000, $0x38;
	[tilespmem:$0x1C800] =	vst v63  }
0x3a: {  	_ =	swait.ge [sflag:s14], $0x4000  }
0x3b: {  	[sflag:s14] =	ssyncset.done $0x0  }
0x3c: {  	[sflag:s14] =	ssyncadd.s32 $0xFFFFC000  }
0x3d: {  	s10 =	sadd.s32 $0x0, s12;
	[bflag:$0x0] =	sbarrier.arrive $0xFFFF  }
0x3e: {  	[tilespmem:s15], [sflag:$0x3] =	stream.linear.gather [hbm4b:s10+s3], $0x400, $0x38;
	[tilespmem:$0x1C800] =	vst v63  }
0x3f: {  	_ =	swait.ge [sflag:s14], $0x400  }
0x40: {  	s11 =	rddreg [dreg:$0x3];
	[sflag:s14] =	ssyncset.done $0x0  }
0x41: {  	[sflag:s14] =	ssyncadd.s32 $0xFFFFFC00;
	s9 =	sadd.s32 $0x0, s11  }
0x42: {  	[tilespmem:s16], [sflag:$0x3] =	stream.linear.gather [hbm4b:s9+s3], $0x400, $0x38;
	[tilespmem:$0x1C800] =	vst v63  }
0x43: {  	_ =	swait.ge [sflag:s14], $0x400  }
0x44: {  	[sflag:s14] =	ssyncset.done $0x0  }
0x45: {  	[sflag:s14] =	ssyncadd.s32 $0xFFFFFC00  }
0x46: {  	[tilespmem:s13], [sflag:$0x1] =	stream.indirect.gather [hbm4b:s4+s17], $0x80, s15, s17, $0xb8;
	[tilespmem:$0x1C800] =	vst v63  }
0x47: {  	_ = 	snop  }
0x48: {  	[tilespmem:s19], [sflag:$0x2] =	stream.indirect.gather [hbm4b:s4+s17], $0x80, s18, s17, $0xb8;
	[tilespmem:$0x1C800] =	vst v63  }
0x49: {  	_ =	swait.ge [sflag:s20], $0x4000  }
0x4a: {  	[sflag:s20] =	ssyncset.done $0x0  }
0x4b: {  	[sflag:s20] =	ssyncadd.s32 $0xFFFFC000  }
0x4c: {  	[spmem:s2] =	stream.indirect.scatter.add.f32 [tilespmem:s13], [sflag:$0x3], $0x80, s16, s17, $0xb8;
	[tilespmem:$0x1C800] =	vst v63  }
0x4d: {  	_ =	swait.ge [sflag:s14], $0x4000  }
0x4e: {  	[sflag:s14] =	ssyncset.done $0x0  }
0x4f: {  	[sflag:s14] =	ssyncadd.s32 $0xFFFFC000  }
0x50: {  	[tilespmem:s13], [sflag:$0x1] =	stream.indirect.gather [hbm4b:s4+s17], $0x80, s21, s17, $0xb8;
	[tilespmem:$0x1C800] =	vst v63  }
0x51: {  	_ =	swait.ge [sflag:s22], $0x4000  }
0x52: {  	[sflag:s22] =	ssyncset.done $0x0  }
0x53: {  	[sflag:s22] =	ssyncadd.s32 $0xFFFFC000  }
0x54: {  	[spmem:s2] =	stream.indirect.scatter.add.f32 [tilespmem:s19], [sflag:$0x3], $0x80, s23, s17, $0xb8;
	[tilespmem:$0x1C800] =	vst v63  }
0x55: {  	_ =	swait.ge [sflag:s14], $0x4000  }
0x56: {  	[sflag:s14] =	ssyncset.done $0x0  }
0x57: {  	[sflag:s14] =	ssyncadd.s32 $0xFFFFC000  }
0x58: {  	[tilespmem:s19], [sflag:$0x2] =	stream.indirect.gather [hbm4b:s4+s17], $0x80, s24, s17, $0xb8;
	[tilespmem:$0x1C800] =	vst v63  }
0x59: {  	_ =	swait.ge [sflag:s20], $0x4000  }
0x5a: {  	[sflag:s20] =	ssyncset.done $0x0  }
0x5b: {  	[sflag:s20] =	ssyncadd.s32 $0xFFFFC000  }
0x5c: {  	[spmem:s2] =	stream.indirect.scatter.add.f32 [tilespmem:s13], [sflag:$0x3], $0x80, s25, s17, $0xb8;
	[tilespmem:$0x1C800] =	vst v63  }
0x5d: {  	_ =	swait.ge [sflag:s14], $0x4000  }
0x5e: {  	[sflag:s14] =	ssyncset.done $0x0  }
0x5f: {  	[sflag:s14] =	ssyncadd.s32 $0xFFFFC000  }
0x60: {  	[tilespmem:s13], [sflag:$0x1] =	stream.indirect.gather [hbm4b:s4+s17], $0x80, s26, s17, $0xb8;
	[tilespmem:$0x1C800] =	vst v63  }
0x61: {  	_ =	swait.ge [sflag:s22], $0x4000  }
0x62: {  	[sflag:s22] =	ssyncset.done $0x0  }
0x63: {  	[sflag:s22] =	ssyncadd.s32 $0xFFFFC000  }
0x64: {  	[spmem:s2] =	stream.indirect.scatter.add.f32 [tilespmem:s19], [sflag:$0x3], $0x80, s28, s17, $0xb8;
	[tilespmem:$0x1C800] =	vst v63  }
0x65: {  	_ =	swait.ge [sflag:s14], $0x4000  }
0x66: {  	[sflag:s14] =	ssyncset.done $0x0  }
0x67: {  	[sflag:s14] =	ssyncadd.s32 $0xFFFFC000  }
0x68: {  	[tilespmem:s19], [sflag:$0x2] =	stream.indirect.gather [hbm4b:s4+s17], $0x80, s29, s17, $0xb8;
	[tilespmem:$0x1C800] =	vst v63  }
0x69: {  	_ =	swait.ge [sflag:s20], $0x4000  }
0x6a: {  	[sflag:s20] =	ssyncset.done $0x0  }
0x6b: {  	[sflag:s20] =	ssyncadd.s32 $0xFFFFC000  }
0x6c: {  	[spmem:s2] =	stream.indirect.scatter.add.f32 [tilespmem:s13], [sflag:$0x3], $0x80, s30, s17, $0xb8;
	[tilespmem:$0x1C800] =	vst v63  }
0x6d: {  	_ =	swait.ge [sflag:s14], $0x4000  }
0x6e: {  	[sflag:s14] =	ssyncset.done $0x0  }
0x6f: {  	[sflag:s14] =	ssyncadd.s32 $0xFFFFC000  }
0x70: {  	[tilespmem:s13], [sflag:$0x1] =	stream.indirect.gather [hbm4b:s4+s17], $0x80, s31, s17, $0xb8;
	[tilespmem:$0x1C800] =	vst v63  }
0x71: {  	_ =	swait.ge [sflag:s22], $0x4000  }
0x72: {  	[sflag:s22] =	ssyncset.done $0x0  }
0x73: {  	[sflag:s22] =	ssyncadd.s32 $0xFFFFC000  }
0x74: {  	[spmem:s2] =	stream.indirect.scatter.add.f32 [tilespmem:s19], [sflag:$0x3], $0x80, s1, s17, $0xb8;
	[tilespmem:$0x1C800] =	vst v63  }
0x75: {  	_ =	swait.ge [sflag:s14], $0x4000  }
0x76: {  	[sflag:s14] =	ssyncset.done $0x0  }
0x77: {  	[sflag:s14] =	ssyncadd.s32 $0xFFFFC000  }
0x78: {  	[tilespmem:s19], [sflag:$0x2] =	stream.indirect.gather [hbm4b:s4+s17], $0x80, s0, s17, $0xb8;
	[tilespmem:$0x1C800] =	vst v63  }
0x79: {  	_ =	swait.ge [sflag:s20], $0x4000  }
0x7a: {  	[sflag:s20] =	ssyncset.done $0x0  }
0x7b: {  	[sflag:s20] =	ssyncadd.s32 $0xFFFFC000  }
0x7c: {  	[spmem:s2] =	stream.indirect.scatter.add.f32 [tilespmem:s13], [sflag:$0x3], $0x80, s6, s17, $0xb8;
	[tilespmem:$0x1C800] =	vst v63  }
0x7d: {  	_ =	swait.ge [sflag:s14], $0x4000  }
0x7e: {  	[sflag:s14] =	ssyncset.done $0x0  }
0x7f: {  	[sflag:s14] =	ssyncadd.s32 $0xFFFFC000  }
0x80: {  	_ =	swait.ge [sflag:s22], $0x4000  }
0x81: {  	[sflag:s22] =	ssyncset.done $0x0  }
0x82: {  	[sflag:s22] =	ssyncadd.s32 $0xFFFFC000  }
0x83: {  	[spmem:s2] =	stream.indirect.scatter.add.f32 [tilespmem:s19], [sflag:$0x3], $0x80, s7, s17, $0xb8;
	[tilespmem:$0x1C800] =	vst v63  }
0x84: {  	_ =	swait.ge [sflag:s14], $0x4000  }
0x85: {  	s10 =	simm.s32 $0x100;
	s9 =	simm.s32 $0x80;
	[sflag:s14] =	ssyncset.done $0x0  }
.LBB2_4:
0x86: {  	s5 =	sadd.s32 s9, s12;
	[sflag:s14] =	ssyncadd.s32 $0xFFFFC000  }
0x87: {  	[tilespmem:s15], [sflag:$0x3] =	stream.linear.gather [hbm4b:s5+s3], $0x400, $0x38;
	[tilespmem:$0x1C800] =	vst v63  }
0x88: {  	s8 =	smov.u32 s10;
	s11 =	sadd.s32 $0x80, s10;
	_ =	swait.ge [sflag:s14], $0x400  }
0x89: {  	p0 =	sne.s32 s10, $0x480;
	s10 =	rddreg [dreg:$0x3];
	[sflag:s14] =	ssyncset.done $0x0  }
0x8a: {  	[sflag:s14] =	ssyncadd.s32 $0xFFFFFC00;
	s5 =	sadd.s32 s9, s10  }
0x8b: {  	[tilespmem:s16], [sflag:$0x3] =	stream.linear.gather [hbm4b:s5+s3], $0x400, $0x38;
	[tilespmem:$0x1C800] =	vst v63  }
0x8c: {  	_ =	swait.ge [sflag:s14], $0x400  }
0x8d: {  	[sflag:s14] =	ssyncset.done $0x0  }
0x8e: {  	[sflag:s14] =	ssyncadd.s32 $0xFFFFFC00  }
0x8f: {  	[tilespmem:s13], [sflag:$0x1] =	stream.indirect.gather [hbm4b:s4+s17], $0x80, s15, s17, $0xb8;
	[tilespmem:$0x1C800] =	vst v63  }
0x90: {  	_ = 	snop  }
0x91: {  	[tilespmem:s19], [sflag:$0x2] =	stream.indirect.gather [hbm4b:s4+s17], $0x80, s18, s17, $0xb8;
	[tilespmem:$0x1C800] =	vst v63  }
0x92: {  	_ =	swait.ge [sflag:s20], $0x4000  }
0x93: {  	[sflag:s20] =	ssyncset.done $0x0  }
0x94: {  	[sflag:s20] =	ssyncadd.s32 $0xFFFFC000  }
0x95: {  	[spmem:s2] =	stream.indirect.scatter.add.f32 [tilespmem:s13], [sflag:$0x3], $0x80, s16, s17, $0xb8;
	[tilespmem:$0x1C800] =	vst v63  }
0x96: {  	_ =	swait.ge [sflag:s14], $0x4000  }
0x97: {  	[sflag:s14] =	ssyncset.done $0x0  }
0x98: {  	[sflag:s14] =	ssyncadd.s32 $0xFFFFC000  }
0x99: {  	[tilespmem:s13], [sflag:$0x1] =	stream.indirect.gather [hbm4b:s4+s17], $0x80, s21, s17, $0xb8;
	[tilespmem:$0x1C800] =	vst v63  }
0x9a: {  	_ =	swait.ge [sflag:s22], $0x4000  }
0x9b: {  	[sflag:s22] =	ssyncset.done $0x0  }
0x9c: {  	[sflag:s22] =	ssyncadd.s32 $0xFFFFC000  }
0x9d: {  	[spmem:s2] =	stream.indirect.scatter.add.f32 [tilespmem:s19], [sflag:$0x3], $0x80, s23, s17, $0xb8;
	[tilespmem:$0x1C800] =	vst v63  }
0x9e: {  	_ =	swait.ge [sflag:s14], $0x4000  }
0x9f: {  	[sflag:s14] =	ssyncset.done $0x0  }
0xa0: {  	[sflag:s14] =	ssyncadd.s32 $0xFFFFC000  }
0xa1: {  	[tilespmem:s19], [sflag:$0x2] =	stream.indirect.gather [hbm4b:s4+s17], $0x80, s24, s17, $0xb8;
	[tilespmem:$0x1C800] =	vst v63  }
0xa2: {  	_ =	swait.ge [sflag:s20], $0x4000  }
0xa3: {  	[sflag:s20] =	ssyncset.done $0x0  }
0xa4: {  	[sflag:s20] =	ssyncadd.s32 $0xFFFFC000  }
0xa5: {  	[spmem:s2] =	stream.indirect.scatter.add.f32 [tilespmem:s13], [sflag:$0x3], $0x80, s25, s17, $0xb8;
	[tilespmem:$0x1C800] =	vst v63  }
0xa6: {  	_ =	swait.ge [sflag:s14], $0x4000  }
0xa7: {  	[sflag:s14] =	ssyncset.done $0x0  }
0xa8: {  	[sflag:s14] =	ssyncadd.s32 $0xFFFFC000  }
0xa9: {  	[tilespmem:s13], [sflag:$0x1] =	stream.indirect.gather [hbm4b:s4+s17], $0x80, s26, s17, $0xb8;
	[tilespmem:$0x1C800] =	vst v63  }
0xaa: {  	_ =	swait.ge [sflag:s22], $0x4000  }
0xab: {  	[sflag:s22] =	ssyncset.done $0x0  }
0xac: {  	[sflag:s22] =	ssyncadd.s32 $0xFFFFC000  }
0xad: {  	[spmem:s2] =	stream.indirect.scatter.add.f32 [tilespmem:s19], [sflag:$0x3], $0x80, s28, s17, $0xb8;
	[tilespmem:$0x1C800] =	vst v63  }
0xae: {  	_ =	swait.ge [sflag:s14], $0x4000  }
0xaf: {  	[sflag:s14] =	ssyncset.done $0x0  }
0xb0: {  	[sflag:s14] =	ssyncadd.s32 $0xFFFFC000  }
0xb1: {  	[tilespmem:s19], [sflag:$0x2] =	stream.indirect.gather [hbm4b:s4+s17], $0x80, s29, s17, $0xb8;
	[tilespmem:$0x1C800] =	vst v63  }
0xb2: {  	_ =	swait.ge [sflag:s20], $0x4000  }
0xb3: {  	[sflag:s20] =	ssyncset.done $0x0  }
0xb4: {  	[sflag:s20] =	ssyncadd.s32 $0xFFFFC000  }
0xb5: {  	[spmem:s2] =	stream.indirect.scatter.add.f32 [tilespmem:s13], [sflag:$0x3], $0x80, s30, s17, $0xb8;
	[tilespmem:$0x1C800] =	vst v63  }
0xb6: {  	_ =	swait.ge [sflag:s14], $0x4000  }
0xb7: {  	[sflag:s14] =	ssyncset.done $0x0  }
0xb8: {  	[sflag:s14] =	ssyncadd.s32 $0xFFFFC000  }
0xb9: {  	[tilespmem:s13], [sflag:$0x1] =	stream.indirect.gather [hbm4b:s4+s17], $0x80, s31, s17, $0xb8;
	[tilespmem:$0x1C800] =	vst v63  }
0xba: {  	_ =	swait.ge [sflag:s22], $0x4000  }
0xbb: {  	[sflag:s22] =	ssyncset.done $0x0  }
0xbc: {  	[sflag:s22] =	ssyncadd.s32 $0xFFFFC000  }
0xbd: {  	[spmem:s2] =	stream.indirect.scatter.add.f32 [tilespmem:s19], [sflag:$0x3], $0x80, s1, s17, $0xb8;
	[tilespmem:$0x1C800] =	vst v63  }
0xbe: {  	_ =	swait.ge [sflag:s14], $0x4000  }
0xbf: {  	[sflag:s14] =	ssyncset.done $0x0  }
0xc0: {  	[sflag:s14] =	ssyncadd.s32 $0xFFFFC000  }
0xc1: {  	[tilespmem:s19], [sflag:$0x2] =	stream.indirect.gather [hbm4b:s4+s17], $0x80, s0, s17, $0xb8;
	[tilespmem:$0x1C800] =	vst v63  }
0xc2: {  	_ =	swait.ge [sflag:s20], $0x4000  }
0xc3: {  	[sflag:s20] =	ssyncset.done $0x0  }
0xc4: {  	[sflag:s20] =	ssyncadd.s32 $0xFFFFC000  }
0xc5: {  	[spmem:s2] =	stream.indirect.scatter.add.f32 [tilespmem:s13], [sflag:$0x3], $0x80, s6, s17, $0xb8;
	[tilespmem:$0x1C800] =	vst v63  }
0xc6: {  	_ =	swait.ge [sflag:s14], $0x4000  }
0xc7: {  	[sflag:s14] =	ssyncset.done $0x0  }
0xc8: {  	[sflag:s14] =	ssyncadd.s32 $0xFFFFC000  }
0xc9: {  	_ =	swait.ge [sflag:s22], $0x4000  }
.Ltmp1:
0xca: {  	[sflag:s22] =	ssyncset.done $0x0;
	(pc) =	sbr.rel @p0 .LBB2_4-.Ltmp1, $4  }
0xcb: {  	[sflag:s22] =	ssyncadd.s32 $0xFFFFC000  }
0xcc: {  	[spmem:s2] =	stream.indirect.scatter.add.f32 [tilespmem:s19], [sflag:$0x3], $0x80, s7, s17, $0xb8;
	[tilespmem:$0x1C800] =	vst v63  }
0xcd: {  	_ =	swait.ge [sflag:s14], $0x4000  }
0xce: {  	s9 =	smov.u32 s8;
	s10 =	smov.u32 s11;
	[sflag:s14] =	ssyncset.done $0x0  }
0xcf: {  	s5 =	sadd.s32 s9, s12;
	[sflag:s14] =	ssyncadd.s32 $0xFFFFC000  }
0xd0: {  	[tilespmem:s15], [sflag:$0x3] =	stream.linear.gather [hbm4b:s5+s3], $0x400, $0x38;
	[tilespmem:$0x1C800] =	vst v63  }
0xd1: {  	_ =	swait.ge [sflag:s14], $0x400  }
0xd2: {  	s8 =	rddreg [dreg:$0x3];
	[sflag:s14] =	ssyncset.done $0x0  }
0xd3: {  	[sflag:s14] =	ssyncadd.s32 $0xFFFFFC00;
	s5 =	sadd.s32 s9, s8  }
0xd4: {  	[tilespmem:s16], [sflag:$0x3] =	stream.linear.gather [hbm4b:s5+s3], $0x400, $0x38;
	[tilespmem:$0x1C800] =	vst v63  }
0xd5: {  	_ =	swait.ge [sflag:s14], $0x400  }
0xd6: {  	[sflag:s14] =	ssyncset.done $0x0  }
0xd7: {  	[sflag:s14] =	ssyncadd.s32 $0xFFFFFC00  }
0xd8: {  	[tilespmem:s13], [sflag:$0x1] =	stream.indirect.gather [hbm4b:s4+s17], $0x80, s15, s17, $0xb8;
	[tilespmem:$0x1C800] =	vst v63  }
0xd9: {  	_ = 	snop  }
0xda: {  	[tilespmem:s19], [sflag:$0x2] =	stream.indirect.gather [hbm4b:s4+s17], $0x80, s18, s17, $0xb8;
	[tilespmem:$0x1C800] =	vst v63  }
0xdb: {  	_ =	swait.ge [sflag:s20], $0x4000  }
0xdc: {  	[sflag:s20] =	ssyncset.done $0x0  }
0xdd: {  	[sflag:s20] =	ssyncadd.s32 $0xFFFFC000  }
0xde: {  	[spmem:s2] =	stream.indirect.scatter.add.f32 [tilespmem:s13], [sflag:$0x3], $0x80, s16, s17, $0xb8;
	[tilespmem:$0x1C800] =	vst v63  }
0xdf: {  	_ =	swait.ge [sflag:s14], $0x4000  }
0xe0: {  	[sflag:s14] =	ssyncset.done $0x0  }
0xe1: {  	[sflag:s14] =	ssyncadd.s32 $0xFFFFC000  }
0xe2: {  	[tilespmem:s13], [sflag:$0x1] =	stream.indirect.gather [hbm4b:s4+s17], $0x80, s21, s17, $0xb8;
	[tilespmem:$0x1C800] =	vst v63  }
0xe3: {  	_ =	swait.ge [sflag:s22], $0x4000  }
0xe4: {  	[sflag:s22] =	ssyncset.done $0x0  }
0xe5: {  	[sflag:s22] =	ssyncadd.s32 $0xFFFFC000  }
0xe6: {  	[spmem:s2] =	stream.indirect.scatter.add.f32 [tilespmem:s19], [sflag:$0x3], $0x80, s23, s17, $0xb8;
	[tilespmem:$0x1C800] =	vst v63  }
0xe7: {  	_ =	swait.ge [sflag:s14], $0x4000  }
0xe8: {  	[sflag:s14] =	ssyncset.done $0x0  }
0xe9: {  	[sflag:s14] =	ssyncadd.s32 $0xFFFFC000  }
0xea: {  	[tilespmem:s19], [sflag:$0x2] =	stream.indirect.gather [hbm4b:s4+s17], $0x80, s24, s17, $0xb8;
	[tilespmem:$0x1C800] =	vst v63  }
0xeb: {  	_ =	swait.ge [sflag:s20], $0x4000  }
0xec: {  	[sflag:s20] =	ssyncset.done $0x0  }
0xed: {  	[sflag:s20] =	ssyncadd.s32 $0xFFFFC000  }
0xee: {  	[spmem:s2] =	stream.indirect.scatter.add.f32 [tilespmem:s13], [sflag:$0x3], $0x80, s25, s17, $0xb8;
	[tilespmem:$0x1C800] =	vst v63  }
0xef: {  	_ =	swait.ge [sflag:s14], $0x4000  }
0xf0: {  	[sflag:s14] =	ssyncset.done $0x0  }
0xf1: {  	[sflag:s14] =	ssyncadd.s32 $0xFFFFC000  }
0xf2: {  	[tilespmem:s13], [sflag:$0x1] =	stream.indirect.gather [hbm4b:s4+s17], $0x80, s26, s17, $0xb8;
	[tilespmem:$0x1C800] =	vst v63  }
0xf3: {  	_ =	swait.ge [sflag:s22], $0x4000  }
0xf4: {  	[sflag:s22] =	ssyncset.done $0x0  }
0xf5: {  	[sflag:s22] =	ssyncadd.s32 $0xFFFFC000  }
0xf6: {  	[spmem:s2] =	stream.indirect.scatter.add.f32 [tilespmem:s19], [sflag:$0x3], $0x80, s28, s17, $0xb8;
	[tilespmem:$0x1C800] =	vst v63  }
0xf7: {  	_ =	swait.ge [sflag:s14], $0x4000  }
0xf8: {  	[sflag:s14] =	ssyncset.done $0x0  }
0xf9: {  	[sflag:s14] =	ssyncadd.s32 $0xFFFFC000  }
0xfa: {  	[tilespmem:s19], [sflag:$0x2] =	stream.indirect.gather [hbm4b:s4+s17], $0x80, s29, s17, $0xb8;
	[tilespmem:$0x1C800] =	vst v63  }
0xfb: {  	_ =	swait.ge [sflag:s20], $0x4000  }
0xfc: {  	[sflag:s20] =	ssyncset.done $0x0  }
0xfd: {  	[sflag:s20] =	ssyncadd.s32 $0xFFFFC000  }
0xfe: {  	[spmem:s2] =	stream.indirect.scatter.add.f32 [tilespmem:s13], [sflag:$0x3], $0x80, s30, s17, $0xb8;
	[tilespmem:$0x1C800] =	vst v63  }
0xff: {  	_ =	swait.ge [sflag:s14], $0x4000  }
0x100: {  	[sflag:s14] =	ssyncset.done $0x0  }
0x101: {  	[sflag:s14] =	ssyncadd.s32 $0xFFFFC000  }
0x102: {  	[tilespmem:s13], [sflag:$0x1] =	stream.indirect.gather [hbm4b:s4+s17], $0x80, s31, s17, $0xb8;
	[tilespmem:$0x1C800] =	vst v63  }
0x103: {  	_ =	swait.ge [sflag:s22], $0x4000  }
0x104: {  	[sflag:s22] =	ssyncset.done $0x0  }
0x105: {  	[sflag:s22] =	ssyncadd.s32 $0xFFFFC000  }
0x106: {  	[spmem:s2] =	stream.indirect.scatter.add.f32 [tilespmem:s19], [sflag:$0x3], $0x80, s1, s17, $0xb8;
	[tilespmem:$0x1C800] =	vst v63  }
0x107: {  	_ =	swait.ge [sflag:s14], $0x4000  }
0x108: {  	[sflag:s14] =	ssyncset.done $0x0  }
0x109: {  	[sflag:s14] =	ssyncadd.s32 $0xFFFFC000  }
0x10a: {  	[tilespmem:s19], [sflag:$0x2] =	stream.indirect.gather [hbm4b:s4+s17], $0x80, s0, s17, $0xb8;
	[tilespmem:$0x1C800] =	vst v63  }
0x10b: {  	_ =	swait.ge [sflag:s20], $0x4000  }
0x10c: {  	[sflag:s20] =	ssyncset.done $0x0  }
0x10d: {  	[sflag:s20] =	ssyncadd.s32 $0xFFFFC000  }
0x10e: {  	[spmem:s2] =	stream.indirect.scatter.add.f32 [tilespmem:s13], [sflag:$0x3], $0x80, s6, s17, $0xb8;
	[tilespmem:$0x1C800] =	vst v63  }
0x10f: {  	_ =	swait.ge [sflag:s14], $0x4000  }
0x110: {  	[sflag:s14] =	ssyncset.done $0x0  }
0x111: {  	[sflag:s14] =	ssyncadd.s32 $0xFFFFC000  }
0x112: {  	_ =	swait.ge [sflag:s22], $0x4000  }
0x113: {  	[sflag:s22] =	ssyncset.done $0x0  }
0x114: {  	[sflag:s22] =	ssyncadd.s32 $0xFFFFC000  }
0x115: {  	[spmem:s2] =	stream.indirect.scatter.add.f32 [tilespmem:s19], [sflag:$0x3], $0x80, s7, s17, $0xb8;
	[tilespmem:$0x1C800] =	vst v63  }
0x116: {  	_ =	swait.ge [sflag:s14], $0x4000  }
0x117: {  	[sflag:s14] =	ssyncset.done $0x0  }
0x118: {  	[sflag:s14] =	ssyncadd.s32 $0xFFFFC000  }
0x119: {  	s9 =	stileid.u32;
	[bflag:$0x0] =	sbarrier.arrive $0xFFFF  }
0x11a: {  	s5 =	sshll.u32 s9, $0x6;
	s11 =	rddreg [dreg:$0x4]  }
0x11b: {  	s5 =	sor.u32 $0x1C03, s5;
	s10 =	rddreg [dreg:$0xa];
	s8 =	sshrl.u32 s11, $0x3  }
0x11c: {  	[hbm:s10], [sflag:s5] =	dma.local [spmem:s8], $0x2800  }
0x11d: {  	_ =	swait.ge [sflag:s14], $0x2800  }
0x11e: {  	s9 =	rddreg [dreg:$0xb]  }
0x11f: {  	s10 =	rddreg [dreg:$0x9];
	s8 =	sadd.s32 $0x1, s9  }
0x120: {  	p0 =	sne.s32 s8, s10  }
.Ltmp2:
0x121: {  	_ = 	snop;
	(pc) =	sbr.rel @p0 .LBB2_1-.Ltmp2, $3  }
0x122: {  	_ =	sdelay $0x1  }
0x123: {  	[sflag:s14] =	ssyncset.done $0x0  }
0x124: {  	[sflag:s14] =	ssyncadd.s32 $0xFFFFD800  }
0x125: {  	_ =	sfence.sel $0x180000  }
0x126: {  	[bflag:$0x0] =	sbarrier.arrive $0xFFFF  }
0x127: {  	_ =	strace $0x9000004A  }
0x128: {  	s0 =	stileid.u32;
	[bflag:$0x2] =	sbarrier.arrive $0xFFFF  }
0x129: {  	p0 =	sne.s32 s0, $0x0;
	s0 =	rddreg [dreg:$0x2]  }
0x12a: {  	s0 =	sadd.s32 @!p0 $0x100000, s0  }
0x12b: {  	[sflag:s0] =	ssyncadd.tile.s32 @!p0 $0x1;
	_ =	shalt  }
.Lfunc_end2:
_tile_overlayer_lowered:
.L_overlay_start_2:
0x12c: {  	(tag) =	ssettag $0x2  }
0x12d: {  	s0 =	rddreg [dreg:$0x0];
	s2 =	stileid.u32  }
0x12e: {  	s1 =	rddreg [dreg:$0x1];
	p0 =	sne.s32 s2, $0x0  }
0x12f: {  	s3 =	rddreg [dreg:$0x2];
	[bflag:$0x3] =	sbarrier.arrive $0xFFFF;
	s2 =	simm.s32 @!p0 $0x1C03  }
0x130: {  	[timem:s3], [sflag:s2] =	dma.local @!p0 [hbm:s0], s1  }
0x131: {  	s0 =	simm.s32 @!p0 $0x3  }
0x132: {  	_ =	swait.ge @!p0 [sflag:s0], s1  }
0x133: {  	s1 =	ssub.s32 @!p0 $0x0, s1;
	[sflag:s0] =	ssyncset.done @!p0 $0x0  }
0x134: {  	[sflag:s0] =	ssyncadd.s32 @!p0 s1  }
0x135: {  	[bflag:$0x3] =	sbarrier.arrive $0xFFFF  }
0x136: {  	_ =	shalt  }

// kernel: kernel.15.cloned.1.call-start
scs
__scs_entry_jumppad:
0x0: {  	(pc) =	sbr.rel $0x88, $3  }
0x1: {  	(tag) =	ssettag $0x0;
	lr =	simm.s32 $0x1  }
0x2: {  	[smem:$0x3F8C] =	sst lr;
	_ =	strace $0xD0000000  }
0x3: {  	_ = 	snop  }
0x4: {  	_ = 	snop  }
0x5: {  	_ = 	snop  }
0x6: {  	_ = 	snop  }
0x7: {  	_ = 	snop  }
__scs_overlays_trampoline_lowered:
0x8: {  	[smem:$0x3F9B] =	sst s0  }
0x9: {  	[smem:$0x3F9C] =	sst s1  }
0xa: {  	[smem:$0x3F9D] =	sst s2  }
0xb: {  	[smem:$0x3F9E] =	sst s3  }
0xc: {  	[smem:$0x3F9F] =	sst s4  }
0xd: {  	[smem:$0x3FA0] =	sst s5  }
0xe: {  	[smem:$0x3FA1] =	sst s6  }
0xf: {  	[smem:$0x3FA2] =	sst s7  }
0x10: {  	[smem:$0x3FA3] =	sst s8  }
0x11: {  	[smem:$0x3FA4] =	sst s9;
	s0 =	simm.s32 @!p0 $0x0  }
0x12: {  	s1 =	sld [smem:$0x3F8A];
	s0 =	simm.s32 @p0 $0x1  }
0x13: {  	[smem:$0x3FA5] =	sst s0;
	s0 =	simm.s32 @!p1 $0x0  }
0x14: {  	s2 =	sld [smem:$0x3F89];
	s0 =	simm.s32 @p1 $0x1  }
0x15: {  	[smem:$0x3FA6] =	sst s0;
	s0 =	simm.s32 @!p2 $0x0  }
0x16: {  	s3 =	sld [smem:$0x3FDB];
	s0 =	simm.s32 @p2 $0x1  }
0x17: {  	s4 =	simm.s32 $0x1BF5;
	[smem:$0x3FA8] =	sst s0  }
0x18: {  	s0 =	sld [smem:$0x3F8B];
	_ =	swait.ge [sflag:s4], $0x0  }
0x19: {  	s7 =	sld [smem:$0x3F8C]  }
0x1a: {  	s8 =	sadd.s32 $0xFFFFE003, lr  }
0x1b: {  	s9 =	sadd.s32 $0xFFFFFEF7, lr;
	s5 =	simm.s32 $0xFFFFFFFF;
	p2 =	slt.u32 s8, $0xFFFFF086  }
0x1c: {  	p1 =	slt.u32 s9, $0xF7A;
	s5 =	simm.s32 @!p2 $0x0  }
0x1d: {  	s5 =	simm.s32 @p1 $0x1;
	p0 =	seq.s32 s7, s2  }
0x1e: {  	s7 =	smul.u32 @!p0 $0xF7A, s2;
	p2 =	seq.s32 @!p0 s5, $0x0  }
0x1f: {  	s9 =	smul.u32 $0xF7A, s1;
	s8 =	simm.s32 @!p0 $0x1BF5;
	p2 =	por !p2, p0  }
0x20: {  	[sflag:s8] =	ssyncset.s32 @!p0 $0xFFFFF086;
	s6 =	sadd.s32 @!p0 s3, s7;
	s7 =	simm.s32 @!p0 $0x108  }
0x21: {  	s3 =	sadd.s32 s3, s9;
	s6 =	sadd.s32 @!p0 $0x88, s6;
	s7 =	simm.s32 @p2 $0x1082  }
0x22: {  	[simem:s7], [sflag:s8] =	dma.local @!p0 [hbm:s6], $0xF7A  }
0x23: {  	s9 =	sor.u32 $0xD0000000, s2;
	s6 =	simm.s32 $0x108;
	_ =	swait.ge @!p0 [sflag:s8], $0x0  }
0x24: {  	s3 =	sadd.s32 $0x88, s3;
	s6 =	simm.s32 @!p1 $0x1082;
	[sflag:s4] =	ssyncset.s32 $0xFFFFF086  }
0x25: {  	[simem:s6], [sflag:s4] =	dma.local [hbm:s3], $0xF7A  }
0x26: {  	[smem:$0x3F8C] =	sst s1;
	(tag) =	ssettag s2;
	_ =	strace s9  }
0x27: {  	s1 =	sld [smem:$0x3F9C]  }
0x28: {  	s2 =	sld [smem:$0x3F9D]  }
0x29: {  	s4 =	sld [smem:$0x3F9F]  }
0x2a: {  	p0 =	seq.s32 s5, $0x0;
	s5 =	sld [smem:$0x3FA0]  }
0x2b: {  	s6 =	sld [smem:$0x3FA1]  }
0x2c: {  	s7 =	sld [smem:$0x3FA2]  }
0x2d: {  	s3 =	simm.s32 $0x108;
	s8 =	sld [smem:$0x3FA3]  }
0x2e: {  	s3 =	simm.s32 @!p0 $0x1082;
	s9 =	sld [smem:$0x3FA4]  }
0x2f: {  	lr =	sadd.s32 s0, s3;
	s0 =	sld [smem:$0x3F9B]  }
0x30: {  	s3 =	sld [smem:$0x3F9E]  }
0x31: {  	[smem:$0x3FA7] =	sst s10  }
0x32: {  	s10 =	sld [smem:$0x3FA5];
	_ =	sdelay $0x3  }
0x33: {  	p0 =	seq.s32 s10, $0x1;
	s10 =	sld [smem:$0x3FA7];
	_ =	sdelay $0x3  }
0x34: {  	[smem:$0x3FA7] =	sst s10  }
0x35: {  	s10 =	sld [smem:$0x3FA6];
	_ =	sdelay $0x3  }
0x36: {  	p1 =	seq.s32 s10, $0x1;
	s10 =	sld [smem:$0x3FA7];
	_ =	sdelay $0x3  }
0x37: {  	[smem:$0x3FA7] =	sst s10  }
0x38: {  	s10 =	sld [smem:$0x3FA8]  }
0x39: {  	_ = 	snop;
	(pc) =	sbr.ind lr, $3  }
0x3a: {  	_ = 	snop  }
0x3b: {  	_ = 	snop  }
0x3c: {  	p2 =	seq.s32 s10, $0x1;
	s10 =	sld [smem:$0x3FA7]  }
0x3d: {  	_ =	shalt  }
0x3e: {  	_ =	shalt  }
0x3f: {  	_ =	shalt  }
0x40: {  	_ =	shalt  }
0x41: {  	_ =	shalt  }
0x42: {  	_ =	shalt  }
0x43: {  	_ =	shalt  }
0x44: {  	_ =	shalt  }
0x45: {  	_ =	shalt  }
0x46: {  	_ =	shalt  }
0x47: {  	_ =	shalt  }
0x48: {  	_ =	shalt  }
0x49: {  	_ =	shalt  }
0x4a: {  	_ =	shalt  }
0x4b: {  	_ =	shalt  }
0x4c: {  	_ =	shalt  }
0x4d: {  	_ =	shalt  }
0x4e: {  	_ =	shalt  }
0x4f: {  	_ =	shalt  }
0x50: {  	_ =	shalt  }
0x51: {  	_ =	shalt  }
0x52: {  	_ =	shalt  }
0x53: {  	_ =	shalt  }
0x54: {  	_ =	shalt  }
0x55: {  	_ =	shalt  }
0x56: {  	_ =	shalt  }
0x57: {  	_ =	shalt  }
0x58: {  	_ =	shalt  }
0x59: {  	_ =	shalt  }
0x5a: {  	_ =	shalt  }
0x5b: {  	_ =	shalt  }
0x5c: {  	_ =	shalt  }
0x5d: {  	_ =	shalt  }
0x5e: {  	_ =	shalt  }
0x5f: {  	_ =	shalt  }
0x60: {  	_ =	shalt  }
0x61: {  	_ =	shalt  }
0x62: {  	_ =	shalt  }
0x63: {  	_ =	shalt  }
0x64: {  	_ =	shalt  }
0x65: {  	_ =	shalt  }
0x66: {  	_ =	shalt  }
0x67: {  	_ =	shalt  }
0x68: {  	_ =	shalt  }
0x69: {  	_ =	shalt  }
0x6a: {  	_ =	shalt  }
0x6b: {  	_ =	shalt  }
0x6c: {  	_ =	shalt  }
0x6d: {  	_ =	shalt  }
0x6e: {  	_ =	shalt  }
0x6f: {  	_ =	shalt  }
0x70: {  	_ =	shalt  }
0x71: {  	_ =	shalt  }
0x72: {  	_ =	shalt  }
0x73: {  	_ =	shalt  }
0x74: {  	_ =	shalt  }
0x75: {  	_ =	shalt  }
0x76: {  	_ =	shalt  }
0x77: {  	_ =	shalt  }
0x78: {  	_ =	shalt  }
0x79: {  	_ =	shalt  }
0x7a: {  	_ =	shalt  }
0x7b: {  	_ =	shalt  }
0x7c: {  	_ =	shalt  }
0x7d: {  	_ =	shalt  }
0x7e: {  	_ =	shalt  }
0x7f: {  	_ =	shalt  }
0x80: {  	_ =	shalt  }
0x81: {  	_ =	shalt  }
0x82: {  	_ =	shalt  }
0x83: {  	_ =	shalt  }
0x84: {  	_ =	shalt  }
0x85: {  	_ =	shalt  }
0x86: {  	_ =	shalt  }
0x87: {  	_ =	shalt  }
.Lfunc_end0:
.L_simem_size_0:
called_computation.2_lowered:
.L_overlay_start_0:
0x88: {  	s2 =	sld [smem:$0x3FD9]  }
0x89: {  	s3 =	sld [smem:$0x3FFE];
	_ =	sdelay $0x1  }
0x8a: {  	s1 =	srdreg.scid  }
0x8b: {  	s0 =	sand.u32 $0x1, s1  }
0x8c: {  	s16 =	sshll.u32 s0, $0xA;
	s2 =	sadd.s32 s3, s2  }
0x8d: {  	s2 =	sadd.s32 s2, s16  }
0x8e: {  	[smem:$0x3FB3] =	sst s2  }
0x8f: {  	_ = 	snop  }
0x90: {  	(tm) =	ssettm $0x1  }
0x91: {  	s17 =	sld [smem:$0x3FFB];
	_ =	sdelay $0x3  }
0x92: {  	_ =	strace s17  }
0x93: {  	s2 =	sld [smem:$0x3FFC];
	_ =	sdelay $0x3  }
0x94: {  	_ =	strace s2  }
0x95: {  	s2 =	sld [smem:$0x3FFD];
	_ =	sdelay $0x3  }
0x96: {  	_ =	strace s2  }
0x97: {  	_ =	strace $0x8FFFFFFF  }
0x98: {  	s18 =	sld [smem:$0x3FDB];
	_ =	sdelay $0x1  }
0x99: {  	s19 =	simm.s32 $_scs_section_size  }
0x9a: {  	s4 =	simm.s32 $_size__tile_overlayer_lowered;
	s5 =	simm.s32 $_tile_overlayer_lowered  }
0x9b: {  	s22 =	simm.s32 $0x1BFF;
	s21 =	sshll.u32 s5, $0x1;
	s2 =	sadd.s32 s19, s18  }
0x9c: {  	s6 =	simm.s32 $0x0;
	s20 =	sshll.u32 s4, $0x1;
	s4 =	sadd.s32 s21, s2  }
0x9d: {  	[timem:s6], [sflag:s22] =	dma.local [hbm:s4], s20  }
0x9e: {  	_ =	swait.ge [sflag:s22], s20  }
0x9f: {  	s3 =	ssub.s32 $0x0, s20;
	[sflag:s22] =	ssyncset.done $0x0  }
0xa0: {  	[sflag:s22] =	ssyncadd.s32 s3;
	_ =	sdelay $0x1  }
0xa1: {  	s23 =	simm.s32 $0x1B8B  }
0xa2: {  	_ =	swait.ge [sflag:s23], $0x1  }
0xa3: {  	[sflag:s23] =	ssyncset.done $0x0  }
0xa4: {  	s25 =	simm.s32 $0x1B8E;
	s24 =	sld [smem:$0x3FFE];
	[sflag:s23] =	ssyncadd.s32 $0xFFFFFFFF  }
0xa5: {  	s26 =	simm.s32 $execute0_lowered;
	[smem:$0x3FD2] =	sst s25  }
0xa6: {  	s4 =	sshll.u32 s26, $0x1;
	_ =	strace $0x8000004C;
	[dreg:$0x1] =	wrdreg $0xFFFFFFFF  }
0xa7: {  	s28 =	simm.s32 $_size_execute0_lowered;
	s2 =	sadd.s32 s2, s4;
	[dreg:$0x0] =	wrdreg $0x0  }
0xa8: {  	s4 =	sshll.u32 s28, $0x1;
	[dreg:$0x2] =	wrdreg s2  }
0xa9: {  	[dreg:$0x3] =	wrdreg s4  }
0xaa: {  	[dreg:$0x4] =	wrdreg $0xC0  }
0xab: {  	_ =	task [dreg:s6], $0x5FFFF  }
0xac: {  	[dreg:$0x1] =	wrdreg $0xFFFFFFFF  }
0xad: {  	[dreg:$0x0] =	wrdreg $0x60  }
0xae: {  	[dreg:$0x2] =	wrdreg s24  }
0xaf: {  	[dreg:$0x3] =	wrdreg $0x0  }
0xb0: {  	[dreg:$0x4] =	wrdreg $0x9  }
0xb1: {  	_ =	task.clear_ibuf [dreg:s6], $0x5FFFF;
	_ =	strace $0x9000004C  }
0xb2: {  	s29 =	simm.s32 $0x9;
	_ =	strace $0x8000004E  }
0xb3: {  	_ =	swait.ge [sflag:s29], $0x1  }
0xb4: {  	[sflag:s29] =	ssyncadd.s32 $0xFFFFFFFF  }
0xb5: {  	_ =	strace $0x9000004E  }
0xb6: {  	_ =	sfence  }
0xb7: {  	s30 =	sld [smem:$0x0];
	_ =	sdelay $0x2  }
0xb8: {  	s31 =	sshll.u32 s1, $0xD;
	s1 =	sshrl.u32 s1, $0x2  }
0xb9: {  	s3 =	sand.u32 $0x4000, s31;
	s1 =	sadd.s32 s1, s30  }
0xba: {  	s0 =	sor.u32 s3, s0;
	s1 =	sshll.u32 s1, $0x11  }
0xbb: {  	s0 =	sor.u32 s1, s0  }
0xbc: {  	s0 =	sadd.s32 $0x8F2B, s0  }
0xbd: {  	[sflag:s0] =	ssyncadd.remote.s32 $0x1  }
0xbe: {  	_ =	sfence.sel $0xFFFF  }
0xbf: {  	[dreg:$0x0] =	wrdreg $0xFFFFFFFF;
	(pc) =	sbr.abs _section_cstart, $3  }
0xc0: {  	[dreg:$0x1] =	wrdreg $0xFFFFFFFF  }
0xc1: {  	_ =	task.clear_ibuf [dreg:s6], $0x2FFFF;
	_ =	strace $0x9FFFFFFF  }
0xc2: {  	(tm) =	ssettm $0x7FFFFFFF  }
0xc3: {  	_ =	shalt  }
tec
execute0_lowered:
.L_overlay_start_1:
0x0: {  	(tag) =	ssettag $0x1  }
0x1: {  	s0 =	rddreg [dreg:$0x0]  }
0x2: {  	s2 =	rddreg [dreg:$0x1]  }
0x3: {  	s9 =	stileid.u32;
	s1 =	srdreg.scid  }
0x4: {  	s3 =	simm.s32 $0x0;
	s13 =	simm.s32 $0x14800;
	s14 =	simm.s32 $0x3  }
0x5: {  	s15 =	simm.s32 $0x14000;
	s16 =	simm.s32 $0x14400;
	s17 =	simm.s32 $0x80  }
0x6: {  	s18 =	simm.s32 $0x14080;
	s19 =	simm.s32 $0x18800;
	s20 =	simm.s32 $0x1  }
0x7: {  	s28 =	simm.s32 $0x14580;
	s29 =	simm.s32 $0x14280;
	s4 =	smul.u32 $0x50, s9  }
0x8: {  	s30 =	simm.s32 $0x14600;
	s31 =	simm.s32 $0x14300;
	s6 =	smul.u32 $0x50000, s9  }
0x9: {  	s1 =	sand.u32 $0x1, s1;
	[smem:$0x7FF] =	sst s3;
	s24 =	smul.u32 $0x2800, s9  }
0xa: {  	p0 =	seq.s32 s1, $0x0;
	_ =	strace $0x8000004D;
	s1 =	ssub.s32 $0x2, s1  }
0xb: {  	s5 =	sadd.s32 $0x500, s4;
	s21 =	sshrl.u32 s6, $0x2;
	s6 =	sadd.s32 $0x40600, s0  }
0xc: {  	s8 =	sshrl.u32 s1, $0x1;
	s5 =	smov.u32 @p0 s4;
	s4 =	sadd.s32 $0x19400, s0  }
0xd: {  	s11 =	sadd.s32 s21, s2;
	s1 =	ssub.s32 s1, s8;
	s21 =	simm.s32 $0x14100  }
0xe: {  	s8 =	simm.s32 $0x0;
	s22 =	sadd.s32 $0x8000, s11;
	[dreg:$0x4] =	wrdreg s11  }
0xf: {  	s5 =	sshll.u32 s5, $0x4;
	s23 =	sadd.s32 $0xC000, s11;
	[dreg:$0x6] =	wrdreg s22  }
0x10: {  	s25 =	sadd.s32 $0x10000, s11;
	s1 =	smax.u32 s1, $0x1;
	[dreg:$0x7] =	wrdreg s23  }
0x11: {  	s7 =	sadd.s32 s5, s0;
	s0 =	sadd.s32 $0x68600, s0;
	[dreg:$0x8] =	wrdreg s25  }
0x12: {  	s5 =	sadd.s32 $0x4000, s11;
	[dreg:$0x9] =	wrdreg s1;
	s22 =	simm.s32 $0x2  }
0x13: {  	s23 =	simm.s32 $0x14480;
	s25 =	simm.s32 $0x14500;
	s1 =	simm.s32 $0x14680  }
0x14: {  	[dreg:$0x5] =	wrdreg s5;
	s0 =	smov.u32 @p0 s6;
	s26 =	sadd.s32 $0xF400, s7  }
0x15: {  	s12 =	sadd.s32 $0x5400, s7;
	s6 =	simm.s32 $0x14700;
	s7 =	simm.s32 $0x14780  }
0x16: {  	s0 =	sadd.s32 s0, s24;
	[dreg:$0x3] =	wrdreg s26;
	s24 =	simm.s32 $0x14180  }
0x17: {  	v0 =	vimm.f32 $0.0e+00;
	s26 =	simm.s32 $0x14200;
	[dreg:$0xa] =	wrdreg s0;
	s0 =	simm.s32 $0x14380  }
.LBB2_1:
0x18: {  	s9 =	simm.s32 $0x0;
	s10 =	simm.s32 $0x200  }
.LBB2_2:
0x19: {  	p0 =	sne.s32 s10, $0xFE00;
	[tilespmem:s9+$0x14870] =	vst v0  }
0x1a: {  	[tilespmem:s9+$0x14800] =	vst v0  }
0x1b: {  	[tilespmem:s9+$0x14810] =	vst v0  }
.Ltmp0:
0x1c: {  	[tilespmem:s9+$0x14820] =	vst v0;
	(pc) =	sbr.rel @p0 .LBB2_2-.Ltmp0, $4  }
0x1d: {  	[tilespmem:s9+$0x14830] =	vst v0  }
0x1e: {  	[tilespmem:s9+$0x14840] =	vst v0  }
0x1f: {  	[tilespmem:s9+$0x14850] =	vst v0  }
0x20: {  	[tilespmem:s9+$0x14860] =	vst v0;
	s9 =	sshra.s32 s10, $0x2;
	s10 =	sadd.s32 $0x200, s10  }
0x21: {  	[tilespmem:s9+$0x14870] =	vst v0  }
0x22: {  	[tilespmem:s9+$0x14800] =	vst v0  }
0x23: {  	[tilespmem:s9+$0x14810] =	vst v0  }
0x24: {  	[tilespmem:s9+$0x14820] =	vst v0  }
0x25: {  	[tilespmem:s9+$0x14830] =	vst v0  }
0x26: {  	[tilespmem:s9+$0x14840] =	vst v0  }
0x27: {  	[tilespmem:s9+$0x14850] =	vst v0  }
0x28: {  	[dreg:$0xb] =	wrdreg s8;
	[tilespmem:s9+$0x14860] =	vst v0  }
0x29: {  	[spmem:s11] =	stream.linear.scatter [tilespmem:s13], [sflag:$0x3], $0x4000, $0x38;
	[tilespmem:$0x1C800] =	vst v63  }
0x2a: {  	_ =	swait.ge [sflag:s14], $0x4000  }
0x2b: {  	[sflag:s14] =	ssyncset.done $0x0  }
0x2c: {  	s5 =	rddreg [dreg:$0x5];
	[sflag:s14] =	ssyncadd.s32 $0xFFFFC000  }
0x2d: {  	[spmem:s5] =	stream.linear.scatter [tilespmem:s13], [sflag:$0x3], $0x4000, $0x38;
	[tilespmem:$0x1C800] =	vst v63  }
0x2e: {  	_ =	swait.ge [sflag:s14], $0x4000  }
0x2f: {  	[sflag:s14] =	ssyncset.done $0x0  }
0x30: {  	s11 =	rddreg [dreg:$0x6];
	[sflag:s14] =	ssyncadd.s32 $0xFFFFC000  }
0x31: {  	[spmem:s11] =	stream.linear.scatter [tilespmem:s13], [sflag:$0x3], $0x4000, $0x38;
	[tilespmem:$0x1C800] =	vst v63  }
0x32: {  	_ =	swait.ge [sflag:s14], $0x4000  }
0x33: {  	[sflag:s14] =	ssyncset.done $0x0  }
0x34: {  	s8 =	rddreg [dreg:$0x7];
	[sflag:s14] =	ssyncadd.s32 $0xFFFFC000  }
0x35: {  	[spmem:s8] =	stream.linear.scatter [tilespmem:s13], [sflag:$0x3], $0x4000, $0x38;
	[tilespmem:$0x1C800] =	vst v63  }
0x36: {  	_ =	swait.ge [sflag:s14], $0x4000  }
0x37: {  	[sflag:s14] =	ssyncset.done $0x0  }
0x38: {  	s9 =	rddreg [dreg:$0x8];
	[sflag:s14] =	ssyncadd.s32 $0xFFFFC000  }
0x39: {  	[spmem:s9] =	stream.linear.scatter [tilespmem:s13], [sflag:$0x3], $0x4000, $0x38;
	[tilespmem:$0x1C800] =	vst v63  }
0x3a: {  	_ =	swait.ge [sflag:s14], $0x4000  }
0x3b: {  	[sflag:s14] =	ssyncset.done $0x0  }
0x3c: {  	[sflag:s14] =	ssyncadd.s32 $0xFFFFC000  }
0x3d: {  	s10 =	sadd.s32 $0x0, s12;
	[bflag:$0x0] =	sbarrier.arrive $0xFFFF  }
0x3e: {  	[tilespmem:s15], [sflag:$0x3] =	stream.linear.gather [hbm4b:s10+s3], $0x400, $0x38;
	[tilespmem:$0x1C800] =	vst v63  }
0x3f: {  	_ =	swait.ge [sflag:s14], $0x400  }
0x40: {  	s11 =	rddreg [dreg:$0x3];
	[sflag:s14] =	ssyncset.done $0x0  }
0x41: {  	[sflag:s14] =	ssyncadd.s32 $0xFFFFFC00;
	s9 =	sadd.s32 $0x0, s11  }
0x42: {  	[tilespmem:s16], [sflag:$0x3] =	stream.linear.gather [hbm4b:s9+s3], $0x400, $0x38;
	[tilespmem:$0x1C800] =	vst v63  }
0x43: {  	_ =	swait.ge [sflag:s14], $0x400  }
0x44: {  	[sflag:s14] =	ssyncset.done $0x0  }
0x45: {  	[sflag:s14] =	ssyncadd.s32 $0xFFFFFC00  }
0x46: {  	[tilespmem:s13], [sflag:$0x1] =	stream.indirect.gather [hbm4b:s4+s17], $0x80, s15, s17, $0xb8;
	[tilespmem:$0x1C800] =	vst v63  }
0x47: {  	_ = 	snop  }
0x48: {  	[tilespmem:s19], [sflag:$0x2] =	stream.indirect.gather [hbm4b:s4+s17], $0x80, s18, s17, $0xb8;
	[tilespmem:$0x1C800] =	vst v63  }
0x49: {  	_ =	swait.ge [sflag:s20], $0x4000  }
0x4a: {  	[sflag:s20] =	ssyncset.done $0x0  }
0x4b: {  	[sflag:s20] =	ssyncadd.s32 $0xFFFFC000  }
0x4c: {  	[spmem:s2] =	stream.indirect.scatter.add.f32 [tilespmem:s13], [sflag:$0x3], $0x80, s16, s17, $0xb8;
	[tilespmem:$0x1C800] =	vst v63  }
0x4d: {  	_ =	swait.ge [sflag:s14], $0x4000  }
0x4e: {  	[sflag:s14] =	ssyncset.done $0x0  }
0x4f: {  	[sflag:s14] =	ssyncadd.s32 $0xFFFFC000  }
0x50: {  	[tilespmem:s13], [sflag:$0x1] =	stream.indirect.gather [hbm4b:s4+s17], $0x80, s21, s17, $0xb8;
	[tilespmem:$0x1C800] =	vst v63  }
0x51: {  	_ =	swait.ge [sflag:s22], $0x4000  }
0x52: {  	[sflag:s22] =	ssyncset.done $0x0  }
0x53: {  	[sflag:s22] =	ssyncadd.s32 $0xFFFFC000  }
0x54: {  	[spmem:s2] =	stream.indirect.scatter.add.f32 [tilespmem:s19], [sflag:$0x3], $0x80, s23, s17, $0xb8;
	[tilespmem:$0x1C800] =	vst v63  }
0x55: {  	_ =	swait.ge [sflag:s14], $0x4000  }
0x56: {  	[sflag:s14] =	ssyncset.done $0x0  }
0x57: {  	[sflag:s14] =	ssyncadd.s32 $0xFFFFC000  }
0x58: {  	[tilespmem:s19], [sflag:$0x2] =	stream.indirect.gather [hbm4b:s4+s17], $0x80, s24, s17, $0xb8;
	[tilespmem:$0x1C800] =	vst v63  }
0x59: {  	_ =	swait.ge [sflag:s20], $0x4000  }
0x5a: {  	[sflag:s20] =	ssyncset.done $0x0  }
0x5b: {  	[sflag:s20] =	ssyncadd.s32 $0xFFFFC000  }
0x5c: {  	[spmem:s2] =	stream.indirect.scatter.add.f32 [tilespmem:s13], [sflag:$0x3], $0x80, s25, s17, $0xb8;
	[tilespmem:$0x1C800] =	vst v63  }
0x5d: {  	_ =	swait.ge [sflag:s14], $0x4000  }
0x5e: {  	[sflag:s14] =	ssyncset.done $0x0  }
0x5f: {  	[sflag:s14] =	ssyncadd.s32 $0xFFFFC000  }
0x60: {  	[tilespmem:s13], [sflag:$0x1] =	stream.indirect.gather [hbm4b:s4+s17], $0x80, s26, s17, $0xb8;
	[tilespmem:$0x1C800] =	vst v63  }
0x61: {  	_ =	swait.ge [sflag:s22], $0x4000  }
0x62: {  	[sflag:s22] =	ssyncset.done $0x0  }
0x63: {  	[sflag:s22] =	ssyncadd.s32 $0xFFFFC000  }
0x64: {  	[spmem:s2] =	stream.indirect.scatter.add.f32 [tilespmem:s19], [sflag:$0x3], $0x80, s28, s17, $0xb8;
	[tilespmem:$0x1C800] =	vst v63  }
0x65: {  	_ =	swait.ge [sflag:s14], $0x4000  }
0x66: {  	[sflag:s14] =	ssyncset.done $0x0  }
0x67: {  	[sflag:s14] =	ssyncadd.s32 $0xFFFFC000  }
0x68: {  	[tilespmem:s19], [sflag:$0x2] =	stream.indirect.gather [hbm4b:s4+s17], $0x80, s29, s17, $0xb8;
	[tilespmem:$0x1C800] =	vst v63  }
0x69: {  	_ =	swait.ge [sflag:s20], $0x4000  }
0x6a: {  	[sflag:s20] =	ssyncset.done $0x0  }
0x6b: {  	[sflag:s20] =	ssyncadd.s32 $0xFFFFC000  }
0x6c: {  	[spmem:s2] =	stream.indirect.scatter.add.f32 [tilespmem:s13], [sflag:$0x3], $0x80, s30, s17, $0xb8;
	[tilespmem:$0x1C800] =	vst v63  }
0x6d: {  	_ =	swait.ge [sflag:s14], $0x4000  }
0x6e: {  	[sflag:s14] =	ssyncset.done $0x0  }
0x6f: {  	[sflag:s14] =	ssyncadd.s32 $0xFFFFC000  }
0x70: {  	[tilespmem:s13], [sflag:$0x1] =	stream.indirect.gather [hbm4b:s4+s17], $0x80, s31, s17, $0xb8;
	[tilespmem:$0x1C800] =	vst v63  }
0x71: {  	_ =	swait.ge [sflag:s22], $0x4000  }
0x72: {  	[sflag:s22] =	ssyncset.done $0x0  }
0x73: {  	[sflag:s22] =	ssyncadd.s32 $0xFFFFC000  }
0x74: {  	[spmem:s2] =	stream.indirect.scatter.add.f32 [tilespmem:s19], [sflag:$0x3], $0x80, s1, s17, $0xb8;
	[tilespmem:$0x1C800] =	vst v63  }
0x75: {  	_ =	swait.ge [sflag:s14], $0x4000  }
0x76: {  	[sflag:s14] =	ssyncset.done $0x0  }
0x77: {  	[sflag:s14] =	ssyncadd.s32 $0xFFFFC000  }
0x78: {  	[tilespmem:s19], [sflag:$0x2] =	stream.indirect.gather [hbm4b:s4+s17], $0x80, s0, s17, $0xb8;
	[tilespmem:$0x1C800] =	vst v63  }
0x79: {  	_ =	swait.ge [sflag:s20], $0x4000  }
0x7a: {  	[sflag:s20] =	ssyncset.done $0x0  }
0x7b: {  	[sflag:s20] =	ssyncadd.s32 $0xFFFFC000  }
0x7c: {  	[spmem:s2] =	stream.indirect.scatter.add.f32 [tilespmem:s13], [sflag:$0x3], $0x80, s6, s17, $0xb8;
	[tilespmem:$0x1C800] =	vst v63  }
0x7d: {  	_ =	swait.ge [sflag:s14], $0x4000  }
0x7e: {  	[sflag:s14] =	ssyncset.done $0x0  }
0x7f: {  	[sflag:s14] =	ssyncadd.s32 $0xFFFFC000  }
0x80: {  	_ =	swait.ge [sflag:s22], $0x4000  }
0x81: {  	[sflag:s22] =	ssyncset.done $0x0  }
0x82: {  	[sflag:s22] =	ssyncadd.s32 $0xFFFFC000  }
0x83: {  	[spmem:s2] =	stream.indirect.scatter.add.f32 [tilespmem:s19], [sflag:$0x3], $0x80, s7, s17, $0xb8;
	[tilespmem:$0x1C800] =	vst v63  }
0x84: {  	_ =	swait.ge [sflag:s14], $0x4000  }
0x85: {  	s10 =	simm.s32 $0x100;
	s9 =	simm.s32 $0x80;
	[sflag:s14] =	ssyncset.done $0x0  }
.LBB2_4:
0x86: {  	s5 =	sadd.s32 s9, s12;
	[sflag:s14] =	ssyncadd.s32 $0xFFFFC000  }
0x87: {  	[tilespmem:s15], [sflag:$0x3] =	stream.linear.gather [hbm4b:s5+s3], $0x400, $0x38;
	[tilespmem:$0x1C800] =	vst v63  }
0x88: {  	s8 =	smov.u32 s10;
	s11 =	sadd.s32 $0x80, s10;
	_ =	swait.ge [sflag:s14], $0x400  }
0x89: {  	p0 =	sne.s32 s10, $0x480;
	s10 =	rddreg [dreg:$0x3];
	[sflag:s14] =	ssyncset.done $0x0  }
0x8a: {  	[sflag:s14] =	ssyncadd.s32 $0xFFFFFC00;
	s5 =	sadd.s32 s9, s10  }
0x8b: {  	[tilespmem:s16], [sflag:$0x3] =	stream.linear.gather [hbm4b:s5+s3], $0x400, $0x38;
	[tilespmem:$0x1C800] =	vst v63  }
0x8c: {  	_ =	swait.ge [sflag:s14], $0x400  }
0x8d: {  	[sflag:s14] =	ssyncset.done $0x0  }
0x8e: {  	[sflag:s14] =	ssyncadd.s32 $0xFFFFFC00  }
0x8f: {  	[tilespmem:s13], [sflag:$0x1] =	stream.indirect.gather [hbm4b:s4+s17], $0x80, s15, s17, $0xb8;
	[tilespmem:$0x1C800] =	vst v63  }
0x90: {  	_ = 	snop  }
0x91: {  	[tilespmem:s19], [sflag:$0x2] =	stream.indirect.gather [hbm4b:s4+s17], $0x80, s18, s17, $0xb8;
	[tilespmem:$0x1C800] =	vst v63  }
0x92: {  	_ =	swait.ge [sflag:s20], $0x4000  }
0x93: {  	[sflag:s20] =	ssyncset.done $0x0  }
0x94: {  	[sflag:s20] =	ssyncadd.s32 $0xFFFFC000  }
0x95: {  	[spmem:s2] =	stream.indirect.scatter.add.f32 [tilespmem:s13], [sflag:$0x3], $0x80, s16, s17, $0xb8;
	[tilespmem:$0x1C800] =	vst v63  }
0x96: {  	_ =	swait.ge [sflag:s14], $0x4000  }
0x97: {  	[sflag:s14] =	ssyncset.done $0x0  }
0x98: {  	[sflag:s14] =	ssyncadd.s32 $0xFFFFC000  }
0x99: {  	[tilespmem:s13], [sflag:$0x1] =	stream.indirect.gather [hbm4b:s4+s17], $0x80, s21, s17, $0xb8;
	[tilespmem:$0x1C800] =	vst v63  }
0x9a: {  	_ =	swait.ge [sflag:s22], $0x4000  }
0x9b: {  	[sflag:s22] =	ssyncset.done $0x0  }
0x9c: {  	[sflag:s22] =	ssyncadd.s32 $0xFFFFC000  }
0x9d: {  	[spmem:s2] =	stream.indirect.scatter.add.f32 [tilespmem:s19], [sflag:$0x3], $0x80, s23, s17, $0xb8;
	[tilespmem:$0x1C800] =	vst v63  }
0x9e: {  	_ =	swait.ge [sflag:s14], $0x4000  }
0x9f: {  	[sflag:s14] =	ssyncset.done $0x0  }
0xa0: {  	[sflag:s14] =	ssyncadd.s32 $0xFFFFC000  }
0xa1: {  	[tilespmem:s19], [sflag:$0x2] =	stream.indirect.gather [hbm4b:s4+s17], $0x80, s24, s17, $0xb8;
	[tilespmem:$0x1C800] =	vst v63  }
0xa2: {  	_ =	swait.ge [sflag:s20], $0x4000  }
0xa3: {  	[sflag:s20] =	ssyncset.done $0x0  }
0xa4: {  	[sflag:s20] =	ssyncadd.s32 $0xFFFFC000  }
0xa5: {  	[spmem:s2] =	stream.indirect.scatter.add.f32 [tilespmem:s13], [sflag:$0x3], $0x80, s25, s17, $0xb8;
	[tilespmem:$0x1C800] =	vst v63  }
0xa6: {  	_ =	swait.ge [sflag:s14], $0x4000  }
0xa7: {  	[sflag:s14] =	ssyncset.done $0x0  }
0xa8: {  	[sflag:s14] =	ssyncadd.s32 $0xFFFFC000  }
0xa9: {  	[tilespmem:s13], [sflag:$0x1] =	stream.indirect.gather [hbm4b:s4+s17], $0x80, s26, s17, $0xb8;
	[tilespmem:$0x1C800] =	vst v63  }
0xaa: {  	_ =	swait.ge [sflag:s22], $0x4000  }
0xab: {  	[sflag:s22] =	ssyncset.done $0x0  }
0xac: {  	[sflag:s22] =	ssyncadd.s32 $0xFFFFC000  }
0xad: {  	[spmem:s2] =	stream.indirect.scatter.add.f32 [tilespmem:s19], [sflag:$0x3], $0x80, s28, s17, $0xb8;
	[tilespmem:$0x1C800] =	vst v63  }
0xae: {  	_ =	swait.ge [sflag:s14], $0x4000  }
0xaf: {  	[sflag:s14] =	ssyncset.done $0x0  }
0xb0: {  	[sflag:s14] =	ssyncadd.s32 $0xFFFFC000  }
0xb1: {  	[tilespmem:s19], [sflag:$0x2] =	stream.indirect.gather [hbm4b:s4+s17], $0x80, s29, s17, $0xb8;
	[tilespmem:$0x1C800] =	vst v63  }
0xb2: {  	_ =	swait.ge [sflag:s20], $0x4000  }
0xb3: {  	[sflag:s20] =	ssyncset.done $0x0  }
0xb4: {  	[sflag:s20] =	ssyncadd.s32 $0xFFFFC000  }
0xb5: {  	[spmem:s2] =	stream.indirect.scatter.add.f32 [tilespmem:s13], [sflag:$0x3], $0x80, s30, s17, $0xb8;
	[tilespmem:$0x1C800] =	vst v63  }
0xb6: {  	_ =	swait.ge [sflag:s14], $0x4000  }
0xb7: {  	[sflag:s14] =	ssyncset.done $0x0  }
0xb8: {  	[sflag:s14] =	ssyncadd.s32 $0xFFFFC000  }
0xb9: {  	[tilespmem:s13], [sflag:$0x1] =	stream.indirect.gather [hbm4b:s4+s17], $0x80, s31, s17, $0xb8;
	[tilespmem:$0x1C800] =	vst v63  }
0xba: {  	_ =	swait.ge [sflag:s22], $0x4000  }
0xbb: {  	[sflag:s22] =	ssyncset.done $0x0  }
0xbc: {  	[sflag:s22] =	ssyncadd.s32 $0xFFFFC000  }
0xbd: {  	[spmem:s2] =	stream.indirect.scatter.add.f32 [tilespmem:s19], [sflag:$0x3], $0x80, s1, s17, $0xb8;
	[tilespmem:$0x1C800] =	vst v63  }
0xbe: {  	_ =	swait.ge [sflag:s14], $0x4000  }
0xbf: {  	[sflag:s14] =	ssyncset.done $0x0  }
0xc0: {  	[sflag:s14] =	ssyncadd.s32 $0xFFFFC000  }
0xc1: {  	[tilespmem:s19], [sflag:$0x2] =	stream.indirect.gather [hbm4b:s4+s17], $0x80, s0, s17, $0xb8;
	[tilespmem:$0x1C800] =	vst v63  }
0xc2: {  	_ =	swait.ge [sflag:s20], $0x4000  }
0xc3: {  	[sflag:s20] =	ssyncset.done $0x0  }
0xc4: {  	[sflag:s20] =	ssyncadd.s32 $0xFFFFC000  }
0xc5: {  	[spmem:s2] =	stream.indirect.scatter.add.f32 [tilespmem:s13], [sflag:$0x3], $0x80, s6, s17, $0xb8;
	[tilespmem:$0x1C800] =	vst v63  }
0xc6: {  	_ =	swait.ge [sflag:s14], $0x4000  }
0xc7: {  	[sflag:s14] =	ssyncset.done $0x0  }
0xc8: {  	[sflag:s14] =	ssyncadd.s32 $0xFFFFC000  }
0xc9: {  	_ =	swait.ge [sflag:s22], $0x4000  }
.Ltmp1:
0xca: {  	[sflag:s22] =	ssyncset.done $0x0;
	(pc) =	sbr.rel @p0 .LBB2_4-.Ltmp1, $4  }
0xcb: {  	[sflag:s22] =	ssyncadd.s32 $0xFFFFC000  }
0xcc: {  	[spmem:s2] =	stream.indirect.scatter.add.f32 [tilespmem:s19], [sflag:$0x3], $0x80, s7, s17, $0xb8;
	[tilespmem:$0x1C800] =	vst v63  }
0xcd: {  	_ =	swait.ge [sflag:s14], $0x4000  }
0xce: {  	s9 =	smov.u32 s8;
	s10 =	smov.u32 s11;
	[sflag:s14] =	ssyncset.done $0x0  }
0xcf: {  	s5 =	sadd.s32 s9, s12;
	[sflag:s14] =	ssyncadd.s32 $0xFFFFC000  }
0xd0: {  	[tilespmem:s15], [sflag:$0x3] =	stream.linear.gather [hbm4b:s5+s3], $0x400, $0x38;
	[tilespmem:$0x1C800] =	vst v63  }
0xd1: {  	_ =	swait.ge [sflag:s14], $0x400  }
0xd2: {  	s8 =	rddreg [dreg:$0x3];
	[sflag:s14] =	ssyncset.done $0x0  }
0xd3: {  	[sflag:s14] =	ssyncadd.s32 $0xFFFFFC00;
	s5 =	sadd.s32 s9, s8  }
0xd4: {  	[tilespmem:s16], [sflag:$0x3] =	stream.linear.gather [hbm4b:s5+s3], $0x400, $0x38;
	[tilespmem:$0x1C800] =	vst v63  }
0xd5: {  	_ =	swait.ge [sflag:s14], $0x400  }
0xd6: {  	[sflag:s14] =	ssyncset.done $0x0  }
0xd7: {  	[sflag:s14] =	ssyncadd.s32 $0xFFFFFC00  }
0xd8: {  	[tilespmem:s13], [sflag:$0x1] =	stream.indirect.gather [hbm4b:s4+s17], $0x80, s15, s17, $0xb8;
	[tilespmem:$0x1C800] =	vst v63  }
0xd9: {  	_ = 	snop  }
0xda: {  	[tilespmem:s19], [sflag:$0x2] =	stream.indirect.gather [hbm4b:s4+s17], $0x80, s18, s17, $0xb8;
	[tilespmem:$0x1C800] =	vst v63  }
0xdb: {  	_ =	swait.ge [sflag:s20], $0x4000  }
0xdc: {  	[sflag:s20] =	ssyncset.done $0x0  }
0xdd: {  	[sflag:s20] =	ssyncadd.s32 $0xFFFFC000  }
0xde: {  	[spmem:s2] =	stream.indirect.scatter.add.f32 [tilespmem:s13], [sflag:$0x3], $0x80, s16, s17, $0xb8;
	[tilespmem:$0x1C800] =	vst v63  }
0xdf: {  	_ =	swait.ge [sflag:s14], $0x4000  }
0xe0: {  	[sflag:s14] =	ssyncset.done $0x0  }
0xe1: {  	[sflag:s14] =	ssyncadd.s32 $0xFFFFC000  }
0xe2: {  	[tilespmem:s13], [sflag:$0x1] =	stream.indirect.gather [hbm4b:s4+s17], $0x80, s21, s17, $0xb8;
	[tilespmem:$0x1C800] =	vst v63  }
0xe3: {  	_ =	swait.ge [sflag:s22], $0x4000  }
0xe4: {  	[sflag:s22] =	ssyncset.done $0x0  }
0xe5: {  	[sflag:s22] =	ssyncadd.s32 $0xFFFFC000  }
0xe6: {  	[spmem:s2] =	stream.indirect.scatter.add.f32 [tilespmem:s19], [sflag:$0x3], $0x80, s23, s17, $0xb8;
	[tilespmem:$0x1C800] =	vst v63  }
0xe7: {  	_ =	swait.ge [sflag:s14], $0x4000  }
0xe8: {  	[sflag:s14] =	ssyncset.done $0x0  }
0xe9: {  	[sflag:s14] =	ssyncadd.s32 $0xFFFFC000  }
0xea: {  	[tilespmem:s19], [sflag:$0x2] =	stream.indirect.gather [hbm4b:s4+s17], $0x80, s24, s17, $0xb8;
	[tilespmem:$0x1C800] =	vst v63  }
0xeb: {  	_ =	swait.ge [sflag:s20], $0x4000  }
0xec: {  	[sflag:s20] =	ssyncset.done $0x0  }
0xed: {  	[sflag:s20] =	ssyncadd.s32 $0xFFFFC000  }
0xee: {  	[spmem:s2] =	stream.indirect.scatter.add.f32 [tilespmem:s13], [sflag:$0x3], $0x80, s25, s17, $0xb8;
	[tilespmem:$0x1C800] =	vst v63  }
0xef: {  	_ =	swait.ge [sflag:s14], $0x4000  }
0xf0: {  	[sflag:s14] =	ssyncset.done $0x0  }
0xf1: {  	[sflag:s14] =	ssyncadd.s32 $0xFFFFC000  }
0xf2: {  	[tilespmem:s13], [sflag:$0x1] =	stream.indirect.gather [hbm4b:s4+s17], $0x80, s26, s17, $0xb8;
	[tilespmem:$0x1C800] =	vst v63  }
0xf3: {  	_ =	swait.ge [sflag:s22], $0x4000  }
0xf4: {  	[sflag:s22] =	ssyncset.done $0x0  }
0xf5: {  	[sflag:s22] =	ssyncadd.s32 $0xFFFFC000  }
0xf6: {  	[spmem:s2] =	stream.indirect.scatter.add.f32 [tilespmem:s19], [sflag:$0x3], $0x80, s28, s17, $0xb8;
	[tilespmem:$0x1C800] =	vst v63  }
0xf7: {  	_ =	swait.ge [sflag:s14], $0x4000  }
0xf8: {  	[sflag:s14] =	ssyncset.done $0x0  }
0xf9: {  	[sflag:s14] =	ssyncadd.s32 $0xFFFFC000  }
0xfa: {  	[tilespmem:s19], [sflag:$0x2] =	stream.indirect.gather [hbm4b:s4+s17], $0x80, s29, s17, $0xb8;
	[tilespmem:$0x1C800] =	vst v63  }
0xfb: {  	_ =	swait.ge [sflag:s20], $0x4000  }
0xfc: {  	[sflag:s20] =	ssyncset.done $0x0  }
0xfd: {  	[sflag:s20] =	ssyncadd.s32 $0xFFFFC000  }
0xfe: {  	[spmem:s2] =	stream.indirect.scatter.add.f32 [tilespmem:s13], [sflag:$0x3], $0x80, s30, s17, $0xb8;
	[tilespmem:$0x1C800] =	vst v63  }
0xff: {  	_ =	swait.ge [sflag:s14], $0x4000  }
0x100: {  	[sflag:s14] =	ssyncset.done $0x0  }
0x101: {  	[sflag:s14] =	ssyncadd.s32 $0xFFFFC000  }
0x102: {  	[tilespmem:s13], [sflag:$0x1] =	stream.indirect.gather [hbm4b:s4+s17], $0x80, s31, s17, $0xb8;
	[tilespmem:$0x1C800] =	vst v63  }
0x103: {  	_ =	swait.ge [sflag:s22], $0x4000  }
0x104: {  	[sflag:s22] =	ssyncset.done $0x0  }
0x105: {  	[sflag:s22] =	ssyncadd.s32 $0xFFFFC000  }
0x106: {  	[spmem:s2] =	stream.indirect.scatter.add.f32 [tilespmem:s19], [sflag:$0x3], $0x80, s1, s17, $0xb8;
	[tilespmem:$0x1C800] =	vst v63  }
0x107: {  	_ =	swait.ge [sflag:s14], $0x4000  }
0x108: {  	[sflag:s14] =	ssyncset.done $0x0  }
0x109: {  	[sflag:s14] =	ssyncadd.s32 $0xFFFFC000  }
0x10a: {  	[tilespmem:s19], [sflag:$0x2] =	stream.indirect.gather [hbm4b:s4+s17], $0x80, s0, s17, $0xb8;
	[tilespmem:$0x1C800] =	vst v63  }
0x10b: {  	_ =	swait.ge [sflag:s20], $0x4000  }
0x10c: {  	[sflag:s20] =	ssyncset.done $0x0  }
0x10d: {  	[sflag:s20] =	ssyncadd.s32 $0xFFFFC000  }
0x10e: {  	[spmem:s2] =	stream.indirect.scatter.add.f32 [tilespmem:s13], [sflag:$0x3], $0x80, s6, s17, $0xb8;
	[tilespmem:$0x1C800] =	vst v63  }
0x10f: {  	_ =	swait.ge [sflag:s14], $0x4000  }
0x110: {  	[sflag:s14] =	ssyncset.done $0x0  }
0x111: {  	[sflag:s14] =	ssyncadd.s32 $0xFFFFC000  }
0x112: {  	_ =	swait.ge [sflag:s22], $0x4000  }
0x113: {  	[sflag:s22] =	ssyncset.done $0x0  }
0x114: {  	[sflag:s22] =	ssyncadd.s32 $0xFFFFC000  }
0x115: {  	[spmem:s2] =	stream.indirect.scatter.add.f32 [tilespmem:s19], [sflag:$0x3], $0x80, s7, s17, $0xb8;
	[tilespmem:$0x1C800] =	vst v63  }
0x116: {  	_ =	swait.ge [sflag:s14], $0x4000  }
0x117: {  	[sflag:s14] =	ssyncset.done $0x0  }
0x118: {  	[sflag:s14] =	ssyncadd.s32 $0xFFFFC000  }
0x119: {  	s9 =	stileid.u32;
	[bflag:$0x0] =	sbarrier.arrive $0xFFFF  }
0x11a: {  	s5 =	sshll.u32 s9, $0x6;
	s11 =	rddreg [dreg:$0x4]  }
0x11b: {  	s5 =	sor.u32 $0x1C03, s5;
	s10 =	rddreg [dreg:$0xa];
	s8 =	sshrl.u32 s11, $0x3  }
0x11c: {  	[hbm:s10], [sflag:s5] =	dma.local [spmem:s8], $0x2800  }
0x11d: {  	_ =	swait.ge [sflag:s14], $0x2800  }
0x11e: {  	s9 =	rddreg [dreg:$0xb]  }
0x11f: {  	s10 =	rddreg [dreg:$0x9];
	s8 =	sadd.s32 $0x1, s9  }
0x120: {  	p0 =	sne.s32 s8, s10  }
.Ltmp2:
0x121: {  	_ = 	snop;
	(pc) =	sbr.rel @p0 .LBB2_1-.Ltmp2, $3  }
0x122: {  	_ =	sdelay $0x1  }
0x123: {  	[sflag:s14] =	ssyncset.done $0x0  }
0x124: {  	[sflag:s14] =	ssyncadd.s32 $0xFFFFD800  }
0x125: {  	_ =	sfence.sel $0x180000  }
0x126: {  	[bflag:$0x0] =	sbarrier.arrive $0xFFFF  }
0x127: {  	_ =	strace $0x9000004D  }
0x128: {  	s0 =	stileid.u32;
	[bflag:$0x2] =	sbarrier.arrive $0xFFFF  }
0x129: {  	p0 =	sne.s32 s0, $0x0;
	s0 =	rddreg [dreg:$0x2]  }
0x12a: {  	s0 =	sadd.s32 @!p0 $0x100000, s0  }
0x12b: {  	[sflag:s0] =	ssyncadd.tile.s32 @!p0 $0x1;
	_ =	shalt  }
.Lfunc_end2:
_tile_overlayer_lowered:
.L_overlay_start_2:
0x12c: {  	(tag) =	ssettag $0x2  }
0x12d: {  	s0 =	rddreg [dreg:$0x0];
	s2 =	stileid.u32  }
0x12e: {  	s1 =	rddreg [dreg:$0x1];
	p0 =	sne.s32 s2, $0x0  }
0x12f: {  	s3 =	rddreg [dreg:$0x2];
	[bflag:$0x3] =	sbarrier.arrive $0xFFFF;
	s2 =	simm.s32 @!p0 $0x1C03  }
0x130: {  	[timem:s3], [sflag:s2] =	dma.local @!p0 [hbm:s0], s1  }
0x131: {  	s0 =	simm.s32 @!p0 $0x3  }
0x132: {  	_ =	swait.ge @!p0 [sflag:s0], s1  }
0x133: {  	s1 =	ssub.s32 @!p0 $0x0, s1;
	[sflag:s0] =	ssyncset.done @!p0 $0x0  }
0x134: {  	[sflag:s0] =	ssyncadd.s32 @!p0 s1  }
0x135: {  	[bflag:$0x3] =	sbarrier.arrive $0xFFFF  }
0x136: {  	_ =	shalt  }

// kernel: kernel.9.cloned.1.call-start
scs
__scs_entry_jumppad:
0x0: {  	(pc) =	sbr.rel $0x88, $3  }
0x1: {  	(tag) =	ssettag $0x0;
	lr =	simm.s32 $0x1  }
0x2: {  	[smem:$0x3F8C] =	sst lr;
	_ =	strace $0xD0000000  }
0x3: {  	_ = 	snop  }
0x4: {  	_ = 	snop  }
0x5: {  	_ = 	snop  }
0x6: {  	_ = 	snop  }
0x7: {  	_ = 	snop  }
__scs_overlays_trampoline_lowered:
0x8: {  	[smem:$0x3F9B] =	sst s0  }
0x9: {  	[smem:$0x3F9C] =	sst s1  }
0xa: {  	[smem:$0x3F9D] =	sst s2  }
0xb: {  	[smem:$0x3F9E] =	sst s3  }
0xc: {  	[smem:$0x3F9F] =	sst s4  }
0xd: {  	[smem:$0x3FA0] =	sst s5  }
0xe: {  	[smem:$0x3FA1] =	sst s6  }
0xf: {  	[smem:$0x3FA2] =	sst s7  }
0x10: {  	[smem:$0x3FA3] =	sst s8  }
0x11: {  	[smem:$0x3FA4] =	sst s9;
	s0 =	simm.s32 @!p0 $0x0  }
0x12: {  	s1 =	sld [smem:$0x3F8A];
	s0 =	simm.s32 @p0 $0x1  }
0x13: {  	[smem:$0x3FA5] =	sst s0;
	s0 =	simm.s32 @!p1 $0x0  }
0x14: {  	s2 =	sld [smem:$0x3F89];
	s0 =	simm.s32 @p1 $0x1  }
0x15: {  	[smem:$0x3FA6] =	sst s0;
	s0 =	simm.s32 @!p2 $0x0  }
0x16: {  	s3 =	sld [smem:$0x3FDB];
	s0 =	simm.s32 @p2 $0x1  }
0x17: {  	s4 =	simm.s32 $0x1BF5;
	[smem:$0x3FA8] =	sst s0  }
0x18: {  	s0 =	sld [smem:$0x3F8B];
	_ =	swait.ge [sflag:s4], $0x0  }
0x19: {  	s7 =	sld [smem:$0x3F8C]  }
0x1a: {  	s8 =	sadd.s32 $0xFFFFE003, lr  }
0x1b: {  	s9 =	sadd.s32 $0xFFFFFEF7, lr;
	s5 =	simm.s32 $0xFFFFFFFF;
	p2 =	slt.u32 s8, $0xFFFFF086  }
0x1c: {  	p1 =	slt.u32 s9, $0xF7A;
	s5 =	simm.s32 @!p2 $0x0  }
0x1d: {  	s5 =	simm.s32 @p1 $0x1;
	p0 =	seq.s32 s7, s2  }
0x1e: {  	s7 =	smul.u32 @!p0 $0xF7A, s2;
	p2 =	seq.s32 @!p0 s5, $0x0  }
0x1f: {  	s9 =	smul.u32 $0xF7A, s1;
	s8 =	simm.s32 @!p0 $0x1BF5;
	p2 =	por !p2, p0  }
0x20: {  	[sflag:s8] =	ssyncset.s32 @!p0 $0xFFFFF086;
	s6 =	sadd.s32 @!p0 s3, s7;
	s7 =	simm.s32 @!p0 $0x108  }
0x21: {  	s3 =	sadd.s32 s3, s9;
	s6 =	sadd.s32 @!p0 $0x88, s6;
	s7 =	simm.s32 @p2 $0x1082  }
0x22: {  	[simem:s7], [sflag:s8] =	dma.local @!p0 [hbm:s6], $0xF7A  }
0x23: {  	s9 =	sor.u32 $0xD0000000, s2;
	s6 =	simm.s32 $0x108;
	_ =	swait.ge @!p0 [sflag:s8], $0x0  }
0x24: {  	s3 =	sadd.s32 $0x88, s3;
	s6 =	simm.s32 @!p1 $0x1082;
	[sflag:s4] =	ssyncset.s32 $0xFFFFF086  }
0x25: {  	[simem:s6], [sflag:s4] =	dma.local [hbm:s3], $0xF7A  }
0x26: {  	[smem:$0x3F8C] =	sst s1;
	(tag) =	ssettag s2;
	_ =	strace s9  }
0x27: {  	s1 =	sld [smem:$0x3F9C]  }
0x28: {  	s2 =	sld [smem:$0x3F9D]  }
0x29: {  	s4 =	sld [smem:$0x3F9F]  }
0x2a: {  	p0 =	seq.s32 s5, $0x0;
	s5 =	sld [smem:$0x3FA0]  }
0x2b: {  	s6 =	sld [smem:$0x3FA1]  }
0x2c: {  	s7 =	sld [smem:$0x3FA2]  }
0x2d: {  	s3 =	simm.s32 $0x108;
	s8 =	sld [smem:$0x3FA3]  }
0x2e: {  	s3 =	simm.s32 @!p0 $0x1082;
	s9 =	sld [smem:$0x3FA4]  }
0x2f: {  	lr =	sadd.s32 s0, s3;
	s0 =	sld [smem:$0x3F9B]  }
0x30: {  	s3 =	sld [smem:$0x3F9E]  }
0x31: {  	[smem:$0x3FA7] =	sst s10  }
0x32: {  	s10 =	sld [smem:$0x3FA5];
	_ =	sdelay $0x3  }
0x33: {  	p0 =	seq.s32 s10, $0x1;
	s10 =	sld [smem:$0x3FA7];
	_ =	sdelay $0x3  }
0x34: {  	[smem:$0x3FA7] =	sst s10  }
0x35: {  	s10 =	sld [smem:$0x3FA6];
	_ =	sdelay $0x3  }
0x36: {  	p1 =	seq.s32 s10, $0x1;
	s10 =	sld [smem:$0x3FA7];
	_ =	sdelay $0x3  }
0x37: {  	[smem:$0x3FA7] =	sst s10  }
0x38: {  	s10 =	sld [smem:$0x3FA8]  }
0x39: {  	_ = 	snop;
	(pc) =	sbr.ind lr, $3  }
0x3a: {  	_ = 	snop  }
0x3b: {  	_ = 	snop  }
0x3c: {  	p2 =	seq.s32 s10, $0x1;
	s10 =	sld [smem:$0x3FA7]  }
0x3d: {  	_ =	shalt  }
0x3e: {  	_ =	shalt  }
0x3f: {  	_ =	shalt  }
0x40: {  	_ =	shalt  }
0x41: {  	_ =	shalt  }
0x42: {  	_ =	shalt  }
0x43: {  	_ =	shalt  }
0x44: {  	_ =	shalt  }
0x45: {  	_ =	shalt  }
0x46: {  	_ =	shalt  }
0x47: {  	_ =	shalt  }
0x48: {  	_ =	shalt  }
0x49: {  	_ =	shalt  }
0x4a: {  	_ =	shalt  }
0x4b: {  	_ =	shalt  }
0x4c: {  	_ =	shalt  }
0x4d: {  	_ =	shalt  }
0x4e: {  	_ =	shalt  }
0x4f: {  	_ =	shalt  }
0x50: {  	_ =	shalt  }
0x51: {  	_ =	shalt  }
0x52: {  	_ =	shalt  }
0x53: {  	_ =	shalt  }
0x54: {  	_ =	shalt  }
0x55: {  	_ =	shalt  }
0x56: {  	_ =	shalt  }
0x57: {  	_ =	shalt  }
0x58: {  	_ =	shalt  }
0x59: {  	_ =	shalt  }
0x5a: {  	_ =	shalt  }
0x5b: {  	_ =	shalt  }
0x5c: {  	_ =	shalt  }
0x5d: {  	_ =	shalt  }
0x5e: {  	_ =	shalt  }
0x5f: {  	_ =	shalt  }
0x60: {  	_ =	shalt  }
0x61: {  	_ =	shalt  }
0x62: {  	_ =	shalt  }
0x63: {  	_ =	shalt  }
0x64: {  	_ =	shalt  }
0x65: {  	_ =	shalt  }
0x66: {  	_ =	shalt  }
0x67: {  	_ =	shalt  }
0x68: {  	_ =	shalt  }
0x69: {  	_ =	shalt  }
0x6a: {  	_ =	shalt  }
0x6b: {  	_ =	shalt  }
0x6c: {  	_ =	shalt  }
0x6d: {  	_ =	shalt  }
0x6e: {  	_ =	shalt  }
0x6f: {  	_ =	shalt  }
0x70: {  	_ =	shalt  }
0x71: {  	_ =	shalt  }
0x72: {  	_ =	shalt  }
0x73: {  	_ =	shalt  }
0x74: {  	_ =	shalt  }
0x75: {  	_ =	shalt  }
0x76: {  	_ =	shalt  }
0x77: {  	_ =	shalt  }
0x78: {  	_ =	shalt  }
0x79: {  	_ =	shalt  }
0x7a: {  	_ =	shalt  }
0x7b: {  	_ =	shalt  }
0x7c: {  	_ =	shalt  }
0x7d: {  	_ =	shalt  }
0x7e: {  	_ =	shalt  }
0x7f: {  	_ =	shalt  }
0x80: {  	_ =	shalt  }
0x81: {  	_ =	shalt  }
0x82: {  	_ =	shalt  }
0x83: {  	_ =	shalt  }
0x84: {  	_ =	shalt  }
0x85: {  	_ =	shalt  }
0x86: {  	_ =	shalt  }
0x87: {  	_ =	shalt  }
.Lfunc_end0:
.L_simem_size_0:
called_computation_lowered:
.L_overlay_start_0:
0x88: {  	s2 =	sld [smem:$0x3FD9]  }
0x89: {  	s3 =	sld [smem:$0x3FFE];
	_ =	sdelay $0x1  }
0x8a: {  	s1 =	srdreg.scid  }
0x8b: {  	s0 =	sand.u32 $0x1, s1  }
0x8c: {  	s17 =	sshll.u32 s0, $0xA;
	s2 =	sadd.s32 s3, s2  }
0x8d: {  	s2 =	sadd.s32 s2, s17  }
0x8e: {  	[smem:$0x3FB3] =	sst s2  }
0x8f: {  	_ = 	snop  }
0x90: {  	s2 =	sld [smem:$0x3FC9];
	(tm) =	ssettm $0x1  }
0x91: {  	s18 =	sld [smem:$0x3FFB];
	_ =	sdelay $0x3  }
0x92: {  	_ =	strace s18  }
0x93: {  	s3 =	sld [smem:$0x3FFC];
	_ =	sdelay $0x3  }
0x94: {  	_ =	strace s3  }
0x95: {  	s3 =	sld [smem:$0x3FFD];
	_ =	sdelay $0x3  }
0x96: {  	_ =	strace s3  }
0x97: {  	_ =	strace $0x8FFFFFFF  }
0x98: {  	s19 =	sld [smem:$0x3FDB];
	_ =	sdelay $0x1  }
0x99: {  	s4 =	simm.s32 $_scs_section_size  }
0x9a: {  	s5 =	simm.s32 $_size__tile_overlayer_lowered;
	s6 =	simm.s32 $_tile_overlayer_lowered  }
0x9b: {  	s22 =	simm.s32 $0x1BFF;
	s21 =	sshll.u32 s6, $0x1;
	s3 =	sadd.s32 s4, s19  }
0x9c: {  	s7 =	simm.s32 $0x0;
	s20 =	sshll.u32 s5, $0x1;
	s5 =	sadd.s32 s21, s3  }
0x9d: {  	[timem:s7], [sflag:s22] =	dma.local [hbm:s5], s20  }
0x9e: {  	_ =	swait.ge [sflag:s22], s20  }
0x9f: {  	s4 =	ssub.s32 $0x0, s20;
	[sflag:s22] =	ssyncset.done $0x0  }
0xa0: {  	[sflag:s22] =	ssyncadd.s32 s4;
	_ =	sdelay $0x1  }
0xa1: {  	s23 =	simm.s32 $0x1B8B  }
0xa2: {  	_ =	swait.ge [sflag:s23], $0x1  }
0xa3: {  	[sflag:s23] =	ssyncset.done $0x0  }
0xa4: {  	s25 =	simm.s32 $0x1B8E;
	s24 =	sld [smem:$0x3FFE];
	[sflag:s23] =	ssyncadd.s32 $0xFFFFFFFF  }
0xa5: {  	s26 =	simm.s32 $execute0_lowered;
	[smem:$0x3FD2] =	sst s25  }
0xa6: {  	s5 =	sshll.u32 s26, $0x1;
	_ =	strace $0x80000046;
	[dreg:$0x1] =	wrdreg $0xFFFFFFFF  }
0xa7: {  	s28 =	simm.s32 $_size_execute0_lowered;
	s3 =	sadd.s32 s3, s5;
	[dreg:$0x0] =	wrdreg $0x0  }
0xa8: {  	s5 =	sshll.u32 s28, $0x1;
	[dreg:$0x2] =	wrdreg s3  }
0xa9: {  	[dreg:$0x3] =	wrdreg s5  }
0xaa: {  	[dreg:$0x4] =	wrdreg $0xC0  }
0xab: {  	_ =	task [dreg:s7], $0x5FFFF  }
0xac: {  	[dreg:$0x1] =	wrdreg $0xFFFFFFFF  }
0xad: {  	[dreg:$0x0] =	wrdreg $0x60  }
0xae: {  	[dreg:$0x2] =	wrdreg s2  }
0xaf: {  	[dreg:$0x3] =	wrdreg s24  }
0xb0: {  	[dreg:$0x4] =	wrdreg $0x0  }
0xb1: {  	[dreg:$0x5] =	wrdreg $0x9  }
0xb2: {  	_ =	task.clear_ibuf [dreg:s7], $0x6FFFF;
	_ =	strace $0x90000046  }
0xb3: {  	s29 =	simm.s32 $0x9;
	_ =	strace $0x80000048  }
0xb4: {  	_ =	swait.ge [sflag:s29], $0x1  }
0xb5: {  	[sflag:s29] =	ssyncadd.s32 $0xFFFFFFFF  }
0xb6: {  	_ =	strace $0x90000048  }
0xb7: {  	_ =	sfence  }
0xb8: {  	s30 =	sld [smem:$0x0];
	_ =	sdelay $0x2  }
0xb9: {  	s31 =	sshll.u32 s1, $0xD;
	s1 =	sshrl.u32 s1, $0x2  }
0xba: {  	s3 =	sand.u32 $0x4000, s31;
	s1 =	sadd.s32 s1, s30  }
0xbb: {  	s0 =	sor.u32 s3, s0;
	s1 =	sshll.u32 s1, $0x11  }
0xbc: {  	s0 =	sor.u32 s1, s0  }
0xbd: {  	s0 =	sadd.s32 $0x8F2B, s0  }
0xbe: {  	[sflag:s0] =	ssyncadd.remote.s32 $0x1  }
0xbf: {  	_ =	sfence.sel $0xFFFF  }
0xc0: {  	[dreg:$0x0] =	wrdreg $0xFFFFFFFF;
	(pc) =	sbr.abs _section_cstart, $3  }
0xc1: {  	[dreg:$0x1] =	wrdreg $0xFFFFFFFF  }
0xc2: {  	_ =	task.clear_ibuf [dreg:s7], $0x2FFFF;
	_ =	strace $0x9FFFFFFF  }
0xc3: {  	(tm) =	ssettm $0x7FFFFFFF  }
tec
execute0_lowered:
.L_overlay_start_1:
0x0: {  	(tag) =	ssettag $0x1  }
0x1: {  	s2 =	rddreg [dreg:$0x0]  }
0x2: {  	s0 =	rddreg [dreg:$0x1]  }
0x3: {  	s3 =	rddreg [dreg:$0x2];
	s9 =	stileid.u32  }
0x4: {  	s1 =	srdreg.scid;
	s4 =	simm.s32 $0x0;
	s13 =	simm.s32 $0x14800  }
0x5: {  	s14 =	simm.s32 $0x3;
	s15 =	simm.s32 $0x14000;
	s16 =	simm.s32 $0x14400  }
0x6: {  	s17 =	simm.s32 $0x80;
	s18 =	simm.s32 $0x14080;
	s19 =	simm.s32 $0x18800  }
0x7: {  	s20 =	simm.s32 $0x1;
	s28 =	simm.s32 $0x14580;
	s29 =	simm.s32 $0x14280  }
0x8: {  	s30 =	simm.s32 $0x14600;
	s31 =	simm.s32 $0x14300;
	s5 =	smul.u32 $0x50, s9  }
0x9: {  	s1 =	sand.u32 $0x1, s1;
	[smem:$0x7FF] =	sst s4;
	s21 =	smul.u32 $0x50000, s9  }
0xa: {  	s7 =	sadd.s32 $0x19400, s0;
	p0 =	seq.s32 s1, $0x0;
	s1 =	ssub.s32 $0x2, s1  }
0xb: {  	s24 =	smul.u32 $0x2800, s9;
	s6 =	sadd.s32 $0x500, s5;
	s8 =	sshrl.u32 s1, $0x1  }
0xc: {  	_ =	strace $0x80000047;
	s6 =	smov.u32 @p0 s5;
	s1 =	ssub.s32 s1, s8  }
0xd: {  	s5 =	sshrl.u32 s21, $0x2;
	s21 =	simm.s32 $0x14100;
	s1 =	smax.u32 s1, $0x1  }
0xe: {  	s8 =	simm.s32 $0x0;
	s11 =	sadd.s32 s5, s3;
	[dreg:$0xa] =	wrdreg s1  }
0xf: {  	s6 =	sshll.u32 s6, $0x4;
	s5 =	sadd.s32 $0x4000, s11;
	[dreg:$0x5] =	wrdreg s11  }
0x10: {  	s6 =	sadd.s32 s6, s0;
	s22 =	sadd.s32 $0x8000, s11;
	[dreg:$0x6] =	wrdreg s5  }
0x11: {  	s0 =	sadd.s32 $0x41400, s0;
	s23 =	sadd.s32 $0xC000, s11;
	[dreg:$0x7] =	wrdreg s22  }
0x12: {  	s25 =	sadd.s32 $0x10000, s11;
	s1 =	simm.s32 $0x14680;
	[dreg:$0x8] =	wrdreg s23  }
0x13: {  	[dreg:$0x9] =	wrdreg s25;
	s0 =	smov.u32 @p0 s7;
	s26 =	sadd.s32 $0xF400, s6  }
0x14: {  	s12 =	sadd.s32 $0x5400, s6;
	s22 =	simm.s32 $0x2;
	s23 =	simm.s32 $0x14480  }
0x15: {  	s25 =	simm.s32 $0x14500;
	s6 =	simm.s32 $0x14700;
	s7 =	simm.s32 $0x14780  }
0x16: {  	s0 =	sadd.s32 s0, s24;
	[dreg:$0x4] =	wrdreg s26;
	s24 =	simm.s32 $0x14180  }
0x17: {  	v0 =	vimm.f32 $0.0e+00;
	s26 =	simm.s32 $0x14200;
	[dreg:$0xb] =	wrdreg s0;
	s0 =	simm.s32 $0x14380  }
.LBB2_1:
0x18: {  	s9 =	simm.s32 $0x0;
	s10 =	simm.s32 $0x200  }
.LBB2_2:
0x19: {  	p0 =	sne.s32 s10, $0xFE00;
	[tilespmem:s9+$0x14870] =	vst v0  }
0x1a: {  	[tilespmem:s9+$0x14800] =	vst v0  }
0x1b: {  	[tilespmem:s9+$0x14810] =	vst v0  }
.Ltmp0:
0x1c: {  	[tilespmem:s9+$0x14820] =	vst v0;
	(pc) =	sbr.rel @p0 .LBB2_2-.Ltmp0, $4  }
0x1d: {  	[tilespmem:s9+$0x14830] =	vst v0  }
0x1e: {  	[tilespmem:s9+$0x14840] =	vst v0  }
0x1f: {  	[tilespmem:s9+$0x14850] =	vst v0  }
0x20: {  	[tilespmem:s9+$0x14860] =	vst v0;
	s9 =	sshra.s32 s10, $0x2;
	s10 =	sadd.s32 $0x200, s10  }
0x21: {  	[tilespmem:s9+$0x14870] =	vst v0  }
0x22: {  	[tilespmem:s9+$0x14800] =	vst v0  }
0x23: {  	[tilespmem:s9+$0x14810] =	vst v0  }
0x24: {  	[tilespmem:s9+$0x14820] =	vst v0  }
0x25: {  	[tilespmem:s9+$0x14830] =	vst v0  }
0x26: {  	[tilespmem:s9+$0x14840] =	vst v0  }
0x27: {  	[tilespmem:s9+$0x14850] =	vst v0  }
0x28: {  	[dreg:$0xc] =	wrdreg s8;
	[tilespmem:s9+$0x14860] =	vst v0  }
0x29: {  	[spmem:s11] =	stream.linear.scatter [tilespmem:s13], [sflag:$0x3], $0x4000, $0x38;
	[tilespmem:$0x1C800] =	vst v63  }
0x2a: {  	_ =	swait.ge [sflag:s14], $0x4000  }
0x2b: {  	[sflag:s14] =	ssyncset.done $0x0  }
0x2c: {  	s5 =	rddreg [dreg:$0x6];
	[sflag:s14] =	ssyncadd.s32 $0xFFFFC000  }
0x2d: {  	[spmem:s5] =	stream.linear.scatter [tilespmem:s13], [sflag:$0x3], $0x4000, $0x38;
	[tilespmem:$0x1C800] =	vst v63  }
0x2e: {  	_ =	swait.ge [sflag:s14], $0x4000  }
0x2f: {  	[sflag:s14] =	ssyncset.done $0x0  }
0x30: {  	s11 =	rddreg [dreg:$0x7];
	[sflag:s14] =	ssyncadd.s32 $0xFFFFC000  }
0x31: {  	[spmem:s11] =	stream.linear.scatter [tilespmem:s13], [sflag:$0x3], $0x4000, $0x38;
	[tilespmem:$0x1C800] =	vst v63  }
0x32: {  	_ =	swait.ge [sflag:s14], $0x4000  }
0x33: {  	[sflag:s14] =	ssyncset.done $0x0  }
0x34: {  	s8 =	rddreg [dreg:$0x8];
	[sflag:s14] =	ssyncadd.s32 $0xFFFFC000  }
0x35: {  	[spmem:s8] =	stream.linear.scatter [tilespmem:s13], [sflag:$0x3], $0x4000, $0x38;
	[tilespmem:$0x1C800] =	vst v63  }
0x36: {  	_ =	swait.ge [sflag:s14], $0x4000  }
0x37: {  	[sflag:s14] =	ssyncset.done $0x0  }
0x38: {  	s9 =	rddreg [dreg:$0x9];
	[sflag:s14] =	ssyncadd.s32 $0xFFFFC000  }
0x39: {  	[spmem:s9] =	stream.linear.scatter [tilespmem:s13], [sflag:$0x3], $0x4000, $0x38;
	[tilespmem:$0x1C800] =	vst v63  }
0x3a: {  	_ =	swait.ge [sflag:s14], $0x4000  }
0x3b: {  	[sflag:s14] =	ssyncset.done $0x0  }
0x3c: {  	[sflag:s14] =	ssyncadd.s32 $0xFFFFC000  }
0x3d: {  	s10 =	sadd.s32 $0x0, s12;
	[bflag:$0x0] =	sbarrier.arrive $0xFFFF  }
0x3e: {  	[tilespmem:s15], [sflag:$0x3] =	stream.linear.gather [hbm4b:s10+s4], $0x400, $0x38;
	[tilespmem:$0x1C800] =	vst v63  }
0x3f: {  	_ =	swait.ge [sflag:s14], $0x400  }
0x40: {  	s11 =	rddreg [dreg:$0x4];
	[sflag:s14] =	ssyncset.done $0x0  }
0x41: {  	[sflag:s14] =	ssyncadd.s32 $0xFFFFFC00;
	s9 =	sadd.s32 $0x0, s11  }
0x42: {  	[tilespmem:s16], [sflag:$0x3] =	stream.linear.gather [hbm4b:s9+s4], $0x400, $0x38;
	[tilespmem:$0x1C800] =	vst v63  }
0x43: {  	_ =	swait.ge [sflag:s14], $0x400  }
0x44: {  	[sflag:s14] =	ssyncset.done $0x0  }
0x45: {  	[sflag:s14] =	ssyncadd.s32 $0xFFFFFC00  }
0x46: {  	[tilespmem:s13], [sflag:$0x1] =	stream.indirect.gather [hbm4b:s2+s17], $0x80, s15, s17, $0xb8;
	[tilespmem:$0x1C800] =	vst v63  }
0x47: {  	_ = 	snop  }
0x48: {  	[tilespmem:s19], [sflag:$0x2] =	stream.indirect.gather [hbm4b:s2+s17], $0x80, s18, s17, $0xb8;
	[tilespmem:$0x1C800] =	vst v63  }
0x49: {  	_ =	swait.ge [sflag:s20], $0x4000  }
0x4a: {  	[sflag:s20] =	ssyncset.done $0x0  }
0x4b: {  	[sflag:s20] =	ssyncadd.s32 $0xFFFFC000  }
0x4c: {  	[spmem:s3] =	stream.indirect.scatter.add.f32 [tilespmem:s13], [sflag:$0x3], $0x80, s16, s17, $0xb8;
	[tilespmem:$0x1C800] =	vst v63  }
0x4d: {  	_ =	swait.ge [sflag:s14], $0x4000  }
0x4e: {  	[sflag:s14] =	ssyncset.done $0x0  }
0x4f: {  	[sflag:s14] =	ssyncadd.s32 $0xFFFFC000  }
0x50: {  	[tilespmem:s13], [sflag:$0x1] =	stream.indirect.gather [hbm4b:s2+s17], $0x80, s21, s17, $0xb8;
	[tilespmem:$0x1C800] =	vst v63  }
0x51: {  	_ =	swait.ge [sflag:s22], $0x4000  }
0x52: {  	[sflag:s22] =	ssyncset.done $0x0  }
0x53: {  	[sflag:s22] =	ssyncadd.s32 $0xFFFFC000  }
0x54: {  	[spmem:s3] =	stream.indirect.scatter.add.f32 [tilespmem:s19], [sflag:$0x3], $0x80, s23, s17, $0xb8;
	[tilespmem:$0x1C800] =	vst v63  }
0x55: {  	_ =	swait.ge [sflag:s14], $0x4000  }
0x56: {  	[sflag:s14] =	ssyncset.done $0x0  }
0x57: {  	[sflag:s14] =	ssyncadd.s32 $0xFFFFC000  }
0x58: {  	[tilespmem:s19], [sflag:$0x2] =	stream.indirect.gather [hbm4b:s2+s17], $0x80, s24, s17, $0xb8;
	[tilespmem:$0x1C800] =	vst v63  }
0x59: {  	_ =	swait.ge [sflag:s20], $0x4000  }
0x5a: {  	[sflag:s20] =	ssyncset.done $0x0  }
0x5b: {  	[sflag:s20] =	ssyncadd.s32 $0xFFFFC000  }
0x5c: {  	[spmem:s3] =	stream.indirect.scatter.add.f32 [tilespmem:s13], [sflag:$0x3], $0x80, s25, s17, $0xb8;
	[tilespmem:$0x1C800] =	vst v63  }
0x5d: {  	_ =	swait.ge [sflag:s14], $0x4000  }
0x5e: {  	[sflag:s14] =	ssyncset.done $0x0  }
0x5f: {  	[sflag:s14] =	ssyncadd.s32 $0xFFFFC000  }
0x60: {  	[tilespmem:s13], [sflag:$0x1] =	stream.indirect.gather [hbm4b:s2+s17], $0x80, s26, s17, $0xb8;
	[tilespmem:$0x1C800] =	vst v63  }
0x61: {  	_ =	swait.ge [sflag:s22], $0x4000  }
0x62: {  	[sflag:s22] =	ssyncset.done $0x0  }
0x63: {  	[sflag:s22] =	ssyncadd.s32 $0xFFFFC000  }
0x64: {  	[spmem:s3] =	stream.indirect.scatter.add.f32 [tilespmem:s19], [sflag:$0x3], $0x80, s28, s17, $0xb8;
	[tilespmem:$0x1C800] =	vst v63  }
0x65: {  	_ =	swait.ge [sflag:s14], $0x4000  }
0x66: {  	[sflag:s14] =	ssyncset.done $0x0  }
0x67: {  	[sflag:s14] =	ssyncadd.s32 $0xFFFFC000  }
0x68: {  	[tilespmem:s19], [sflag:$0x2] =	stream.indirect.gather [hbm4b:s2+s17], $0x80, s29, s17, $0xb8;
	[tilespmem:$0x1C800] =	vst v63  }
0x69: {  	_ =	swait.ge [sflag:s20], $0x4000  }
0x6a: {  	[sflag:s20] =	ssyncset.done $0x0  }
0x6b: {  	[sflag:s20] =	ssyncadd.s32 $0xFFFFC000  }
0x6c: {  	[spmem:s3] =	stream.indirect.scatter.add.f32 [tilespmem:s13], [sflag:$0x3], $0x80, s30, s17, $0xb8;
	[tilespmem:$0x1C800] =	vst v63  }
0x6d: {  	_ =	swait.ge [sflag:s14], $0x4000  }
0x6e: {  	[sflag:s14] =	ssyncset.done $0x0  }
0x6f: {  	[sflag:s14] =	ssyncadd.s32 $0xFFFFC000  }
0x70: {  	[tilespmem:s13], [sflag:$0x1] =	stream.indirect.gather [hbm4b:s2+s17], $0x80, s31, s17, $0xb8;
	[tilespmem:$0x1C800] =	vst v63  }
0x71: {  	_ =	swait.ge [sflag:s22], $0x4000  }
0x72: {  	[sflag:s22] =	ssyncset.done $0x0  }
0x73: {  	[sflag:s22] =	ssyncadd.s32 $0xFFFFC000  }
0x74: {  	[spmem:s3] =	stream.indirect.scatter.add.f32 [tilespmem:s19], [sflag:$0x3], $0x80, s1, s17, $0xb8;
	[tilespmem:$0x1C800] =	vst v63  }
0x75: {  	_ =	swait.ge [sflag:s14], $0x4000  }
0x76: {  	[sflag:s14] =	ssyncset.done $0x0  }
0x77: {  	[sflag:s14] =	ssyncadd.s32 $0xFFFFC000  }
0x78: {  	[tilespmem:s19], [sflag:$0x2] =	stream.indirect.gather [hbm4b:s2+s17], $0x80, s0, s17, $0xb8;
	[tilespmem:$0x1C800] =	vst v63  }
0x79: {  	_ =	swait.ge [sflag:s20], $0x4000  }
0x7a: {  	[sflag:s20] =	ssyncset.done $0x0  }
0x7b: {  	[sflag:s20] =	ssyncadd.s32 $0xFFFFC000  }
0x7c: {  	[spmem:s3] =	stream.indirect.scatter.add.f32 [tilespmem:s13], [sflag:$0x3], $0x80, s6, s17, $0xb8;
	[tilespmem:$0x1C800] =	vst v63  }
0x7d: {  	_ =	swait.ge [sflag:s14], $0x4000  }
0x7e: {  	[sflag:s14] =	ssyncset.done $0x0  }
0x7f: {  	[sflag:s14] =	ssyncadd.s32 $0xFFFFC000  }
0x80: {  	_ =	swait.ge [sflag:s22], $0x4000  }
0x81: {  	[sflag:s22] =	ssyncset.done $0x0  }
0x82: {  	[sflag:s22] =	ssyncadd.s32 $0xFFFFC000  }
0x83: {  	[spmem:s3] =	stream.indirect.scatter.add.f32 [tilespmem:s19], [sflag:$0x3], $0x80, s7, s17, $0xb8;
	[tilespmem:$0x1C800] =	vst v63  }
0x84: {  	_ =	swait.ge [sflag:s14], $0x4000  }
0x85: {  	s10 =	simm.s32 $0x100;
	s9 =	simm.s32 $0x80;
	[sflag:s14] =	ssyncset.done $0x0  }
.LBB2_4:
0x86: {  	s5 =	sadd.s32 s9, s12;
	[sflag:s14] =	ssyncadd.s32 $0xFFFFC000  }
0x87: {  	[tilespmem:s15], [sflag:$0x3] =	stream.linear.gather [hbm4b:s5+s4], $0x400, $0x38;
	[tilespmem:$0x1C800] =	vst v63  }
0x88: {  	s8 =	smov.u32 s10;
	s11 =	sadd.s32 $0x80, s10;
	_ =	swait.ge [sflag:s14], $0x400  }
0x89: {  	p0 =	sne.s32 s10, $0x480;
	s10 =	rddreg [dreg:$0x4];
	[sflag:s14] =	ssyncset.done $0x0  }
0x8a: {  	[sflag:s14] =	ssyncadd.s32 $0xFFFFFC00;
	s5 =	sadd.s32 s9, s10  }
0x8b: {  	[tilespmem:s16], [sflag:$0x3] =	stream.linear.gather [hbm4b:s5+s4], $0x400, $0x38;
	[tilespmem:$0x1C800] =	vst v63  }
0x8c: {  	_ =	swait.ge [sflag:s14], $0x400  }
0x8d: {  	[sflag:s14] =	ssyncset.done $0x0  }
0x8e: {  	[sflag:s14] =	ssyncadd.s32 $0xFFFFFC00  }
0x8f: {  	[tilespmem:s13], [sflag:$0x1] =	stream.indirect.gather [hbm4b:s2+s17], $0x80, s15, s17, $0xb8;
	[tilespmem:$0x1C800] =	vst v63  }
0x90: {  	_ = 	snop  }
0x91: {  	[tilespmem:s19], [sflag:$0x2] =	stream.indirect.gather [hbm4b:s2+s17], $0x80, s18, s17, $0xb8;
	[tilespmem:$0x1C800] =	vst v63  }
0x92: {  	_ =	swait.ge [sflag:s20], $0x4000  }
0x93: {  	[sflag:s20] =	ssyncset.done $0x0  }
0x94: {  	[sflag:s20] =	ssyncadd.s32 $0xFFFFC000  }
0x95: {  	[spmem:s3] =	stream.indirect.scatter.add.f32 [tilespmem:s13], [sflag:$0x3], $0x80, s16, s17, $0xb8;
	[tilespmem:$0x1C800] =	vst v63  }
0x96: {  	_ =	swait.ge [sflag:s14], $0x4000  }
0x97: {  	[sflag:s14] =	ssyncset.done $0x0  }
0x98: {  	[sflag:s14] =	ssyncadd.s32 $0xFFFFC000  }
0x99: {  	[tilespmem:s13], [sflag:$0x1] =	stream.indirect.gather [hbm4b:s2+s17], $0x80, s21, s17, $0xb8;
	[tilespmem:$0x1C800] =	vst v63  }
0x9a: {  	_ =	swait.ge [sflag:s22], $0x4000  }
0x9b: {  	[sflag:s22] =	ssyncset.done $0x0  }
0x9c: {  	[sflag:s22] =	ssyncadd.s32 $0xFFFFC000  }
0x9d: {  	[spmem:s3] =	stream.indirect.scatter.add.f32 [tilespmem:s19], [sflag:$0x3], $0x80, s23, s17, $0xb8;
	[tilespmem:$0x1C800] =	vst v63  }
0x9e: {  	_ =	swait.ge [sflag:s14], $0x4000  }
0x9f: {  	[sflag:s14] =	ssyncset.done $0x0  }
0xa0: {  	[sflag:s14] =	ssyncadd.s32 $0xFFFFC000  }
0xa1: {  	[tilespmem:s19], [sflag:$0x2] =	stream.indirect.gather [hbm4b:s2+s17], $0x80, s24, s17, $0xb8;
	[tilespmem:$0x1C800] =	vst v63  }
0xa2: {  	_ =	swait.ge [sflag:s20], $0x4000  }
0xa3: {  	[sflag:s20] =	ssyncset.done $0x0  }
0xa4: {  	[sflag:s20] =	ssyncadd.s32 $0xFFFFC000  }
0xa5: {  	[spmem:s3] =	stream.indirect.scatter.add.f32 [tilespmem:s13], [sflag:$0x3], $0x80, s25, s17, $0xb8;
	[tilespmem:$0x1C800] =	vst v63  }
0xa6: {  	_ =	swait.ge [sflag:s14], $0x4000  }
0xa7: {  	[sflag:s14] =	ssyncset.done $0x0  }
0xa8: {  	[sflag:s14] =	ssyncadd.s32 $0xFFFFC000  }
0xa9: {  	[tilespmem:s13], [sflag:$0x1] =	stream.indirect.gather [hbm4b:s2+s17], $0x80, s26, s17, $0xb8;
	[tilespmem:$0x1C800] =	vst v63  }
0xaa: {  	_ =	swait.ge [sflag:s22], $0x4000  }
0xab: {  	[sflag:s22] =	ssyncset.done $0x0  }
0xac: {  	[sflag:s22] =	ssyncadd.s32 $0xFFFFC000  }
0xad: {  	[spmem:s3] =	stream.indirect.scatter.add.f32 [tilespmem:s19], [sflag:$0x3], $0x80, s28, s17, $0xb8;
	[tilespmem:$0x1C800] =	vst v63  }
0xae: {  	_ =	swait.ge [sflag:s14], $0x4000  }
0xaf: {  	[sflag:s14] =	ssyncset.done $0x0  }
0xb0: {  	[sflag:s14] =	ssyncadd.s32 $0xFFFFC000  }
0xb1: {  	[tilespmem:s19], [sflag:$0x2] =	stream.indirect.gather [hbm4b:s2+s17], $0x80, s29, s17, $0xb8;
	[tilespmem:$0x1C800] =	vst v63  }
0xb2: {  	_ =	swait.ge [sflag:s20], $0x4000  }
0xb3: {  	[sflag:s20] =	ssyncset.done $0x0  }
0xb4: {  	[sflag:s20] =	ssyncadd.s32 $0xFFFFC000  }
0xb5: {  	[spmem:s3] =	stream.indirect.scatter.add.f32 [tilespmem:s13], [sflag:$0x3], $0x80, s30, s17, $0xb8;
	[tilespmem:$0x1C800] =	vst v63  }
0xb6: {  	_ =	swait.ge [sflag:s14], $0x4000  }
0xb7: {  	[sflag:s14] =	ssyncset.done $0x0  }
0xb8: {  	[sflag:s14] =	ssyncadd.s32 $0xFFFFC000  }
0xb9: {  	[tilespmem:s13], [sflag:$0x1] =	stream.indirect.gather [hbm4b:s2+s17], $0x80, s31, s17, $0xb8;
	[tilespmem:$0x1C800] =	vst v63  }
0xba: {  	_ =	swait.ge [sflag:s22], $0x4000  }
0xbb: {  	[sflag:s22] =	ssyncset.done $0x0  }
0xbc: {  	[sflag:s22] =	ssyncadd.s32 $0xFFFFC000  }
0xbd: {  	[spmem:s3] =	stream.indirect.scatter.add.f32 [tilespmem:s19], [sflag:$0x3], $0x80, s1, s17, $0xb8;
	[tilespmem:$0x1C800] =	vst v63  }
0xbe: {  	_ =	swait.ge [sflag:s14], $0x4000  }
0xbf: {  	[sflag:s14] =	ssyncset.done $0x0  }
0xc0: {  	[sflag:s14] =	ssyncadd.s32 $0xFFFFC000  }
0xc1: {  	[tilespmem:s19], [sflag:$0x2] =	stream.indirect.gather [hbm4b:s2+s17], $0x80, s0, s17, $0xb8;
	[tilespmem:$0x1C800] =	vst v63  }
0xc2: {  	_ =	swait.ge [sflag:s20], $0x4000  }
0xc3: {  	[sflag:s20] =	ssyncset.done $0x0  }
0xc4: {  	[sflag:s20] =	ssyncadd.s32 $0xFFFFC000  }
0xc5: {  	[spmem:s3] =	stream.indirect.scatter.add.f32 [tilespmem:s13], [sflag:$0x3], $0x80, s6, s17, $0xb8;
	[tilespmem:$0x1C800] =	vst v63  }
0xc6: {  	_ =	swait.ge [sflag:s14], $0x4000  }
0xc7: {  	[sflag:s14] =	ssyncset.done $0x0  }
0xc8: {  	[sflag:s14] =	ssyncadd.s32 $0xFFFFC000  }
0xc9: {  	_ =	swait.ge [sflag:s22], $0x4000  }
.Ltmp1:
0xca: {  	[sflag:s22] =	ssyncset.done $0x0;
	(pc) =	sbr.rel @p0 .LBB2_4-.Ltmp1, $4  }
0xcb: {  	[sflag:s22] =	ssyncadd.s32 $0xFFFFC000  }
0xcc: {  	[spmem:s3] =	stream.indirect.scatter.add.f32 [tilespmem:s19], [sflag:$0x3], $0x80, s7, s17, $0xb8;
	[tilespmem:$0x1C800] =	vst v63  }
0xcd: {  	_ =	swait.ge [sflag:s14], $0x4000  }
0xce: {  	s9 =	smov.u32 s8;
	s10 =	smov.u32 s11;
	[sflag:s14] =	ssyncset.done $0x0  }
0xcf: {  	s5 =	sadd.s32 s9, s12;
	[sflag:s14] =	ssyncadd.s32 $0xFFFFC000  }
0xd0: {  	[tilespmem:s15], [sflag:$0x3] =	stream.linear.gather [hbm4b:s5+s4], $0x400, $0x38;
	[tilespmem:$0x1C800] =	vst v63  }
0xd1: {  	_ =	swait.ge [sflag:s14], $0x400  }
0xd2: {  	s8 =	rddreg [dreg:$0x4];
	[sflag:s14] =	ssyncset.done $0x0  }
0xd3: {  	[sflag:s14] =	ssyncadd.s32 $0xFFFFFC00;
	s5 =	sadd.s32 s9, s8  }
0xd4: {  	[tilespmem:s16], [sflag:$0x3] =	stream.linear.gather [hbm4b:s5+s4], $0x400, $0x38;
	[tilespmem:$0x1C800] =	vst v63  }
0xd5: {  	_ =	swait.ge [sflag:s14], $0x400  }
0xd6: {  	[sflag:s14] =	ssyncset.done $0x0  }
0xd7: {  	[sflag:s14] =	ssyncadd.s32 $0xFFFFFC00  }
0xd8: {  	[tilespmem:s13], [sflag:$0x1] =	stream.indirect.gather [hbm4b:s2+s17], $0x80, s15, s17, $0xb8;
	[tilespmem:$0x1C800] =	vst v63  }
0xd9: {  	_ = 	snop  }
0xda: {  	[tilespmem:s19], [sflag:$0x2] =	stream.indirect.gather [hbm4b:s2+s17], $0x80, s18, s17, $0xb8;
	[tilespmem:$0x1C800] =	vst v63  }
0xdb: {  	_ =	swait.ge [sflag:s20], $0x4000  }
0xdc: {  	[sflag:s20] =	ssyncset.done $0x0  }
0xdd: {  	[sflag:s20] =	ssyncadd.s32 $0xFFFFC000  }
0xde: {  	[spmem:s3] =	stream.indirect.scatter.add.f32 [tilespmem:s13], [sflag:$0x3], $0x80, s16, s17, $0xb8;
	[tilespmem:$0x1C800] =	vst v63  }
0xdf: {  	_ =	swait.ge [sflag:s14], $0x4000  }
0xe0: {  	[sflag:s14] =	ssyncset.done $0x0  }
0xe1: {  	[sflag:s14] =	ssyncadd.s32 $0xFFFFC000  }
0xe2: {  	[tilespmem:s13], [sflag:$0x1] =	stream.indirect.gather [hbm4b:s2+s17], $0x80, s21, s17, $0xb8;
	[tilespmem:$0x1C800] =	vst v63  }
0xe3: {  	_ =	swait.ge [sflag:s22], $0x4000  }
0xe4: {  	[sflag:s22] =	ssyncset.done $0x0  }
0xe5: {  	[sflag:s22] =	ssyncadd.s32 $0xFFFFC000  }
0xe6: {  	[spmem:s3] =	stream.indirect.scatter.add.f32 [tilespmem:s19], [sflag:$0x3], $0x80, s23, s17, $0xb8;
	[tilespmem:$0x1C800] =	vst v63  }
0xe7: {  	_ =	swait.ge [sflag:s14], $0x4000  }
0xe8: {  	[sflag:s14] =	ssyncset.done $0x0  }
0xe9: {  	[sflag:s14] =	ssyncadd.s32 $0xFFFFC000  }
0xea: {  	[tilespmem:s19], [sflag:$0x2] =	stream.indirect.gather [hbm4b:s2+s17], $0x80, s24, s17, $0xb8;
	[tilespmem:$0x1C800] =	vst v63  }
0xeb: {  	_ =	swait.ge [sflag:s20], $0x4000  }
0xec: {  	[sflag:s20] =	ssyncset.done $0x0  }
0xed: {  	[sflag:s20] =	ssyncadd.s32 $0xFFFFC000  }
0xee: {  	[spmem:s3] =	stream.indirect.scatter.add.f32 [tilespmem:s13], [sflag:$0x3], $0x80, s25, s17, $0xb8;
	[tilespmem:$0x1C800] =	vst v63  }
0xef: {  	_ =	swait.ge [sflag:s14], $0x4000  }
0xf0: {  	[sflag:s14] =	ssyncset.done $0x0  }
0xf1: {  	[sflag:s14] =	ssyncadd.s32 $0xFFFFC000  }
0xf2: {  	[tilespmem:s13], [sflag:$0x1] =	stream.indirect.gather [hbm4b:s2+s17], $0x80, s26, s17, $0xb8;
	[tilespmem:$0x1C800] =	vst v63  }
0xf3: {  	_ =	swait.ge [sflag:s22], $0x4000  }
0xf4: {  	[sflag:s22] =	ssyncset.done $0x0  }
0xf5: {  	[sflag:s22] =	ssyncadd.s32 $0xFFFFC000  }
0xf6: {  	[spmem:s3] =	stream.indirect.scatter.add.f32 [tilespmem:s19], [sflag:$0x3], $0x80, s28, s17, $0xb8;
	[tilespmem:$0x1C800] =	vst v63  }
0xf7: {  	_ =	swait.ge [sflag:s14], $0x4000  }
0xf8: {  	[sflag:s14] =	ssyncset.done $0x0  }
0xf9: {  	[sflag:s14] =	ssyncadd.s32 $0xFFFFC000  }
0xfa: {  	[tilespmem:s19], [sflag:$0x2] =	stream.indirect.gather [hbm4b:s2+s17], $0x80, s29, s17, $0xb8;
	[tilespmem:$0x1C800] =	vst v63  }
0xfb: {  	_ =	swait.ge [sflag:s20], $0x4000  }
0xfc: {  	[sflag:s20] =	ssyncset.done $0x0  }
0xfd: {  	[sflag:s20] =	ssyncadd.s32 $0xFFFFC000  }
0xfe: {  	[spmem:s3] =	stream.indirect.scatter.add.f32 [tilespmem:s13], [sflag:$0x3], $0x80, s30, s17, $0xb8;
	[tilespmem:$0x1C800] =	vst v63  }
0xff: {  	_ =	swait.ge [sflag:s14], $0x4000  }
0x100: {  	[sflag:s14] =	ssyncset.done $0x0  }
0x101: {  	[sflag:s14] =	ssyncadd.s32 $0xFFFFC000  }
0x102: {  	[tilespmem:s13], [sflag:$0x1] =	stream.indirect.gather [hbm4b:s2+s17], $0x80, s31, s17, $0xb8;
	[tilespmem:$0x1C800] =	vst v63  }
0x103: {  	_ =	swait.ge [sflag:s22], $0x4000  }
0x104: {  	[sflag:s22] =	ssyncset.done $0x0  }
0x105: {  	[sflag:s22] =	ssyncadd.s32 $0xFFFFC000  }
0x106: {  	[spmem:s3] =	stream.indirect.scatter.add.f32 [tilespmem:s19], [sflag:$0x3], $0x80, s1, s17, $0xb8;
	[tilespmem:$0x1C800] =	vst v63  }
0x107: {  	_ =	swait.ge [sflag:s14], $0x4000  }
0x108: {  	[sflag:s14] =	ssyncset.done $0x0  }
0x109: {  	[sflag:s14] =	ssyncadd.s32 $0xFFFFC000  }
0x10a: {  	[tilespmem:s19], [sflag:$0x2] =	stream.indirect.gather [hbm4b:s2+s17], $0x80, s0, s17, $0xb8;
	[tilespmem:$0x1C800] =	vst v63  }
0x10b: {  	_ =	swait.ge [sflag:s20], $0x4000  }
0x10c: {  	[sflag:s20] =	ssyncset.done $0x0  }
0x10d: {  	[sflag:s20] =	ssyncadd.s32 $0xFFFFC000  }
0x10e: {  	[spmem:s3] =	stream.indirect.scatter.add.f32 [tilespmem:s13], [sflag:$0x3], $0x80, s6, s17, $0xb8;
	[tilespmem:$0x1C800] =	vst v63  }
0x10f: {  	_ =	swait.ge [sflag:s14], $0x4000  }
0x110: {  	[sflag:s14] =	ssyncset.done $0x0  }
0x111: {  	[sflag:s14] =	ssyncadd.s32 $0xFFFFC000  }
0x112: {  	_ =	swait.ge [sflag:s22], $0x4000  }
0x113: {  	[sflag:s22] =	ssyncset.done $0x0  }
0x114: {  	[sflag:s22] =	ssyncadd.s32 $0xFFFFC000  }
0x115: {  	[spmem:s3] =	stream.indirect.scatter.add.f32 [tilespmem:s19], [sflag:$0x3], $0x80, s7, s17, $0xb8;
	[tilespmem:$0x1C800] =	vst v63  }
0x116: {  	_ =	swait.ge [sflag:s14], $0x4000  }
0x117: {  	[sflag:s14] =	ssyncset.done $0x0  }
0x118: {  	[sflag:s14] =	ssyncadd.s32 $0xFFFFC000  }
0x119: {  	s9 =	stileid.u32;
	[bflag:$0x0] =	sbarrier.arrive $0xFFFF  }
0x11a: {  	s5 =	sshll.u32 s9, $0x6;
	s11 =	rddreg [dreg:$0x5]  }
0x11b: {  	s5 =	sor.u32 $0x1C03, s5;
	s10 =	rddreg [dreg:$0xb];
	s8 =	sshrl.u32 s11, $0x3  }
0x11c: {  	[hbm:s10], [sflag:s5] =	dma.local [spmem:s8], $0x2800  }
0x11d: {  	_ =	swait.ge [sflag:s14], $0x2800  }
0x11e: {  	s9 =	rddreg [dreg:$0xc]  }
0x11f: {  	s10 =	rddreg [dreg:$0xa];
	s8 =	sadd.s32 $0x1, s9  }
0x120: {  	p0 =	sne.s32 s8, s10  }
.Ltmp2:
0x121: {  	_ = 	snop;
	(pc) =	sbr.rel @p0 .LBB2_1-.Ltmp2, $3  }
0x122: {  	_ =	sdelay $0x1  }
0x123: {  	[sflag:s14] =	ssyncset.done $0x0  }
0x124: {  	[sflag:s14] =	ssyncadd.s32 $0xFFFFD800  }
0x125: {  	_ =	sfence.sel $0x180000  }
0x126: {  	[bflag:$0x0] =	sbarrier.arrive $0xFFFF  }
0x127: {  	_ =	strace $0x90000047  }
0x128: {  	s0 =	stileid.u32;
	[bflag:$0x2] =	sbarrier.arrive $0xFFFF  }
0x129: {  	p0 =	sne.s32 s0, $0x0;
	s0 =	rddreg [dreg:$0x3]  }
0x12a: {  	s0 =	sadd.s32 @!p0 $0x100000, s0  }
0x12b: {  	[sflag:s0] =	ssyncadd.tile.s32 @!p0 $0x1;
	_ =	shalt  }
.Lfunc_end2:
_tile_overlayer_lowered:
.L_overlay_start_2:
0x12c: {  	(tag) =	ssettag $0x2  }
0x12d: {  	s0 =	rddreg [dreg:$0x0];
	s2 =	stileid.u32  }
0x12e: {  	s1 =	rddreg [dreg:$0x1];
	p0 =	sne.s32 s2, $0x0  }
0x12f: {  	s3 =	rddreg [dreg:$0x2];
	[bflag:$0x3] =	sbarrier.arrive $0xFFFF;
	s2 =	simm.s32 @!p0 $0x1C03  }
0x130: {  	[timem:s3], [sflag:s2] =	dma.local @!p0 [hbm:s0], s1  }
0x131: {  	s0 =	simm.s32 @!p0 $0x3  }
0x132: {  	_ =	swait.ge @!p0 [sflag:s0], s1  }
0x133: {  	s1 =	ssub.s32 @!p0 $0x0, s1;
	[sflag:s0] =	ssyncset.done @!p0 $0x0  }
0x134: {  	[sflag:s0] =	ssyncadd.s32 @!p0 s1  }
0x135: {  	[bflag:$0x3] =	sbarrier.arrive $0xFFFF  }
0x136: {  	_ =	shalt  }

</sc_bundles>
